<compile_context>
chip_gen: v7x
topology: tpu7x:2x2x1
jax: 0.10.2.dev20260603
libtpu: 0.0.44.dev20260713+nightly
codegen_flags: <defaults>
</compile_context>

<pallas_src>
import functools
import math

import jax
import jax.numpy as jnp
import numpy as np
from jax import lax
from jax.experimental import pallas as pl
from jax.experimental.pallas import tpu as pltpu
from jax.experimental.pallas import tpu_sc as plsc

DT = 128
H = 8
DH = 16
NG = 64
NC = 2
NS = 16
NW = NC * NS
C = 128
L = 16


def _leaky(x):
    return jnp.where(x > 0, x, 0.01 * x)


def _full(shape):
    return pl.BlockSpec(shape, lambda i: tuple(0 for _ in shape))


def _qkv_body(ns, pos4, wq, bq, wk, bk, wv, bv, qt, kt, v):
    x = ns[...]
    pp = pos4[...]
    zp = jnp.zeros((x.shape[0], 124), jnp.float32)
    q = jnp.dot(x, wq[...], preferred_element_type=jnp.float32) + bq[...]
    qt[...] = jnp.concatenate([q, pp, zp], axis=1)
    k = jnp.dot(x, wk[...], preferred_element_type=jnp.float32) + bk[...]
    kt[...] = jnp.concatenate([k, pp, zp], axis=1)
    v[...] = jnp.dot(x, wv[...], preferred_element_type=jnp.float32) + bv[...]


def _qkv(node_s, pos4, p):
    N = node_s.shape[0]
    BN = 2000
    spec_n = pl.BlockSpec((BN, DT), lambda i: (i, 0))
    spec_t = pl.BlockSpec((BN, 2 * DT), lambda i: (i, 0))
    return pl.pallas_call(
        _qkv_body,
        grid=(N // BN,),
        in_specs=[spec_n, pl.BlockSpec((BN, 4), lambda i: (i, 0)),
                  _full((DT, DT)), _full((1, DT)), _full((DT, DT)),
                  _full((1, DT)), _full((DT, DT)), _full((1, DT))],
        out_specs=[spec_t, spec_t, spec_n],
        out_shape=[
            jax.ShapeDtypeStruct((N, 2 * DT), jnp.float32),
            jax.ShapeDtypeStruct((N, 2 * DT), jnp.float32),
            jax.ShapeDtypeStruct((N, DT), jnp.float32),
        ],
    )(node_s, pos4, p["q_W"], p["q_b"].reshape(1, DT), p["k_W"],
      p["k_b"].reshape(1, DT), p["v_W"], p["v_b"].reshape(1, DT))


def _sc_gather(qt, kt, srci, dsti):
    E = srci.shape[0]
    n_chunks = E // C
    n_t = (n_chunks + NW - 1) // NW
    mesh = plsc.VectorSubcoreMesh(core_axis_name="c", subcore_axis_name="s")

    @functools.partial(
        pl.kernel,
        out_type=[
            jax.ShapeDtypeStruct((E, DT), jnp.float32),
            jax.ShapeDtypeStruct((E, 16), jnp.float32),
        ],
        mesh=mesh,
        scratch_types=[
            pltpu.VMEM((C,), jnp.int32),
            pltpu.VMEM((C,), jnp.int32),
            pltpu.VMEM((C, 2 * DT), jnp.float32),
            pltpu.VMEM((C, 2 * DT), jnp.float32),
            pltpu.VMEM((C, DT), jnp.float32),
            pltpu.VMEM((C, 16), jnp.float32),
            pltpu.SemaphoreType.DMA,
            pltpu.SemaphoreType.DMA,
        ],
    )
    def sca(q_h, k_h, src_h, dst_h, qk_h, dx_h,
            sbuf, dbuf, qbuf, kbuf, obuf, dxbuf, s1, s2):
        w = lax.axis_index("c") * NS + lax.axis_index("s")

        def chunk_body(t, carry):
            ch = w + t * NW

            @pl.when(ch < n_chunks)
            def _():
                base = ch * C
                pltpu.sync_copy(src_h.at[pl.ds(base, C)], sbuf)
                pltpu.sync_copy(dst_h.at[pl.ds(base, C)], dbuf)
                cq = pltpu.async_copy(q_h.at[sbuf], qbuf, s1)
                ck = pltpu.async_copy(k_h.at[dbuf], kbuf, s2)
                cq.wait()
                ck.wait()

                def e_body(e, carry2):
                    for h in range(H):
                        sl = pl.ds(h * DH, DH)
                        obuf[e, sl] = qbuf[e, sl] * kbuf[e, sl]
                    sl = pl.ds(DT, L)
                    dxbuf[e, :] = qbuf[e, sl] - kbuf[e, sl]
                    return carry2

                lax.fori_loop(0, C, e_body, 0)
                pltpu.sync_copy(obuf, qk_h.at[pl.ds(base, C)])
                pltpu.sync_copy(dxbuf, dx_h.at[pl.ds(base, C)])

            return carry

        lax.fori_loop(0, n_t, chunk_body, 0)

    return sca(qt, kt, srci, dsti)


def _edge_body(es, qk, dxr, mk,
               m1a, m1d, m1b, m2w, m2b, ew, eb, a1, b1, a2, b2, wh, pmat,
               aux, enew):
    qkv = qk[...]
    d = dxr[...][:, :3]
    t = d + 1e-6
    dist = jnp.sqrt(jnp.sum(t * t, axis=1, keepdims=True))
    h = (jnp.dot(es[...], m1a[...], preferred_element_type=jnp.float32)
         + jnp.dot(dist * 0.1, m1d[...], preferred_element_type=jnp.float32)
         + m1b[...])
    m = jnp.dot(_leaky(h), m2w[...], preferred_element_type=jnp.float32) + m2b[...]
    a = qkv * m * (1.0 / math.sqrt(DH))
    s = jnp.dot(jnp.abs(a), pmat[...], preferred_element_type=jnp.float32)
    e = jnp.exp(s)
    enew[...] = jnp.dot(a, ew[...], preferred_element_type=jnp.float32) + eb[...]
    ab = _leaky(jnp.dot(a, a1[...], preferred_element_type=jnp.float32) + b1[...])
    att = jnp.dot(ab, a2[...], preferred_element_type=jnp.float32) + b2[...]
    scale = jnp.dot(att, wh[...], preferred_element_type=jnp.float32)
    nrm = jnp.sqrt(jnp.sum(d * d, axis=1, keepdims=True))
    dxn = d / (nrm + 1e-6)
    contrib = dxn * scale * mk[...]
    z5 = jnp.zeros((es.shape[0], 5), jnp.float32)
    aux[...] = jnp.concatenate([e, contrib, z5], axis=1)


def _edges(edge_s, qk, dxr, maskcol, p, consts):
    E = edge_s.shape[0]
    BE = 4000
    s16 = pl.BlockSpec((BE, 16), lambda i: (i, 0))
    s128 = pl.BlockSpec((BE, DT), lambda i: (i, 0))
    s1 = pl.BlockSpec((BE, 1), lambda i: (i, 0))
    a1, a2, b1r, pmat = consts
    return pl.pallas_call(
        _edge_body,
        grid=(E // BE,),
        in_specs=[s16, s128, s16, s1,
                  _full((16, DT)), _full((1, DT)), _full((1, DT)),
                  _full((DT, DT)), _full((1, DT)),
                  _full((DT, 16)), _full((1, 16)),
                  _full((DT, 64)), _full((1, 64)),
                  _full((64, 8)), _full((1, 8)),
                  _full((8, 1)), _full((DT, 8))],
        out_specs=[s16, s16],
        out_shape=[
            jax.ShapeDtypeStruct((E, 16), jnp.float32),
            jax.ShapeDtypeStruct((E, 16), jnp.float32),
        ],
    )(edge_s, qk, dxr, maskcol,
      p["m1_W"][:16], p["m1_W"][16:17], p["m1_b"].reshape(1, DT),
      p["m2_W"], p["m2_b"].reshape(1, DT),
      p["e_W"], p["e_b"].reshape(1, 16),
      a1, b1r, a2,
      jnp.full((1, 8), p["a2d2_b"][0], jnp.float32),
      p["wh_W"], pmat)


BNN = 2000


def _stats_update(i, ob, xv, ones, sx, sxx, sc):
    f32 = jnp.float32
    dn = (((0,), (0,)), ((), ()))
    px = lax.dot_general(ob, xv, dn, preferred_element_type=f32)
    pxx = lax.dot_general(ob, xv * xv, dn, preferred_element_type=f32)
    pc = lax.dot_general(ob, ones, dn, preferred_element_type=f32)

    @pl.when(i == 0)
    def _():
        sx[...] = px
        sxx[...] = pxx
        sc[...] = pc

    @pl.when(i > 0)
    def _():
        sx[...] += px
        sxx[...] += pxx
        sc[...] += pc


def _gn_affine(sx, sxx, sc, wv, bv, msv):
    cnt = jnp.maximum(sc[...], 1.0)
    mean = sx[...] / cnt
    var = sxx[...] / cnt - mean * mean * msv[...] * (2.0 - msv[...])
    std = jnp.sqrt(var + 1e-5)
    ga = wv[...] / std
    gb_ = bv[...] - ga * msv[...] * mean
    return ga, gb_


def _n3a_body(u_in, z_in, ns, o, pos4,
              m2fw, m2fb, g1, g2, g3, gb, qmat,
              g_out, x1_out, pos_out, sx, sxx, sc):
    f32 = jnp.float32
    i = pl.program_id(0)
    u = u_in[...]
    zc = z_in[...]
    zexp = jnp.dot(zc[:, :H], qmat[...], preferred_element_type=f32) + 1e-16
    agg = u / zexp
    nn = jnp.dot(agg, m2fw[...], preferred_element_type=f32) + m2fb[...]
    x = ns[...]
    gpre = (jnp.dot(nn, g1[...], preferred_element_type=f32)
            + jnp.dot(x, g2[...], preferred_element_type=f32)
            + jnp.dot(nn - x, g3[...], preferred_element_type=f32) + gb[...])
    g = jax.nn.sigmoid(gpre)
    g_out[...] = g
    x1 = g * nn + x
    x1_out[...] = x1
    pos_out[...] = pos4[...] + zc[:, H:H + 4]
    ones = jnp.ones((x.shape[0], 1), f32)
    _stats_update(i, o[...], x1, ones, sx, sxx, sc)


def _n3b_body(x1_in, g_in, o, sx1, sxx1, sc1,
              gn1w, gn1b, gn1m, f1w, f1b, f2w, f2b,
              x2_out, sx2, sxx2, sc2):
    f32 = jnp.float32
    i = pl.program_id(0)
    ga, gb_ = _gn_affine(sx1, sxx1, sc1, gn1w, gn1b, gn1m)
    ob = o[...]
    x1n = (jnp.dot(ob, ga, preferred_element_type=f32) * x1_in[...]
           + jnp.dot(ob, gb_, preferred_element_type=f32))
    fin = (jnp.dot(_leaky(jnp.dot(x1n, f1w[...], preferred_element_type=f32) + f1b[...]),
                   f2w[...], preferred_element_type=f32) + f2b[...])
    x2 = g_in[...] * fin + x1n
    x2_out[...] = x2
    ones = jnp.ones((x2.shape[0], 1), f32)
    _stats_update(i, ob, x2, ones, sx2, sxx2, sc2)


def _n3c_body(x2_in, o, sx2, sxx2, sc2, gn2w, gn2b, gn2m, node_out):
    f32 = jnp.float32
    ga, gb_ = _gn_affine(sx2, sxx2, sc2, gn2w, gn2b, gn2m)
    ob = o[...]
    node_out[...] = (jnp.dot(ob, ga, preferred_element_type=f32) * x2_in[...]
                     + jnp.dot(ob, gb_, preferred_element_type=f32))


def _nodes(u, z, node_s, onehot, pos4, p, qmat):
    N = node_s.shape[0]
    rv = lambda a: a.reshape(1, -1)
    grid = (N // BNN,)
    sn = pl.BlockSpec((BNN, DT), lambda i: (i, 0))
    s16 = pl.BlockSpec((BNN, 16), lambda i: (i, 0))
    s4 = pl.BlockSpec((BNN, 4), lambda i: (i, 0))
    so = pl.BlockSpec((BNN, NG), lambda i: (i, 0))
    sstat = _full((NG, DT))
    scnt = _full((NG, 1))
    stat_shape = [
        jax.ShapeDtypeStruct((NG, DT), jnp.float32),
        jax.ShapeDtypeStruct((NG, DT), jnp.float32),
        jax.ShapeDtypeStruct((NG, 1), jnp.float32),
    ]

    g, x1, pos_out, sx1, sxx1, sc1 = pl.pallas_call(
        _n3a_body,
        grid=grid,
        in_specs=[sn, s16, sn, so, s4,
                  _full((DT, DT)), _full((1, DT)), _full((DT, DT)),
                  _full((DT, DT)), _full((DT, DT)), _full((1, DT)),
                  _full((8, DT))],
        out_specs=[sn, sn, s4, sstat, sstat, scnt],
        out_shape=[
            jax.ShapeDtypeStruct((N, DT), jnp.float32),
            jax.ShapeDtypeStruct((N, DT), jnp.float32),
            jax.ShapeDtypeStruct((N, 4), jnp.float32),
        ] + stat_shape,
    )(u, z, node_s, onehot, pos4,
      p["m2f_W"], rv(p["m2f_b"]),
      p["gate_W"][:DT], p["gate_W"][DT:2 * DT], p["gate_W"][2 * DT:],
      rv(p["gate_b"]), qmat)

    x2, sx2, sxx2, sc2 = pl.pallas_call(
        _n3b_body,
        grid=grid,
        in_specs=[sn, sn, so, sstat, sstat, scnt,
                  _full((1, DT)), _full((1, DT)), _full((1, DT)),
                  _full((DT, DT)), _full((1, DT)), _full((DT, DT)),
                  _full((1, DT))],
        out_specs=[sn, sstat, sstat, scnt],
        out_shape=[jax.ShapeDtypeStruct((N, DT), jnp.float32)] + stat_shape,
    )(x1, g, onehot, sx1, sxx1, sc1,
      rv(p["gn1_w"]), rv(p["gn1_b"]), rv(p["gn1_ms"]),
      p["fin1_W"], rv(p["fin1_b"]), p["fin2_W"], rv(p["fin2_b"]))

    node_out = pl.pallas_call(
        _n3c_body,
        grid=grid,
        in_specs=[sn, so, sstat, sstat, scnt,
                  _full((1, DT)), _full((1, DT)), _full((1, DT))],
        out_specs=sn,
        out_shape=jax.ShapeDtypeStruct((N, DT), jnp.float32),
    )(x2, onehot, sx2, sxx2, sc2,
      rv(p["gn2_w"]), rv(p["gn2_b"]), rv(p["gn2_ms"]))
    return node_out, pos_out


def kernel(node_s, edge_s, edge_index, total_pos, pro_nodes, batch, params):
    p = params
    src, dst = edge_index[0], edge_index[1]

    di = np.arange(DT)
    pmat = jnp.asarray((di[:, None] // DH == np.arange(H)[None, :]).astype(np.float32))
    qmat = pmat.T * 1.0
    a1 = jnp.asarray(
        np.kron(np.eye(H, dtype=np.float32), np.ones((DH, DH // 2), np.float32))
    ) * jnp.tile(p["a2d1_W"], (H, H))
    b1r = jnp.tile(p["a2d1_b"], H).reshape(1, H * (DH // 2))
    a2 = jnp.asarray(
        np.kron(np.eye(H, dtype=np.float32), np.ones((DH // 2, 1), np.float32))
    ) * jnp.tile(p["a2d2_W"], (H, H))

    pos4 = jnp.pad(total_pos, ((0, 0), (0, 1)))
    qt, kt, v_ = _qkv(node_s, pos4, p)

    qk, dxr = _sc_gather(qt, kt, src, dst)

    maskcol = (src >= pro_nodes).astype(jnp.float32)[:, None]
    aux, enew = _edges(edge_s, qk, dxr, maskcol, p, (a1, a2, b1r, pmat))

    w128 = jnp.repeat(aux[:, :8], 16, axis=1)
    u = jax.ops.segment_sum(v_[dst] * w128, src, num_segments=node_s.shape[0])
    z = jax.ops.segment_sum(aux, src, num_segments=node_s.shape[0])

    onehot = (batch[:, None] == jnp.arange(NG)[None, :]).astype(jnp.float32)
    node_out, pos_out4 = _nodes(u, z, node_s, onehot, pos4, p, qmat)
    return node_out, enew, edge_index, pos_out4[:, :3]

# --- scband reference (transcript-rebuilt; emitter-appended) ---
"""Pipeline reference for scband-egnn-57973468561686 (READ-ONLY COPY).

The authoritative reference and input builder live on the scoring server;
editing this copy changes nothing except your own understanding.
"""

import jax, jax.numpy as jnp
import numpy as np
import math


def _leaky(x):
    return jnp.where(x > 0, x, 0.01 * x)


def _seg_softmax(x, idx, n):
    m = jax.ops.segment_max(x, idx, num_segments=n)
    e = jnp.exp(x - m[idx])
    s = jax.ops.segment_sum(e, idx, num_segments=n)
    return e / (s[idx] + 1e-16)


def _graphnorm(x, batch, n_graphs, w, b, ms):
    ones = jnp.ones((x.shape[0],), x.dtype)
    cnt = jnp.maximum(jax.ops.segment_sum(ones, batch, num_segments=n_graphs), 1.0)[:, None]
    mean = jax.ops.segment_sum(x, batch, num_segments=n_graphs) / cnt
    out = x - mean[batch] * ms
    var = jax.ops.segment_sum(out * out, batch, num_segments=n_graphs) / cnt
    std = jnp.sqrt(var + 1e-5)
    return w * out / std[batch] + b


def _make_params(key):
    DIN, DT, EIN, EOUT, H = 128, 128, 16, 16, 8
    DH = DT // H
    ks = jax.random.split(key, 24)
    n = lambda k, s: jax.random.normal(k, s, dtype=jnp.float32) * (1.0 / np.sqrt(s[0]))
    z = lambda s: jnp.zeros(s, dtype=jnp.float32)
    o = lambda s: jnp.ones(s, dtype=jnp.float32)
    return {
        "q_W": n(ks[0], (DIN, DT)), "q_b": z((DT,)),
        "k_W": n(ks[1], (DIN, DT)), "k_b": z((DT,)),
        "v_W": n(ks[2], (DIN, DT)), "v_b": z((DT,)),
        "m1_W": n(ks[3], (EIN + 1, DT)), "m1_b": z((DT,)),
        "m2_W": n(ks[4], (DT, DT)), "m2_b": z((DT,)),
        "m2f_W": n(ks[5], (DT, DT)), "m2f_b": z((DT,)),
        "e_W": n(ks[6], (DT, EOUT)), "e_b": z((EOUT,)),
        "gate_W": n(ks[7], (3 * DT, DT)), "gate_b": z((DT,)),
        "gn1_w": o((DT,)), "gn1_b": z((DT,)), "gn1_ms": o((DT,)),
        "gn2_w": o((DT,)), "gn2_b": z((DT,)), "gn2_ms": o((DT,)),
        "fin1_W": n(ks[8], (DT, DT)), "fin1_b": z((DT,)),
        "fin2_W": n(ks[9], (DT, DT)), "fin2_b": z((DT,)),
        "a2d1_W": n(ks[10], (DH, DH // 2)), "a2d1_b": z((DH // 2,)),
        "a2d2_W": n(ks[11], (DH // 2, 1)), "a2d2_b": z((1,)),
        "wh_W": n(ks[12], (H, 1)),
    }


def setup_inputs(seed: int = 0):
    key = jax.random.key(seed)
    N, E, DIN = 10000, 320000, 128
    ks = jax.random.split(key, 8)
    node_s = jax.random.normal(ks[0], (N, DIN), dtype=jnp.float32)
    edge_s = jax.random.normal(ks[1], (E, 16), dtype=jnp.float32)
    edge_index = jax.random.randint(ks[2], (2, E), 0, N)
    total_pos = jax.random.normal(ks[3], (N, 3), dtype=jnp.float32)
    batch = jnp.sort(jax.random.randint(ks[4], (N,), 0, 64))
    params = _make_params(ks[5])
    return {"node_s": node_s, "edge_s": edge_s, "edge_index": edge_index,
            "total_pos": total_pos, "pro_nodes": 5000, "batch": batch, "params": params}


def reference(node_s, edge_s, edge_index, total_pos, pro_nodes, batch, params):
    H = 8
    N = node_s.shape[0]
    DT = params["q_W"].shape[1]
    DH = DT // H
    E = edge_index.shape[1]
    n_graphs = 64
    src, dst = edge_index[0], edge_index[1]
    q_ = node_s @ params["q_W"] + params["q_b"]
    k_ = node_s @ params["k_W"] + params["k_b"]
    v_ = node_s @ params["v_W"] + params["v_b"]
    dist = jnp.sqrt(jnp.sum((total_pos[src] - total_pos[dst] + 1e-6) ** 2, axis=-1))
    m_ij = jnp.concatenate([edge_s, (dist * 0.1)[:, None]], axis=-1)
    m_ij = _leaky(m_ij @ params["m1_W"] + params["m1_b"]) @ params["m2_W"] + params["m2_b"]
    k_ij = k_[dst] * m_ij
    a_ij = ((q_[src] * k_ij) / math.sqrt(DH)).reshape(E, H, DH)
    w_ij = _seg_softmax(jnp.sum(jnp.abs(a_ij), axis=2), src, N)[:, :, None]
    agg = jax.ops.segment_sum(w_ij * v_[dst].reshape(E, H, DH), src, num_segments=N).reshape(N, DT)
    node_new = agg @ params["m2f_W"] + params["m2f_b"]
    edge_new = a_ij.reshape(E, DT) @ params["e_W"] + params["e_b"]
    g = jax.nn.sigmoid(jnp.concatenate([node_new, node_s, node_new - node_s], axis=-1) @ params["gate_W"] + params["gate_b"])
    node_new = _graphnorm(g * node_new + node_s, batch, n_graphs, params["gn1_w"], params["gn1_b"], params["gn1_ms"])
    fin = _leaky(node_new @ params["fin1_W"] + params["fin1_b"]) @ params["fin2_W"] + params["fin2_b"]
    node_new = _graphnorm(g * fin + node_new, batch, n_graphs, params["gn2_w"], params["gn2_b"], params["gn2_ms"])
    mask = src >= pro_nodes
    dx = total_pos[src] - total_pos[dst]
    dx = dx / (jnp.linalg.norm(dx, axis=-1, keepdims=True) + 1e-6)
    att = _leaky(a_ij @ params["a2d1_W"] + params["a2d1_b"]) @ params["a2d2_W"] + params["a2d2_b"]
    scale = att[:, :, 0] @ params["wh_W"]
    contrib = jnp.where(mask[:, None], dx * scale, 0.0)
    pos = total_pos + jax.ops.segment_sum(contrib, src, num_segments=N)
    return node_new, edge_new, edge_index, pos

if __name__ == "__main__":
    import jax
    _d = setup_inputs()
    print(jax.jit(kernel)(*tuple(_d.values())))

</pallas_src>

<mosaic_0001>
#map = affine_map<(d0, d1) -> (0, 0)>
#map1 = affine_map<(d0, d1) -> (0)>
module attributes {stable_mosaic.version = 14 : i64} {
  func.func @sca(%arg0: i32, %arg1: i32, %arg2: memref<10000x256xf32, #tpu.memory_space<hbm>>, %arg3: memref<10000x256xf32, #tpu.memory_space<hbm>>, %arg4: memref<320000xi32, #tpu.memory_space<hbm>>, %arg5: memref<320000xi32, #tpu.memory_space<hbm>>, %arg6: memref<320000x128xf32, #tpu.memory_space<hbm>>, %arg7: memref<320000x16xf32, #tpu.memory_space<hbm>>, %arg8: memref<128xi32, #tpu.memory_space<vmem>>, %arg9: memref<128xi32, #tpu.memory_space<vmem>>, %arg10: memref<128x256xf32, #tpu.memory_space<vmem>>, %arg11: memref<128x256xf32, #tpu.memory_space<vmem>>, %arg12: memref<128x128xf32, #tpu.memory_space<vmem>>, %arg13: memref<128x16xf32, #tpu.memory_space<vmem>>, %arg14: memref<!tpu.dma_semaphore, #tpu.memory_space<semaphore_mem>>, %arg15: memref<!tpu.dma_semaphore, #tpu.memory_space<semaphore_mem>>) attributes {dimension_semantics = [#tpu.dimension_semantics<core_parallel>, #tpu.dimension_semantics<subcore_parallel>], iteration_bounds = array<i64: 2, 16>, scalar_prefetch = 0 : i64, scratch_operands = 8 : i64, tpu.core_type = #tpu.core_type<sc_vector_subcore>, window_params = [{transform_indices = #map}, {transform_indices = #map}, {transform_indices = #map1}, {transform_indices = #map1}, {transform_indices = #map}, {transform_indices = #map}]} {
    %mul3A = arith.constant 16 : i32
    %mul3A_0 = arith.muli %arg0, %mul3A : i32
    %add3A = arith.addi %mul3A_0, %arg1 : i32
    %scan3A = arith.constant 0 : i32
    %scan3A_1 = arith.constant 0 : i32
    %scan3A_2 = arith.constant 79 : i32
    %scan3A_3 = arith.addi %scan3A_1, %scan3A_2 : i32
    %scan3A_4 = arith.constant 1 : i32
    scf.for %scan3A_6 = %scan3A_1 to %scan3A_3 step %scan3A_4  : i32 {
      %mul3A_7 = arith.constant 32 : i32
      %mul3A_8 = arith.muli %scan3A_6, %mul3A_7 : i32
      %add3A_9 = arith.addi %add3A, %mul3A_8 : i32
      %lt3A = arith.constant 2500 : i32
      %lt3A_10 = arith.cmpi slt, %add3A_9, %lt3A : i32
      %convert_element_type3A = arith.extui %lt3A_10 : i1 to i32
      %cond3A = arith.constant 0 : i32
      %cond3A_11 = arith.cmpi ne, %convert_element_type3A, %cond3A : i32
      scf.if %cond3A_11 {
        %mul3A_12 = arith.constant 128 : i32
        %mul3A_13 = arith.muli %add3A_9, %mul3A_12 : i32
        "tpu.region"() ({
          %run_scoped3A = tpu.sem_alloc : memref<!tpu.dma_semaphore, #tpu.memory_space<semaphore_mem>>
          %dma_start3A_30 = tpu.memref_slice %arg4[%mul3A_13] : memref<320000xi32, #tpu.memory_space<hbm>> -> memref<128xi32, #tpu.memory_space<hbm>>
          %dma_start3A_31 = tpu.memref_slice %arg4[%mul3A_13] : memref<320000xi32, #tpu.memory_space<hbm>> -> memref<128xi32, #tpu.memory_space<hbm>>
          tpu.enqueue_dma source(%dma_start3A_31 : memref<128xi32, #tpu.memory_space<hbm>>) target(%arg8 : memref<128xi32, #tpu.memory_space<vmem>>) target_semaphore(%run_scoped3A : memref<!tpu.dma_semaphore, #tpu.memory_space<semaphore_mem>>)
          %dma_wait3A_32 = tpu.memref_slice %arg4[%mul3A_13] : memref<320000xi32, #tpu.memory_space<hbm>> -> memref<128xi32, #tpu.memory_space<hbm>>
          %dma_wait3A_33 = tpu.memref_slice %arg4[%mul3A_13] : memref<320000xi32, #tpu.memory_space<hbm>> -> memref<128xi32, #tpu.memory_space<hbm>>
          tpu.wait_dma2 semaphore(%run_scoped3A : memref<!tpu.dma_semaphore, #tpu.memory_space<semaphore_mem>>) src(%dma_wait3A_33 : memref<128xi32, #tpu.memory_space<hbm>>) dst(%arg8 : memref<128xi32, #tpu.memory_space<vmem>>)
          tpu.yield
        }) : () -> ()
        "tpu.region"() ({
          %run_scoped3A = tpu.sem_alloc : memref<!tpu.dma_semaphore, #tpu.memory_space<semaphore_mem>>
          %dma_start3A_30 = tpu.memref_slice %arg5[%mul3A_13] : memref<320000xi32, #tpu.memory_space<hbm>> -> memref<128xi32, #tpu.memory_space<hbm>>
          %dma_start3A_31 = tpu.memref_slice %arg5[%mul3A_13] : memref<320000xi32, #tpu.memory_space<hbm>> -> memref<128xi32, #tpu.memory_space<hbm>>
          tpu.enqueue_dma source(%dma_start3A_31 : memref<128xi32, #tpu.memory_space<hbm>>) target(%arg9 : memref<128xi32, #tpu.memory_space<vmem>>) target_semaphore(%run_scoped3A : memref<!tpu.dma_semaphore, #tpu.memory_space<semaphore_mem>>)
          %dma_wait3A_32 = tpu.memref_slice %arg5[%mul3A_13] : memref<320000xi32, #tpu.memory_space<hbm>> -> memref<128xi32, #tpu.memory_space<hbm>>
          %dma_wait3A_33 = tpu.memref_slice %arg5[%mul3A_13] : memref<320000xi32, #tpu.memory_space<hbm>> -> memref<128xi32, #tpu.memory_space<hbm>>
          tpu.wait_dma2 semaphore(%run_scoped3A : memref<!tpu.dma_semaphore, #tpu.memory_space<semaphore_mem>>) src(%dma_wait3A_33 : memref<128xi32, #tpu.memory_space<hbm>>) dst(%arg9 : memref<128xi32, #tpu.memory_space<vmem>>)
          tpu.yield
        }) : () -> ()
        %dma_start3A = arith.constant 0 : i32
        %dma_start3A_14 = arith.constant 0 : i32
        %dma_start3A_15 = tpu.memref_slice %arg2[%dma_start3A, %dma_start3A_14] : memref<10000x256xf32, #tpu.memory_space<hbm>> -> memref<10000x256xf32, #tpu.memory_space<hbm>>
        tpu.enqueue_indirect_dma source(%dma_start3A_15 : memref<10000x256xf32, #tpu.memory_space<hbm>>) target(%arg10 : memref<128x256xf32, #tpu.memory_space<vmem>>) offsets(%arg8 : memref<128xi32, #tpu.memory_space<vmem>>) semaphore(%arg14 : memref<!tpu.dma_semaphore, #tpu.memory_space<semaphore_mem>>)
        %dma_start3A_16 = arith.constant 0 : i32
        %dma_start3A_17 = arith.constant 0 : i32
        %dma_start3A_18 = tpu.memref_slice %arg3[%dma_start3A_16, %dma_start3A_17] : memref<10000x256xf32, #tpu.memory_space<hbm>> -> memref<10000x256xf32, #tpu.memory_space<hbm>>
        tpu.enqueue_indirect_dma source(%dma_start3A_18 : memref<10000x256xf32, #tpu.memory_space<hbm>>) target(%arg11 : memref<128x256xf32, #tpu.memory_space<vmem>>) offsets(%arg9 : memref<128xi32, #tpu.memory_space<vmem>>) semaphore(%arg15 : memref<!tpu.dma_semaphore, #tpu.memory_space<semaphore_mem>>)
        %dma_wait3A = arith.constant 0 : i32
        %dma_wait3A_19 = arith.constant 0 : i32
        %dma_wait3A_20 = tpu.memref_slice %arg2[%dma_wait3A, %dma_wait3A_19] : memref<10000x256xf32, #tpu.memory_space<hbm>> -> memref<10000x256xf32, #tpu.memory_space<hbm>>
        tpu.wait_indirect_dma semaphore(%arg14 : memref<!tpu.dma_semaphore, #tpu.memory_space<semaphore_mem>>) src(%dma_wait3A_20 : memref<10000x256xf32, #tpu.memory_space<hbm>>) dst(%arg10 : memref<128x256xf32, #tpu.memory_space<vmem>>)
        %dma_wait3A_21 = arith.constant 0 : i32
        %dma_wait3A_22 = arith.constant 0 : i32
        %dma_wait3A_23 = tpu.memref_slice %arg3[%dma_wait3A_21, %dma_wait3A_22] : memref<10000x256xf32, #tpu.memory_space<hbm>> -> memref<10000x256xf32, #tpu.memory_space<hbm>>
        tpu.wait_indirect_dma semaphore(%arg15 : memref<!tpu.dma_semaphore, #tpu.memory_space<semaphore_mem>>) src(%dma_wait3A_23 : memref<10000x256xf32, #tpu.memory_space<hbm>>) dst(%arg11 : memref<128x256xf32, #tpu.memory_space<vmem>>)
        %scan3A_24 = arith.constant 0 : i32
        %scan3A_25 = arith.constant 0 : i32
        %scan3A_26 = arith.constant 128 : i32
        %scan3A_27 = arith.addi %scan3A_25, %scan3A_26 : i32
        %scan3A_28 = arith.constant 1 : i32
        scf.for %scan3A_30 = %scan3A_25 to %scan3A_27 step %scan3A_28  : i32 {
          %get3A = arith.index_cast %scan3A_30 : i32 to index
          %get3A_31 = arith.constant 0 : index
          %get3A_32 = tpu.vector_load %arg10[%get3A, %get3A_31] {strides = array<i32>} : memref<128x256xf32, #tpu.memory_space<vmem>>, vector<1x16xf32>,
          %get3A_33 = vector.shape_cast %get3A_32 : vector<1x16xf32> to vector<16xf32>
          %get3A_34 = arith.index_cast %scan3A_30 : i32 to index
          %get3A_35 = arith.constant 0 : index
          %get3A_36 = tpu.vector_load %arg11[%get3A_34, %get3A_35] {strides = array<i32>} : memref<128x256xf32, #tpu.memory_space<vmem>>, vector<1x16xf32>,
          %get3A_37 = vector.shape_cast %get3A_36 : vector<1x16xf32> to vector<16xf32>
          %mul3A_38 = arith.mulf %get3A_33, %get3A_37 : vector<16xf32>
          %swap3A = arith.index_cast %scan3A_30 : i32 to index
          %swap3A_39 = arith.constant 0 : index
          %swap3A_40 = tpu.vector_load %arg12[%swap3A, %swap3A_39] {strides = array<i32>} : memref<128x128xf32, #tpu.memory_space<vmem>>, vector<1x16xf32>,
          %swap3A_41 = vector.shape_cast %swap3A_40 : vector<1x16xf32> to vector<16xf32>
          %swap3A_42 = vector.shape_cast %mul3A_38 : vector<16xf32> to vector<1x16xf32>
          tpu.vector_store %arg12[%swap3A, %swap3A_39], %swap3A_42 {strides = array<i32>} : memref<128x128xf32, #tpu.memory_space<vmem>>, vector<1x16xf32>,
          %get3A_43 = arith.index_cast %scan3A_30 : i32 to index
          %get3A_44 = arith.constant 16 : index
          %get3A_45 = tpu.vector_load %arg10[%get3A_43, %get3A_44] {strides = array<i32>} : memref<128x256xf32, #tpu.memory_space<vmem>>, vector<1x16xf32>,
          %get3A_46 = vector.shape_cast %get3A_45 : vector<1x16xf32> to vector<16xf32>
          %get3A_47 = arith.index_cast %scan3A_30 : i32 to index
          %get3A_48 = arith.constant 16 : index
          %get3A_49 = tpu.vector_load %arg11[%get3A_47, %get3A_48] {strides = array<i32>} : memref<128x256xf32, #tpu.memory_space<vmem>>, vector<1x16xf32>,
          %get3A_50 = vector.shape_cast %get3A_49 : vector<1x16xf32> to vector<16xf32>
          %mul3A_51 = arith.mulf %get3A_46, %get3A_50 : vector<16xf32>
          %swap3A_52 = arith.index_cast %scan3A_30 : i32 to index
          %swap3A_53 = arith.constant 16 : index
          %swap3A_54 = tpu.vector_load %arg12[%swap3A_52, %swap3A_53] {strides = array<i32>} : memref<128x128xf32, #tpu.memory_space<vmem>>, vector<1x16xf32>,
          %swap3A_55 = vector.shape_cast %swap3A_54 : vector<1x16xf32> to vector<16xf32>
          %swap3A_56 = vector.shape_cast %mul3A_51 : vector<16xf32> to vector<1x16xf32>
          tpu.vector_store %arg12[%swap3A_52, %swap3A_53], %swap3A_56 {strides = array<i32>} : memref<128x128xf32, #tpu.memory_space<vmem>>, vector<1x16xf32>,
          %get3A_57 = arith.index_cast %scan3A_30 : i32 to index
          %get3A_58 = arith.constant 32 : index
          %get3A_59 = tpu.vector_load %arg10[%get3A_57, %get3A_58] {strides = array<i32>} : memref<128x256xf32, #tpu.memory_space<vmem>>, vector<1x16xf32>,
          %get3A_60 = vector.shape_cast %get3A_59 : vector<1x16xf32> to vector<16xf32>
          %get3A_61 = arith.index_cast %scan3A_30 : i32 to index
          %get3A_62 = arith.constant 32 : index
          %get3A_63 = tpu.vector_load %arg11[%get3A_61, %get3A_62] {strides = array<i32>} : memref<128x256xf32, #tpu.memory_space<vmem>>, vector<1x16xf32>,
          %get3A_64 = vector.shape_cast %get3A_63 : vector<1x16xf32> to vector<16xf32>
          %mul3A_65 = arith.mulf %get3A_60, %get3A_64 : vector<16xf32>
          %swap3A_66 = arith.index_cast %scan3A_30 : i32 to index
          %swap3A_67 = arith.constant 32 : index
          %swap3A_68 = tpu.vector_load %arg12[%swap3A_66, %swap3A_67] {strides = array<i32>} : memref<128x128xf32, #tpu.memory_space<vmem>>, vector<1x16xf32>,
          %swap3A_69 = vector.shape_cast %swap3A_68 : vector<1x16xf32> to vector<16xf32>
          %swap3A_70 = vector.shape_cast %mul3A_65 : vector<16xf32> to vector<1x16xf32>
          tpu.vector_store %arg12[%swap3A_66, %swap3A_67], %swap3A_70 {strides = array<i32>} : memref<128x128xf32, #tpu.memory_space<vmem>>, vector<1x16xf32>,
          %get3A_71 = arith.index_cast %scan3A_30 : i32 to index
          %get3A_72 = arith.constant 48 : index
          %get3A_73 = tpu.vector_load %arg10[%get3A_71, %get3A_72] {strides = array<i32>} : memref<128x256xf32, #tpu.memory_space<vmem>>, vector<1x16xf32>,
          %get3A_74 = vector.shape_cast %get3A_73 : vector<1x16xf32> to vector<16xf32>
          %get3A_75 = arith.index_cast %scan3A_30 : i32 to index
          %get3A_76 = arith.constant 48 : index
          %get3A_77 = tpu.vector_load %arg11[%get3A_75, %get3A_76] {strides = array<i32>} : memref<128x256xf32, #tpu.memory_space<vmem>>, vector<1x16xf32>,
          %get3A_78 = vector.shape_cast %get3A_77 : vector<1x16xf32> to vector<16xf32>
          %mul3A_79 = arith.mulf %get3A_74, %get3A_78 : vector<16xf32>
          %swap3A_80 = arith.index_cast %scan3A_30 : i32 to index
          %swap3A_81 = arith.constant 48 : index
          %swap3A_82 = tpu.vector_load %arg12[%swap3A_80, %swap3A_81] {strides = array<i32>} : memref<128x128xf32, #tpu.memory_space<vmem>>, vector<1x16xf32>,
          %swap3A_83 = vector.shape_cast %swap3A_82 : vector<1x16xf32> to vector<16xf32>
          %swap3A_84 = vector.shape_cast %mul3A_79 : vector<16xf32> to vector<1x16xf32>
          tpu.vector_store %arg12[%swap3A_80, %swap3A_81], %swap3A_84 {strides = array<i32>} : memref<128x128xf32, #tpu.memory_space<vmem>>, vector<1x16xf32>,
          %get3A_85 = arith.index_cast %scan3A_30 : i32 to index
          %get3A_86 = arith.constant 64 : index
          %get3A_87 = tpu.vector_load %arg10[%get3A_85, %get3A_86] {strides = array<i32>} : memref<128x256xf32, #tpu.memory_space<vmem>>, vector<1x16xf32>,
          %get3A_88 = vector.shape_cast %get3A_87 : vector<1x16xf32> to vector<16xf32>
          %get3A_89 = arith.index_cast %scan3A_30 : i32 to index
          %get3A_90 = arith.constant 64 : index
          %get3A_91 = tpu.vector_load %arg11[%get3A_89, %get3A_90] {strides = array<i32>} : memref<128x256xf32, #tpu.memory_space<vmem>>, vector<1x16xf32>,
          %get3A_92 = vector.shape_cast %get3A_91 : vector<1x16xf32> to vector<16xf32>
          %mul3A_93 = arith.mulf %get3A_88, %get3A_92 : vector<16xf32>
          %swap3A_94 = arith.index_cast %scan3A_30 : i32 to index
          %swap3A_95 = arith.constant 64 : index
          %swap3A_96 = tpu.vector_load %arg12[%swap3A_94, %swap3A_95] {strides = array<i32>} : memref<128x128xf32, #tpu.memory_space<vmem>>, vector<1x16xf32>,
          %swap3A_97 = vector.shape_cast %swap3A_96 : vector<1x16xf32> to vector<16xf32>
          %swap3A_98 = vector.shape_cast %mul3A_93 : vector<16xf32> to vector<1x16xf32>
          tpu.vector_store %arg12[%swap3A_94, %swap3A_95], %swap3A_98 {strides = array<i32>} : memref<128x128xf32, #tpu.memory_space<vmem>>, vector<1x16xf32>,
          %get3A_99 = arith.index_cast %scan3A_30 : i32 to index
          %get3A_100 = arith.constant 80 : index
          %get3A_101 = tpu.vector_load %arg10[%get3A_99, %get3A_100] {strides = array<i32>} : memref<128x256xf32, #tpu.memory_space<vmem>>, vector<1x16xf32>,
          %get3A_102 = vector.shape_cast %get3A_101 : vector<1x16xf32> to vector<16xf32>
          %get3A_103 = arith.index_cast %scan3A_30 : i32 to index
          %get3A_104 = arith.constant 80 : index
          %get3A_105 = tpu.vector_load %arg11[%get3A_103, %get3A_104] {strides = array<i32>} : memref<128x256xf32, #tpu.memory_space<vmem>>, vector<1x16xf32>,
          %get3A_106 = vector.shape_cast %get3A_105 : vector<1x16xf32> to vector<16xf32>
          %mul3A_107 = arith.mulf %get3A_102, %get3A_106 : vector<16xf32>
          %swap3A_108 = arith.index_cast %scan3A_30 : i32 to index
          %swap3A_109 = arith.constant 80 : index
          %swap3A_110 = tpu.vector_load %arg12[%swap3A_108, %swap3A_109] {strides = array<i32>} : memref<128x128xf32, #tpu.memory_space<vmem>>, vector<1x16xf32>,
          %swap3A_111 = vector.shape_cast %swap3A_110 : vector<1x16xf32> to vector<16xf32>
          %swap3A_112 = vector.shape_cast %mul3A_107 : vector<16xf32> to vector<1x16xf32>
          tpu.vector_store %arg12[%swap3A_108, %swap3A_109], %swap3A_112 {strides = array<i32>} : memref<128x128xf32, #tpu.memory_space<vmem>>, vector<1x16xf32>,
          %get3A_113 = arith.index_cast %scan3A_30 : i32 to index
          %get3A_114 = arith.constant 96 : index
          %get3A_115 = tpu.vector_load %arg10[%get3A_113, %get3A_114] {strides = array<i32>} : memref<128x256xf32, #tpu.memory_space<vmem>>, vector<1x16xf32>,
          %get3A_116 = vector.shape_cast %get3A_115 : vector<1x16xf32> to vector<16xf32>
          %get3A_117 = arith.index_cast %scan3A_30 : i32 to index
          %get3A_118 = arith.constant 96 : index
          %get3A_119 = tpu.vector_load %arg11[%get3A_117, %get3A_118] {strides = array<i32>} : memref<128x256xf32, #tpu.memory_space<vmem>>, vector<1x16xf32>,
          %get3A_120 = vector.shape_cast %get3A_119 : vector<1x16xf32> to vector<16xf32>
          %mul3A_121 = arith.mulf %get3A_116, %get3A_120 : vector<16xf32>
          %swap3A_122 = arith.index_cast %scan3A_30 : i32 to index
          %swap3A_123 = arith.constant 96 : index
          %swap3A_124 = tpu.vector_load %arg12[%swap3A_122, %swap3A_123] {strides = array<i32>} : memref<128x128xf32, #tpu.memory_space<vmem>>, vector<1x16xf32>,
          %swap3A_125 = vector.shape_cast %swap3A_124 : vector<1x16xf32> to vector<16xf32>
          %swap3A_126 = vector.shape_cast %mul3A_121 : vector<16xf32> to vector<1x16xf32>
          tpu.vector_store %arg12[%swap3A_122, %swap3A_123], %swap3A_126 {strides = array<i32>} : memref<128x128xf32, #tpu.memory_space<vmem>>, vector<1x16xf32>,
          %get3A_127 = arith.index_cast %scan3A_30 : i32 to index
          %get3A_128 = arith.constant 112 : index
          %get3A_129 = tpu.vector_load %arg10[%get3A_127, %get3A_128] {strides = array<i32>} : memref<128x256xf32, #tpu.memory_space<vmem>>, vector<1x16xf32>,
          %get3A_130 = vector.shape_cast %get3A_129 : vector<1x16xf32> to vector<16xf32>
          %get3A_131 = arith.index_cast %scan3A_30 : i32 to index
          %get3A_132 = arith.constant 112 : index
          %get3A_133 = tpu.vector_load %arg11[%get3A_131, %get3A_132] {strides = array<i32>} : memref<128x256xf32, #tpu.memory_space<vmem>>, vector<1x16xf32>,
          %get3A_134 = vector.shape_cast %get3A_133 : vector<1x16xf32> to vector<16xf32>
          %mul3A_135 = arith.mulf %get3A_130, %get3A_134 : vector<16xf32>
          %swap3A_136 = arith.index_cast %scan3A_30 : i32 to index
          %swap3A_137 = arith.constant 112 : index
          %swap3A_138 = tpu.vector_load %arg12[%swap3A_136, %swap3A_137] {strides = array<i32>} : memref<128x128xf32, #tpu.memory_space<vmem>>, vector<1x16xf32>,
          %swap3A_139 = vector.shape_cast %swap3A_138 : vector<1x16xf32> to vector<16xf32>
          %swap3A_140 = vector.shape_cast %mul3A_135 : vector<16xf32> to vector<1x16xf32>
          tpu.vector_store %arg12[%swap3A_136, %swap3A_137], %swap3A_140 {strides = array<i32>} : memref<128x128xf32, #tpu.memory_space<vmem>>, vector<1x16xf32>,
          %get3A_141 = arith.index_cast %scan3A_30 : i32 to index
          %get3A_142 = arith.constant 128 : index
          %get3A_143 = tpu.vector_load %arg10[%get3A_141, %get3A_142] {strides = array<i32>} : memref<128x256xf32, #tpu.memory_space<vmem>>, vector<1x16xf32>,
          %get3A_144 = vector.shape_cast %get3A_143 : vector<1x16xf32> to vector<16xf32>
          %get3A_145 = arith.index_cast %scan3A_30 : i32 to index
          %get3A_146 = arith.constant 128 : index
          %get3A_147 = tpu.vector_load %arg11[%get3A_145, %get3A_146] {strides = array<i32>} : memref<128x256xf32, #tpu.memory_space<vmem>>, vector<1x16xf32>,
          %get3A_148 = vector.shape_cast %get3A_147 : vector<1x16xf32> to vector<16xf32>
          %sub3A = arith.subf %get3A_144, %get3A_148 : vector<16xf32>
          %swap3A_149 = arith.index_cast %scan3A_30 : i32 to index
          %swap3A_150 = arith.constant 0 : index
          %swap3A_151 = tpu.vector_load %arg13[%swap3A_149, %swap3A_150] {strides = array<i32>} : memref<128x16xf32, #tpu.memory_space<vmem>>, vector<1x16xf32>,
          %swap3A_152 = vector.shape_cast %swap3A_151 : vector<1x16xf32> to vector<16xf32>
          %swap3A_153 = vector.shape_cast %sub3A : vector<16xf32> to vector<1x16xf32>
          tpu.vector_store %arg13[%swap3A_149, %swap3A_150], %swap3A_153 {strides = array<i32>} : memref<128x16xf32, #tpu.memory_space<vmem>>, vector<1x16xf32>,
        }
        %scan3A_29 = arith.constant 128 : i32
        "tpu.region"() ({
          %run_scoped3A = tpu.sem_alloc : memref<!tpu.dma_semaphore, #tpu.memory_space<semaphore_mem>>
          %dma_start3A_30 = arith.constant 0 : i32
          %dma_start3A_31 = tpu.memref_slice %arg6[%mul3A_13, %dma_start3A_30] : memref<320000x128xf32, #tpu.memory_space<hbm>> -> memref<128x128xf32, #tpu.memory_space<hbm>>
          %dma_start3A_32 = arith.constant 0 : i32
          %dma_start3A_33 = tpu.memref_slice %arg6[%mul3A_13, %dma_start3A_32] : memref<320000x128xf32, #tpu.memory_space<hbm>> -> memref<128x128xf32, #tpu.memory_space<hbm>>
          tpu.enqueue_dma source(%arg12 : memref<128x128xf32, #tpu.memory_space<vmem>>) target(%dma_start3A_33 : memref<128x128xf32, #tpu.memory_space<hbm>>) target_semaphore(%run_scoped3A : memref<!tpu.dma_semaphore, #tpu.memory_space<semaphore_mem>>)
          %dma_wait3A_34 = arith.constant 0 : i32
          %dma_wait3A_35 = tpu.memref_slice %arg6[%mul3A_13, %dma_wait3A_34] : memref<320000x128xf32, #tpu.memory_space<hbm>> -> memref<128x128xf32, #tpu.memory_space<hbm>>
          %dma_wait3A_36 = arith.constant 0 : i32
          %dma_wait3A_37 = tpu.memref_slice %arg6[%mul3A_13, %dma_wait3A_36] : memref<320000x128xf32, #tpu.memory_space<hbm>> -> memref<128x128xf32, #tpu.memory_space<hbm>>
          tpu.wait_dma2 semaphore(%run_scoped3A : memref<!tpu.dma_semaphore, #tpu.memory_space<semaphore_mem>>) src(%arg12 : memref<128x128xf32, #tpu.memory_space<vmem>>) dst(%dma_wait3A_37 : memref<128x128xf32, #tpu.memory_space<hbm>>)
          tpu.yield
        }) : () -> ()
        "tpu.region"() ({
          %run_scoped3A = tpu.sem_alloc : memref<!tpu.dma_semaphore, #tpu.memory_space<semaphore_mem>>
          %dma_start3A_30 = arith.constant 0 : i32
          %dma_start3A_31 = tpu.memref_slice %arg7[%mul3A_13, %dma_start3A_30] : memref<320000x16xf32, #tpu.memory_space<hbm>> -> memref<128x16xf32, #tpu.memory_space<hbm>>
          %dma_start3A_32 = arith.constant 0 : i32
          %dma_start3A_33 = tpu.memref_slice %arg7[%mul3A_13, %dma_start3A_32] : memref<320000x16xf32, #tpu.memory_space<hbm>> -> memref<128x16xf32, #tpu.memory_space<hbm>>
          tpu.enqueue_dma source(%arg13 : memref<128x16xf32, #tpu.memory_space<vmem>>) target(%dma_start3A_33 : memref<128x16xf32, #tpu.memory_space<hbm>>) target_semaphore(%run_scoped3A : memref<!tpu.dma_semaphore, #tpu.memory_space<semaphore_mem>>)
          %dma_wait3A_34 = arith.constant 0 : i32
          %dma_wait3A_35 = tpu.memref_slice %arg7[%mul3A_13, %dma_wait3A_34] : memref<320000x16xf32, #tpu.memory_space<hbm>> -> memref<128x16xf32, #tpu.memory_space<hbm>>
          %dma_wait3A_36 = arith.constant 0 : i32
          %dma_wait3A_37 = tpu.memref_slice %arg7[%mul3A_13, %dma_wait3A_36] : memref<320000x16xf32, #tpu.memory_space<hbm>> -> memref<128x16xf32, #tpu.memory_space<hbm>>
          tpu.wait_dma2 semaphore(%run_scoped3A : memref<!tpu.dma_semaphore, #tpu.memory_space<semaphore_mem>>) src(%arg13 : memref<128x16xf32, #tpu.memory_space<vmem>>) dst(%dma_wait3A_37 : memref<128x16xf32, #tpu.memory_space<hbm>>)
          tpu.yield
        }) : () -> ()
      } else {
      }
    }
    %scan3A_5 = arith.constant 79 : i32
    return
  }
}

module attributes {stable_mosaic.version = 14 : i64} {
  func.func @_qkv_body(%arg0: i32, %arg1: memref<2000x128xf32, #tpu.memory_space<vmem>>, %arg2: memref<2000x4xf32, #tpu.memory_space<vmem>>, %arg3: memref<128x128xf32, #tpu.memory_space<vmem>>, %arg4: memref<1x128xf32, #tpu.memory_space<vmem>>, %arg5: memref<128x128xf32, #tpu.memory_space<vmem>>, %arg6: memref<1x128xf32, #tpu.memory_space<vmem>>, %arg7: memref<128x128xf32, #tpu.memory_space<vmem>>, %arg8: memref<1x128xf32, #tpu.memory_space<vmem>>, %arg9: memref<2000x256xf32, #tpu.memory_space<vmem>>, %arg10: memref<2000x256xf32, #tpu.memory_space<vmem>>, %arg11: memref<2000x128xf32, #tpu.memory_space<vmem>>) attributes {dimension_semantics = [#tpu.dimension_semantics<arbitrary>], iteration_bounds = array<i64: 5>, scalar_prefetch = 0 : i64, scratch_operands = 0 : i64, tpu.core_type = #tpu.core_type<tc>, window_params = [{transform_indices = @transform_0, window_bounds = array<i64: 2000, 128>}, {transform_indices = @transform_1, window_bounds = array<i64: 2000, 4>}, {pipeline_mode = #tpu.pipeline_mode<synchronous>, transform_indices = @transform_2, window_bounds = array<i64: 128, 128>}, {pipeline_mode = #tpu.pipeline_mode<synchronous>, transform_indices = @transform_3, window_bounds = array<i64: 1, 128>}, {pipeline_mode = #tpu.pipeline_mode<synchronous>, transform_indices = @transform_4, window_bounds = array<i64: 128, 128>}, {pipeline_mode = #tpu.pipeline_mode<synchronous>, transform_indices = @transform_5, window_bounds = array<i64: 1, 128>}, {pipeline_mode = #tpu.pipeline_mode<synchronous>, transform_indices = @transform_6, window_bounds = array<i64: 128, 128>}, {pipeline_mode = #tpu.pipeline_mode<synchronous>, transform_indices = @transform_7, window_bounds = array<i64: 1, 128>}, {transform_indices = @transform_8, window_bounds = array<i64: 2000, 256>}, {transform_indices = @transform_9, window_bounds = array<i64: 2000, 256>}, {transform_indices = @transform_10, window_bounds = array<i64: 2000, 128>}]} {
    %get3A = arith.constant 0 : index
    %get3A_0 = arith.constant 0 : index
    %get3A_1 = vector.load %arg1[%get3A, %get3A_0] : memref<2000x128xf32, #tpu.memory_space<vmem>>, vector<2000x128xf32>
    %get3A_2 = arith.constant 0 : index
    %get3A_3 = arith.constant 0 : index
    %get3A_4 = vector.load %arg2[%get3A_2, %get3A_3] : memref<2000x4xf32, #tpu.memory_space<vmem>>, vector<2000x4xf32>
    %broadcast_in_dim3A = arith.constant 0.000000e+00 : f32
    %broadcast_in_dim3A_5 = vector.broadcast %broadcast_in_dim3A : f32 to vector<2000x124xf32>
    %get3A_6 = arith.constant 0 : index
    %get3A_7 = arith.constant 0 : index
    %get3A_8 = vector.load %arg3[%get3A_6, %get3A_7] : memref<128x128xf32, #tpu.memory_space<vmem>>, vector<128x128xf32>
    %dot_general3A = arith.constant dense<0.000000e+00> : vector<2000x128xf32>
    %dot_general3A_9 = tpu.matmul %get3A_1, %get3A_8, %dot_general3A {dimension_numbers = #tpu.dot_dimension_numbers<[1], [0], [0], [1], [0, 0, 1, 1], [], []>, transpose_lhs_hint = false} : vector<2000x128xf32>, vector<128x128xf32>, vector<2000x128xf32> -> vector<2000x128xf32>
    %get3A_10 = arith.constant 0 : index
    %get3A_11 = arith.constant 0 : index
    %get3A_12 = vector.load %arg4[%get3A_10, %get3A_11] : memref<1x128xf32, #tpu.memory_space<vmem>>, vector<1x128xf32>
    %add3A = vector.broadcast %get3A_12 : vector<1x128xf32> to vector<2000x128xf32>
    %add3A_13 = arith.addf %dot_general3A_9, %add3A : vector<2000x128xf32>
    %concatenate3A = tpu.concatenate %add3A_13, %get3A_4, %broadcast_in_dim3A_5 in 1 : vector<2000x128xf32>, vector<2000x4xf32>, vector<2000x124xf32> -> vector<2000x256xf32>
    %swap3A = arith.constant 0 : index
    %swap3A_14 = arith.constant 0 : index
    %swap3A_15 = vector.load %arg9[%swap3A, %swap3A_14] : memref<2000x256xf32, #tpu.memory_space<vmem>>, vector<2000x256xf32>
    tpu.vector_store %arg9[%swap3A, %swap3A_14], %concatenate3A {strides = array<i32>} : memref<2000x256xf32, #tpu.memory_space<vmem>>, vector<2000x256xf32>,
    %get3A_16 = arith.constant 0 : index
    %get3A_17 = arith.constant 0 : index
    %get3A_18 = vector.load %arg5[%get3A_16, %get3A_17] : memref<128x128xf32, #tpu.memory_space<vmem>>, vector<128x128xf32>
    %dot_general3A_19 = arith.constant dense<0.000000e+00> : vector<2000x128xf32>
    %dot_general3A_20 = tpu.matmul %get3A_1, %get3A_18, %dot_general3A_19 {dimension_numbers = #tpu.dot_dimension_numbers<[1], [0], [0], [1], [0, 0, 1, 1], [], []>, transpose_lhs_hint = false} : vector<2000x128xf32>, vector<128x128xf32>, vector<2000x128xf32> -> vector<2000x128xf32>
    %get3A_21 = arith.constant 0 : index
    %get3A_22 = arith.constant 0 : index
    %get3A_23 = vector.load %arg6[%get3A_21, %get3A_22] : memref<1x128xf32, #tpu.memory_space<vmem>>, vector<1x128xf32>
    %add3A_24 = vector.broadcast %get3A_23 : vector<1x128xf32> to vector<2000x128xf32>
    %add3A_25 = arith.addf %dot_general3A_20, %add3A_24 : vector<2000x128xf32>
    %concatenate3A_26 = tpu.concatenate %add3A_25, %get3A_4, %broadcast_in_dim3A_5 in 1 : vector<2000x128xf32>, vector<2000x4xf32>, vector<2000x124xf32> -> vector<2000x256xf32>
    %swap3A_27 = arith.constant 0 : index
    %swap3A_28 = arith.constant 0 : index
    %swap3A_29 = vector.load %arg10[%swap3A_27, %swap3A_28] : memref<2000x256xf32, #tpu.memory_space<vmem>>, vector<2000x256xf32>
    tpu.vector_store %arg10[%swap3A_27, %swap3A_28], %concatenate3A_26 {strides = array<i32>} : memref<2000x256xf32, #tpu.memory_space<vmem>>, vector<2000x256xf32>,
    %get3A_30 = arith.constant 0 : index
    %get3A_31 = arith.constant 0 : index
    %get3A_32 = vector.load %arg7[%get3A_30, %get3A_31] : memref<128x128xf32, #tpu.memory_space<vmem>>, vector<128x128xf32>
    %dot_general3A_33 = arith.constant dense<0.000000e+00> : vector<2000x128xf32>
    %dot_general3A_34 = tpu.matmul %get3A_1, %get3A_32, %dot_general3A_33 {dimension_numbers = #tpu.dot_dimension_numbers<[1], [0], [0], [1], [0, 0, 1, 1], [], []>, transpose_lhs_hint = false} : vector<2000x128xf32>, vector<128x128xf32>, vector<2000x128xf32> -> vector<2000x128xf32>
    %get3A_35 = arith.constant 0 : index
    %get3A_36 = arith.constant 0 : index
    %get3A_37 = vector.load %arg8[%get3A_35, %get3A_36] : memref<1x128xf32, #tpu.memory_space<vmem>>, vector<1x128xf32>
    %add3A_38 = vector.broadcast %get3A_37 : vector<1x128xf32> to vector<2000x128xf32>
    %add3A_39 = arith.addf %dot_general3A_34, %add3A_38 : vector<2000x128xf32>
    %swap3A_40 = arith.constant 0 : index
    %swap3A_41 = arith.constant 0 : index
    %swap3A_42 = vector.load %arg11[%swap3A_40, %swap3A_41] : memref<2000x128xf32, #tpu.memory_space<vmem>>, vector<2000x128xf32>
    tpu.vector_store %arg11[%swap3A_40, %swap3A_41], %add3A_39 {strides = array<i32>} : memref<2000x128xf32, #tpu.memory_space<vmem>>, vector<2000x128xf32>,
    return
  }
  func.func @transform_0(%arg0: i32) -> (i32, i32) {
    %c0_i32 = arith.constant 0 : i32
    %c0_i32_0 = arith.constant 0 : i32
    return %arg0, %c0_i32 : i32, i32
  }
  func.func @transform_1(%arg0: i32) -> (i32, i32) {
    %c0_i32 = arith.constant 0 : i32
    %c0_i32_0 = arith.constant 0 : i32
    return %arg0, %c0_i32 : i32, i32
  }
  func.func @transform_2(%arg0: i32) -> (i32, i32) {
    %c0_i32 = arith.constant 0 : i32
    %c0_i32_0 = arith.constant 0 : i32
    %c0_i32_1 = arith.constant 0 : i32
    return %c0_i32, %c0_i32_0 : i32, i32
  }
  func.func @transform_3(%arg0: i32) -> (i32, i32) {
    %c0_i32 = arith.constant 0 : i32
    %c0_i32_0 = arith.constant 0 : i32
    %c0_i32_1 = arith.constant 0 : i32
    return %c0_i32, %c0_i32_0 : i32, i32
  }
  func.func @transform_4(%arg0: i32) -> (i32, i32) {
    %c0_i32 = arith.constant 0 : i32
    %c0_i32_0 = arith.constant 0 : i32
    %c0_i32_1 = arith.constant 0 : i32
    return %c0_i32, %c0_i32_0 : i32, i32
  }
  func.func @transform_5(%arg0: i32) -> (i32, i32) {
    %c0_i32 = arith.constant 0 : i32
    %c0_i32_0 = arith.constant 0 : i32
    %c0_i32_1 = arith.constant 0 : i32
    return %c0_i32, %c0_i32_0 : i32, i32
  }
  func.func @transform_6(%arg0: i32) -> (i32, i32) {
    %c0_i32 = arith.constant 0 : i32
    %c0_i32_0 = arith.constant 0 : i32
    %c0_i32_1 = arith.constant 0 : i32
    return %c0_i32, %c0_i32_0 : i32, i32
  }
  func.func @transform_7(%arg0: i32) -> (i32, i32) {
    %c0_i32 = arith.constant 0 : i32
    %c0_i32_0 = arith.constant 0 : i32
    %c0_i32_1 = arith.constant 0 : i32
    return %c0_i32, %c0_i32_0 : i32, i32
  }
  func.func @transform_8(%arg0: i32) -> (i32, i32) {
    %c0_i32 = arith.constant 0 : i32
    %c0_i32_0 = arith.constant 0 : i32
    return %arg0, %c0_i32 : i32, i32
  }
  func.func @transform_9(%arg0: i32) -> (i32, i32) {
    %c0_i32 = arith.constant 0 : i32
    %c0_i32_0 = arith.constant 0 : i32
    return %arg0, %c0_i32 : i32, i32
  }
  func.func @transform_10(%arg0: i32) -> (i32, i32) {
    %c0_i32 = arith.constant 0 : i32
    %c0_i32_0 = arith.constant 0 : i32
    return %arg0, %c0_i32 : i32, i32
  }
}

module attributes {stable_mosaic.version = 14 : i64} {
  func.func @_edge_body(%arg0: i32, %arg1: memref<4000x16xf32, #tpu.memory_space<vmem>>, %arg2: memref<4000x128xf32, #tpu.memory_space<vmem>>, %arg3: memref<4000x16xf32, #tpu.memory_space<vmem>>, %arg4: memref<4000x1xf32, #tpu.memory_space<vmem>>, %arg5: memref<16x128xf32, #tpu.memory_space<vmem>>, %arg6: memref<1x128xf32, #tpu.memory_space<vmem>>, %arg7: memref<1x128xf32, #tpu.memory_space<vmem>>, %arg8: memref<128x128xf32, #tpu.memory_space<vmem>>, %arg9: memref<1x128xf32, #tpu.memory_space<vmem>>, %arg10: memref<128x16xf32, #tpu.memory_space<vmem>>, %arg11: memref<1x16xf32, #tpu.memory_space<vmem>>, %arg12: memref<128x64xf32, #tpu.memory_space<vmem>>, %arg13: memref<1x64xf32, #tpu.memory_space<vmem>>, %arg14: memref<64x8xf32, #tpu.memory_space<vmem>>, %arg15: memref<1x8xf32, #tpu.memory_space<vmem>>, %arg16: memref<8x1xf32, #tpu.memory_space<vmem>>, %arg17: memref<128x8xf32, #tpu.memory_space<vmem>>, %arg18: memref<4000x16xf32, #tpu.memory_space<vmem>>, %arg19: memref<4000x16xf32, #tpu.memory_space<vmem>>) attributes {dimension_semantics = [#tpu.dimension_semantics<arbitrary>], iteration_bounds = array<i64: 80>, scalar_prefetch = 0 : i64, scratch_operands = 0 : i64, tpu.core_type = #tpu.core_type<tc>, window_params = [{transform_indices = @transform_0, window_bounds = array<i64: 4000, 16>}, {transform_indices = @transform_1, window_bounds = array<i64: 4000, 128>}, {transform_indices = @transform_2, window_bounds = array<i64: 4000, 16>}, {transform_indices = @transform_3, window_bounds = array<i64: 4000, 1>}, {pipeline_mode = #tpu.pipeline_mode<synchronous>, transform_indices = @transform_4, window_bounds = array<i64: 16, 128>}, {pipeline_mode = #tpu.pipeline_mode<synchronous>, transform_indices = @transform_5, window_bounds = array<i64: 1, 128>}, {pipeline_mode = #tpu.pipeline_mode<synchronous>, transform_indices = @transform_6, window_bounds = array<i64: 1, 128>}, {pipeline_mode = #tpu.pipeline_mode<synchronous>, transform_indices = @transform_7, window_bounds = array<i64: 128, 128>}, {pipeline_mode = #tpu.pipeline_mode<synchronous>, transform_indices = @transform_8, window_bounds = array<i64: 1, 128>}, {pipeline_mode = #tpu.pipeline_mode<synchronous>, transform_indices = @transform_9, window_bounds = array<i64: 128, 16>}, {pipeline_mode = #tpu.pipeline_mode<synchronous>, transform_indices = @transform_10, window_bounds = array<i64: 1, 16>}, {pipeline_mode = #tpu.pipeline_mode<synchronous>, transform_indices = @transform_11, window_bounds = array<i64: 128, 64>}, {pipeline_mode = #tpu.pipeline_mode<synchronous>, transform_indices = @transform_12, window_bounds = array<i64: 1, 64>}, {pipeline_mode = #tpu.pipeline_mode<synchronous>, transform_indices = @transform_13, window_bounds = array<i64: 64, 8>}, {pipeline_mode = #tpu.pipeline_mode<synchronous>, transform_indices = @transform_14, window_bounds = array<i64: 1, 8>}, {pipeline_mode = #tpu.pipeline_mode<synchronous>, transform_indices = @transform_15, window_bounds = array<i64: 8, 1>}, {pipeline_mode = #tpu.pipeline_mode<synchronous>, transform_indices = @transform_16, window_bounds = array<i64: 128, 8>}, {transform_indices = @transform_17, window_bounds = array<i64: 4000, 16>}, {transform_indices = @transform_18, window_bounds = array<i64: 4000, 16>}]} {
    %get3A = arith.constant 0 : index
    %get3A_0 = arith.constant 0 : index
    %get3A_1 = vector.load %arg2[%get3A, %get3A_0] : memref<4000x128xf32, #tpu.memory_space<vmem>>, vector<4000x128xf32>
    %get3A_2 = arith.constant 0 : index
    %get3A_3 = arith.constant 0 : index
    %get3A_4 = vector.load %arg3[%get3A_2, %get3A_3] : memref<4000x16xf32, #tpu.memory_space<vmem>>, vector<4000x16xf32>
    %slice3A = vector.extract_strided_slice %get3A_4 {offsets = [0, 0], sizes = [4000, 3], strides = [1, 1]} : vector<4000x16xf32> to vector<4000x3xf32>
    %add3A = arith.constant 9.99999997E-7 : f32
    %add3A_5 = vector.broadcast %add3A : f32 to vector<4000x3xf32>
    %add3A_6 = arith.addf %slice3A, %add3A_5 : vector<4000x3xf32>
    %mul3A = arith.mulf %add3A_6, %add3A_6 : vector<4000x3xf32>
    %reduce_sum3A = arith.constant dense<0.000000e+00> : vector<4000xf32>
    %reduce_sum3A_7 = vector.multi_reduction <add>, %mul3A, %reduce_sum3A [1] : vector<4000x3xf32> to vector<4000xf32>
    %broadcast_in_dim3A = vector.shape_cast %reduce_sum3A_7 : vector<4000xf32> to vector<4000x1xf32>
    %sqrt3A = math.sqrt %broadcast_in_dim3A : vector<4000x1xf32>
    %get3A_8 = arith.constant 0 : index
    %get3A_9 = arith.constant 0 : index
    %get3A_10 = vector.load %arg1[%get3A_8, %get3A_9] : memref<4000x16xf32, #tpu.memory_space<vmem>>, vector<4000x16xf32>
    %get3A_11 = arith.constant 0 : index
    %get3A_12 = arith.constant 0 : index
    %get3A_13 = vector.load %arg5[%get3A_11, %get3A_12] : memref<16x128xf32, #tpu.memory_space<vmem>>, vector<16x128xf32>
    %dot_general3A = arith.constant dense<0.000000e+00> : vector<4000x128xf32>
    %dot_general3A_14 = tpu.matmul %get3A_10, %get3A_13, %dot_general3A {dimension_numbers = #tpu.dot_dimension_numbers<[1], [0], [0], [1], [0, 0, 1, 1], [], []>, transpose_lhs_hint = false} : vector<4000x16xf32>, vector<16x128xf32>, vector<4000x128xf32> -> vector<4000x128xf32>
    %mul3A_15 = arith.constant 1.000000e-01 : f32
    %mul3A_16 = vector.broadcast %mul3A_15 : f32 to vector<4000x1xf32>
    %mul3A_17 = arith.mulf %sqrt3A, %mul3A_16 : vector<4000x1xf32>
    %get3A_18 = arith.constant 0 : index
    %get3A_19 = arith.constant 0 : index
    %get3A_20 = vector.load %arg6[%get3A_18, %get3A_19] : memref<1x128xf32, #tpu.memory_space<vmem>>, vector<1x128xf32>
    %dot_general3A_21 = arith.constant dense<0.000000e+00> : vector<4000x128xf32>
    %dot_general3A_22 = tpu.matmul %mul3A_17, %get3A_20, %dot_general3A_21 {dimension_numbers = #tpu.dot_dimension_numbers<[1], [0], [0], [1], [0, 0, 1, 1], [], []>, transpose_lhs_hint = false} : vector<4000x1xf32>, vector<1x128xf32>, vector<4000x128xf32> -> vector<4000x128xf32>
    %add3A_23 = arith.addf %dot_general3A_14, %dot_general3A_22 : vector<4000x128xf32>
    %get3A_24 = arith.constant 0 : index
    %get3A_25 = arith.constant 0 : index
    %get3A_26 = vector.load %arg7[%get3A_24, %get3A_25] : memref<1x128xf32, #tpu.memory_space<vmem>>, vector<1x128xf32>
    %add3A_27 = vector.broadcast %get3A_26 : vector<1x128xf32> to vector<4000x128xf32>
    %add3A_28 = arith.addf %add3A_23, %add3A_27 : vector<4000x128xf32>
    %gt3A = arith.constant 0.000000e+00 : f32
    %gt3A_29 = vector.broadcast %gt3A : f32 to vector<4000x128xf32>
    %gt3A_30 = arith.cmpf ogt, %add3A_28, %gt3A_29 : vector<4000x128xf32>
    %mul3A_31 = arith.constant 0.00999999977 : f32
    %mul3A_32 = vector.broadcast %mul3A_31 : f32 to vector<4000x128xf32>
    %mul3A_33 = arith.mulf %mul3A_32, %add3A_28 : vector<4000x128xf32>
    %select_n3A = arith.select %gt3A_30, %add3A_28, %mul3A_33 : vector<4000x128xi1>, vector<4000x128xf32>
    %get3A_34 = arith.constant 0 : index
    %get3A_35 = arith.constant 0 : index
    %get3A_36 = vector.load %arg8[%get3A_34, %get3A_35] : memref<128x128xf32, #tpu.memory_space<vmem>>, vector<128x128xf32>
    %dot_general3A_37 = arith.constant dense<0.000000e+00> : vector<4000x128xf32>
    %dot_general3A_38 = tpu.matmul %select_n3A, %get3A_36, %dot_general3A_37 {dimension_numbers = #tpu.dot_dimension_numbers<[1], [0], [0], [1], [0, 0, 1, 1], [], []>, transpose_lhs_hint = false} : vector<4000x128xf32>, vector<128x128xf32>, vector<4000x128xf32> -> vector<4000x128xf32>
    %get3A_39 = arith.constant 0 : index
    %get3A_40 = arith.constant 0 : index
    %get3A_41 = vector.load %arg9[%get3A_39, %get3A_40] : memref<1x128xf32, #tpu.memory_space<vmem>>, vector<1x128xf32>
    %add3A_42 = vector.broadcast %get3A_41 : vector<1x128xf32> to vector<4000x128xf32>
    %add3A_43 = arith.addf %dot_general3A_38, %add3A_42 : vector<4000x128xf32>
    %mul3A_44 = arith.mulf %get3A_1, %add3A_43 : vector<4000x128xf32>
    %mul3A_45 = arith.constant 2.500000e-01 : f32
    %mul3A_46 = vector.broadcast %mul3A_45 : f32 to vector<4000x128xf32>
    %mul3A_47 = arith.mulf %mul3A_44, %mul3A_46 : vector<4000x128xf32>
    %abs3A = math.absf %mul3A_47 : vector<4000x128xf32>
    %get3A_48 = arith.constant 0 : index
    %get3A_49 = arith.constant 0 : index
    %get3A_50 = vector.load %arg17[%get3A_48, %get3A_49] : memref<128x8xf32, #tpu.memory_space<vmem>>, vector<128x8xf32>
    %dot_general3A_51 = arith.constant dense<0.000000e+00> : vector<4000x8xf32>
    %dot_general3A_52 = tpu.matmul %abs3A, %get3A_50, %dot_general3A_51 {dimension_numbers = #tpu.dot_dimension_numbers<[1], [0], [0], [1], [0, 0, 1, 1], [], []>, transpose_lhs_hint = false} : vector<4000x128xf32>, vector<128x8xf32>, vector<4000x8xf32> -> vector<4000x8xf32>
    %exp3A = math.exp %dot_general3A_52 : vector<4000x8xf32>
    %get3A_53 = arith.constant 0 : index
    %get3A_54 = arith.constant 0 : index
    %get3A_55 = vector.load %arg10[%get3A_53, %get3A_54] : memref<128x16xf32, #tpu.memory_space<vmem>>, vector<128x16xf32>
    %dot_general3A_56 = arith.constant dense<0.000000e+00> : vector<4000x16xf32>
    %dot_general3A_57 = tpu.matmul %mul3A_47, %get3A_55, %dot_general3A_56 {dimension_numbers = #tpu.dot_dimension_numbers<[1], [0], [0], [1], [0, 0, 1, 1], [], []>, transpose_lhs_hint = false} : vector<4000x128xf32>, vector<128x16xf32>, vector<4000x16xf32> -> vector<4000x16xf32>
    %get3A_58 = arith.constant 0 : index
    %get3A_59 = arith.constant 0 : index
    %get3A_60 = vector.load %arg11[%get3A_58, %get3A_59] : memref<1x16xf32, #tpu.memory_space<vmem>>, vector<1x16xf32>
    %add3A_61 = vector.broadcast %get3A_60 : vector<1x16xf32> to vector<4000x16xf32>
    %add3A_62 = arith.addf %dot_general3A_57, %add3A_61 : vector<4000x16xf32>
    %swap3A = arith.constant 0 : index
    %swap3A_63 = arith.constant 0 : index
    %swap3A_64 = vector.load %arg19[%swap3A, %swap3A_63] : memref<4000x16xf32, #tpu.memory_space<vmem>>, vector<4000x16xf32>
    tpu.vector_store %arg19[%swap3A, %swap3A_63], %add3A_62 {strides = array<i32>} : memref<4000x16xf32, #tpu.memory_space<vmem>>, vector<4000x16xf32>,
    %get3A_65 = arith.constant 0 : index
    %get3A_66 = arith.constant 0 : index
    %get3A_67 = vector.load %arg12[%get3A_65, %get3A_66] : memref<128x64xf32, #tpu.memory_space<vmem>>, vector<128x64xf32>
    %dot_general3A_68 = arith.constant dense<0.000000e+00> : vector<4000x64xf32>
    %dot_general3A_69 = tpu.matmul %mul3A_47, %get3A_67, %dot_general3A_68 {dimension_numbers = #tpu.dot_dimension_numbers<[1], [0], [0], [1], [0, 0, 1, 1], [], []>, transpose_lhs_hint = false} : vector<4000x128xf32>, vector<128x64xf32>, vector<4000x64xf32> -> vector<4000x64xf32>
    %get3A_70 = arith.constant 0 : index
    %get3A_71 = arith.constant 0 : index
    %get3A_72 = vector.load %arg13[%get3A_70, %get3A_71] : memref<1x64xf32, #tpu.memory_space<vmem>>, vector<1x64xf32>
    %add3A_73 = vector.broadcast %get3A_72 : vector<1x64xf32> to vector<4000x64xf32>
    %add3A_74 = arith.addf %dot_general3A_69, %add3A_73 : vector<4000x64xf32>
    %gt3A_75 = arith.constant 0.000000e+00 : f32
    %gt3A_76 = vector.broadcast %gt3A_75 : f32 to vector<4000x64xf32>
    %gt3A_77 = arith.cmpf ogt, %add3A_74, %gt3A_76 : vector<4000x64xf32>
    %mul3A_78 = arith.constant 0.00999999977 : f32
    %mul3A_79 = vector.broadcast %mul3A_78 : f32 to vector<4000x64xf32>
    %mul3A_80 = arith.mulf %mul3A_79, %add3A_74 : vector<4000x64xf32>
    %select_n3A_81 = arith.select %gt3A_77, %add3A_74, %mul3A_80 : vector<4000x64xi1>, vector<4000x64xf32>
    %get3A_82 = arith.constant 0 : index
    %get3A_83 = arith.constant 0 : index
    %get3A_84 = vector.load %arg14[%get3A_82, %get3A_83] : memref<64x8xf32, #tpu.memory_space<vmem>>, vector<64x8xf32>
    %dot_general3A_85 = arith.constant dense<0.000000e+00> : vector<4000x8xf32>
    %dot_general3A_86 = tpu.matmul %select_n3A_81, %get3A_84, %dot_general3A_85 {dimension_numbers = #tpu.dot_dimension_numbers<[1], [0], [0], [1], [0, 0, 1, 1], [], []>, transpose_lhs_hint = false} : vector<4000x64xf32>, vector<64x8xf32>, vector<4000x8xf32> -> vector<4000x8xf32>
    %get3A_87 = arith.constant 0 : index
    %get3A_88 = arith.constant 0 : index
    %get3A_89 = vector.load %arg15[%get3A_87, %get3A_88] : memref<1x8xf32, #tpu.memory_space<vmem>>, vector<1x8xf32>
    %add3A_90 = vector.broadcast %get3A_89 : vector<1x8xf32> to vector<4000x8xf32>
    %add3A_91 = arith.addf %dot_general3A_86, %add3A_90 : vector<4000x8xf32>
    %get3A_92 = arith.constant 0 : index
    %get3A_93 = arith.constant 0 : index
    %get3A_94 = vector.load %arg16[%get3A_92, %get3A_93] : memref<8x1xf32, #tpu.memory_space<vmem>>, vector<8x1xf32>
    %dot_general3A_95 = arith.constant dense<0.000000e+00> : vector<4000x1xf32>
    %dot_general3A_96 = tpu.matmul %add3A_91, %get3A_94, %dot_general3A_95 {dimension_numbers = #tpu.dot_dimension_numbers<[1], [0], [0], [1], [0, 0, 1, 1], [], []>, transpose_lhs_hint = false} : vector<4000x8xf32>, vector<8x1xf32>, vector<4000x1xf32> -> vector<4000x1xf32>
    %mul3A_97 = arith.mulf %slice3A, %slice3A : vector<4000x3xf32>
    %reduce_sum3A_98 = arith.constant dense<0.000000e+00> : vector<4000xf32>
    %reduce_sum3A_99 = vector.multi_reduction <add>, %mul3A_97, %reduce_sum3A_98 [1] : vector<4000x3xf32> to vector<4000xf32>
    %broadcast_in_dim3A_100 = vector.shape_cast %reduce_sum3A_99 : vector<4000xf32> to vector<4000x1xf32>
    %sqrt3A_101 = math.sqrt %broadcast_in_dim3A_100 : vector<4000x1xf32>
    %add3A_102 = arith.constant 9.99999997E-7 : f32
    %add3A_103 = vector.broadcast %add3A_102 : f32 to vector<4000x1xf32>
    %add3A_104 = arith.addf %sqrt3A_101, %add3A_103 : vector<4000x1xf32>
    %div3A = vector.broadcast %add3A_104 : vector<4000x1xf32> to vector<4000x3xf32>
    %div3A_105 = arith.divf %slice3A, %div3A : vector<4000x3xf32>
    %mul3A_106 = vector.broadcast %dot_general3A_96 : vector<4000x1xf32> to vector<4000x3xf32>
    %mul3A_107 = arith.mulf %div3A_105, %mul3A_106 : vector<4000x3xf32>
    %get3A_108 = arith.constant 0 : index
    %get3A_109 = arith.constant 0 : index
    %get3A_110 = vector.load %arg4[%get3A_108, %get3A_109] : memref<4000x1xf32, #tpu.memory_space<vmem>>, vector<4000x1xf32>
    %mul3A_111 = vector.broadcast %get3A_110 : vector<4000x1xf32> to vector<4000x3xf32>
    %mul3A_112 = arith.mulf %mul3A_107, %mul3A_111 : vector<4000x3xf32>
    %broadcast_in_dim3A_113 = arith.constant 0.000000e+00 : f32
    %broadcast_in_dim3A_114 = vector.broadcast %broadcast_in_dim3A_113 : f32 to vector<4000x5xf32>
    %concatenate3A = tpu.concatenate %exp3A, %mul3A_112, %broadcast_in_dim3A_114 in 1 : vector<4000x8xf32>, vector<4000x3xf32>, vector<4000x5xf32> -> vector<4000x16xf32>
    %swap3A_115 = arith.constant 0 : index
    %swap3A_116 = arith.constant 0 : index
    %swap3A_117 = vector.load %arg18[%swap3A_115, %swap3A_116] : memref<4000x16xf32, #tpu.memory_space<vmem>>, vector<4000x16xf32>
    tpu.vector_store %arg18[%swap3A_115, %swap3A_116], %concatenate3A {strides = array<i32>} : memref<4000x16xf32, #tpu.memory_space<vmem>>, vector<4000x16xf32>,
    return
  }
  func.func @transform_0(%arg0: i32) -> (i32, i32) {
    %c0_i32 = arith.constant 0 : i32
    %c0_i32_0 = arith.constant 0 : i32
    return %arg0, %c0_i32 : i32, i32
  }
  func.func @transform_1(%arg0: i32) -> (i32, i32) {
    %c0_i32 = arith.constant 0 : i32
    %c0_i32_0 = arith.constant 0 : i32
    return %arg0, %c0_i32 : i32, i32
  }
  func.func @transform_2(%arg0: i32) -> (i32, i32) {
    %c0_i32 = arith.constant 0 : i32
    %c0_i32_0 = arith.constant 0 : i32
    return %arg0, %c0_i32 : i32, i32
  }
  func.func @transform_3(%arg0: i32) -> (i32, i32) {
    %c0_i32 = arith.constant 0 : i32
    %c0_i32_0 = arith.constant 0 : i32
    return %arg0, %c0_i32 : i32, i32
  }
  func.func @transform_4(%arg0: i32) -> (i32, i32) {
    %c0_i32 = arith.constant 0 : i32
    %c0_i32_0 = arith.constant 0 : i32
    %c0_i32_1 = arith.constant 0 : i32
    return %c0_i32, %c0_i32_0 : i32, i32
  }
  func.func @transform_5(%arg0: i32) -> (i32, i32) {
    %c0_i32 = arith.constant 0 : i32
    %c0_i32_0 = arith.constant 0 : i32
    %c0_i32_1 = arith.constant 0 : i32
    return %c0_i32, %c0_i32_0 : i32, i32
  }
  func.func @transform_6(%arg0: i32) -> (i32, i32) {
    %c0_i32 = arith.constant 0 : i32
    %c0_i32_0 = arith.constant 0 : i32
    %c0_i32_1 = arith.constant 0 : i32
    return %c0_i32, %c0_i32_0 : i32, i32
  }
  func.func @transform_7(%arg0: i32) -> (i32, i32) {
    %c0_i32 = arith.constant 0 : i32
    %c0_i32_0 = arith.constant 0 : i32
    %c0_i32_1 = arith.constant 0 : i32
    return %c0_i32, %c0_i32_0 : i32, i32
  }
  func.func @transform_8(%arg0: i32) -> (i32, i32) {
    %c0_i32 = arith.constant 0 : i32
    %c0_i32_0 = arith.constant 0 : i32
    %c0_i32_1 = arith.constant 0 : i32
    return %c0_i32, %c0_i32_0 : i32, i32
  }
  func.func @transform_9(%arg0: i32) -> (i32, i32) {
    %c0_i32 = arith.constant 0 : i32
    %c0_i32_0 = arith.constant 0 : i32
    %c0_i32_1 = arith.constant 0 : i32
    return %c0_i32, %c0_i32_0 : i32, i32
  }
  func.func @transform_10(%arg0: i32) -> (i32, i32) {
    %c0_i32 = arith.constant 0 : i32
    %c0_i32_0 = arith.constant 0 : i32
    %c0_i32_1 = arith.constant 0 : i32
    return %c0_i32, %c0_i32_0 : i32, i32
  }
  func.func @transform_11(%arg0: i32) -> (i32, i32) {
    %c0_i32 = arith.constant 0 : i32
    %c0_i32_0 = arith.constant 0 : i32
    %c0_i32_1 = arith.constant 0 : i32
    return %c0_i32, %c0_i32_0 : i32, i32
  }
  func.func @transform_12(%arg0: i32) -> (i32, i32) {
    %c0_i32 = arith.constant 0 : i32
    %c0_i32_0 = arith.constant 0 : i32
    %c0_i32_1 = arith.constant 0 : i32
    return %c0_i32, %c0_i32_0 : i32, i32
  }
  func.func @transform_13(%arg0: i32) -> (i32, i32) {
    %c0_i32 = arith.constant 0 : i32
    %c0_i32_0 = arith.constant 0 : i32
    %c0_i32_1 = arith.constant 0 : i32
    return %c0_i32, %c0_i32_0 : i32, i32
  }
  func.func @transform_14(%arg0: i32) -> (i32, i32) {
    %c0_i32 = arith.constant 0 : i32
    %c0_i32_0 = arith.constant 0 : i32
    %c0_i32_1 = arith.constant 0 : i32
    return %c0_i32, %c0_i32_0 : i32, i32
  }
  func.func @transform_15(%arg0: i32) -> (i32, i32) {
    %c0_i32 = arith.constant 0 : i32
    %c0_i32_0 = arith.constant 0 : i32
    %c0_i32_1 = arith.constant 0 : i32
    return %c0_i32, %c0_i32_0 : i32, i32
  }
  func.func @transform_16(%arg0: i32) -> (i32, i32) {
    %c0_i32 = arith.constant 0 : i32
    %c0_i32_0 = arith.constant 0 : i32
    %c0_i32_1 = arith.constant 0 : i32
    return %c0_i32, %c0_i32_0 : i32, i32
  }
  func.func @transform_17(%arg0: i32) -> (i32, i32) {
    %c0_i32 = arith.constant 0 : i32
    %c0_i32_0 = arith.constant 0 : i32
    return %arg0, %c0_i32 : i32, i32
  }
  func.func @transform_18(%arg0: i32) -> (i32, i32) {
    %c0_i32 = arith.constant 0 : i32
    %c0_i32_0 = arith.constant 0 : i32
    return %arg0, %c0_i32 : i32, i32
  }
}

module attributes {stable_mosaic.version = 14 : i64} {
  func.func @_n3a_body(%arg0: i32, %arg1: memref<2000x128xf32, #tpu.memory_space<vmem>>, %arg2: memref<2000x16xf32, #tpu.memory_space<vmem>>, %arg3: memref<2000x128xf32, #tpu.memory_space<vmem>>, %arg4: memref<2000x64xf32, #tpu.memory_space<vmem>>, %arg5: memref<2000x4xf32, #tpu.memory_space<vmem>>, %arg6: memref<128x128xf32, #tpu.memory_space<vmem>>, %arg7: memref<1x128xf32, #tpu.memory_space<vmem>>, %arg8: memref<128x128xf32, #tpu.memory_space<vmem>>, %arg9: memref<128x128xf32, #tpu.memory_space<vmem>>, %arg10: memref<128x128xf32, #tpu.memory_space<vmem>>, %arg11: memref<1x128xf32, #tpu.memory_space<vmem>>, %arg12: memref<8x128xf32, #tpu.memory_space<vmem>>, %arg13: memref<2000x128xf32, #tpu.memory_space<vmem>>, %arg14: memref<2000x128xf32, #tpu.memory_space<vmem>>, %arg15: memref<2000x4xf32, #tpu.memory_space<vmem>>, %arg16: memref<64x128xf32, #tpu.memory_space<vmem>>, %arg17: memref<64x128xf32, #tpu.memory_space<vmem>>, %arg18: memref<64x1xf32, #tpu.memory_space<vmem>>) attributes {dimension_semantics = [#tpu.dimension_semantics<arbitrary>], iteration_bounds = array<i64: 5>, scalar_prefetch = 0 : i64, scratch_operands = 0 : i64, tpu.core_type = #tpu.core_type<tc>, window_params = [{transform_indices = @transform_0, window_bounds = array<i64: 2000, 128>}, {transform_indices = @transform_1, window_bounds = array<i64: 2000, 16>}, {transform_indices = @transform_2, window_bounds = array<i64: 2000, 128>}, {transform_indices = @transform_3, window_bounds = array<i64: 2000, 64>}, {transform_indices = @transform_4, window_bounds = array<i64: 2000, 4>}, {pipeline_mode = #tpu.pipeline_mode<synchronous>, transform_indices = @transform_5, window_bounds = array<i64: 128, 128>}, {pipeline_mode = #tpu.pipeline_mode<synchronous>, transform_indices = @transform_6, window_bounds = array<i64: 1, 128>}, {pipeline_mode = #tpu.pipeline_mode<synchronous>, transform_indices = @transform_7, window_bounds = array<i64: 128, 128>}, {pipeline_mode = #tpu.pipeline_mode<synchronous>, transform_indices = @transform_8, window_bounds = array<i64: 128, 128>}, {pipeline_mode = #tpu.pipeline_mode<synchronous>, transform_indices = @transform_9, window_bounds = array<i64: 128, 128>}, {pipeline_mode = #tpu.pipeline_mode<synchronous>, transform_indices = @transform_10, window_bounds = array<i64: 1, 128>}, {pipeline_mode = #tpu.pipeline_mode<synchronous>, transform_indices = @transform_11, window_bounds = array<i64: 8, 128>}, {transform_indices = @transform_12, window_bounds = array<i64: 2000, 128>}, {transform_indices = @transform_13, window_bounds = array<i64: 2000, 128>}, {transform_indices = @transform_14, window_bounds = array<i64: 2000, 4>}, {pipeline_mode = #tpu.pipeline_mode<synchronous>, transform_indices = @transform_15, window_bounds = array<i64: 64, 128>}, {pipeline_mode = #tpu.pipeline_mode<synchronous>, transform_indices = @transform_16, window_bounds = array<i64: 64, 128>}, {pipeline_mode = #tpu.pipeline_mode<synchronous>, transform_indices = @transform_17, window_bounds = array<i64: 64, 1>}]} {
    %get3A = arith.constant 0 : index
    %get3A_0 = arith.constant 0 : index
    %get3A_1 = vector.load %arg1[%get3A, %get3A_0] : memref<2000x128xf32, #tpu.memory_space<vmem>>, vector<2000x128xf32>
    %get3A_2 = arith.constant 0 : index
    %get3A_3 = arith.constant 0 : index
    %get3A_4 = vector.load %arg2[%get3A_2, %get3A_3] : memref<2000x16xf32, #tpu.memory_space<vmem>>, vector<2000x16xf32>
    %slice3A = vector.extract_strided_slice %get3A_4 {offsets = [0, 0], sizes = [2000, 8], strides = [1, 1]} : vector<2000x16xf32> to vector<2000x8xf32>
    %get3A_5 = arith.constant 0 : index
    %get3A_6 = arith.constant 0 : index
    %get3A_7 = vector.load %arg12[%get3A_5, %get3A_6] : memref<8x128xf32, #tpu.memory_space<vmem>>, vector<8x128xf32>
    %dot_general3A = arith.constant dense<0.000000e+00> : vector<2000x128xf32>
    %dot_general3A_8 = tpu.matmul %slice3A, %get3A_7, %dot_general3A {dimension_numbers = #tpu.dot_dimension_numbers<[1], [0], [0], [1], [0, 0, 1, 1], [], []>, transpose_lhs_hint = false} : vector<2000x8xf32>, vector<8x128xf32>, vector<2000x128xf32> -> vector<2000x128xf32>
    %add3A = arith.constant 1.000000e-16 : f32
    %add3A_9 = vector.broadcast %add3A : f32 to vector<2000x128xf32>
    %add3A_10 = arith.addf %dot_general3A_8, %add3A_9 : vector<2000x128xf32>
    %div3A = arith.divf %get3A_1, %add3A_10 : vector<2000x128xf32>
    %get3A_11 = arith.constant 0 : index
    %get3A_12 = arith.constant 0 : index
    %get3A_13 = vector.load %arg6[%get3A_11, %get3A_12] : memref<128x128xf32, #tpu.memory_space<vmem>>, vector<128x128xf32>
    %dot_general3A_14 = arith.constant dense<0.000000e+00> : vector<2000x128xf32>
    %dot_general3A_15 = tpu.matmul %div3A, %get3A_13, %dot_general3A_14 {dimension_numbers = #tpu.dot_dimension_numbers<[1], [0], [0], [1], [0, 0, 1, 1], [], []>, transpose_lhs_hint = false} : vector<2000x128xf32>, vector<128x128xf32>, vector<2000x128xf32> -> vector<2000x128xf32>
    %get3A_16 = arith.constant 0 : index
    %get3A_17 = arith.constant 0 : index
    %get3A_18 = vector.load %arg7[%get3A_16, %get3A_17] : memref<1x128xf32, #tpu.memory_space<vmem>>, vector<1x128xf32>
    %add3A_19 = vector.broadcast %get3A_18 : vector<1x128xf32> to vector<2000x128xf32>
    %add3A_20 = arith.addf %dot_general3A_15, %add3A_19 : vector<2000x128xf32>
    %get3A_21 = arith.constant 0 : index
    %get3A_22 = arith.constant 0 : index
    %get3A_23 = vector.load %arg3[%get3A_21, %get3A_22] : memref<2000x128xf32, #tpu.memory_space<vmem>>, vector<2000x128xf32>
    %get3A_24 = arith.constant 0 : index
    %get3A_25 = arith.constant 0 : index
    %get3A_26 = vector.load %arg8[%get3A_24, %get3A_25] : memref<128x128xf32, #tpu.memory_space<vmem>>, vector<128x128xf32>
    %dot_general3A_27 = arith.constant dense<0.000000e+00> : vector<2000x128xf32>
    %dot_general3A_28 = tpu.matmul %add3A_20, %get3A_26, %dot_general3A_27 {dimension_numbers = #tpu.dot_dimension_numbers<[1], [0], [0], [1], [0, 0, 1, 1], [], []>, transpose_lhs_hint = false} : vector<2000x128xf32>, vector<128x128xf32>, vector<2000x128xf32> -> vector<2000x128xf32>
    %get3A_29 = arith.constant 0 : index
    %get3A_30 = arith.constant 0 : index
    %get3A_31 = vector.load %arg9[%get3A_29, %get3A_30] : memref<128x128xf32, #tpu.memory_space<vmem>>, vector<128x128xf32>
    %dot_general3A_32 = arith.constant dense<0.000000e+00> : vector<2000x128xf32>
    %dot_general3A_33 = tpu.matmul %get3A_23, %get3A_31, %dot_general3A_32 {dimension_numbers = #tpu.dot_dimension_numbers<[1], [0], [0], [1], [0, 0, 1, 1], [], []>, transpose_lhs_hint = false} : vector<2000x128xf32>, vector<128x128xf32>, vector<2000x128xf32> -> vector<2000x128xf32>
    %add3A_34 = arith.addf %dot_general3A_28, %dot_general3A_33 : vector<2000x128xf32>
    %sub3A = arith.subf %add3A_20, %get3A_23 : vector<2000x128xf32>
    %get3A_35 = arith.constant 0 : index
    %get3A_36 = arith.constant 0 : index
    %get3A_37 = vector.load %arg10[%get3A_35, %get3A_36] : memref<128x128xf32, #tpu.memory_space<vmem>>, vector<128x128xf32>
    %dot_general3A_38 = arith.constant dense<0.000000e+00> : vector<2000x128xf32>
    %dot_general3A_39 = tpu.matmul %sub3A, %get3A_37, %dot_general3A_38 {dimension_numbers = #tpu.dot_dimension_numbers<[1], [0], [0], [1], [0, 0, 1, 1], [], []>, transpose_lhs_hint = false} : vector<2000x128xf32>, vector<128x128xf32>, vector<2000x128xf32> -> vector<2000x128xf32>
    %add3A_40 = arith.addf %add3A_34, %dot_general3A_39 : vector<2000x128xf32>
    %get3A_41 = arith.constant 0 : index
    %get3A_42 = arith.constant 0 : index
    %get3A_43 = vector.load %arg11[%get3A_41, %get3A_42] : memref<1x128xf32, #tpu.memory_space<vmem>>, vector<1x128xf32>
    %add3A_44 = vector.broadcast %get3A_43 : vector<1x128xf32> to vector<2000x128xf32>
    %add3A_45 = arith.addf %add3A_40, %add3A_44 : vector<2000x128xf32>
    %logistic3A = arith.negf %add3A_45 : vector<2000x128xf32>
    %logistic3A_46 = math.exp %logistic3A : vector<2000x128xf32>
    %logistic3A_47 = arith.constant 1.000000e+00 : f32
    %logistic3A_48 = vector.broadcast %logistic3A_47 : f32 to vector<2000x128xf32>
    %logistic3A_49 = arith.addf %logistic3A_48, %logistic3A_46 : vector<2000x128xf32>
    %logistic3A_50 = arith.divf %logistic3A_48, %logistic3A_49 : vector<2000x128xf32>
    %swap3A = arith.constant 0 : index
    %swap3A_51 = arith.constant 0 : index
    %swap3A_52 = vector.load %arg13[%swap3A, %swap3A_51] : memref<2000x128xf32, #tpu.memory_space<vmem>>, vector<2000x128xf32>
    tpu.vector_store %arg13[%swap3A, %swap3A_51], %logistic3A_50 {strides = array<i32>} : memref<2000x128xf32, #tpu.memory_space<vmem>>, vector<2000x128xf32>,
    %mul3A = arith.mulf %logistic3A_50, %add3A_20 : vector<2000x128xf32>
    %add3A_53 = arith.addf %mul3A, %get3A_23 : vector<2000x128xf32>
    %swap3A_54 = arith.constant 0 : index
    %swap3A_55 = arith.constant 0 : index
    %swap3A_56 = vector.load %arg14[%swap3A_54, %swap3A_55] : memref<2000x128xf32, #tpu.memory_space<vmem>>, vector<2000x128xf32>
    tpu.vector_store %arg14[%swap3A_54, %swap3A_55], %add3A_53 {strides = array<i32>} : memref<2000x128xf32, #tpu.memory_space<vmem>>, vector<2000x128xf32>,
    %get3A_57 = arith.constant 0 : index
    %get3A_58 = arith.constant 0 : index
    %get3A_59 = vector.load %arg5[%get3A_57, %get3A_58] : memref<2000x4xf32, #tpu.memory_space<vmem>>, vector<2000x4xf32>
    %slice3A_60 = vector.extract_strided_slice %get3A_4 {offsets = [0, 8], sizes = [2000, 4], strides = [1, 1]} : vector<2000x16xf32> to vector<2000x4xf32>
    %add3A_61 = arith.addf %get3A_59, %slice3A_60 : vector<2000x4xf32>
    %swap3A_62 = arith.constant 0 : index
    %swap3A_63 = arith.constant 0 : index
    %swap3A_64 = vector.load %arg15[%swap3A_62, %swap3A_63] : memref<2000x4xf32, #tpu.memory_space<vmem>>, vector<2000x4xf32>
    tpu.vector_store %arg15[%swap3A_62, %swap3A_63], %add3A_61 {strides = array<i32>} : memref<2000x4xf32, #tpu.memory_space<vmem>>, vector<2000x4xf32>,
    %broadcast_in_dim3A = arith.constant 1.000000e+00 : f32
    %broadcast_in_dim3A_65 = vector.broadcast %broadcast_in_dim3A : f32 to vector<2000x1xf32>
    %get3A_66 = arith.constant 0 : index
    %get3A_67 = arith.constant 0 : index
    %get3A_68 = vector.load %arg4[%get3A_66, %get3A_67] : memref<2000x64xf32, #tpu.memory_space<vmem>>, vector<2000x64xf32>
    %dot_general3A_69 = arith.constant dense<0.000000e+00> : vector<64x128xf32>
    %dot_general3A_70 = tpu.matmul %get3A_68, %add3A_53, %dot_general3A_69 {dimension_numbers = #tpu.dot_dimension_numbers<[0], [0], [1], [1], [0, 1, 1, 1], [], []>, transpose_lhs_hint = false} : vector<2000x64xf32>, vector<2000x128xf32>, vector<64x128xf32> -> vector<64x128xf32>
    %mul3A_71 = arith.mulf %add3A_53, %add3A_53 : vector<2000x128xf32>
    %dot_general3A_72 = arith.constant dense<0.000000e+00> : vector<64x128xf32>
    %dot_general3A_73 = tpu.matmul %get3A_68, %mul3A_71, %dot_general3A_72 {dimension_numbers = #tpu.dot_dimension_numbers<[0], [0], [1], [1], [0, 1, 1, 1], [], []>, transpose_lhs_hint = false} : vector<2000x64xf32>, vector<2000x128xf32>, vector<64x128xf32> -> vector<64x128xf32>
    %dot_general3A_74 = arith.constant dense<0.000000e+00> : vector<64x1xf32>
    %dot_general3A_75 = tpu.matmul %get3A_68, %broadcast_in_dim3A_65, %dot_general3A_74 {dimension_numbers = #tpu.dot_dimension_numbers<[0], [0], [1], [1], [0, 1, 1, 1], [], []>, transpose_lhs_hint = false} : vector<2000x64xf32>, vector<2000x1xf32>, vector<64x1xf32> -> vector<64x1xf32>
    %eq3A = arith.constant 0 : i32
    %eq3A_76 = arith.cmpi eq, %arg0, %eq3A : i32
    %convert_element_type3A = arith.extui %eq3A_76 : i1 to i32
    %cond3A = arith.constant 0 : i32
    %cond3A_77 = arith.cmpi ne, %convert_element_type3A, %cond3A : i32
    scf.if %cond3A_77 {
      %swap3A_82 = arith.constant 0 : index
      %swap3A_83 = arith.constant 0 : index
      %swap3A_84 = vector.load %arg16[%swap3A_82, %swap3A_83] : memref<64x128xf32, #tpu.memory_space<vmem>>, vector<64x128xf32>
      tpu.vector_store %arg16[%swap3A_82, %swap3A_83], %dot_general3A_70 {strides = array<i32>} : memref<64x128xf32, #tpu.memory_space<vmem>>, vector<64x128xf32>,
      %swap3A_85 = arith.constant 0 : index
      %swap3A_86 = arith.constant 0 : index
      %swap3A_87 = vector.load %arg17[%swap3A_85, %swap3A_86] : memref<64x128xf32, #tpu.memory_space<vmem>>, vector<64x128xf32>
      tpu.vector_store %arg17[%swap3A_85, %swap3A_86], %dot_general3A_73 {strides = array<i32>} : memref<64x128xf32, #tpu.memory_space<vmem>>, vector<64x128xf32>,
      %swap3A_88 = arith.constant 0 : index
      %swap3A_89 = arith.constant 0 : index
      %swap3A_90 = vector.load %arg18[%swap3A_88, %swap3A_89] : memref<64x1xf32, #tpu.memory_space<vmem>>, vector<64x1xf32>
      tpu.vector_store %arg18[%swap3A_88, %swap3A_89], %dot_general3A_75 {strides = array<i32>} : memref<64x1xf32, #tpu.memory_space<vmem>>, vector<64x1xf32>,
    } else {
    }
    %gt3A = arith.constant 0 : i32
    %gt3A_78 = arith.cmpi sgt, %arg0, %gt3A : i32
    %convert_element_type3A_79 = arith.extui %gt3A_78 : i1 to i32
    %cond3A_80 = arith.constant 0 : i32
    %cond3A_81 = arith.cmpi ne, %convert_element_type3A_79, %cond3A_80 : i32
    scf.if %cond3A_81 {
      %get3A_82 = arith.constant 0 : index
      %get3A_83 = arith.constant 0 : index
      %get3A_84 = vector.load %arg16[%get3A_82, %get3A_83] : memref<64x128xf32, #tpu.memory_space<vmem>>, vector<64x128xf32>
      %add3A_85 = arith.addf %get3A_84, %dot_general3A_70 : vector<64x128xf32>
      %swap3A_86 = arith.constant 0 : index
      %swap3A_87 = arith.constant 0 : index
      %swap3A_88 = vector.load %arg16[%swap3A_86, %swap3A_87] : memref<64x128xf32, #tpu.memory_space<vmem>>, vector<64x128xf32>
      tpu.vector_store %arg16[%swap3A_86, %swap3A_87], %add3A_85 {strides = array<i32>} : memref<64x128xf32, #tpu.memory_space<vmem>>, vector<64x128xf32>,
      %get3A_89 = arith.constant 0 : index
      %get3A_90 = arith.constant 0 : index
      %get3A_91 = vector.load %arg17[%get3A_89, %get3A_90] : memref<64x128xf32, #tpu.memory_space<vmem>>, vector<64x128xf32>
      %add3A_92 = arith.addf %get3A_91, %dot_general3A_73 : vector<64x128xf32>
      %swap3A_93 = arith.constant 0 : index
      %swap3A_94 = arith.constant 0 : index
      %swap3A_95 = vector.load %arg17[%swap3A_93, %swap3A_94] : memref<64x128xf32, #tpu.memory_space<vmem>>, vector<64x128xf32>
      tpu.vector_store %arg17[%swap3A_93, %swap3A_94], %add3A_92 {strides = array<i32>} : memref<64x128xf32, #tpu.memory_space<vmem>>, vector<64x128xf32>,
      %get3A_96 = arith.constant 0 : index
      %get3A_97 = arith.constant 0 : index
      %get3A_98 = vector.load %arg18[%get3A_96, %get3A_97] : memref<64x1xf32, #tpu.memory_space<vmem>>, vector<64x1xf32>
      %add3A_99 = arith.addf %get3A_98, %dot_general3A_75 : vector<64x1xf32>
      %swap3A_100 = arith.constant 0 : index
      %swap3A_101 = arith.constant 0 : index
      %swap3A_102 = vector.load %arg18[%swap3A_100, %swap3A_101] : memref<64x1xf32, #tpu.memory_space<vmem>>, vector<64x1xf32>
      tpu.vector_store %arg18[%swap3A_100, %swap3A_101], %add3A_99 {strides = array<i32>} : memref<64x1xf32, #tpu.memory_space<vmem>>, vector<64x1xf32>,
    } else {
    }
    return
  }
  func.func @transform_0(%arg0: i32) -> (i32, i32) {
    %c0_i32 = arith.constant 0 : i32
    %c0_i32_0 = arith.constant 0 : i32
    return %arg0, %c0_i32 : i32, i32
  }
  func.func @transform_1(%arg0: i32) -> (i32, i32) {
    %c0_i32 = arith.constant 0 : i32
    %c0_i32_0 = arith.constant 0 : i32
    return %arg0, %c0_i32 : i32, i32
  }
  func.func @transform_2(%arg0: i32) -> (i32, i32) {
    %c0_i32 = arith.constant 0 : i32
    %c0_i32_0 = arith.constant 0 : i32
    return %arg0, %c0_i32 : i32, i32
  }
  func.func @transform_3(%arg0: i32) -> (i32, i32) {
    %c0_i32 = arith.constant 0 : i32
    %c0_i32_0 = arith.constant 0 : i32
    return %arg0, %c0_i32 : i32, i32
  }
  func.func @transform_4(%arg0: i32) -> (i32, i32) {
    %c0_i32 = arith.constant 0 : i32
    %c0_i32_0 = arith.constant 0 : i32
    return %arg0, %c0_i32 : i32, i32
  }
  func.func @transform_5(%arg0: i32) -> (i32, i32) {
    %c0_i32 = arith.constant 0 : i32
    %c0_i32_0 = arith.constant 0 : i32
    %c0_i32_1 = arith.constant 0 : i32
    return %c0_i32, %c0_i32_0 : i32, i32
  }
  func.func @transform_6(%arg0: i32) -> (i32, i32) {
    %c0_i32 = arith.constant 0 : i32
    %c0_i32_0 = arith.constant 0 : i32
    %c0_i32_1 = arith.constant 0 : i32
    return %c0_i32, %c0_i32_0 : i32, i32
  }
  func.func @transform_7(%arg0: i32) -> (i32, i32) {
    %c0_i32 = arith.constant 0 : i32
    %c0_i32_0 = arith.constant 0 : i32
    %c0_i32_1 = arith.constant 0 : i32
    return %c0_i32, %c0_i32_0 : i32, i32
  }
  func.func @transform_8(%arg0: i32) -> (i32, i32) {
    %c0_i32 = arith.constant 0 : i32
    %c0_i32_0 = arith.constant 0 : i32
    %c0_i32_1 = arith.constant 0 : i32
    return %c0_i32, %c0_i32_0 : i32, i32
  }
  func.func @transform_9(%arg0: i32) -> (i32, i32) {
    %c0_i32 = arith.constant 0 : i32
    %c0_i32_0 = arith.constant 0 : i32
    %c0_i32_1 = arith.constant 0 : i32
    return %c0_i32, %c0_i32_0 : i32, i32
  }
  func.func @transform_10(%arg0: i32) -> (i32, i32) {
    %c0_i32 = arith.constant 0 : i32
    %c0_i32_0 = arith.constant 0 : i32
    %c0_i32_1 = arith.constant 0 : i32
    return %c0_i32, %c0_i32_0 : i32, i32
  }
  func.func @transform_11(%arg0: i32) -> (i32, i32) {
    %c0_i32 = arith.constant 0 : i32
    %c0_i32_0 = arith.constant 0 : i32
    %c0_i32_1 = arith.constant 0 : i32
    return %c0_i32, %c0_i32_0 : i32, i32
  }
  func.func @transform_12(%arg0: i32) -> (i32, i32) {
    %c0_i32 = arith.constant 0 : i32
    %c0_i32_0 = arith.constant 0 : i32
    return %arg0, %c0_i32 : i32, i32
  }
  func.func @transform_13(%arg0: i32) -> (i32, i32) {
    %c0_i32 = arith.constant 0 : i32
    %c0_i32_0 = arith.constant 0 : i32
    return %arg0, %c0_i32 : i32, i32
  }
  func.func @transform_14(%arg0: i32) -> (i32, i32) {
    %c0_i32 = arith.constant 0 : i32
    %c0_i32_0 = arith.constant 0 : i32
    return %arg0, %c0_i32 : i32, i32
  }
  func.func @transform_15(%arg0: i32) -> (i32, i32) {
    %c0_i32 = arith.constant 0 : i32
    %c0_i32_0 = arith.constant 0 : i32
    %c0_i32_1 = arith.constant 0 : i32
    return %c0_i32, %c0_i32_0 : i32, i32
  }
  func.func @transform_16(%arg0: i32) -> (i32, i32) {
    %c0_i32 = arith.constant 0 : i32
    %c0_i32_0 = arith.constant 0 : i32
    %c0_i32_1 = arith.constant 0 : i32
    return %c0_i32, %c0_i32_0 : i32, i32
  }
  func.func @transform_17(%arg0: i32) -> (i32, i32) {
    %c0_i32 = arith.constant 0 : i32
    %c0_i32_0 = arith.constant 0 : i32
    %c0_i32_1 = arith.constant 0 : i32
    return %c0_i32, %c0_i32_0 : i32, i32
  }
}

module attributes {stable_mosaic.version = 14 : i64} {
  func.func @_n3b_body(%arg0: i32, %arg1: memref<2000x128xf32, #tpu.memory_space<vmem>>, %arg2: memref<2000x128xf32, #tpu.memory_space<vmem>>, %arg3: memref<2000x64xf32, #tpu.memory_space<vmem>>, %arg4: memref<64x128xf32, #tpu.memory_space<vmem>>, %arg5: memref<64x128xf32, #tpu.memory_space<vmem>>, %arg6: memref<64x1xf32, #tpu.memory_space<vmem>>, %arg7: memref<1x128xf32, #tpu.memory_space<vmem>>, %arg8: memref<1x128xf32, #tpu.memory_space<vmem>>, %arg9: memref<1x128xf32, #tpu.memory_space<vmem>>, %arg10: memref<128x128xf32, #tpu.memory_space<vmem>>, %arg11: memref<1x128xf32, #tpu.memory_space<vmem>>, %arg12: memref<128x128xf32, #tpu.memory_space<vmem>>, %arg13: memref<1x128xf32, #tpu.memory_space<vmem>>, %arg14: memref<2000x128xf32, #tpu.memory_space<vmem>>, %arg15: memref<64x128xf32, #tpu.memory_space<vmem>>, %arg16: memref<64x128xf32, #tpu.memory_space<vmem>>, %arg17: memref<64x1xf32, #tpu.memory_space<vmem>>) attributes {dimension_semantics = [#tpu.dimension_semantics<arbitrary>], iteration_bounds = array<i64: 5>, scalar_prefetch = 0 : i64, scratch_operands = 0 : i64, tpu.core_type = #tpu.core_type<tc>, window_params = [{transform_indices = @transform_0, window_bounds = array<i64: 2000, 128>}, {transform_indices = @transform_1, window_bounds = array<i64: 2000, 128>}, {transform_indices = @transform_2, window_bounds = array<i64: 2000, 64>}, {pipeline_mode = #tpu.pipeline_mode<synchronous>, transform_indices = @transform_3, window_bounds = array<i64: 64, 128>}, {pipeline_mode = #tpu.pipeline_mode<synchronous>, transform_indices = @transform_4, window_bounds = array<i64: 64, 128>}, {pipeline_mode = #tpu.pipeline_mode<synchronous>, transform_indices = @transform_5, window_bounds = array<i64: 64, 1>}, {pipeline_mode = #tpu.pipeline_mode<synchronous>, transform_indices = @transform_6, window_bounds = array<i64: 1, 128>}, {pipeline_mode = #tpu.pipeline_mode<synchronous>, transform_indices = @transform_7, window_bounds = array<i64: 1, 128>}, {pipeline_mode = #tpu.pipeline_mode<synchronous>, transform_indices = @transform_8, window_bounds = array<i64: 1, 128>}, {pipeline_mode = #tpu.pipeline_mode<synchronous>, transform_indices = @transform_9, window_bounds = array<i64: 128, 128>}, {pipeline_mode = #tpu.pipeline_mode<synchronous>, transform_indices = @transform_10, window_bounds = array<i64: 1, 128>}, {pipeline_mode = #tpu.pipeline_mode<synchronous>, transform_indices = @transform_11, window_bounds = array<i64: 128, 128>}, {pipeline_mode = #tpu.pipeline_mode<synchronous>, transform_indices = @transform_12, window_bounds = array<i64: 1, 128>}, {transform_indices = @transform_13, window_bounds = array<i64: 2000, 128>}, {pipeline_mode = #tpu.pipeline_mode<synchronous>, transform_indices = @transform_14, window_bounds = array<i64: 64, 128>}, {pipeline_mode = #tpu.pipeline_mode<synchronous>, transform_indices = @transform_15, window_bounds = array<i64: 64, 128>}, {pipeline_mode = #tpu.pipeline_mode<synchronous>, transform_indices = @transform_16, window_bounds = array<i64: 64, 1>}]} {
    %get3A = arith.constant 0 : index
    %get3A_0 = arith.constant 0 : index
    %get3A_1 = vector.load %arg6[%get3A, %get3A_0] : memref<64x1xf32, #tpu.memory_space<vmem>>, vector<64x1xf32>
    %max3A = arith.constant 1.000000e+00 : f32
    %max3A_2 = vector.broadcast %max3A : f32 to vector<64x1xf32>
    %max3A_3 = arith.maximumf %get3A_1, %max3A_2 : vector<64x1xf32>
    %get3A_4 = arith.constant 0 : index
    %get3A_5 = arith.constant 0 : index
    %get3A_6 = vector.load %arg4[%get3A_4, %get3A_5] : memref<64x128xf32, #tpu.memory_space<vmem>>, vector<64x128xf32>
    %div3A = vector.broadcast %max3A_3 : vector<64x1xf32> to vector<64x128xf32>
    %div3A_7 = arith.divf %get3A_6, %div3A : vector<64x128xf32>
    %get3A_8 = arith.constant 0 : index
    %get3A_9 = arith.constant 0 : index
    %get3A_10 = vector.load %arg5[%get3A_8, %get3A_9] : memref<64x128xf32, #tpu.memory_space<vmem>>, vector<64x128xf32>
    %div3A_11 = vector.broadcast %max3A_3 : vector<64x1xf32> to vector<64x128xf32>
    %div3A_12 = arith.divf %get3A_10, %div3A_11 : vector<64x128xf32>
    %mul3A = arith.mulf %div3A_7, %div3A_7 : vector<64x128xf32>
    %get3A_13 = arith.constant 0 : index
    %get3A_14 = arith.constant 0 : index
    %get3A_15 = vector.load %arg9[%get3A_13, %get3A_14] : memref<1x128xf32, #tpu.memory_space<vmem>>, vector<1x128xf32>
    %mul3A_16 = vector.broadcast %get3A_15 : vector<1x128xf32> to vector<64x128xf32>
    %mul3A_17 = arith.mulf %mul3A, %mul3A_16 : vector<64x128xf32>
    %get3A_18 = arith.constant 0 : index
    %get3A_19 = arith.constant 0 : index
    %get3A_20 = vector.load %arg9[%get3A_18, %get3A_19] : memref<1x128xf32, #tpu.memory_space<vmem>>, vector<1x128xf32>
    %sub3A = arith.constant 2.000000e+00 : f32
    %sub3A_21 = vector.broadcast %sub3A : f32 to vector<1x128xf32>
    %sub3A_22 = arith.subf %sub3A_21, %get3A_20 : vector<1x128xf32>
    %mul3A_23 = vector.broadcast %sub3A_22 : vector<1x128xf32> to vector<64x128xf32>
    %mul3A_24 = arith.mulf %mul3A_17, %mul3A_23 : vector<64x128xf32>
    %sub3A_25 = arith.subf %div3A_12, %mul3A_24 : vector<64x128xf32>
    %add3A = arith.constant 9.99999974E-6 : f32
    %add3A_26 = vector.broadcast %add3A : f32 to vector<64x128xf32>
    %add3A_27 = arith.addf %sub3A_25, %add3A_26 : vector<64x128xf32>
    %sqrt3A = math.sqrt %add3A_27 : vector<64x128xf32>
    %get3A_28 = arith.constant 0 : index
    %get3A_29 = arith.constant 0 : index
    %get3A_30 = vector.load %arg7[%get3A_28, %get3A_29] : memref<1x128xf32, #tpu.memory_space<vmem>>, vector<1x128xf32>
    %div3A_31 = vector.broadcast %get3A_30 : vector<1x128xf32> to vector<64x128xf32>
    %div3A_32 = arith.divf %div3A_31, %sqrt3A : vector<64x128xf32>
    %get3A_33 = arith.constant 0 : index
    %get3A_34 = arith.constant 0 : index
    %get3A_35 = vector.load %arg8[%get3A_33, %get3A_34] : memref<1x128xf32, #tpu.memory_space<vmem>>, vector<1x128xf32>
    %get3A_36 = arith.constant 0 : index
    %get3A_37 = arith.constant 0 : index
    %get3A_38 = vector.load %arg9[%get3A_36, %get3A_37] : memref<1x128xf32, #tpu.memory_space<vmem>>, vector<1x128xf32>
    %mul3A_39 = vector.broadcast %get3A_38 : vector<1x128xf32> to vector<64x128xf32>
    %mul3A_40 = arith.mulf %div3A_32, %mul3A_39 : vector<64x128xf32>
    %mul3A_41 = arith.mulf %mul3A_40, %div3A_7 : vector<64x128xf32>
    %sub3A_42 = vector.broadcast %get3A_35 : vector<1x128xf32> to vector<64x128xf32>
    %sub3A_43 = arith.subf %sub3A_42, %mul3A_41 : vector<64x128xf32>
    %get3A_44 = arith.constant 0 : index
    %get3A_45 = arith.constant 0 : index
    %get3A_46 = vector.load %arg3[%get3A_44, %get3A_45] : memref<2000x64xf32, #tpu.memory_space<vmem>>, vector<2000x64xf32>
    %dot_general3A = arith.constant dense<0.000000e+00> : vector<2000x128xf32>
    %dot_general3A_47 = tpu.matmul %get3A_46, %div3A_32, %dot_general3A {dimension_numbers = #tpu.dot_dimension_numbers<[1], [0], [0], [1], [0, 0, 1, 1], [], []>, transpose_lhs_hint = false} : vector<2000x64xf32>, vector<64x128xf32>, vector<2000x128xf32> -> vector<2000x128xf32>
    %get3A_48 = arith.constant 0 : index
    %get3A_49 = arith.constant 0 : index
    %get3A_50 = vector.load %arg1[%get3A_48, %get3A_49] : memref<2000x128xf32, #tpu.memory_space<vmem>>, vector<2000x128xf32>
    %mul3A_51 = arith.mulf %dot_general3A_47, %get3A_50 : vector<2000x128xf32>
    %dot_general3A_52 = arith.constant dense<0.000000e+00> : vector<2000x128xf32>
    %dot_general3A_53 = tpu.matmul %get3A_46, %sub3A_43, %dot_general3A_52 {dimension_numbers = #tpu.dot_dimension_numbers<[1], [0], [0], [1], [0, 0, 1, 1], [], []>, transpose_lhs_hint = false} : vector<2000x64xf32>, vector<64x128xf32>, vector<2000x128xf32> -> vector<2000x128xf32>
    %add3A_54 = arith.addf %mul3A_51, %dot_general3A_53 : vector<2000x128xf32>
    %get3A_55 = arith.constant 0 : index
    %get3A_56 = arith.constant 0 : index
    %get3A_57 = vector.load %arg10[%get3A_55, %get3A_56] : memref<128x128xf32, #tpu.memory_space<vmem>>, vector<128x128xf32>
    %dot_general3A_58 = arith.constant dense<0.000000e+00> : vector<2000x128xf32>
    %dot_general3A_59 = tpu.matmul %add3A_54, %get3A_57, %dot_general3A_58 {dimension_numbers = #tpu.dot_dimension_numbers<[1], [0], [0], [1], [0, 0, 1, 1], [], []>, transpose_lhs_hint = false} : vector<2000x128xf32>, vector<128x128xf32>, vector<2000x128xf32> -> vector<2000x128xf32>
    %get3A_60 = arith.constant 0 : index
    %get3A_61 = arith.constant 0 : index
    %get3A_62 = vector.load %arg11[%get3A_60, %get3A_61] : memref<1x128xf32, #tpu.memory_space<vmem>>, vector<1x128xf32>
    %add3A_63 = vector.broadcast %get3A_62 : vector<1x128xf32> to vector<2000x128xf32>
    %add3A_64 = arith.addf %dot_general3A_59, %add3A_63 : vector<2000x128xf32>
    %gt3A = arith.constant 0.000000e+00 : f32
    %gt3A_65 = vector.broadcast %gt3A : f32 to vector<2000x128xf32>
    %gt3A_66 = arith.cmpf ogt, %add3A_64, %gt3A_65 : vector<2000x128xf32>
    %mul3A_67 = arith.constant 0.00999999977 : f32
    %mul3A_68 = vector.broadcast %mul3A_67 : f32 to vector<2000x128xf32>
    %mul3A_69 = arith.mulf %mul3A_68, %add3A_64 : vector<2000x128xf32>
    %select_n3A = arith.select %gt3A_66, %add3A_64, %mul3A_69 : vector<2000x128xi1>, vector<2000x128xf32>
    %get3A_70 = arith.constant 0 : index
    %get3A_71 = arith.constant 0 : index
    %get3A_72 = vector.load %arg12[%get3A_70, %get3A_71] : memref<128x128xf32, #tpu.memory_space<vmem>>, vector<128x128xf32>
    %dot_general3A_73 = arith.constant dense<0.000000e+00> : vector<2000x128xf32>
    %dot_general3A_74 = tpu.matmul %select_n3A, %get3A_72, %dot_general3A_73 {dimension_numbers = #tpu.dot_dimension_numbers<[1], [0], [0], [1], [0, 0, 1, 1], [], []>, transpose_lhs_hint = false} : vector<2000x128xf32>, vector<128x128xf32>, vector<2000x128xf32> -> vector<2000x128xf32>
    %get3A_75 = arith.constant 0 : index
    %get3A_76 = arith.constant 0 : index
    %get3A_77 = vector.load %arg13[%get3A_75, %get3A_76] : memref<1x128xf32, #tpu.memory_space<vmem>>, vector<1x128xf32>
    %add3A_78 = vector.broadcast %get3A_77 : vector<1x128xf32> to vector<2000x128xf32>
    %add3A_79 = arith.addf %dot_general3A_74, %add3A_78 : vector<2000x128xf32>
    %get3A_80 = arith.constant 0 : index
    %get3A_81 = arith.constant 0 : index
    %get3A_82 = vector.load %arg2[%get3A_80, %get3A_81] : memref<2000x128xf32, #tpu.memory_space<vmem>>, vector<2000x128xf32>
    %mul3A_83 = arith.mulf %get3A_82, %add3A_79 : vector<2000x128xf32>
    %add3A_84 = arith.addf %mul3A_83, %add3A_54 : vector<2000x128xf32>
    %swap3A = arith.constant 0 : index
    %swap3A_85 = arith.constant 0 : index
    %swap3A_86 = vector.load %arg14[%swap3A, %swap3A_85] : memref<2000x128xf32, #tpu.memory_space<vmem>>, vector<2000x128xf32>
    tpu.vector_store %arg14[%swap3A, %swap3A_85], %add3A_84 {strides = array<i32>} : memref<2000x128xf32, #tpu.memory_space<vmem>>, vector<2000x128xf32>,
    %broadcast_in_dim3A = arith.constant 1.000000e+00 : f32
    %broadcast_in_dim3A_87 = vector.broadcast %broadcast_in_dim3A : f32 to vector<2000x1xf32>
    %dot_general3A_88 = arith.constant dense<0.000000e+00> : vector<64x128xf32>
    %dot_general3A_89 = tpu.matmul %get3A_46, %add3A_84, %dot_general3A_88 {dimension_numbers = #tpu.dot_dimension_numbers<[0], [0], [1], [1], [0, 1, 1, 1], [], []>, transpose_lhs_hint = false} : vector<2000x64xf32>, vector<2000x128xf32>, vector<64x128xf32> -> vector<64x128xf32>
    %mul3A_90 = arith.mulf %add3A_84, %add3A_84 : vector<2000x128xf32>
    %dot_general3A_91 = arith.constant dense<0.000000e+00> : vector<64x128xf32>
    %dot_general3A_92 = tpu.matmul %get3A_46, %mul3A_90, %dot_general3A_91 {dimension_numbers = #tpu.dot_dimension_numbers<[0], [0], [1], [1], [0, 1, 1, 1], [], []>, transpose_lhs_hint = false} : vector<2000x64xf32>, vector<2000x128xf32>, vector<64x128xf32> -> vector<64x128xf32>
    %dot_general3A_93 = arith.constant dense<0.000000e+00> : vector<64x1xf32>
    %dot_general3A_94 = tpu.matmul %get3A_46, %broadcast_in_dim3A_87, %dot_general3A_93 {dimension_numbers = #tpu.dot_dimension_numbers<[0], [0], [1], [1], [0, 1, 1, 1], [], []>, transpose_lhs_hint = false} : vector<2000x64xf32>, vector<2000x1xf32>, vector<64x1xf32> -> vector<64x1xf32>
    %eq3A = arith.constant 0 : i32
    %eq3A_95 = arith.cmpi eq, %arg0, %eq3A : i32
    %convert_element_type3A = arith.extui %eq3A_95 : i1 to i32
    %cond3A = arith.constant 0 : i32
    %cond3A_96 = arith.cmpi ne, %convert_element_type3A, %cond3A : i32
    scf.if %cond3A_96 {
      %swap3A_102 = arith.constant 0 : index
      %swap3A_103 = arith.constant 0 : index
      %swap3A_104 = vector.load %arg15[%swap3A_102, %swap3A_103] : memref<64x128xf32, #tpu.memory_space<vmem>>, vector<64x128xf32>
      tpu.vector_store %arg15[%swap3A_102, %swap3A_103], %dot_general3A_89 {strides = array<i32>} : memref<64x128xf32, #tpu.memory_space<vmem>>, vector<64x128xf32>,
      %swap3A_105 = arith.constant 0 : index
      %swap3A_106 = arith.constant 0 : index
      %swap3A_107 = vector.load %arg16[%swap3A_105, %swap3A_106] : memref<64x128xf32, #tpu.memory_space<vmem>>, vector<64x128xf32>
      tpu.vector_store %arg16[%swap3A_105, %swap3A_106], %dot_general3A_92 {strides = array<i32>} : memref<64x128xf32, #tpu.memory_space<vmem>>, vector<64x128xf32>,
      %swap3A_108 = arith.constant 0 : index
      %swap3A_109 = arith.constant 0 : index
      %swap3A_110 = vector.load %arg17[%swap3A_108, %swap3A_109] : memref<64x1xf32, #tpu.memory_space<vmem>>, vector<64x1xf32>
      tpu.vector_store %arg17[%swap3A_108, %swap3A_109], %dot_general3A_94 {strides = array<i32>} : memref<64x1xf32, #tpu.memory_space<vmem>>, vector<64x1xf32>,
    } else {
    }
    %gt3A_97 = arith.constant 0 : i32
    %gt3A_98 = arith.cmpi sgt, %arg0, %gt3A_97 : i32
    %convert_element_type3A_99 = arith.extui %gt3A_98 : i1 to i32
    %cond3A_100 = arith.constant 0 : i32
    %cond3A_101 = arith.cmpi ne, %convert_element_type3A_99, %cond3A_100 : i32
    scf.if %cond3A_101 {
      %get3A_102 = arith.constant 0 : index
      %get3A_103 = arith.constant 0 : index
      %get3A_104 = vector.load %arg15[%get3A_102, %get3A_103] : memref<64x128xf32, #tpu.memory_space<vmem>>, vector<64x128xf32>
      %add3A_105 = arith.addf %get3A_104, %dot_general3A_89 : vector<64x128xf32>
      %swap3A_106 = arith.constant 0 : index
      %swap3A_107 = arith.constant 0 : index
      %swap3A_108 = vector.load %arg15[%swap3A_106, %swap3A_107] : memref<64x128xf32, #tpu.memory_space<vmem>>, vector<64x128xf32>
      tpu.vector_store %arg15[%swap3A_106, %swap3A_107], %add3A_105 {strides = array<i32>} : memref<64x128xf32, #tpu.memory_space<vmem>>, vector<64x128xf32>,
      %get3A_109 = arith.constant 0 : index
      %get3A_110 = arith.constant 0 : index
      %get3A_111 = vector.load %arg16[%get3A_109, %get3A_110] : memref<64x128xf32, #tpu.memory_space<vmem>>, vector<64x128xf32>
      %add3A_112 = arith.addf %get3A_111, %dot_general3A_92 : vector<64x128xf32>
      %swap3A_113 = arith.constant 0 : index
      %swap3A_114 = arith.constant 0 : index
      %swap3A_115 = vector.load %arg16[%swap3A_113, %swap3A_114] : memref<64x128xf32, #tpu.memory_space<vmem>>, vector<64x128xf32>
      tpu.vector_store %arg16[%swap3A_113, %swap3A_114], %add3A_112 {strides = array<i32>} : memref<64x128xf32, #tpu.memory_space<vmem>>, vector<64x128xf32>,
      %get3A_116 = arith.constant 0 : index
      %get3A_117 = arith.constant 0 : index
      %get3A_118 = vector.load %arg17[%get3A_116, %get3A_117] : memref<64x1xf32, #tpu.memory_space<vmem>>, vector<64x1xf32>
      %add3A_119 = arith.addf %get3A_118, %dot_general3A_94 : vector<64x1xf32>
      %swap3A_120 = arith.constant 0 : index
      %swap3A_121 = arith.constant 0 : index
      %swap3A_122 = vector.load %arg17[%swap3A_120, %swap3A_121] : memref<64x1xf32, #tpu.memory_space<vmem>>, vector<64x1xf32>
      tpu.vector_store %arg17[%swap3A_120, %swap3A_121], %add3A_119 {strides = array<i32>} : memref<64x1xf32, #tpu.memory_space<vmem>>, vector<64x1xf32>,
    } else {
    }
    return
  }
  func.func @transform_0(%arg0: i32) -> (i32, i32) {
    %c0_i32 = arith.constant 0 : i32
    %c0_i32_0 = arith.constant 0 : i32
    return %arg0, %c0_i32 : i32, i32
  }
  func.func @transform_1(%arg0: i32) -> (i32, i32) {
    %c0_i32 = arith.constant 0 : i32
    %c0_i32_0 = arith.constant 0 : i32
    return %arg0, %c0_i32 : i32, i32
  }
  func.func @transform_2(%arg0: i32) -> (i32, i32) {
    %c0_i32 = arith.constant 0 : i32
    %c0_i32_0 = arith.constant 0 : i32
    return %arg0, %c0_i32 : i32, i32
  }
  func.func @transform_3(%arg0: i32) -> (i32, i32) {
    %c0_i32 = arith.constant 0 : i32
    %c0_i32_0 = arith.constant 0 : i32
    %c0_i32_1 = arith.constant 0 : i32
    return %c0_i32, %c0_i32_0 : i32, i32
  }
  func.func @transform_4(%arg0: i32) -> (i32, i32) {
    %c0_i32 = arith.constant 0 : i32
    %c0_i32_0 = arith.constant 0 : i32
    %c0_i32_1 = arith.constant 0 : i32
    return %c0_i32, %c0_i32_0 : i32, i32
  }
  func.func @transform_5(%arg0: i32) -> (i32, i32) {
    %c0_i32 = arith.constant 0 : i32
    %c0_i32_0 = arith.constant 0 : i32
    %c0_i32_1 = arith.constant 0 : i32
    return %c0_i32, %c0_i32_0 : i32, i32
  }
  func.func @transform_6(%arg0: i32) -> (i32, i32) {
    %c0_i32 = arith.constant 0 : i32
    %c0_i32_0 = arith.constant 0 : i32
    %c0_i32_1 = arith.constant 0 : i32
    return %c0_i32, %c0_i32_0 : i32, i32
  }
  func.func @transform_7(%arg0: i32) -> (i32, i32) {
    %c0_i32 = arith.constant 0 : i32
    %c0_i32_0 = arith.constant 0 : i32
    %c0_i32_1 = arith.constant 0 : i32
    return %c0_i32, %c0_i32_0 : i32, i32
  }
  func.func @transform_8(%arg0: i32) -> (i32, i32) {
    %c0_i32 = arith.constant 0 : i32
    %c0_i32_0 = arith.constant 0 : i32
    %c0_i32_1 = arith.constant 0 : i32
    return %c0_i32, %c0_i32_0 : i32, i32
  }
  func.func @transform_9(%arg0: i32) -> (i32, i32) {
    %c0_i32 = arith.constant 0 : i32
    %c0_i32_0 = arith.constant 0 : i32
    %c0_i32_1 = arith.constant 0 : i32
    return %c0_i32, %c0_i32_0 : i32, i32
  }
  func.func @transform_10(%arg0: i32) -> (i32, i32) {
    %c0_i32 = arith.constant 0 : i32
    %c0_i32_0 = arith.constant 0 : i32
    %c0_i32_1 = arith.constant 0 : i32
    return %c0_i32, %c0_i32_0 : i32, i32
  }
  func.func @transform_11(%arg0: i32) -> (i32, i32) {
    %c0_i32 = arith.constant 0 : i32
    %c0_i32_0 = arith.constant 0 : i32
    %c0_i32_1 = arith.constant 0 : i32
    return %c0_i32, %c0_i32_0 : i32, i32
  }
  func.func @transform_12(%arg0: i32) -> (i32, i32) {
    %c0_i32 = arith.constant 0 : i32
    %c0_i32_0 = arith.constant 0 : i32
    %c0_i32_1 = arith.constant 0 : i32
    return %c0_i32, %c0_i32_0 : i32, i32
  }
  func.func @transform_13(%arg0: i32) -> (i32, i32) {
    %c0_i32 = arith.constant 0 : i32
    %c0_i32_0 = arith.constant 0 : i32
    return %arg0, %c0_i32 : i32, i32
  }
  func.func @transform_14(%arg0: i32) -> (i32, i32) {
    %c0_i32 = arith.constant 0 : i32
    %c0_i32_0 = arith.constant 0 : i32
    %c0_i32_1 = arith.constant 0 : i32
    return %c0_i32, %c0_i32_0 : i32, i32
  }
  func.func @transform_15(%arg0: i32) -> (i32, i32) {
    %c0_i32 = arith.constant 0 : i32
    %c0_i32_0 = arith.constant 0 : i32
    %c0_i32_1 = arith.constant 0 : i32
    return %c0_i32, %c0_i32_0 : i32, i32
  }
  func.func @transform_16(%arg0: i32) -> (i32, i32) {
    %c0_i32 = arith.constant 0 : i32
    %c0_i32_0 = arith.constant 0 : i32
    %c0_i32_1 = arith.constant 0 : i32
    return %c0_i32, %c0_i32_0 : i32, i32
  }
}

module attributes {stable_mosaic.version = 14 : i64} {
  func.func @_n3c_body(%arg0: i32, %arg1: memref<2000x128xf32, #tpu.memory_space<vmem>>, %arg2: memref<2000x64xf32, #tpu.memory_space<vmem>>, %arg3: memref<64x128xf32, #tpu.memory_space<vmem>>, %arg4: memref<64x128xf32, #tpu.memory_space<vmem>>, %arg5: memref<64x1xf32, #tpu.memory_space<vmem>>, %arg6: memref<1x128xf32, #tpu.memory_space<vmem>>, %arg7: memref<1x128xf32, #tpu.memory_space<vmem>>, %arg8: memref<1x128xf32, #tpu.memory_space<vmem>>, %arg9: memref<2000x128xf32, #tpu.memory_space<vmem>>) attributes {dimension_semantics = [#tpu.dimension_semantics<arbitrary>], iteration_bounds = array<i64: 5>, scalar_prefetch = 0 : i64, scratch_operands = 0 : i64, tpu.core_type = #tpu.core_type<tc>, window_params = [{transform_indices = @transform_0, window_bounds = array<i64: 2000, 128>}, {transform_indices = @transform_1, window_bounds = array<i64: 2000, 64>}, {pipeline_mode = #tpu.pipeline_mode<synchronous>, transform_indices = @transform_2, window_bounds = array<i64: 64, 128>}, {pipeline_mode = #tpu.pipeline_mode<synchronous>, transform_indices = @transform_3, window_bounds = array<i64: 64, 128>}, {pipeline_mode = #tpu.pipeline_mode<synchronous>, transform_indices = @transform_4, window_bounds = array<i64: 64, 1>}, {pipeline_mode = #tpu.pipeline_mode<synchronous>, transform_indices = @transform_5, window_bounds = array<i64: 1, 128>}, {pipeline_mode = #tpu.pipeline_mode<synchronous>, transform_indices = @transform_6, window_bounds = array<i64: 1, 128>}, {pipeline_mode = #tpu.pipeline_mode<synchronous>, transform_indices = @transform_7, window_bounds = array<i64: 1, 128>}, {transform_indices = @transform_8, window_bounds = array<i64: 2000, 128>}]} {
    %get3A = arith.constant 0 : index
    %get3A_0 = arith.constant 0 : index
    %get3A_1 = vector.load %arg5[%get3A, %get3A_0] : memref<64x1xf32, #tpu.memory_space<vmem>>, vector<64x1xf32>
    %max3A = arith.constant 1.000000e+00 : f32
    %max3A_2 = vector.broadcast %max3A : f32 to vector<64x1xf32>
    %max3A_3 = arith.maximumf %get3A_1, %max3A_2 : vector<64x1xf32>
    %get3A_4 = arith.constant 0 : index
    %get3A_5 = arith.constant 0 : index
    %get3A_6 = vector.load %arg3[%get3A_4, %get3A_5] : memref<64x128xf32, #tpu.memory_space<vmem>>, vector<64x128xf32>
    %div3A = vector.broadcast %max3A_3 : vector<64x1xf32> to vector<64x128xf32>
    %div3A_7 = arith.divf %get3A_6, %div3A : vector<64x128xf32>
    %get3A_8 = arith.constant 0 : index
    %get3A_9 = arith.constant 0 : index
    %get3A_10 = vector.load %arg4[%get3A_8, %get3A_9] : memref<64x128xf32, #tpu.memory_space<vmem>>, vector<64x128xf32>
    %div3A_11 = vector.broadcast %max3A_3 : vector<64x1xf32> to vector<64x128xf32>
    %div3A_12 = arith.divf %get3A_10, %div3A_11 : vector<64x128xf32>
    %mul3A = arith.mulf %div3A_7, %div3A_7 : vector<64x128xf32>
    %get3A_13 = arith.constant 0 : index
    %get3A_14 = arith.constant 0 : index
    %get3A_15 = vector.load %arg8[%get3A_13, %get3A_14] : memref<1x128xf32, #tpu.memory_space<vmem>>, vector<1x128xf32>
    %mul3A_16 = vector.broadcast %get3A_15 : vector<1x128xf32> to vector<64x128xf32>
    %mul3A_17 = arith.mulf %mul3A, %mul3A_16 : vector<64x128xf32>
    %get3A_18 = arith.constant 0 : index
    %get3A_19 = arith.constant 0 : index
    %get3A_20 = vector.load %arg8[%get3A_18, %get3A_19] : memref<1x128xf32, #tpu.memory_space<vmem>>, vector<1x128xf32>
    %sub3A = arith.constant 2.000000e+00 : f32
    %sub3A_21 = vector.broadcast %sub3A : f32 to vector<1x128xf32>
    %sub3A_22 = arith.subf %sub3A_21, %get3A_20 : vector<1x128xf32>
    %mul3A_23 = vector.broadcast %sub3A_22 : vector<1x128xf32> to vector<64x128xf32>
    %mul3A_24 = arith.mulf %mul3A_17, %mul3A_23 : vector<64x128xf32>
    %sub3A_25 = arith.subf %div3A_12, %mul3A_24 : vector<64x128xf32>
    %add3A = arith.constant 9.99999974E-6 : f32
    %add3A_26 = vector.broadcast %add3A : f32 to vector<64x128xf32>
    %add3A_27 = arith.addf %sub3A_25, %add3A_26 : vector<64x128xf32>
    %sqrt3A = math.sqrt %add3A_27 : vector<64x128xf32>
    %get3A_28 = arith.constant 0 : index
    %get3A_29 = arith.constant 0 : index
    %get3A_30 = vector.load %arg6[%get3A_28, %get3A_29] : memref<1x128xf32, #tpu.memory_space<vmem>>, vector<1x128xf32>
    %div3A_31 = vector.broadcast %get3A_30 : vector<1x128xf32> to vector<64x128xf32>
    %div3A_32 = arith.divf %div3A_31, %sqrt3A : vector<64x128xf32>
    %get3A_33 = arith.constant 0 : index
    %get3A_34 = arith.constant 0 : index
    %get3A_35 = vector.load %arg7[%get3A_33, %get3A_34] : memref<1x128xf32, #tpu.memory_space<vmem>>, vector<1x128xf32>
    %get3A_36 = arith.constant 0 : index
    %get3A_37 = arith.constant 0 : index
    %get3A_38 = vector.load %arg8[%get3A_36, %get3A_37] : memref<1x128xf32, #tpu.memory_space<vmem>>, vector<1x128xf32>
    %mul3A_39 = vector.broadcast %get3A_38 : vector<1x128xf32> to vector<64x128xf32>
    %mul3A_40 = arith.mulf %div3A_32, %mul3A_39 : vector<64x128xf32>
    %mul3A_41 = arith.mulf %mul3A_40, %div3A_7 : vector<64x128xf32>
    %sub3A_42 = vector.broadcast %get3A_35 : vector<1x128xf32> to vector<64x128xf32>
    %sub3A_43 = arith.subf %sub3A_42, %mul3A_41 : vector<64x128xf32>
    %get3A_44 = arith.constant 0 : index
    %get3A_45 = arith.constant 0 : index
    %get3A_46 = vector.load %arg2[%get3A_44, %get3A_45] : memref<2000x64xf32, #tpu.memory_space<vmem>>, vector<2000x64xf32>
    %dot_general3A = arith.constant dense<0.000000e+00> : vector<2000x128xf32>
    %dot_general3A_47 = tpu.matmul %get3A_46, %div3A_32, %dot_general3A {dimension_numbers = #tpu.dot_dimension_numbers<[1], [0], [0], [1], [0, 0, 1, 1], [], []>, transpose_lhs_hint = false} : vector<2000x64xf32>, vector<64x128xf32>, vector<2000x128xf32> -> vector<2000x128xf32>
    %get3A_48 = arith.constant 0 : index
    %get3A_49 = arith.constant 0 : index
    %get3A_50 = vector.load %arg1[%get3A_48, %get3A_49] : memref<2000x128xf32, #tpu.memory_space<vmem>>, vector<2000x128xf32>
    %mul3A_51 = arith.mulf %dot_general3A_47, %get3A_50 : vector<2000x128xf32>
    %dot_general3A_52 = arith.constant dense<0.000000e+00> : vector<2000x128xf32>
    %dot_general3A_53 = tpu.matmul %get3A_46, %sub3A_43, %dot_general3A_52 {dimension_numbers = #tpu.dot_dimension_numbers<[1], [0], [0], [1], [0, 0, 1, 1], [], []>, transpose_lhs_hint = false} : vector<2000x64xf32>, vector<64x128xf32>, vector<2000x128xf32> -> vector<2000x128xf32>
    %add3A_54 = arith.addf %mul3A_51, %dot_general3A_53 : vector<2000x128xf32>
    %swap3A = arith.constant 0 : index
    %swap3A_55 = arith.constant 0 : index
    %swap3A_56 = vector.load %arg9[%swap3A, %swap3A_55] : memref<2000x128xf32, #tpu.memory_space<vmem>>, vector<2000x128xf32>
    tpu.vector_store %arg9[%swap3A, %swap3A_55], %add3A_54 {strides = array<i32>} : memref<2000x128xf32, #tpu.memory_space<vmem>>, vector<2000x128xf32>,
    return
  }
  func.func @transform_0(%arg0: i32) -> (i32, i32) {
    %c0_i32 = arith.constant 0 : i32
    %c0_i32_0 = arith.constant 0 : i32
    return %arg0, %c0_i32 : i32, i32
  }
  func.func @transform_1(%arg0: i32) -> (i32, i32) {
    %c0_i32 = arith.constant 0 : i32
    %c0_i32_0 = arith.constant 0 : i32
    return %arg0, %c0_i32 : i32, i32
  }
  func.func @transform_2(%arg0: i32) -> (i32, i32) {
    %c0_i32 = arith.constant 0 : i32
    %c0_i32_0 = arith.constant 0 : i32
    %c0_i32_1 = arith.constant 0 : i32
    return %c0_i32, %c0_i32_0 : i32, i32
  }
  func.func @transform_3(%arg0: i32) -> (i32, i32) {
    %c0_i32 = arith.constant 0 : i32
    %c0_i32_0 = arith.constant 0 : i32
    %c0_i32_1 = arith.constant 0 : i32
    return %c0_i32, %c0_i32_0 : i32, i32
  }
  func.func @transform_4(%arg0: i32) -> (i32, i32) {
    %c0_i32 = arith.constant 0 : i32
    %c0_i32_0 = arith.constant 0 : i32
    %c0_i32_1 = arith.constant 0 : i32
    return %c0_i32, %c0_i32_0 : i32, i32
  }
  func.func @transform_5(%arg0: i32) -> (i32, i32) {
    %c0_i32 = arith.constant 0 : i32
    %c0_i32_0 = arith.constant 0 : i32
    %c0_i32_1 = arith.constant 0 : i32
    return %c0_i32, %c0_i32_0 : i32, i32
  }
  func.func @transform_6(%arg0: i32) -> (i32, i32) {
    %c0_i32 = arith.constant 0 : i32
    %c0_i32_0 = arith.constant 0 : i32
    %c0_i32_1 = arith.constant 0 : i32
    return %c0_i32, %c0_i32_0 : i32, i32
  }
  func.func @transform_7(%arg0: i32) -> (i32, i32) {
    %c0_i32 = arith.constant 0 : i32
    %c0_i32_0 = arith.constant 0 : i32
    %c0_i32_1 = arith.constant 0 : i32
    return %c0_i32, %c0_i32_0 : i32, i32
  }
  func.func @transform_8(%arg0: i32) -> (i32, i32) {
    %c0_i32 = arith.constant 0 : i32
    %c0_i32_0 = arith.constant 0 : i32
    return %arg0, %c0_i32 : i32, i32
  }
}

</mosaic_0001>

<sc_bundles>
// kernel: kernel.8.cloned.1.call-start
scs
__scs_entry_jumppad:
0x0: {  	(pc) =	sbr.rel $0x88, $3  }
0x1: {  	(tag) =	ssettag $0x0;
	lr =	simm.s32 $0x1  }
0x2: {  	[smem:$0x3F7C] =	sst lr;
	_ =	strace $0xD0000000  }
0x3: {  	_ = 	snop  }
0x4: {  	_ = 	snop  }
0x5: {  	_ = 	snop  }
0x6: {  	_ = 	snop  }
0x7: {  	_ = 	snop  }
__scs_overlays_trampoline_lowered:
0x8: {  	[smem:$0x3F8B] =	sst s0  }
0x9: {  	[smem:$0x3F8C] =	sst s1  }
0xa: {  	[smem:$0x3F8D] =	sst s2  }
0xb: {  	[smem:$0x3F8E] =	sst s3  }
0xc: {  	[smem:$0x3F8F] =	sst s4  }
0xd: {  	[smem:$0x3F90] =	sst s5  }
0xe: {  	[smem:$0x3F91] =	sst s6  }
0xf: {  	[smem:$0x3F92] =	sst s7  }
0x10: {  	[smem:$0x3F93] =	sst s8  }
0x11: {  	[smem:$0x3F94] =	sst s9;
	s0 =	simm.s32 @!p0 $0x0  }
0x12: {  	s1 =	sld [smem:$0x3F7A];
	s0 =	simm.s32 @p0 $0x1  }
0x13: {  	[smem:$0x3F95] =	sst s0;
	s0 =	simm.s32 @!p1 $0x0  }
0x14: {  	s2 =	sld [smem:$0x3F79];
	s0 =	simm.s32 @p1 $0x1  }
0x15: {  	[smem:$0x3F96] =	sst s0;
	s0 =	simm.s32 @!p2 $0x0  }
0x16: {  	s3 =	sld [smem:$0x3FDB];
	s0 =	simm.s32 @p2 $0x1  }
0x17: {  	s4 =	simm.s32 $0x1BF5;
	[smem:$0x3F98] =	sst s0  }
0x18: {  	s0 =	sld [smem:$0x3F7B];
	_ =	swait.ge [sflag:s4], $0x0  }
0x19: {  	s7 =	sld [smem:$0x3F7C]  }
0x1a: {  	s8 =	sadd.s32 $0xFFFFE003, lr  }
0x1b: {  	s9 =	sadd.s32 $0xFFFFFEF7, lr;
	s5 =	simm.s32 $0xFFFFFFFF;
	p2 =	slt.u32 s8, $0xFFFFF086  }
0x1c: {  	p1 =	slt.u32 s9, $0xF7A;
	s5 =	simm.s32 @!p2 $0x0  }
0x1d: {  	s5 =	simm.s32 @p1 $0x1;
	p0 =	seq.s32 s7, s2  }
0x1e: {  	s7 =	smul.u32 @!p0 $0xF7A, s2;
	p2 =	seq.s32 @!p0 s5, $0x0  }
0x1f: {  	s9 =	smul.u32 $0xF7A, s1;
	s8 =	simm.s32 @!p0 $0x1BF5;
	p2 =	por !p2, p0  }
0x20: {  	[sflag:s8] =	ssyncset.s32 @!p0 $0xFFFFF086;
	s6 =	sadd.s32 @!p0 s3, s7;
	s7 =	simm.s32 @!p0 $0x108  }
0x21: {  	s3 =	sadd.s32 s3, s9;
	s6 =	sadd.s32 @!p0 $0x88, s6;
	s7 =	simm.s32 @p2 $0x1082  }
0x22: {  	[simem:s7], [sflag:s8] =	dma.local @!p0 [hbm:s6], $0xF7A  }
0x23: {  	s9 =	sor.u32 $0xD0000000, s2;
	s6 =	simm.s32 $0x108;
	_ =	swait.ge @!p0 [sflag:s8], $0x0  }
0x24: {  	s3 =	sadd.s32 $0x88, s3;
	s6 =	simm.s32 @!p1 $0x1082;
	[sflag:s4] =	ssyncset.s32 $0xFFFFF086  }
0x25: {  	[simem:s6], [sflag:s4] =	dma.local [hbm:s3], $0xF7A  }
0x26: {  	[smem:$0x3F7C] =	sst s1;
	(tag) =	ssettag s2;
	_ =	strace s9  }
0x27: {  	s1 =	sld [smem:$0x3F8C]  }
0x28: {  	s2 =	sld [smem:$0x3F8D]  }
0x29: {  	s4 =	sld [smem:$0x3F8F]  }
0x2a: {  	p0 =	seq.s32 s5, $0x0;
	s5 =	sld [smem:$0x3F90]  }
0x2b: {  	s6 =	sld [smem:$0x3F91]  }
0x2c: {  	s7 =	sld [smem:$0x3F92]  }
0x2d: {  	s3 =	simm.s32 $0x108;
	s8 =	sld [smem:$0x3F93]  }
0x2e: {  	s3 =	simm.s32 @!p0 $0x1082;
	s9 =	sld [smem:$0x3F94]  }
0x2f: {  	lr =	sadd.s32 s0, s3;
	s0 =	sld [smem:$0x3F8B]  }
0x30: {  	s3 =	sld [smem:$0x3F8E]  }
0x31: {  	[smem:$0x3F97] =	sst s10  }
0x32: {  	s10 =	sld [smem:$0x3F95];
	_ =	sdelay $0x3  }
0x33: {  	p0 =	seq.s32 s10, $0x1;
	s10 =	sld [smem:$0x3F97];
	_ =	sdelay $0x3  }
0x34: {  	[smem:$0x3F97] =	sst s10  }
0x35: {  	s10 =	sld [smem:$0x3F96];
	_ =	sdelay $0x3  }
0x36: {  	p1 =	seq.s32 s10, $0x1;
	s10 =	sld [smem:$0x3F97];
	_ =	sdelay $0x3  }
0x37: {  	[smem:$0x3F97] =	sst s10  }
0x38: {  	s10 =	sld [smem:$0x3F98]  }
0x39: {  	_ = 	snop;
	(pc) =	sbr.ind lr, $3  }
0x3a: {  	_ = 	snop  }
0x3b: {  	_ = 	snop  }
0x3c: {  	p2 =	seq.s32 s10, $0x1;
	s10 =	sld [smem:$0x3F97]  }
0x3d: {  	_ =	shalt  }
0x3e: {  	_ =	shalt  }
0x3f: {  	_ =	shalt  }
0x40: {  	_ =	shalt  }
0x41: {  	_ =	shalt  }
0x42: {  	_ =	shalt  }
0x43: {  	_ =	shalt  }
0x44: {  	_ =	shalt  }
0x45: {  	_ =	shalt  }
0x46: {  	_ =	shalt  }
0x47: {  	_ =	shalt  }
0x48: {  	_ =	shalt  }
0x49: {  	_ =	shalt  }
0x4a: {  	_ =	shalt  }
0x4b: {  	_ =	shalt  }
0x4c: {  	_ =	shalt  }
0x4d: {  	_ =	shalt  }
0x4e: {  	_ =	shalt  }
0x4f: {  	_ =	shalt  }
0x50: {  	_ =	shalt  }
0x51: {  	_ =	shalt  }
0x52: {  	_ =	shalt  }
0x53: {  	_ =	shalt  }
0x54: {  	_ =	shalt  }
0x55: {  	_ =	shalt  }
0x56: {  	_ =	shalt  }
0x57: {  	_ =	shalt  }
0x58: {  	_ =	shalt  }
0x59: {  	_ =	shalt  }
0x5a: {  	_ =	shalt  }
0x5b: {  	_ =	shalt  }
0x5c: {  	_ =	shalt  }
0x5d: {  	_ =	shalt  }
0x5e: {  	_ =	shalt  }
0x5f: {  	_ =	shalt  }
0x60: {  	_ =	shalt  }
0x61: {  	_ =	shalt  }
0x62: {  	_ =	shalt  }
0x63: {  	_ =	shalt  }
0x64: {  	_ =	shalt  }
0x65: {  	_ =	shalt  }
0x66: {  	_ =	shalt  }
0x67: {  	_ =	shalt  }
0x68: {  	_ =	shalt  }
0x69: {  	_ =	shalt  }
0x6a: {  	_ =	shalt  }
0x6b: {  	_ =	shalt  }
0x6c: {  	_ =	shalt  }
0x6d: {  	_ =	shalt  }
0x6e: {  	_ =	shalt  }
0x6f: {  	_ =	shalt  }
0x70: {  	_ =	shalt  }
0x71: {  	_ =	shalt  }
0x72: {  	_ =	shalt  }
0x73: {  	_ =	shalt  }
0x74: {  	_ =	shalt  }
0x75: {  	_ =	shalt  }
0x76: {  	_ =	shalt  }
0x77: {  	_ =	shalt  }
0x78: {  	_ =	shalt  }
0x79: {  	_ =	shalt  }
0x7a: {  	_ =	shalt  }
0x7b: {  	_ =	shalt  }
0x7c: {  	_ =	shalt  }
0x7d: {  	_ =	shalt  }
0x7e: {  	_ =	shalt  }
0x7f: {  	_ =	shalt  }
0x80: {  	_ =	shalt  }
0x81: {  	_ =	shalt  }
0x82: {  	_ =	shalt  }
0x83: {  	_ =	shalt  }
0x84: {  	_ =	shalt  }
0x85: {  	_ =	shalt  }
0x86: {  	_ =	shalt  }
0x87: {  	_ =	shalt  }
.Lfunc_end0:
.L_simem_size_0:
called_computation.3_lowered:
.L_overlay_start_0:
0x88: {  	s2 =	sld [smem:$0x3FD9]  }
0x89: {  	s3 =	sld [smem:$0x3FFE];
	_ =	sdelay $0x1  }
0x8a: {  	s1 =	srdreg.scid  }
0x8b: {  	s0 =	sand.u32 $0x1, s1  }
0x8c: {  	s14 =	sshll.u32 s0, $0xA;
	s2 =	sadd.s32 s3, s2  }
0x8d: {  	s2 =	sadd.s32 s2, s14  }
0x8e: {  	[smem:$0x3FA3] =	sst s2  }
0x8f: {  	_ = 	snop  }
0x90: {  	s2 =	sld [smem:$0x3FD0];
	_ =	sdelay $0x2  }
0x91: {  	s15 =	simm.s32 $0xB;
	s4 =	simm.s32 $0x10  }
0x92: {  	[smem:s4], [sflag:s15] =	dma.local [hbm:s2], $0x1  }
0x93: {  	_ =	swait.eq [sflag:s15], $0x1  }
0x94: {  	[sflag:s15] =	ssyncset.done $0x0  }
0x95: {  	s16 =	sld [smem:$0x11];
	[sflag:s15] =	ssyncadd.s32 $0xFFFFFFFF  }
0x96: {  	s17 =	sld [smem:$0x12];
	(tm) =	ssettm $0x1  }
0x97: {  	s18 =	sld [smem:$0x3FFB];
	_ =	sdelay $0x3  }
0x98: {  	_ =	strace s18  }
0x99: {  	s4 =	sld [smem:$0x3FFC];
	_ =	sdelay $0x3  }
0x9a: {  	_ =	strace s4  }
0x9b: {  	s4 =	sld [smem:$0x3FFD];
	_ =	sdelay $0x3  }
0x9c: {  	_ =	strace s4  }
0x9d: {  	_ =	strace $0x8FFFFFFF  }
0x9e: {  	s19 =	sld [smem:$0x3FDB];
	_ =	sdelay $0x1  }
0x9f: {  	s5 =	simm.s32 $_scs_section_size  }
0xa0: {  	s6 =	simm.s32 $_size__tile_overlayer_lowered;
	s7 =	simm.s32 $_tile_overlayer_lowered  }
0xa1: {  	s22 =	simm.s32 $0x1BFF;
	s21 =	sshll.u32 s7, $0x1;
	s4 =	sadd.s32 s5, s19  }
0xa2: {  	s8 =	simm.s32 $0x0;
	s20 =	sshll.u32 s6, $0x1;
	s6 =	sadd.s32 s21, s4  }
0xa3: {  	[timem:s8], [sflag:s22] =	dma.local [hbm:s6], s20  }
0xa4: {  	_ =	swait.ge [sflag:s22], s20  }
0xa5: {  	s5 =	ssub.s32 $0x0, s20;
	[sflag:s22] =	ssyncset.done $0x0  }
0xa6: {  	[sflag:s22] =	ssyncadd.s32 s5;
	_ =	sdelay $0x1  }
0xa7: {  	s23 =	simm.s32 $0x1B8B  }
0xa8: {  	_ =	swait.ge [sflag:s23], $0x1  }
0xa9: {  	[sflag:s23] =	ssyncset.done $0x0  }
0xaa: {  	s25 =	simm.s32 $0x1B8E;
	s24 =	sld [smem:$0x3FFE];
	[sflag:s23] =	ssyncadd.s32 $0xFFFFFFFF  }
0xab: {  	s26 =	simm.s32 $execute0_lowered;
	[smem:$0x3FD2] =	sst s25  }
0xac: {  	s6 =	sshll.u32 s26, $0x1;
	_ =	strace $0x80000046;
	[dreg:$0x1] =	wrdreg $0xFFFFFFFF  }
0xad: {  	s28 =	simm.s32 $_size_execute0_lowered;
	s4 =	sadd.s32 s4, s6;
	[dreg:$0x0] =	wrdreg $0x0  }
0xae: {  	s6 =	sshll.u32 s28, $0x1;
	[dreg:$0x2] =	wrdreg s4  }
0xaf: {  	[dreg:$0x3] =	wrdreg s6  }
0xb0: {  	[dreg:$0x4] =	wrdreg $0xC0  }
0xb1: {  	_ =	task [dreg:s8], $0x5FFFF  }
0xb2: {  	[dreg:$0x1] =	wrdreg $0xFFFFFFFF  }
0xb3: {  	[dreg:$0x0] =	wrdreg $0x60  }
0xb4: {  	[dreg:$0x2] =	wrdreg s16  }
0xb5: {  	[dreg:$0x3] =	wrdreg s24  }
0xb6: {  	[dreg:$0x4] =	wrdreg s17  }
0xb7: {  	[dreg:$0x5] =	wrdreg $0x9  }
0xb8: {  	_ =	task.clear_ibuf [dreg:s8], $0x6FFFF;
	_ =	strace $0x90000046  }
0xb9: {  	s29 =	simm.s32 $0x9;
	_ =	strace $0x80000048  }
0xba: {  	_ =	swait.ge [sflag:s29], $0x1  }
0xbb: {  	[sflag:s29] =	ssyncadd.s32 $0xFFFFFFFF  }
0xbc: {  	_ =	strace $0x90000048  }
0xbd: {  	_ =	sfence  }
0xbe: {  	s30 =	sld [smem:$0x0];
	_ =	sdelay $0x2  }
0xbf: {  	s31 =	sshll.u32 s1, $0xD;
	s1 =	sshrl.u32 s1, $0x2  }
0xc0: {  	s3 =	sand.u32 $0x4000, s31;
	s1 =	sadd.s32 s1, s30  }
0xc1: {  	s0 =	sor.u32 s3, s0;
	s1 =	sshll.u32 s1, $0x11  }
0xc2: {  	s0 =	sor.u32 s1, s0  }
0xc3: {  	s0 =	sadd.s32 $0x8F2B, s0  }
0xc4: {  	[sflag:s0] =	ssyncadd.remote.s32 $0x1  }
0xc5: {  	_ =	sfence.sel $0xFFFF  }
0xc6: {  	[dreg:$0x0] =	wrdreg $0xFFFFFFFF;
	(pc) =	sbr.abs _section_cstart, $3  }
0xc7: {  	[dreg:$0x1] =	wrdreg $0xFFFFFFFF  }
0xc8: {  	_ =	task.clear_ibuf [dreg:s8], $0x2FFFF;
	_ =	strace $0x9FFFFFFF  }
0xc9: {  	(tm) =	ssettm $0x7FFFFFFF  }
tec
execute0_lowered:
.L_overlay_start_1:
0x0: {  	(tag) =	ssettag $0x1  }
0x1: {  	s1 =	rddreg [dreg:$0x0]  }
0x2: {  	s0 =	rddreg [dreg:$0x1];
	s3 =	simm.s32 $0x0;
	s2 =	srdreg.scid  }
0x3: {  	s5 =	stileid.u32;
	s11 =	simm.s32 $0x4;
	s15 =	simm.s32 $0xC100  }
0x4: {  	s16 =	simm.s32 $0xC900;
	s17 =	simm.s32 $0xD100;
	s18 =	simm.s32 $0xD900  }
0x5: {  	s19 =	simm.s32 $0xE100;
	s20 =	simm.s32 $0xE900;
	s21 =	simm.s32 $0xF100  }
0x6: {  	s22 =	simm.s32 $0xF900;
	s23 =	simm.s32 $0x1;
	s24 =	simm.s32 $0x2  }
0x7: {  	s25 =	simm.s32 $0x10100;
	s26 =	simm.s32 $0x14100;
	s2 =	sand.u32 $0x1, s2  }
.Ltmp0:
0x8: {  	s28 =	simm.s32 $0x3;
	s9 =	ssub.s32 $0x2, s2;
	(pc) =	sbr.rel .LBB2_1-.Ltmp0, $4  }
0x9: {  	[smem:$0x7FF] =	sst s3;
	s4 =	sadd.s32 $0x37800, s0;
	s10 =	sshrl.u32 s9, $0x1  }
0xa: {  	v2 =	vlaneseq.u32;
	s6 =	sadd.s32 $0x6800, s0;
	s7 =	sadd.s32 $0x85A00, s0;
	s31 =	ssub.s32 s9, s10  }
0xb: {  	vm0 =	vmmov $0xffff;
	s8 =	sadd.s32 $0x567A00, s0;
	v1 =	vshrl.u32 v2, $0x3;
	_ =	strace $0x80000047;
	s0 =	smax.u32 s31, $0x1  }
0xc: {  	v0 =	vand.u32 $0x7, v2;
	v2 =	vor.u32 $0x8, v2;
	v1 =	vmul.u32 $0x8, v1;
	s9 =	sshll.u32 s2, $0x4;
	s2 =	simm.s32 $0x0;
	[dreg:$0x4] =	wrdreg s0  }
.LBB2_7:
0xd: {  	s2 =	rddreg [dreg:$0x5]  }
0xe: {  	s0 =	rddreg [dreg:$0x4];
	s2 =	sadd.s32 $0x1, s2  }
0xf: {  	p0 =	sne.s32 s2, s0  }
.Ltmp1:
0x10: {  	_ = 	snop;
	(pc) =	sbr.rel @!p0 .LBB2_8-.Ltmp1, $1  }
0x11: {  	_ =	sdelay $0x3  }
.LBB2_1:
.Ltmp2:
0x12: {  	(pc) =	sbr.rel .LBB2_2-.Ltmp2, $2  }
0x13: {  	_ =	sdelay $0x2  }
0x14: {  	[dreg:$0x5] =	wrdreg s2;
	s29 =	simm.s32 $0x0  }
.LBB2_6:
0x15: {  	s29 =	sadd.s32 $0x1, s29  }
0x16: {  	p0 =	sne.s32 s29, $0x4F  }
.Ltmp3:
0x17: {  	_ = 	snop;
	(pc) =	sbr.rel @!p0 .LBB2_7-.Ltmp3, $1  }
0x18: {  	_ =	sdelay $0x3  }
.LBB2_2:
0x19: {  	s0 =	sshll.u32 s29, $0x5  }
0x1a: {  	s0 =	sor.u32 s0, s9  }
0x1b: {  	s30 =	sor.u32 s5, s0  }
0x1c: {  	p0 =	sgt.u32 s30, $0x9C3  }
.Ltmp4:
0x1d: {  	_ = 	snop;
	(pc) =	sbr.rel @p0 .LBB2_6-.Ltmp4, $1  }
0x1e: {  	_ =	sdelay $0x3  }
0x1f: {  	s0 =	sshll.u32 s30, $0x4  }
0x20: {  	s31 =	simm.s32 $0x0;
	s2 =	sadd.s32 s6, s0  }
0x21: {  	[tilespmem:s31], [sflag:$0x4] =	stream.linear.gather [hbm4b:s2+s31], $0x80, $0x38;
	[tilespmem:$0x18100] =	vst v63  }
0x22: {  	_ =	swait.ge [sflag:s11], $0x80  }
0x23: {  	[sflag:s11] =	ssyncset.done $0x0  }
0x24: {  	[sflag:s11] =	ssyncadd.s32 $0xFFFFFF80  }
0x25: {  	s12 =	rddreg [dreg:$0x2]  }
0x26: {  	s13 =	simm.s32 $0x80;
	s0 =	sadd.s32 s12, s0  }
0x27: {  	[tilespmem:s13], [sflag:$0x4] =	stream.linear.gather [hbm4b:s0+s31], $0x80, $0x38;
	[tilespmem:$0x18100] =	vst v63  }
0x28: {  	_ =	swait.ge [sflag:s11], $0x80  }
0x29: {  	[sflag:s11] =	ssyncset.done $0x0  }
0x2a: {  	[sflag:s11] =	ssyncadd.s32 $0xFFFFFF80  }
0x2b: {  	v3 =	vld [tilespmem:$0x0];
	_ =	sdelay $0x4  }
0x2c: {  	v4 =	vshll.u32 v3, $0x1  }
0x2d: {  	v3 =	vand.u32 $0x7, v3;
	v4 =	vand.u32 $0xFFFFFFF0, v4  }
0x2e: {  	v3 =	vor.u32 v3, v4  }
0x2f: {  	v4 =	vperm.xlane v3, v0;
	_ =	sdelay $0x1  }
0x30: {  	v3 =	vperm.xlane v3, v2;
	v4 =	vadd.s32 v1, v4;
	_ =	sdelay $0x1  }
0x31: {  	v3 =	vadd.s32 v1, v3;
	_ =	sdelay $0x1  }
0x32: {  	s14 =	simm.s32 $0x100  }
0x33: {  	[tilespmem:s14], [sflag:$0x1] =	stream.indirect_vreg.gather [hbm4b:s1+s31], $0x80, v4, vm0, $0xb8;
	[tilespmem:$0x18100] =	vst v63  }
0x34: {  	s2 =	simm.s32 $0x900  }
0x35: {  	[tilespmem:s2], [sflag:$0x1] =	stream.indirect_vreg.gather [hbm4b:s1+s31], $0x80, v3, vm0, $0xb8;
	[tilespmem:$0x18100] =	vst v63  }
0x36: {  	v3 =	vld [tilespmem:$0x10];
	_ =	sdelay $0x4  }
0x37: {  	v4 =	vshll.u32 v3, $0x1  }
0x38: {  	v3 =	vand.u32 $0x7, v3;
	v4 =	vand.u32 $0xFFFFFFF0, v4  }
0x39: {  	v3 =	vor.u32 v3, v4  }
0x3a: {  	v4 =	vperm.xlane v3, v0;
	_ =	sdelay $0x1  }
0x3b: {  	v3 =	vperm.xlane v3, v2;
	v4 =	vadd.s32 v1, v4;
	_ =	sdelay $0x1  }
0x3c: {  	v3 =	vadd.s32 v1, v3;
	_ =	sdelay $0x1  }
0x3d: {  	s10 =	simm.s32 $0x1100  }
0x3e: {  	[tilespmem:s10], [sflag:$0x1] =	stream.indirect_vreg.gather [hbm4b:s1+s31], $0x80, v4, vm0, $0xb8;
	[tilespmem:$0x18100] =	vst v63  }
0x3f: {  	s12 =	simm.s32 $0x1900  }
0x40: {  	[tilespmem:s12], [sflag:$0x1] =	stream.indirect_vreg.gather [hbm4b:s1+s31], $0x80, v3, vm0, $0xb8;
	[tilespmem:$0x18100] =	vst v63  }
0x41: {  	v3 =	vld [tilespmem:$0x20];
	_ =	sdelay $0x4  }
0x42: {  	v4 =	vshll.u32 v3, $0x1  }
0x43: {  	v3 =	vand.u32 $0x7, v3;
	v4 =	vand.u32 $0xFFFFFFF0, v4  }
0x44: {  	v3 =	vor.u32 v3, v4  }
0x45: {  	v4 =	vperm.xlane v3, v0;
	_ =	sdelay $0x1  }
0x46: {  	v3 =	vperm.xlane v3, v2;
	v4 =	vadd.s32 v1, v4;
	_ =	sdelay $0x1  }
0x47: {  	v3 =	vadd.s32 v1, v3;
	_ =	sdelay $0x1  }
0x48: {  	s13 =	simm.s32 $0x2100  }
0x49: {  	[tilespmem:s13], [sflag:$0x1] =	stream.indirect_vreg.gather [hbm4b:s1+s31], $0x80, v4, vm0, $0xb8;
	[tilespmem:$0x18100] =	vst v63  }
0x4a: {  	s14 =	simm.s32 $0x2900  }
0x4b: {  	[tilespmem:s14], [sflag:$0x1] =	stream.indirect_vreg.gather [hbm4b:s1+s31], $0x80, v3, vm0, $0xb8;
	[tilespmem:$0x18100] =	vst v63  }
0x4c: {  	v3 =	vld [tilespmem:$0x30];
	_ =	sdelay $0x4  }
0x4d: {  	v4 =	vshll.u32 v3, $0x1  }
0x4e: {  	v3 =	vand.u32 $0x7, v3;
	v4 =	vand.u32 $0xFFFFFFF0, v4  }
0x4f: {  	v3 =	vor.u32 v3, v4  }
0x50: {  	v4 =	vperm.xlane v3, v0;
	_ =	sdelay $0x1  }
0x51: {  	v3 =	vperm.xlane v3, v2;
	v4 =	vadd.s32 v1, v4;
	_ =	sdelay $0x1  }
0x52: {  	v3 =	vadd.s32 v1, v3;
	_ =	sdelay $0x1  }
0x53: {  	s2 =	simm.s32 $0x3100  }
0x54: {  	[tilespmem:s2], [sflag:$0x1] =	stream.indirect_vreg.gather [hbm4b:s1+s31], $0x80, v4, vm0, $0xb8;
	[tilespmem:$0x18100] =	vst v63  }
0x55: {  	s10 =	simm.s32 $0x3900  }
0x56: {  	[tilespmem:s10], [sflag:$0x1] =	stream.indirect_vreg.gather [hbm4b:s1+s31], $0x80, v3, vm0, $0xb8;
	[tilespmem:$0x18100] =	vst v63  }
0x57: {  	v3 =	vld [tilespmem:$0x40];
	_ =	sdelay $0x4  }
0x58: {  	v4 =	vshll.u32 v3, $0x1  }
0x59: {  	v3 =	vand.u32 $0x7, v3;
	v4 =	vand.u32 $0xFFFFFFF0, v4  }
0x5a: {  	v3 =	vor.u32 v3, v4  }
0x5b: {  	v4 =	vperm.xlane v3, v0;
	_ =	sdelay $0x1  }
0x5c: {  	v3 =	vperm.xlane v3, v2;
	v4 =	vadd.s32 v1, v4;
	_ =	sdelay $0x1  }
0x5d: {  	v3 =	vadd.s32 v1, v3;
	_ =	sdelay $0x1  }
0x5e: {  	s12 =	simm.s32 $0x4100  }
0x5f: {  	[tilespmem:s12], [sflag:$0x1] =	stream.indirect_vreg.gather [hbm4b:s1+s31], $0x80, v4, vm0, $0xb8;
	[tilespmem:$0x18100] =	vst v63  }
0x60: {  	s13 =	simm.s32 $0x4900  }
0x61: {  	[tilespmem:s13], [sflag:$0x1] =	stream.indirect_vreg.gather [hbm4b:s1+s31], $0x80, v3, vm0, $0xb8;
	[tilespmem:$0x18100] =	vst v63  }
0x62: {  	v3 =	vld [tilespmem:$0x50];
	_ =	sdelay $0x4  }
0x63: {  	v4 =	vshll.u32 v3, $0x1  }
0x64: {  	v3 =	vand.u32 $0x7, v3;
	v4 =	vand.u32 $0xFFFFFFF0, v4  }
0x65: {  	v3 =	vor.u32 v3, v4  }
0x66: {  	v4 =	vperm.xlane v3, v0;
	_ =	sdelay $0x1  }
0x67: {  	v3 =	vperm.xlane v3, v2;
	v4 =	vadd.s32 v1, v4;
	_ =	sdelay $0x1  }
0x68: {  	v3 =	vadd.s32 v1, v3;
	_ =	sdelay $0x1  }
0x69: {  	s14 =	simm.s32 $0x5100  }
0x6a: {  	[tilespmem:s14], [sflag:$0x1] =	stream.indirect_vreg.gather [hbm4b:s1+s31], $0x80, v4, vm0, $0xb8;
	[tilespmem:$0x18100] =	vst v63  }
0x6b: {  	s2 =	simm.s32 $0x5900  }
0x6c: {  	[tilespmem:s2], [sflag:$0x1] =	stream.indirect_vreg.gather [hbm4b:s1+s31], $0x80, v3, vm0, $0xb8;
	[tilespmem:$0x18100] =	vst v63  }
0x6d: {  	v3 =	vld [tilespmem:$0x60];
	_ =	sdelay $0x4  }
0x6e: {  	v4 =	vshll.u32 v3, $0x1  }
0x6f: {  	v3 =	vand.u32 $0x7, v3;
	v4 =	vand.u32 $0xFFFFFFF0, v4  }
0x70: {  	v3 =	vor.u32 v3, v4  }
0x71: {  	v4 =	vperm.xlane v3, v0;
	_ =	sdelay $0x1  }
0x72: {  	v3 =	vperm.xlane v3, v2;
	v4 =	vadd.s32 v1, v4;
	_ =	sdelay $0x1  }
0x73: {  	v3 =	vadd.s32 v1, v3;
	_ =	sdelay $0x1  }
0x74: {  	s10 =	simm.s32 $0x6100  }
0x75: {  	[tilespmem:s10], [sflag:$0x1] =	stream.indirect_vreg.gather [hbm4b:s1+s31], $0x80, v4, vm0, $0xb8;
	[tilespmem:$0x18100] =	vst v63  }
0x76: {  	s12 =	simm.s32 $0x6900  }
0x77: {  	[tilespmem:s12], [sflag:$0x1] =	stream.indirect_vreg.gather [hbm4b:s1+s31], $0x80, v3, vm0, $0xb8;
	[tilespmem:$0x18100] =	vst v63  }
0x78: {  	v3 =	vld [tilespmem:$0x70];
	_ =	sdelay $0x4  }
0x79: {  	v4 =	vshll.u32 v3, $0x1  }
0x7a: {  	v3 =	vand.u32 $0x7, v3;
	v4 =	vand.u32 $0xFFFFFFF0, v4  }
0x7b: {  	v3 =	vor.u32 v3, v4  }
0x7c: {  	v4 =	vperm.xlane v3, v0;
	_ =	sdelay $0x1  }
0x7d: {  	v3 =	vperm.xlane v3, v2;
	v4 =	vadd.s32 v1, v4;
	_ =	sdelay $0x1  }
0x7e: {  	v3 =	vadd.s32 v1, v3;
	_ =	sdelay $0x1  }
0x7f: {  	s13 =	simm.s32 $0x7100  }
0x80: {  	[tilespmem:s13], [sflag:$0x1] =	stream.indirect_vreg.gather [hbm4b:s1+s31], $0x80, v4, vm0, $0xb8;
	[tilespmem:$0x18100] =	vst v63  }
0x81: {  	s14 =	simm.s32 $0x7900  }
0x82: {  	[tilespmem:s14], [sflag:$0x1] =	stream.indirect_vreg.gather [hbm4b:s1+s31], $0x80, v3, vm0, $0xb8;
	[tilespmem:$0x18100] =	vst v63  }
0x83: {  	v3 =	vld [tilespmem:$0x80];
	_ =	sdelay $0x4  }
0x84: {  	v4 =	vshll.u32 v3, $0x1  }
0x85: {  	v3 =	vand.u32 $0x7, v3;
	v4 =	vand.u32 $0xFFFFFFF0, v4  }
0x86: {  	v3 =	vor.u32 v3, v4  }
0x87: {  	v4 =	vperm.xlane v3, v0;
	_ =	sdelay $0x1  }
0x88: {  	v3 =	vperm.xlane v3, v2;
	v4 =	vadd.s32 v1, v4;
	_ =	sdelay $0x1  }
0x89: {  	v3 =	vadd.s32 v1, v3;
	_ =	sdelay $0x1  }
0x8a: {  	s2 =	simm.s32 $0x8100  }
0x8b: {  	[tilespmem:s2], [sflag:$0x2] =	stream.indirect_vreg.gather [hbm4b:s4+s31], $0x80, v4, vm0, $0xb8;
	[tilespmem:$0x18100] =	vst v63  }
0x8c: {  	s10 =	simm.s32 $0x8900  }
0x8d: {  	[tilespmem:s10], [sflag:$0x2] =	stream.indirect_vreg.gather [hbm4b:s4+s31], $0x80, v3, vm0, $0xb8;
	[tilespmem:$0x18100] =	vst v63  }
0x8e: {  	v3 =	vld [tilespmem:$0x90];
	_ =	sdelay $0x4  }
0x8f: {  	v4 =	vshll.u32 v3, $0x1  }
0x90: {  	v3 =	vand.u32 $0x7, v3;
	v4 =	vand.u32 $0xFFFFFFF0, v4  }
0x91: {  	v3 =	vor.u32 v3, v4  }
0x92: {  	v4 =	vperm.xlane v3, v0;
	_ =	sdelay $0x1  }
0x93: {  	v3 =	vperm.xlane v3, v2;
	v4 =	vadd.s32 v1, v4;
	_ =	sdelay $0x1  }
0x94: {  	v3 =	vadd.s32 v1, v3;
	_ =	sdelay $0x1  }
0x95: {  	s12 =	simm.s32 $0x9100  }
0x96: {  	[tilespmem:s12], [sflag:$0x2] =	stream.indirect_vreg.gather [hbm4b:s4+s31], $0x80, v4, vm0, $0xb8;
	[tilespmem:$0x18100] =	vst v63  }
0x97: {  	s13 =	simm.s32 $0x9900  }
0x98: {  	[tilespmem:s13], [sflag:$0x2] =	stream.indirect_vreg.gather [hbm4b:s4+s31], $0x80, v3, vm0, $0xb8;
	[tilespmem:$0x18100] =	vst v63  }
0x99: {  	v3 =	vld [tilespmem:$0xA0];
	_ =	sdelay $0x4  }
0x9a: {  	v4 =	vshll.u32 v3, $0x1  }
0x9b: {  	v3 =	vand.u32 $0x7, v3;
	v4 =	vand.u32 $0xFFFFFFF0, v4  }
0x9c: {  	v3 =	vor.u32 v3, v4  }
0x9d: {  	v4 =	vperm.xlane v3, v0;
	_ =	sdelay $0x1  }
0x9e: {  	v3 =	vperm.xlane v3, v2;
	v4 =	vadd.s32 v1, v4;
	_ =	sdelay $0x1  }
0x9f: {  	v3 =	vadd.s32 v1, v3;
	_ =	sdelay $0x1  }
0xa0: {  	s14 =	simm.s32 $0xA100  }
0xa1: {  	[tilespmem:s14], [sflag:$0x2] =	stream.indirect_vreg.gather [hbm4b:s4+s31], $0x80, v4, vm0, $0xb8;
	[tilespmem:$0x18100] =	vst v63  }
0xa2: {  	s2 =	simm.s32 $0xA900  }
0xa3: {  	[tilespmem:s2], [sflag:$0x2] =	stream.indirect_vreg.gather [hbm4b:s4+s31], $0x80, v3, vm0, $0xb8;
	[tilespmem:$0x18100] =	vst v63  }
0xa4: {  	v3 =	vld [tilespmem:$0xB0];
	_ =	sdelay $0x4  }
0xa5: {  	v4 =	vshll.u32 v3, $0x1  }
0xa6: {  	v3 =	vand.u32 $0x7, v3;
	v4 =	vand.u32 $0xFFFFFFF0, v4  }
0xa7: {  	v3 =	vor.u32 v3, v4  }
0xa8: {  	v4 =	vperm.xlane v3, v0;
	_ =	sdelay $0x1  }
0xa9: {  	v3 =	vperm.xlane v3, v2;
	v4 =	vadd.s32 v1, v4;
	_ =	sdelay $0x1  }
0xaa: {  	v3 =	vadd.s32 v1, v3;
	_ =	sdelay $0x1  }
0xab: {  	s10 =	simm.s32 $0xB100  }
0xac: {  	[tilespmem:s10], [sflag:$0x2] =	stream.indirect_vreg.gather [hbm4b:s4+s31], $0x80, v4, vm0, $0xb8;
	[tilespmem:$0x18100] =	vst v63  }
0xad: {  	s12 =	simm.s32 $0xB900  }
0xae: {  	[tilespmem:s12], [sflag:$0x2] =	stream.indirect_vreg.gather [hbm4b:s4+s31], $0x80, v3, vm0, $0xb8;
	[tilespmem:$0x18100] =	vst v63  }
0xaf: {  	v3 =	vld [tilespmem:$0xC0];
	_ =	sdelay $0x4  }
0xb0: {  	v4 =	vshll.u32 v3, $0x1  }
0xb1: {  	v3 =	vand.u32 $0x7, v3;
	v4 =	vand.u32 $0xFFFFFFF0, v4  }
0xb2: {  	v3 =	vor.u32 v3, v4  }
0xb3: {  	v4 =	vperm.xlane v3, v0;
	_ =	sdelay $0x1  }
0xb4: {  	v3 =	vperm.xlane v3, v2;
	v4 =	vadd.s32 v1, v4;
	_ =	sdelay $0x1  }
0xb5: {  	v3 =	vadd.s32 v1, v3;
	_ =	sdelay $0x2  }
0xb6: {  	[tilespmem:s15], [sflag:$0x2] =	stream.indirect_vreg.gather [hbm4b:s4+s31], $0x80, v4, vm0, $0xb8;
	[tilespmem:$0x18100] =	vst v63  }
0xb7: {  	_ = 	snop  }
0xb8: {  	[tilespmem:s16], [sflag:$0x2] =	stream.indirect_vreg.gather [hbm4b:s4+s31], $0x80, v3, vm0, $0xb8;
	[tilespmem:$0x18100] =	vst v63  }
0xb9: {  	v3 =	vld [tilespmem:$0xD0];
	_ =	sdelay $0x4  }
0xba: {  	v4 =	vshll.u32 v3, $0x1  }
0xbb: {  	v3 =	vand.u32 $0x7, v3;
	v4 =	vand.u32 $0xFFFFFFF0, v4  }
0xbc: {  	v3 =	vor.u32 v3, v4  }
0xbd: {  	v4 =	vperm.xlane v3, v0;
	_ =	sdelay $0x1  }
0xbe: {  	v3 =	vperm.xlane v3, v2;
	v4 =	vadd.s32 v1, v4;
	_ =	sdelay $0x1  }
0xbf: {  	v3 =	vadd.s32 v1, v3;
	_ =	sdelay $0x2  }
0xc0: {  	[tilespmem:s17], [sflag:$0x2] =	stream.indirect_vreg.gather [hbm4b:s4+s31], $0x80, v4, vm0, $0xb8;
	[tilespmem:$0x18100] =	vst v63  }
0xc1: {  	_ = 	snop  }
0xc2: {  	[tilespmem:s18], [sflag:$0x2] =	stream.indirect_vreg.gather [hbm4b:s4+s31], $0x80, v3, vm0, $0xb8;
	[tilespmem:$0x18100] =	vst v63  }
0xc3: {  	v3 =	vld [tilespmem:$0xE0];
	_ =	sdelay $0x4  }
0xc4: {  	v4 =	vshll.u32 v3, $0x1  }
0xc5: {  	v3 =	vand.u32 $0x7, v3;
	v4 =	vand.u32 $0xFFFFFFF0, v4  }
0xc6: {  	v3 =	vor.u32 v3, v4  }
0xc7: {  	v4 =	vperm.xlane v3, v0;
	_ =	sdelay $0x1  }
0xc8: {  	v3 =	vperm.xlane v3, v2;
	v4 =	vadd.s32 v1, v4;
	_ =	sdelay $0x1  }
0xc9: {  	v3 =	vadd.s32 v1, v3;
	_ =	sdelay $0x2  }
0xca: {  	[tilespmem:s19], [sflag:$0x2] =	stream.indirect_vreg.gather [hbm4b:s4+s31], $0x80, v4, vm0, $0xb8;
	[tilespmem:$0x18100] =	vst v63  }
0xcb: {  	_ = 	snop  }
0xcc: {  	[tilespmem:s20], [sflag:$0x2] =	stream.indirect_vreg.gather [hbm4b:s4+s31], $0x80, v3, vm0, $0xb8;
	[tilespmem:$0x18100] =	vst v63  }
0xcd: {  	v3 =	vld [tilespmem:$0xF0];
	_ =	sdelay $0x4  }
0xce: {  	v4 =	vshll.u32 v3, $0x1  }
0xcf: {  	v3 =	vand.u32 $0x7, v3;
	v4 =	vand.u32 $0xFFFFFFF0, v4  }
0xd0: {  	v3 =	vor.u32 v3, v4  }
0xd1: {  	v4 =	vperm.xlane v3, v0;
	_ =	sdelay $0x1  }
0xd2: {  	v3 =	vperm.xlane v3, v2;
	v4 =	vadd.s32 v1, v4;
	_ =	sdelay $0x1  }
0xd3: {  	v3 =	vadd.s32 v1, v3;
	_ =	sdelay $0x2  }
0xd4: {  	[tilespmem:s21], [sflag:$0x2] =	stream.indirect_vreg.gather [hbm4b:s4+s31], $0x80, v4, vm0, $0xb8;
	[tilespmem:$0x18100] =	vst v63  }
0xd5: {  	_ = 	snop  }
0xd6: {  	[tilespmem:s22], [sflag:$0x2] =	stream.indirect_vreg.gather [hbm4b:s4+s31], $0x80, v3, vm0, $0xb8;
	[tilespmem:$0x18100] =	vst v63  }
0xd7: {  	_ =	swait.ge [sflag:s23], $0x8000  }
0xd8: {  	[sflag:s23] =	ssyncset.done $0x0  }
0xd9: {  	[sflag:s23] =	ssyncadd.s32 $0xFFFF8000  }
0xda: {  	_ =	swait.ge [sflag:s24], $0x8000  }
0xdb: {  	s13 =	sand.u32 $0x7800, s31;
	s14 =	sand.u32 $0x380, s31;
	[sflag:s24] =	ssyncset.done $0x0  }
0xdc: {  	s10 =	sor.u32 s14, s13;
	[sflag:s24] =	ssyncadd.s32 $0xFFFF8000  }
0xdd: {  	v3 =	vld [tilespmem:s10+$0x100]  }
0xde: {  	v4 =	vld [tilespmem:s10+$0x8100];
	_ =	sdelay $0x4  }
0xdf: {  	v3 =	vmul.f32 v4, v3  }
0xe0: {  	s0 =	simm.s32 $0x10140  }
0xe1: {  	[tilespmem:s0+$0xFFFFFFC0] =	vst v3  }
0xe2: {  	v3 =	vld [tilespmem:s10+$0x110]  }
0xe3: {  	v4 =	vld [tilespmem:s10+$0x8110];
	_ =	sdelay $0x4  }
0xe4: {  	v3 =	vmul.f32 v4, v3;
	_ =	sdelay $0x1  }
0xe5: {  	[tilespmem:s0+$0xFFFFFFD0] =	vst v3  }
0xe6: {  	v3 =	vld [tilespmem:s10+$0x120]  }
0xe7: {  	v4 =	vld [tilespmem:s10+$0x8120];
	_ =	sdelay $0x4  }
0xe8: {  	v3 =	vmul.f32 v4, v3;
	_ =	sdelay $0x1  }
0xe9: {  	[tilespmem:s0+$0xFFFFFFE0] =	vst v3  }
0xea: {  	v3 =	vld [tilespmem:s10+$0x130]  }
0xeb: {  	v4 =	vld [tilespmem:s10+$0x8130];
	_ =	sdelay $0x4  }
0xec: {  	v3 =	vmul.f32 v4, v3;
	_ =	sdelay $0x1  }
0xed: {  	[tilespmem:s0+$0xFFFFFFF0] =	vst v3  }
0xee: {  	v3 =	vld [tilespmem:s10+$0x140]  }
0xef: {  	v4 =	vld [tilespmem:s10+$0x8140];
	_ =	sdelay $0x4  }
0xf0: {  	v3 =	vmul.f32 v4, v3;
	_ =	sdelay $0x1  }
0xf1: {  	[tilespmem:s0+$0x0] =	vst v3  }
0xf2: {  	v3 =	vld [tilespmem:s10+$0x150]  }
0xf3: {  	v4 =	vld [tilespmem:s10+$0x8150];
	_ =	sdelay $0x4  }
0xf4: {  	v3 =	vmul.f32 v4, v3;
	_ =	sdelay $0x1  }
0xf5: {  	[tilespmem:s0+$0x10] =	vst v3  }
0xf6: {  	v3 =	vld [tilespmem:s10+$0x160]  }
0xf7: {  	v4 =	vld [tilespmem:s10+$0x8160];
	_ =	sdelay $0x4  }
0xf8: {  	v3 =	vmul.f32 v4, v3;
	_ =	sdelay $0x1  }
0xf9: {  	[tilespmem:s0+$0x20] =	vst v3  }
0xfa: {  	v3 =	vld [tilespmem:s10+$0x170]  }
0xfb: {  	v4 =	vld [tilespmem:s10+$0x8170];
	_ =	sdelay $0x4  }
0xfc: {  	s2 =	simm.s32 $0x14100;
	s13 =	simm.s32 $0x100;
	s12 =	simm.s32 $0x14100;
	v3 =	vmul.f32 v4, v3  }
.LBB2_4:
0xfd: {  	_ = 	snop  }
0xfe: {  	s12 =	sadd.s32 $0x80, s12;
	s31 =	sadd.s32 $0x80, s31;
	[tilespmem:s0+$0x30] =	vst v3;
	s0 =	sadd.s32 $0x80, s0  }
0xff: {  	p0 =	sne.s32 s13, $0x7F00;
	s14 =	smov.u32 s13;
	s13 =	sadd.s32 $0x100, s13;
	v3 =	vld [tilespmem:s10+$0x500]  }
0x100: {  	v4 =	vld [tilespmem:s10+$0x8500];
	_ =	sdelay $0x4  }
0x101: {  	v3 =	vsub.f32 v3, v4  }
0x102: {  	s10 =	sand.u32 $0x7800, s14;
	s14 =	sand.u32 $0x380, s31  }
0x103: {  	s10 =	sor.u32 s14, s10;
	[tilespmem:s2+$0x0] =	vst v3;
	s2 =	smov.u32 s12  }
0x104: {  	v3 =	vld [tilespmem:s10+$0x100]  }
0x105: {  	v4 =	vld [tilespmem:s10+$0x8100];
	_ =	sdelay $0x4  }
0x106: {  	v3 =	vmul.f32 v4, v3;
	_ =	sdelay $0x1  }
0x107: {  	[tilespmem:s0+$0xFFFFFFC0] =	vst v3  }
0x108: {  	v3 =	vld [tilespmem:s10+$0x110]  }
0x109: {  	v4 =	vld [tilespmem:s10+$0x8110];
	_ =	sdelay $0x4  }
0x10a: {  	v3 =	vmul.f32 v4, v3;
	_ =	sdelay $0x1  }
0x10b: {  	[tilespmem:s0+$0xFFFFFFD0] =	vst v3  }
0x10c: {  	v3 =	vld [tilespmem:s10+$0x120]  }
0x10d: {  	v4 =	vld [tilespmem:s10+$0x8120];
	_ =	sdelay $0x4  }
0x10e: {  	v3 =	vmul.f32 v4, v3;
	_ =	sdelay $0x1  }
0x10f: {  	[tilespmem:s0+$0xFFFFFFE0] =	vst v3  }
0x110: {  	v3 =	vld [tilespmem:s10+$0x130]  }
0x111: {  	v4 =	vld [tilespmem:s10+$0x8130];
	_ =	sdelay $0x4  }
0x112: {  	v3 =	vmul.f32 v4, v3;
	_ =	sdelay $0x1  }
0x113: {  	[tilespmem:s0+$0xFFFFFFF0] =	vst v3  }
0x114: {  	v3 =	vld [tilespmem:s10+$0x140]  }
0x115: {  	v4 =	vld [tilespmem:s10+$0x8140];
	_ =	sdelay $0x4  }
0x116: {  	v3 =	vmul.f32 v4, v3;
	_ =	sdelay $0x1  }
0x117: {  	[tilespmem:s0+$0x0] =	vst v3  }
0x118: {  	v3 =	vld [tilespmem:s10+$0x150]  }
0x119: {  	v4 =	vld [tilespmem:s10+$0x8150];
	_ =	sdelay $0x4  }
0x11a: {  	v3 =	vmul.f32 v4, v3;
	_ =	sdelay $0x1  }
0x11b: {  	[tilespmem:s0+$0x10] =	vst v3  }
0x11c: {  	v3 =	vld [tilespmem:s10+$0x160]  }
0x11d: {  	v4 =	vld [tilespmem:s10+$0x8160];
	_ =	sdelay $0x4  }
0x11e: {  	v3 =	vmul.f32 v4, v3;
	_ =	sdelay $0x1  }
0x11f: {  	[tilespmem:s0+$0x20] =	vst v3  }
0x120: {  	v3 =	vld [tilespmem:s10+$0x170]  }
0x121: {  	v4 =	vld [tilespmem:s10+$0x8170]  }
.Ltmp5:
0x122: {  	(pc) =	sbr.rel @p0 .LBB2_4-.Ltmp5, $2  }
0x123: {  	_ =	sdelay $0x2  }
0x124: {  	v3 =	vmul.f32 v4, v3  }
0x125: {  	_ = 	snop  }
0x126: {  	[tilespmem:s0+$0x30] =	vst v3  }
0x127: {  	v3 =	vld [tilespmem:s10+$0x500]  }
0x128: {  	v4 =	vld [tilespmem:s10+$0x8500];
	_ =	sdelay $0x4  }
0x129: {  	v3 =	vsub.f32 v3, v4  }
0x12a: {  	s30 =	sshll.u32 s30, $0xB  }
0x12b: {  	s31 =	sadd.s32 s7, s30;
	[tilespmem:s2+$0x0] =	vst v3  }
0x12c: {  	[hbm4b:s31+s3] =	stream.linear.scatter [tilespmem:s25], [sflag:$0x4], $0x4000, $0x38;
	[tilespmem:$0x18100] =	vst v63  }
0x12d: {  	_ =	swait.ge [sflag:s11], $0x4000  }
0x12e: {  	[sflag:s11] =	ssyncset.done $0x0  }
.Ltmp6:
0x12f: {  	s0 =	sadd.s32 s8, s30;
	[sflag:s11] =	ssyncadd.s32 $0xFFFFC000;
	(pc) =	sbr.rel .LBB2_6-.Ltmp6, $4  }
0x130: {  	[hbm4b:s0+s3] =	stream.linear.scatter [tilespmem:s26], [sflag:$0x3], $0x4000, $0x38;
	[tilespmem:$0x18100] =	vst v63  }
0x131: {  	_ =	swait.ge [sflag:s28], $0x4000  }
0x132: {  	[sflag:s28] =	ssyncset.done $0x0  }
0x133: {  	[sflag:s28] =	ssyncadd.s32 $0xFFFFC000  }
.LBB2_8:
0x134: {  	_ =	sfence.sel $0x180000  }
0x135: {  	[bflag:$0x0] =	sbarrier.arrive $0xFFFF  }
0x136: {  	_ =	strace $0x90000047  }
0x137: {  	[bflag:$0x2] =	sbarrier.arrive $0xFFFF  }
0x138: {  	p0 =	sne.s32 s5, $0x0;
	s0 =	rddreg [dreg:$0x3]  }
0x139: {  	s0 =	sadd.s32 @!p0 $0x100000, s0  }
0x13a: {  	[sflag:s0] =	ssyncadd.tile.s32 @!p0 $0x1;
	_ =	shalt  }
.Lfunc_end2:
_tile_overlayer_lowered:
.L_overlay_start_2:
0x13b: {  	(tag) =	ssettag $0x2  }
0x13c: {  	s0 =	rddreg [dreg:$0x0];
	s2 =	stileid.u32  }
0x13d: {  	s1 =	rddreg [dreg:$0x1];
	p0 =	sne.s32 s2, $0x0  }
0x13e: {  	s3 =	rddreg [dreg:$0x2];
	[bflag:$0x3] =	sbarrier.arrive $0xFFFF;
	s2 =	simm.s32 @!p0 $0x1C03  }
0x13f: {  	[timem:s3], [sflag:s2] =	dma.local @!p0 [hbm:s0], s1  }
0x140: {  	s0 =	simm.s32 @!p0 $0x3  }
0x141: {  	_ =	swait.ge @!p0 [sflag:s0], s1  }
0x142: {  	s1 =	ssub.s32 @!p0 $0x0, s1;
	[sflag:s0] =	ssyncset.done @!p0 $0x0  }
0x143: {  	[sflag:s0] =	ssyncadd.s32 @!p0 s1  }
0x144: {  	[bflag:$0x3] =	sbarrier.arrive $0xFFFF  }
0x145: {  	_ =	shalt  }

// kernel: scatter_offload_async_start.1
scs
__scs_entry_jumppad:
0x0: {  	(pc) =	sbr.rel $0x88, $3  }
0x1: {  	(tag) =	ssettag $0x0;
	lr =	simm.s32 $0x1  }
0x2: {  	[smem:$0x3F7C] =	sst lr;
	_ =	strace $0xD0000000  }
0x3: {  	_ = 	snop  }
0x4: {  	_ = 	snop  }
0x5: {  	_ = 	snop  }
0x6: {  	_ = 	snop  }
0x7: {  	_ = 	snop  }
__scs_overlays_trampoline_lowered:
0x8: {  	[smem:$0x3F8B] =	sst s0  }
0x9: {  	[smem:$0x3F8C] =	sst s1  }
0xa: {  	[smem:$0x3F8D] =	sst s2  }
0xb: {  	[smem:$0x3F8E] =	sst s3  }
0xc: {  	[smem:$0x3F8F] =	sst s4  }
0xd: {  	[smem:$0x3F90] =	sst s5  }
0xe: {  	[smem:$0x3F91] =	sst s6  }
0xf: {  	[smem:$0x3F92] =	sst s7  }
0x10: {  	[smem:$0x3F93] =	sst s8  }
0x11: {  	[smem:$0x3F94] =	sst s9;
	s0 =	simm.s32 @!p0 $0x0  }
0x12: {  	s1 =	sld [smem:$0x3F7A];
	s0 =	simm.s32 @p0 $0x1  }
0x13: {  	[smem:$0x3F95] =	sst s0;
	s0 =	simm.s32 @!p1 $0x0  }
0x14: {  	s2 =	sld [smem:$0x3F79];
	s0 =	simm.s32 @p1 $0x1  }
0x15: {  	[smem:$0x3F96] =	sst s0;
	s0 =	simm.s32 @!p2 $0x0  }
0x16: {  	s3 =	sld [smem:$0x3FDB];
	s0 =	simm.s32 @p2 $0x1  }
0x17: {  	s4 =	simm.s32 $0x1BF5;
	[smem:$0x3F98] =	sst s0  }
0x18: {  	s0 =	sld [smem:$0x3F7B];
	_ =	swait.ge [sflag:s4], $0x0  }
0x19: {  	s7 =	sld [smem:$0x3F7C]  }
0x1a: {  	s8 =	sadd.s32 $0xFFFFE003, lr  }
0x1b: {  	s9 =	sadd.s32 $0xFFFFFEF7, lr;
	s5 =	simm.s32 $0xFFFFFFFF;
	p2 =	slt.u32 s8, $0xFFFFF086  }
0x1c: {  	p1 =	slt.u32 s9, $0xF7A;
	s5 =	simm.s32 @!p2 $0x0  }
0x1d: {  	s5 =	simm.s32 @p1 $0x1;
	p0 =	seq.s32 s7, s2  }
0x1e: {  	s7 =	smul.u32 @!p0 $0xF7A, s2;
	p2 =	seq.s32 @!p0 s5, $0x0  }
0x1f: {  	s9 =	smul.u32 $0xF7A, s1;
	s8 =	simm.s32 @!p0 $0x1BF5;
	p2 =	por !p2, p0  }
0x20: {  	[sflag:s8] =	ssyncset.s32 @!p0 $0xFFFFF086;
	s6 =	sadd.s32 @!p0 s3, s7;
	s7 =	simm.s32 @!p0 $0x108  }
0x21: {  	s3 =	sadd.s32 s3, s9;
	s6 =	sadd.s32 @!p0 $0x88, s6;
	s7 =	simm.s32 @p2 $0x1082  }
0x22: {  	[simem:s7], [sflag:s8] =	dma.local @!p0 [hbm:s6], $0xF7A  }
0x23: {  	s9 =	sor.u32 $0xD0000000, s2;
	s6 =	simm.s32 $0x108;
	_ =	swait.ge @!p0 [sflag:s8], $0x0  }
0x24: {  	s3 =	sadd.s32 $0x88, s3;
	s6 =	simm.s32 @!p1 $0x1082;
	[sflag:s4] =	ssyncset.s32 $0xFFFFF086  }
0x25: {  	[simem:s6], [sflag:s4] =	dma.local [hbm:s3], $0xF7A  }
0x26: {  	[smem:$0x3F7C] =	sst s1;
	(tag) =	ssettag s2;
	_ =	strace s9  }
0x27: {  	s1 =	sld [smem:$0x3F8C]  }
0x28: {  	s2 =	sld [smem:$0x3F8D]  }
0x29: {  	s4 =	sld [smem:$0x3F8F]  }
0x2a: {  	p0 =	seq.s32 s5, $0x0;
	s5 =	sld [smem:$0x3F90]  }
0x2b: {  	s6 =	sld [smem:$0x3F91]  }
0x2c: {  	s7 =	sld [smem:$0x3F92]  }
0x2d: {  	s3 =	simm.s32 $0x108;
	s8 =	sld [smem:$0x3F93]  }
0x2e: {  	s3 =	simm.s32 @!p0 $0x1082;
	s9 =	sld [smem:$0x3F94]  }
0x2f: {  	lr =	sadd.s32 s0, s3;
	s0 =	sld [smem:$0x3F8B]  }
0x30: {  	s3 =	sld [smem:$0x3F8E]  }
0x31: {  	[smem:$0x3F97] =	sst s10  }
0x32: {  	s10 =	sld [smem:$0x3F95];
	_ =	sdelay $0x3  }
0x33: {  	p0 =	seq.s32 s10, $0x1;
	s10 =	sld [smem:$0x3F97];
	_ =	sdelay $0x3  }
0x34: {  	[smem:$0x3F97] =	sst s10  }
0x35: {  	s10 =	sld [smem:$0x3F96];
	_ =	sdelay $0x3  }
0x36: {  	p1 =	seq.s32 s10, $0x1;
	s10 =	sld [smem:$0x3F97];
	_ =	sdelay $0x3  }
0x37: {  	[smem:$0x3F97] =	sst s10  }
0x38: {  	s10 =	sld [smem:$0x3F98]  }
0x39: {  	_ = 	snop;
	(pc) =	sbr.ind lr, $3  }
0x3a: {  	_ = 	snop  }
0x3b: {  	_ = 	snop  }
0x3c: {  	p2 =	seq.s32 s10, $0x1;
	s10 =	sld [smem:$0x3F97]  }
0x3d: {  	_ =	shalt  }
0x3e: {  	_ =	shalt  }
0x3f: {  	_ =	shalt  }
0x40: {  	_ =	shalt  }
0x41: {  	_ =	shalt  }
0x42: {  	_ =	shalt  }
0x43: {  	_ =	shalt  }
0x44: {  	_ =	shalt  }
0x45: {  	_ =	shalt  }
0x46: {  	_ =	shalt  }
0x47: {  	_ =	shalt  }
0x48: {  	_ =	shalt  }
0x49: {  	_ =	shalt  }
0x4a: {  	_ =	shalt  }
0x4b: {  	_ =	shalt  }
0x4c: {  	_ =	shalt  }
0x4d: {  	_ =	shalt  }
0x4e: {  	_ =	shalt  }
0x4f: {  	_ =	shalt  }
0x50: {  	_ =	shalt  }
0x51: {  	_ =	shalt  }
0x52: {  	_ =	shalt  }
0x53: {  	_ =	shalt  }
0x54: {  	_ =	shalt  }
0x55: {  	_ =	shalt  }
0x56: {  	_ =	shalt  }
0x57: {  	_ =	shalt  }
0x58: {  	_ =	shalt  }
0x59: {  	_ =	shalt  }
0x5a: {  	_ =	shalt  }
0x5b: {  	_ =	shalt  }
0x5c: {  	_ =	shalt  }
0x5d: {  	_ =	shalt  }
0x5e: {  	_ =	shalt  }
0x5f: {  	_ =	shalt  }
0x60: {  	_ =	shalt  }
0x61: {  	_ =	shalt  }
0x62: {  	_ =	shalt  }
0x63: {  	_ =	shalt  }
0x64: {  	_ =	shalt  }
0x65: {  	_ =	shalt  }
0x66: {  	_ =	shalt  }
0x67: {  	_ =	shalt  }
0x68: {  	_ =	shalt  }
0x69: {  	_ =	shalt  }
0x6a: {  	_ =	shalt  }
0x6b: {  	_ =	shalt  }
0x6c: {  	_ =	shalt  }
0x6d: {  	_ =	shalt  }
0x6e: {  	_ =	shalt  }
0x6f: {  	_ =	shalt  }
0x70: {  	_ =	shalt  }
0x71: {  	_ =	shalt  }
0x72: {  	_ =	shalt  }
0x73: {  	_ =	shalt  }
0x74: {  	_ =	shalt  }
0x75: {  	_ =	shalt  }
0x76: {  	_ =	shalt  }
0x77: {  	_ =	shalt  }
0x78: {  	_ =	shalt  }
0x79: {  	_ =	shalt  }
0x7a: {  	_ =	shalt  }
0x7b: {  	_ =	shalt  }
0x7c: {  	_ =	shalt  }
0x7d: {  	_ =	shalt  }
0x7e: {  	_ =	shalt  }
0x7f: {  	_ =	shalt  }
0x80: {  	_ =	shalt  }
0x81: {  	_ =	shalt  }
0x82: {  	_ =	shalt  }
0x83: {  	_ =	shalt  }
0x84: {  	_ =	shalt  }
0x85: {  	_ =	shalt  }
0x86: {  	_ =	shalt  }
0x87: {  	_ =	shalt  }
.Lfunc_end0:
.L_simem_size_0:
called_computation.1_lowered:
.L_overlay_start_0:
0x88: {  	s2 =	sld [smem:$0x3FD9]  }
0x89: {  	s3 =	sld [smem:$0x3FFE];
	_ =	sdelay $0x1  }
0x8a: {  	s1 =	srdreg.scid  }
0x8b: {  	s0 =	sand.u32 $0x1, s1  }
0x8c: {  	s15 =	sshll.u32 s0, $0xA;
	s2 =	sadd.s32 s3, s2  }
0x8d: {  	s2 =	sadd.s32 s2, s15  }
0x8e: {  	[smem:$0x3FA3] =	sst s2  }
0x8f: {  	_ = 	snop  }
0x90: {  	s2 =	sld [smem:$0x3FD0];
	_ =	sdelay $0x2  }
0x91: {  	s16 =	simm.s32 $0xB;
	s4 =	simm.s32 $0x10  }
0x92: {  	[smem:s4], [sflag:s16] =	dma.local [hbm:s2], $0x1  }
0x93: {  	_ =	swait.eq [sflag:s16], $0x1  }
0x94: {  	[sflag:s16] =	ssyncset.done $0x0  }
0x95: {  	[sflag:s16] =	ssyncadd.s32 $0xFFFFFFFF  }
0x96: {  	s17 =	sld [smem:$0x12];
	(tm) =	ssettm $0x1  }
0x97: {  	s18 =	sld [smem:$0x3FFB];
	_ =	sdelay $0x3  }
0x98: {  	_ =	strace s18  }
0x99: {  	s2 =	sld [smem:$0x3FFC];
	_ =	sdelay $0x3  }
0x9a: {  	_ =	strace s2  }
0x9b: {  	s2 =	sld [smem:$0x3FFD];
	_ =	sdelay $0x3  }
0x9c: {  	_ =	strace s2  }
0x9d: {  	_ =	strace $0x8FFFFFFF  }
0x9e: {  	s19 =	sld [smem:$0x3FDB];
	_ =	sdelay $0x1  }
0x9f: {  	s20 =	simm.s32 $_scs_section_size  }
0xa0: {  	s5 =	simm.s32 $_size__tile_overlayer_lowered;
	s6 =	simm.s32 $_tile_overlayer_lowered  }
0xa1: {  	s7 =	simm.s32 $0x1BFF;
	s21 =	sshll.u32 s6, $0x1;
	s4 =	sadd.s32 s20, s19  }
0xa2: {  	s22 =	simm.s32 $0x0;
	s5 =	sshll.u32 s5, $0x1;
	s6 =	sadd.s32 s21, s4  }
0xa3: {  	[timem:s22], [sflag:s7] =	dma.local [hbm:s6], s5  }
0xa4: {  	_ =	swait.ge [sflag:s7], s5  }
0xa5: {  	s5 =	ssub.s32 $0x0, s5;
	[sflag:s7] =	ssyncset.done $0x0  }
0xa6: {  	[sflag:s7] =	ssyncadd.s32 s5;
	_ =	sdelay $0x1  }
0xa7: {  	s23 =	simm.s32 $0x1B8B  }
0xa8: {  	_ =	swait.ge [sflag:s23], $0x1  }
0xa9: {  	[sflag:s23] =	ssyncset.done $0x0  }
0xaa: {  	[sflag:s23] =	ssyncadd.s32 $0xFFFFFFFF  }
0xab: {  	s5 =	sld [smem:$0x0]  }
0xac: {  	s6 =	sand.u32 $0xFFFFFFFE, s1  }
0xad: {  	p0 =	sne.s32 s1, s6  }
0xae: {  	s6 =	sshll.u32 @p0 s6, $0xE  }
0xaf: {  	s6 =	sadd.s32 @p0 $0x11B8D, s6;
	s7 =	sshll.u32 @p0 s5, $0x11  }
0xb0: {  	s6 =	sor.u32 @p0 s7, s6  }
0xb1: {  	[sflag:s6] =	ssyncadd.remote.s32 @p0 $0x1;
	_ =	sdelay $0x1  }
0xb2: {  	s6 =	simm.s32 @p0 $0x1B8D  }
0xb3: {  	_ =	swait.eq @p0 [sflag:s6], $0x1  }
0xb4: {  	[sflag:s6] =	ssyncadd.s32 @p0 $0xFFFFFFFF  }
0xb5: {  	s7 =	sshll.u32 @!p0 s1, $0xE  }
0xb6: {  	s7 =	sor.u32 @!p0 $0x4000, s7;
	s6 =	simm.s32 @!p0 $0x1B8D  }
0xb7: {  	s8 =	sshll.u32 @!p0 s5, $0x11;
	s7 =	sadd.s32 @!p0 $0x11B8D, s7;
	_ =	swait.eq @!p0 [sflag:s6], $0x1  }
0xb8: {  	[sflag:s6] =	ssyncadd.s32 @!p0 $0xFFFFFFFF;
	s6 =	sor.u32 @!p0 s8, s7  }
0xb9: {  	s25 =	simm.s32 $0x1B8E;
	s24 =	sld [smem:$0x3FFE];
	[sflag:s6] =	ssyncadd.remote.s32 @!p0 $0x1  }
0xba: {  	s26 =	simm.s32 $execute0_lowered;
	[smem:$0x3FD2] =	sst s25  }
0xbb: {  	s7 =	sshll.u32 s26, $0x1;
	_ =	strace $0x8000004C;
	[dreg:$0x1] =	wrdreg $0xFFFFFFFF  }
0xbc: {  	s28 =	simm.s32 $_size_execute0_lowered;
	s4 =	sadd.s32 s4, s7;
	[dreg:$0x0] =	wrdreg $0x0  }
0xbd: {  	s7 =	sshll.u32 s28, $0x1;
	[dreg:$0x2] =	wrdreg s4  }
0xbe: {  	[dreg:$0x3] =	wrdreg s7  }
0xbf: {  	[dreg:$0x4] =	wrdreg $0xC0  }
0xc0: {  	_ =	task [dreg:s22], $0x5FFFF  }
0xc1: {  	[dreg:$0x1] =	wrdreg $0xFFFFFFFF  }
0xc2: {  	[dreg:$0x0] =	wrdreg $0x60  }
0xc3: {  	[dreg:$0x2] =	wrdreg s24  }
0xc4: {  	[dreg:$0x3] =	wrdreg s17  }
0xc5: {  	[dreg:$0x4] =	wrdreg s1  }
0xc6: {  	[dreg:$0x5] =	wrdreg s5  }
0xc7: {  	[dreg:$0x6] =	wrdreg $0x9  }
0xc8: {  	_ =	task.clear_ibuf [dreg:s22], $0x7FFFF;
	_ =	strace $0x9000004C  }
0xc9: {  	s29 =	simm.s32 $0x9;
	_ =	strace $0x8000004E  }
0xca: {  	_ =	swait.ge [sflag:s29], $0x1  }
0xcb: {  	[sflag:s29] =	ssyncadd.s32 $0xFFFFFFFF  }
0xcc: {  	_ =	strace $0x9000004E  }
0xcd: {  	_ =	sfence  }
0xce: {  	s30 =	sld [smem:$0x0];
	_ =	sdelay $0x2  }
0xcf: {  	s31 =	sshll.u32 s1, $0xD;
	s1 =	sshrl.u32 s1, $0x2  }
0xd0: {  	s4 =	sand.u32 $0x4000, s31;
	s1 =	sadd.s32 s1, s30  }
0xd1: {  	s0 =	sor.u32 s4, s0;
	s1 =	sshll.u32 s1, $0x11  }
0xd2: {  	s0 =	sor.u32 s1, s0  }
0xd3: {  	s0 =	sadd.s32 $0x8F2B, s0  }
0xd4: {  	[sflag:s0] =	ssyncadd.remote.s32 $0x1  }
0xd5: {  	_ =	sfence.sel $0xFFFF  }
0xd6: {  	[dreg:$0x0] =	wrdreg $0xFFFFFFFF;
	(pc) =	sbr.abs _section_cstart, $3  }
0xd7: {  	[dreg:$0x1] =	wrdreg $0xFFFFFFFF  }
0xd8: {  	_ =	task.clear_ibuf [dreg:s22], $0x2FFFF;
	_ =	strace $0x9FFFFFFF  }
0xd9: {  	(tm) =	ssettm $0x7FFFFFFF  }
tec
execute0_lowered:
.L_overlay_start_1:
0x0: {  	(tag) =	ssettag $0x1  }
0x1: {  	s12 =	rddreg [dreg:$0x0]  }
0x2: {  	s14 =	rddreg [dreg:$0x1]  }
0x3: {  	s2 =	rddreg [dreg:$0x2];
	_ =	strace $0x8000004D;
	s13 =	simm.s32 $0x1  }
0x4: {  	v0 =	vimm.s32 $0x0;
	[sflag:s13] =	ssyncpa.u1 $0x0  }
0x5: {  	[tilespmem:$0x28] =	vst v0  }
0x6: {  	[tilespmem:$0x38] =	vst v0  }
0x7: {  	[tilespmem:$0x48] =	vst v0  }
0x8: {  	[tilespmem:$0x58] =	vst v0  }
0x9: {  	[tilespmem:$0x68] =	vst v0  }
0xa: {  	[tilespmem:$0x78] =	vst v0  }
0xb: {  	[tilespmem:$0x88] =	vst v0  }
0xc: {  	[tilespmem:$0x98] =	vst v0  }
0xd: {  	[tilespmem:$0xA8] =	vst v0  }
0xe: {  	[tilespmem:$0xB8] =	vst v0  }
0xf: {  	[tilespmem:$0xC8] =	vst v0  }
0x10: {  	[tilespmem:$0xD8] =	vst v0  }
0x11: {  	[tilespmem:$0xE8] =	vst v0  }
0x12: {  	[tilespmem:$0xF8] =	vst v0  }
0x13: {  	[tilespmem:$0x108] =	vst v0  }
0x14: {  	[tilespmem:$0x118] =	vst v0  }
0x15: {  	[tilespmem:$0x128] =	vst v0  }
0x16: {  	[tilespmem:$0x138] =	vst v0  }
0x17: {  	[tilespmem:$0x148] =	vst v0  }
0x18: {  	[tilespmem:$0x158] =	vst v0  }
0x19: {  	[tilespmem:$0x168] =	vst v0  }
0x1a: {  	[tilespmem:$0x178] =	vst v0  }
0x1b: {  	[tilespmem:$0x188] =	vst v0  }
0x1c: {  	[tilespmem:$0x198] =	vst v0  }
0x1d: {  	[tilespmem:$0x1A8] =	vst v0  }
0x1e: {  	[tilespmem:$0x1B8] =	vst v0  }
0x1f: {  	[tilespmem:$0x1C8] =	vst v0  }
0x20: {  	[tilespmem:$0x1D8] =	vst v0  }
0x21: {  	[tilespmem:$0x1E8] =	vst v0  }
0x22: {  	[tilespmem:$0x1F8] =	vst v0  }
0x23: {  	[tilespmem:$0x208] =	vst v0  }
0x24: {  	[tilespmem:$0x218] =	vst v0  }
0x25: {  	[tilespmem:$0x228] =	vst v0  }
0x26: {  	[tilespmem:$0x238] =	vst v0  }
0x27: {  	[tilespmem:$0x248] =	vst v0  }
0x28: {  	[tilespmem:$0x258] =	vst v0  }
0x29: {  	[tilespmem:$0x268] =	vst v0  }
0x2a: {  	[tilespmem:$0x278] =	vst v0  }
0x2b: {  	[tilespmem:$0x288] =	vst v0  }
0x2c: {  	[tilespmem:$0x298] =	vst v0  }
0x2d: {  	[tilespmem:$0x2A8] =	vst v0  }
0x2e: {  	[tilespmem:$0x2B8] =	vst v0  }
0x2f: {  	[tilespmem:$0x2C8] =	vst v0  }
0x30: {  	[tilespmem:$0x2D8] =	vst v0  }
0x31: {  	[tilespmem:$0x2E8] =	vst v0  }
0x32: {  	[tilespmem:$0x2F8] =	vst v0  }
0x33: {  	[tilespmem:$0x308] =	vst v0  }
0x34: {  	[tilespmem:$0x318] =	vst v0  }
0x35: {  	[tilespmem:$0x328] =	vst v0  }
0x36: {  	[tilespmem:$0x338] =	vst v0  }
0x37: {  	[tilespmem:$0x348] =	vst v0  }
0x38: {  	[tilespmem:$0x358] =	vst v0  }
0x39: {  	[tilespmem:$0x368] =	vst v0  }
0x3a: {  	[tilespmem:$0x378] =	vst v0  }
0x3b: {  	[tilespmem:$0x388] =	vst v0  }
0x3c: {  	[tilespmem:$0x398] =	vst v0  }
0x3d: {  	[tilespmem:$0x3A8] =	vst v0  }
0x3e: {  	[tilespmem:$0x3B8] =	vst v0  }
0x3f: {  	[tilespmem:$0x3C8] =	vst v0  }
0x40: {  	[tilespmem:$0x3D8] =	vst v0  }
0x41: {  	[tilespmem:$0x3E8] =	vst v0  }
0x42: {  	[tilespmem:$0x3F8] =	vst v0  }
0x43: {  	[tilespmem:$0x408] =	vst v0  }
0x44: {  	[tilespmem:$0x418] =	vst v0  }
0x45: {  	[tilespmem:$0x428] =	vst v0  }
0x46: {  	[tilespmem:$0x438] =	vst v0  }
0x47: {  	[tilespmem:$0x448] =	vst v0  }
0x48: {  	[tilespmem:$0x458] =	vst v0  }
0x49: {  	[tilespmem:$0x468] =	vst v0  }
0x4a: {  	[tilespmem:$0x478] =	vst v0  }
0x4b: {  	[tilespmem:$0x488] =	vst v0  }
0x4c: {  	[tilespmem:$0x498] =	vst v0  }
0x4d: {  	[tilespmem:$0x4A8] =	vst v0  }
0x4e: {  	[tilespmem:$0x4B8] =	vst v0  }
0x4f: {  	[tilespmem:$0x4C8] =	vst v0  }
0x50: {  	[tilespmem:$0x4D8] =	vst v0  }
0x51: {  	[tilespmem:$0x4E8] =	vst v0  }
0x52: {  	[tilespmem:$0x4F8] =	vst v0  }
0x53: {  	[tilespmem:$0x508] =	vst v0  }
0x54: {  	[tilespmem:$0x518] =	vst v0  }
0x55: {  	[tilespmem:$0x528] =	vst v0  }
0x56: {  	[tilespmem:$0x538] =	vst v0  }
0x57: {  	[tilespmem:$0x548] =	vst v0  }
0x58: {  	[tilespmem:$0x558] =	vst v0  }
0x59: {  	[tilespmem:$0x568] =	vst v0  }
0x5a: {  	[tilespmem:$0x578] =	vst v0  }
0x5b: {  	[tilespmem:$0x588] =	vst v0  }
0x5c: {  	[tilespmem:$0x598] =	vst v0  }
0x5d: {  	[tilespmem:$0x5A8] =	vst v0  }
0x5e: {  	[tilespmem:$0x5B8] =	vst v0  }
0x5f: {  	[tilespmem:$0x5C8] =	vst v0  }
0x60: {  	[tilespmem:$0x5D8] =	vst v0  }
0x61: {  	[tilespmem:$0x5E8] =	vst v0  }
0x62: {  	[tilespmem:$0x5F8] =	vst v0  }
0x63: {  	[tilespmem:$0x608] =	vst v0  }
0x64: {  	[tilespmem:$0x618] =	vst v0  }
0x65: {  	[tilespmem:$0x628] =	vst v0  }
0x66: {  	[tilespmem:$0x638] =	vst v0  }
0x67: {  	[tilespmem:$0x648] =	vst v0  }
0x68: {  	[tilespmem:$0x658] =	vst v0  }
0x69: {  	[tilespmem:$0x668] =	vst v0  }
0x6a: {  	[tilespmem:$0x678] =	vst v0  }
0x6b: {  	[tilespmem:$0x688] =	vst v0  }
0x6c: {  	[tilespmem:$0x698] =	vst v0  }
0x6d: {  	[tilespmem:$0x6A8] =	vst v0  }
0x6e: {  	[tilespmem:$0x6B8] =	vst v0  }
0x6f: {  	[tilespmem:$0x6C8] =	vst v0  }
0x70: {  	[tilespmem:$0x6D8] =	vst v0  }
0x71: {  	[tilespmem:$0x6E8] =	vst v0  }
0x72: {  	[tilespmem:$0x6F8] =	vst v0  }
0x73: {  	[tilespmem:$0x708] =	vst v0  }
0x74: {  	[tilespmem:$0x718] =	vst v0  }
0x75: {  	[tilespmem:$0x728] =	vst v0  }
0x76: {  	[tilespmem:$0x738] =	vst v0  }
0x77: {  	[tilespmem:$0x748] =	vst v0  }
0x78: {  	[tilespmem:$0x758] =	vst v0  }
0x79: {  	[tilespmem:$0x768] =	vst v0  }
0x7a: {  	[tilespmem:$0x778] =	vst v0  }
0x7b: {  	[tilespmem:$0x788] =	vst v0  }
0x7c: {  	[tilespmem:$0x798] =	vst v0  }
0x7d: {  	[tilespmem:$0x7A8] =	vst v0  }
0x7e: {  	[tilespmem:$0x7B8] =	vst v0  }
0x7f: {  	[tilespmem:$0x7C8] =	vst v0  }
0x80: {  	[tilespmem:$0x7D8] =	vst v0  }
0x81: {  	[tilespmem:$0x7E8] =	vst v0  }
0x82: {  	[tilespmem:$0x7F8] =	vst v0  }
0x83: {  	[tilespmem:$0x808] =	vst v0  }
0x84: {  	[tilespmem:$0x818] =	vst v0  }
0x85: {  	[tilespmem:$0x828] =	vst v0  }
0x86: {  	[tilespmem:$0x838] =	vst v0  }
0x87: {  	[tilespmem:$0x848] =	vst v0  }
0x88: {  	[tilespmem:$0x858] =	vst v0  }
0x89: {  	[tilespmem:$0x868] =	vst v0  }
0x8a: {  	[tilespmem:$0x878] =	vst v0  }
0x8b: {  	[tilespmem:$0x888] =	vst v0  }
0x8c: {  	[tilespmem:$0x898] =	vst v0  }
0x8d: {  	[tilespmem:$0x8A8] =	vst v0  }
0x8e: {  	[tilespmem:$0x8B8] =	vst v0  }
0x8f: {  	[tilespmem:$0x8C8] =	vst v0  }
0x90: {  	[tilespmem:$0x8D8] =	vst v0  }
0x91: {  	[tilespmem:$0x8E8] =	vst v0  }
0x92: {  	[tilespmem:$0x8F8] =	vst v0  }
0x93: {  	[tilespmem:$0x908] =	vst v0  }
0x94: {  	[tilespmem:$0x918] =	vst v0  }
0x95: {  	[tilespmem:$0x928] =	vst v0  }
0x96: {  	[tilespmem:$0x938] =	vst v0  }
0x97: {  	[tilespmem:$0x948] =	vst v0  }
0x98: {  	[tilespmem:$0x958] =	vst v0  }
0x99: {  	[tilespmem:$0x968] =	vst v0  }
0x9a: {  	[tilespmem:$0x978] =	vst v0  }
0x9b: {  	[tilespmem:$0x988] =	vst v0  }
0x9c: {  	[tilespmem:$0x998] =	vst v0  }
0x9d: {  	[tilespmem:$0x9A8] =	vst v0  }
0x9e: {  	[tilespmem:$0x9B8] =	vst v0  }
0x9f: {  	[tilespmem:$0x9C8] =	vst v0  }
0xa0: {  	[tilespmem:$0x9D8] =	vst v0  }
0xa1: {  	[tilespmem:$0x9E8] =	vst v0  }
0xa2: {  	[tilespmem:$0x9F8] =	vst v0  }
0xa3: {  	[tilespmem:$0xA08] =	vst v0  }
0xa4: {  	[tilespmem:$0xA18] =	vst v0  }
0xa5: {  	[tilespmem:$0xA28] =	vst v0  }
0xa6: {  	[tilespmem:$0xA38] =	vst v0  }
0xa7: {  	[tilespmem:$0xA48] =	vst v0  }
0xa8: {  	[tilespmem:$0xA58] =	vst v0  }
0xa9: {  	[tilespmem:$0xA68] =	vst v0  }
0xaa: {  	[tilespmem:$0xA78] =	vst v0  }
0xab: {  	[tilespmem:$0xA88] =	vst v0  }
0xac: {  	[tilespmem:$0xA98] =	vst v0  }
0xad: {  	[tilespmem:$0xAA8] =	vst v0  }
0xae: {  	[tilespmem:$0xAB8] =	vst v0  }
0xaf: {  	[tilespmem:$0xAC8] =	vst v0  }
0xb0: {  	[tilespmem:$0xAD8] =	vst v0  }
0xb1: {  	[tilespmem:$0xAE8] =	vst v0  }
0xb2: {  	[tilespmem:$0xAF8] =	vst v0  }
0xb3: {  	[tilespmem:$0xB08] =	vst v0  }
0xb4: {  	[tilespmem:$0xB18] =	vst v0  }
0xb5: {  	[tilespmem:$0xB28] =	vst v0  }
0xb6: {  	[tilespmem:$0xB38] =	vst v0  }
0xb7: {  	[tilespmem:$0xB48] =	vst v0  }
0xb8: {  	[tilespmem:$0xB58] =	vst v0  }
0xb9: {  	[tilespmem:$0xB68] =	vst v0  }
0xba: {  	[tilespmem:$0xB78] =	vst v0  }
0xbb: {  	[tilespmem:$0xB88] =	vst v0  }
0xbc: {  	[tilespmem:$0xB98] =	vst v0  }
0xbd: {  	[tilespmem:$0xBA8] =	vst v0  }
0xbe: {  	[tilespmem:$0xBB8] =	vst v0  }
0xbf: {  	[tilespmem:$0xBC8] =	vst v0  }
0xc0: {  	[tilespmem:$0xBD8] =	vst v0  }
0xc1: {  	[tilespmem:$0xBE8] =	vst v0  }
0xc2: {  	[tilespmem:$0xBF8] =	vst v0  }
0xc3: {  	[tilespmem:$0xC08] =	vst v0  }
0xc4: {  	[tilespmem:$0xC18] =	vst v0  }
0xc5: {  	[tilespmem:$0xC28] =	vst v0  }
0xc6: {  	[tilespmem:$0xC38] =	vst v0  }
0xc7: {  	[tilespmem:$0xC48] =	vst v0  }
0xc8: {  	[tilespmem:$0xC58] =	vst v0  }
0xc9: {  	[tilespmem:$0xC68] =	vst v0  }
0xca: {  	[tilespmem:$0xC78] =	vst v0  }
0xcb: {  	[tilespmem:$0xC88] =	vst v0  }
0xcc: {  	[tilespmem:$0xC98] =	vst v0  }
0xcd: {  	[tilespmem:$0xCA8] =	vst v0  }
0xce: {  	[tilespmem:$0xCB8] =	vst v0  }
0xcf: {  	[tilespmem:$0xCC8] =	vst v0  }
0xd0: {  	[tilespmem:$0xCD8] =	vst v0  }
0xd1: {  	[tilespmem:$0xCE8] =	vst v0  }
0xd2: {  	[tilespmem:$0xCF8] =	vst v0  }
0xd3: {  	[tilespmem:$0xD08] =	vst v0  }
0xd4: {  	[tilespmem:$0xD18] =	vst v0  }
0xd5: {  	[tilespmem:$0xD28] =	vst v0  }
0xd6: {  	[tilespmem:$0xD38] =	vst v0  }
0xd7: {  	[tilespmem:$0xD48] =	vst v0  }
0xd8: {  	[tilespmem:$0xD58] =	vst v0  }
0xd9: {  	[tilespmem:$0xD68] =	vst v0  }
0xda: {  	[tilespmem:$0xD78] =	vst v0  }
0xdb: {  	[tilespmem:$0xD88] =	vst v0  }
0xdc: {  	[tilespmem:$0xD98] =	vst v0  }
0xdd: {  	[tilespmem:$0xDA8] =	vst v0  }
0xde: {  	[tilespmem:$0xDB8] =	vst v0  }
0xdf: {  	[tilespmem:$0xDC8] =	vst v0  }
0xe0: {  	[tilespmem:$0xDD8] =	vst v0  }
0xe1: {  	[tilespmem:$0xDE8] =	vst v0  }
0xe2: {  	[tilespmem:$0xDF8] =	vst v0  }
0xe3: {  	[tilespmem:$0xE08] =	vst v0  }
0xe4: {  	[tilespmem:$0xE18] =	vst v0  }
0xe5: {  	[tilespmem:$0xE28] =	vst v0  }
0xe6: {  	[tilespmem:$0xE38] =	vst v0  }
0xe7: {  	[tilespmem:$0xE48] =	vst v0  }
0xe8: {  	[tilespmem:$0xE58] =	vst v0  }
0xe9: {  	[tilespmem:$0xE68] =	vst v0  }
0xea: {  	[tilespmem:$0xE78] =	vst v0  }
0xeb: {  	[tilespmem:$0xE88] =	vst v0  }
0xec: {  	[tilespmem:$0xE98] =	vst v0  }
0xed: {  	[tilespmem:$0xEA8] =	vst v0  }
0xee: {  	[tilespmem:$0xEB8] =	vst v0  }
0xef: {  	[tilespmem:$0xEC8] =	vst v0  }
0xf0: {  	[tilespmem:$0xED8] =	vst v0  }
0xf1: {  	[tilespmem:$0xEE8] =	vst v0  }
0xf2: {  	[tilespmem:$0xEF8] =	vst v0  }
0xf3: {  	[tilespmem:$0xF08] =	vst v0  }
0xf4: {  	[tilespmem:$0xF18] =	vst v0  }
0xf5: {  	[tilespmem:$0xF28] =	vst v0  }
0xf6: {  	[tilespmem:$0xF38] =	vst v0  }
0xf7: {  	[tilespmem:$0xF48] =	vst v0  }
0xf8: {  	[tilespmem:$0xF58] =	vst v0  }
0xf9: {  	[tilespmem:$0xF68] =	vst v0  }
0xfa: {  	[tilespmem:$0xF78] =	vst v0  }
0xfb: {  	[tilespmem:$0xF88] =	vst v0  }
0xfc: {  	[tilespmem:$0xF98] =	vst v0  }
0xfd: {  	[tilespmem:$0xFA8] =	vst v0  }
0xfe: {  	[tilespmem:$0xFB8] =	vst v0  }
0xff: {  	[tilespmem:$0xFC8] =	vst v0  }
0x100: {  	[tilespmem:$0xFD8] =	vst v0  }
0x101: {  	[tilespmem:$0xFE8] =	vst v0  }
0x102: {  	[tilespmem:$0xFF8] =	vst v0  }
0x103: {  	[tilespmem:$0x1018] =	vst v0  }
0x104: {  	[tilespmem:$0x10D8] =	vst v0  }
0x105: {  	[tilespmem:$0x1048] =	vst v0  }
0x106: {  	[tilespmem:$0x1B28] =	vst v0  }
0x107: {  	[tilespmem:$0x1B18] =	vst v0  }
0x108: {  	[tilespmem:$0x1B08] =	vst v0  }
0x109: {  	[tilespmem:$0x1AF8] =	vst v0  }
0x10a: {  	[tilespmem:$0x1AE8] =	vst v0  }
0x10b: {  	[tilespmem:$0x1AD8] =	vst v0  }
0x10c: {  	[tilespmem:$0x1AC8] =	vst v0  }
0x10d: {  	[tilespmem:$0x1AB8] =	vst v0  }
0x10e: {  	[tilespmem:$0x1AA8] =	vst v0  }
0x10f: {  	[tilespmem:$0x1A98] =	vst v0  }
0x110: {  	[tilespmem:$0x1A88] =	vst v0  }
0x111: {  	[tilespmem:$0x1A78] =	vst v0  }
0x112: {  	[tilespmem:$0x1A68] =	vst v0  }
0x113: {  	[tilespmem:$0x1A58] =	vst v0  }
0x114: {  	[tilespmem:$0x1A48] =	vst v0  }
0x115: {  	[tilespmem:$0x1A38] =	vst v0  }
0x116: {  	[tilespmem:$0x1A28] =	vst v0  }
0x117: {  	[tilespmem:$0x1A18] =	vst v0  }
0x118: {  	[tilespmem:$0x1A08] =	vst v0  }
0x119: {  	[tilespmem:$0x19F8] =	vst v0  }
0x11a: {  	[tilespmem:$0x19E8] =	vst v0  }
0x11b: {  	[tilespmem:$0x19D8] =	vst v0  }
0x11c: {  	[tilespmem:$0x19C8] =	vst v0  }
0x11d: {  	[tilespmem:$0x19B8] =	vst v0  }
0x11e: {  	[tilespmem:$0x19A8] =	vst v0  }
0x11f: {  	[tilespmem:$0x1998] =	vst v0  }
0x120: {  	[tilespmem:$0x1988] =	vst v0  }
0x121: {  	[tilespmem:$0x1978] =	vst v0  }
0x122: {  	[tilespmem:$0x1968] =	vst v0  }
0x123: {  	[tilespmem:$0x1958] =	vst v0  }
0x124: {  	[tilespmem:$0x1948] =	vst v0  }
0x125: {  	[tilespmem:$0x1938] =	vst v0  }
0x126: {  	[tilespmem:$0x1928] =	vst v0  }
0x127: {  	[tilespmem:$0x1918] =	vst v0  }
0x128: {  	[tilespmem:$0x1908] =	vst v0  }
0x129: {  	[tilespmem:$0x18F8] =	vst v0  }
0x12a: {  	[tilespmem:$0x18E8] =	vst v0  }
0x12b: {  	[tilespmem:$0x18D8] =	vst v0  }
0x12c: {  	[tilespmem:$0x18C8] =	vst v0  }
0x12d: {  	[tilespmem:$0x18B8] =	vst v0  }
0x12e: {  	[tilespmem:$0x18A8] =	vst v0  }
0x12f: {  	[tilespmem:$0x1898] =	vst v0  }
0x130: {  	[tilespmem:$0x1888] =	vst v0  }
0x131: {  	[tilespmem:$0x1878] =	vst v0  }
0x132: {  	[tilespmem:$0x1868] =	vst v0  }
0x133: {  	[tilespmem:$0x1858] =	vst v0  }
0x134: {  	[tilespmem:$0x1848] =	vst v0  }
0x135: {  	[tilespmem:$0x1838] =	vst v0  }
0x136: {  	[tilespmem:$0x1828] =	vst v0  }
0x137: {  	[tilespmem:$0x1818] =	vst v0  }
0x138: {  	[tilespmem:$0x1808] =	vst v0  }
0x139: {  	[tilespmem:$0x17F8] =	vst v0  }
0x13a: {  	[tilespmem:$0x17E8] =	vst v0  }
0x13b: {  	[tilespmem:$0x17D8] =	vst v0  }
0x13c: {  	[tilespmem:$0x17C8] =	vst v0  }
0x13d: {  	[tilespmem:$0x17B8] =	vst v0  }
0x13e: {  	[tilespmem:$0x17A8] =	vst v0  }
0x13f: {  	[tilespmem:$0x1798] =	vst v0  }
0x140: {  	[tilespmem:$0x1788] =	vst v0  }
0x141: {  	[tilespmem:$0x1778] =	vst v0  }
0x142: {  	[tilespmem:$0x1768] =	vst v0  }
0x143: {  	[tilespmem:$0x1758] =	vst v0  }
0x144: {  	[tilespmem:$0x1748] =	vst v0  }
0x145: {  	[tilespmem:$0x1738] =	vst v0  }
0x146: {  	[tilespmem:$0x1728] =	vst v0  }
0x147: {  	[tilespmem:$0x1718] =	vst v0  }
0x148: {  	[tilespmem:$0x1708] =	vst v0  }
0x149: {  	[tilespmem:$0x16F8] =	vst v0  }
0x14a: {  	[tilespmem:$0x16E8] =	vst v0  }
0x14b: {  	[tilespmem:$0x16D8] =	vst v0  }
0x14c: {  	[tilespmem:$0x16C8] =	vst v0  }
0x14d: {  	[tilespmem:$0x16B8] =	vst v0  }
0x14e: {  	[tilespmem:$0x16A8] =	vst v0  }
0x14f: {  	[tilespmem:$0x1698] =	vst v0  }
0x150: {  	[tilespmem:$0x1688] =	vst v0  }
0x151: {  	[tilespmem:$0x1678] =	vst v0  }
0x152: {  	[tilespmem:$0x1668] =	vst v0  }
0x153: {  	[tilespmem:$0x1658] =	vst v0  }
0x154: {  	[tilespmem:$0x1648] =	vst v0  }
0x155: {  	[tilespmem:$0x1638] =	vst v0  }
0x156: {  	[tilespmem:$0x1628] =	vst v0  }
0x157: {  	[tilespmem:$0x1618] =	vst v0  }
0x158: {  	[tilespmem:$0x1608] =	vst v0  }
0x159: {  	[tilespmem:$0x15F8] =	vst v0  }
0x15a: {  	[tilespmem:$0x15E8] =	vst v0  }
0x15b: {  	[tilespmem:$0x15D8] =	vst v0  }
0x15c: {  	[tilespmem:$0x15C8] =	vst v0  }
0x15d: {  	[tilespmem:$0x15B8] =	vst v0  }
0x15e: {  	[tilespmem:$0x15A8] =	vst v0  }
0x15f: {  	[tilespmem:$0x1598] =	vst v0  }
0x160: {  	[tilespmem:$0x1588] =	vst v0  }
0x161: {  	[tilespmem:$0x1578] =	vst v0  }
0x162: {  	[tilespmem:$0x1568] =	vst v0  }
0x163: {  	[tilespmem:$0x1558] =	vst v0  }
0x164: {  	[tilespmem:$0x1548] =	vst v0  }
0x165: {  	[tilespmem:$0x1538] =	vst v0  }
0x166: {  	[tilespmem:$0x1528] =	vst v0  }
0x167: {  	[tilespmem:$0x1518] =	vst v0  }
0x168: {  	[tilespmem:$0x1508] =	vst v0  }
0x169: {  	[tilespmem:$0x14F8] =	vst v0  }
0x16a: {  	[tilespmem:$0x14E8] =	vst v0  }
0x16b: {  	[tilespmem:$0x14D8] =	vst v0  }
0x16c: {  	[tilespmem:$0x14C8] =	vst v0  }
0x16d: {  	[tilespmem:$0x14B8] =	vst v0  }
0x16e: {  	[tilespmem:$0x14A8] =	vst v0  }
0x16f: {  	[tilespmem:$0x1498] =	vst v0  }
0x170: {  	[tilespmem:$0x1488] =	vst v0  }
0x171: {  	[tilespmem:$0x1478] =	vst v0  }
0x172: {  	[tilespmem:$0x1468] =	vst v0  }
0x173: {  	[tilespmem:$0x1458] =	vst v0  }
0x174: {  	[tilespmem:$0x1448] =	vst v0  }
0x175: {  	[tilespmem:$0x1438] =	vst v0  }
0x176: {  	[tilespmem:$0x1428] =	vst v0  }
0x177: {  	[tilespmem:$0x1418] =	vst v0  }
0x178: {  	[tilespmem:$0x1408] =	vst v0  }
0x179: {  	[tilespmem:$0x13F8] =	vst v0  }
0x17a: {  	[tilespmem:$0x13E8] =	vst v0  }
0x17b: {  	[tilespmem:$0x13D8] =	vst v0  }
0x17c: {  	[tilespmem:$0x13C8] =	vst v0  }
0x17d: {  	[tilespmem:$0x13B8] =	vst v0  }
0x17e: {  	[tilespmem:$0x13A8] =	vst v0  }
0x17f: {  	[tilespmem:$0x1398] =	vst v0  }
0x180: {  	[tilespmem:$0x1388] =	vst v0  }
0x181: {  	[tilespmem:$0x1378] =	vst v0  }
0x182: {  	[tilespmem:$0x1368] =	vst v0  }
0x183: {  	[tilespmem:$0x1358] =	vst v0  }
0x184: {  	[tilespmem:$0x1348] =	vst v0  }
0x185: {  	[tilespmem:$0x1338] =	vst v0  }
0x186: {  	[tilespmem:$0x1328] =	vst v0  }
0x187: {  	[tilespmem:$0x1318] =	vst v0  }
0x188: {  	[tilespmem:$0x1308] =	vst v0  }
0x189: {  	[tilespmem:$0x12F8] =	vst v0  }
0x18a: {  	[tilespmem:$0x12E8] =	vst v0  }
0x18b: {  	[tilespmem:$0x12D8] =	vst v0  }
0x18c: {  	[tilespmem:$0x12C8] =	vst v0  }
0x18d: {  	[tilespmem:$0x12B8] =	vst v0  }
0x18e: {  	[tilespmem:$0x12A8] =	vst v0  }
0x18f: {  	[tilespmem:$0x1298] =	vst v0  }
0x190: {  	[tilespmem:$0x1288] =	vst v0  }
0x191: {  	[tilespmem:$0x1278] =	vst v0  }
0x192: {  	[tilespmem:$0x1268] =	vst v0  }
0x193: {  	[tilespmem:$0x1258] =	vst v0  }
0x194: {  	[tilespmem:$0x1248] =	vst v0  }
0x195: {  	[tilespmem:$0x1238] =	vst v0  }
0x196: {  	[tilespmem:$0x1228] =	vst v0  }
0x197: {  	[tilespmem:$0x1218] =	vst v0  }
0x198: {  	[tilespmem:$0x1208] =	vst v0  }
0x199: {  	[tilespmem:$0x11F8] =	vst v0  }
0x19a: {  	[tilespmem:$0x11E8] =	vst v0  }
0x19b: {  	[tilespmem:$0x11D8] =	vst v0  }
0x19c: {  	[tilespmem:$0x11C8] =	vst v0  }
0x19d: {  	[tilespmem:$0x11B8] =	vst v0  }
0x19e: {  	[tilespmem:$0x11A8] =	vst v0  }
0x19f: {  	[tilespmem:$0x1198] =	vst v0  }
0x1a0: {  	[tilespmem:$0x1188] =	vst v0  }
0x1a1: {  	[tilespmem:$0x1178] =	vst v0  }
0x1a2: {  	[tilespmem:$0x1168] =	vst v0  }
0x1a3: {  	[tilespmem:$0x1158] =	vst v0  }
0x1a4: {  	[tilespmem:$0x1148] =	vst v0  }
0x1a5: {  	[tilespmem:$0x1138] =	vst v0  }
0x1a6: {  	[tilespmem:$0x1128] =	vst v0  }
0x1a7: {  	s4 =	stileid.u32;
	[tilespmem:$0x1118] =	vst v0  }
0x1a8: {  	s0 =	smul.u32 $0x17, s4;
	[tilespmem:$0x1108] =	vst v0  }
0x1a9: {  	s1 =	smin.u32 s4, $0x3;
	[tilespmem:$0x10F8] =	vst v0  }
0x1aa: {  	[tilespmem:$0x10E8] =	vst v0;
	s0 =	sadd.s32 s1, s0  }
0x1ab: {  	p0 =	slt.u32 s4, $0x3;
	[tilespmem:$0x10B8] =	vst v0;
	s1 =	simm.s32 $0x2880;
	s6 =	smul.u32 $0x1B0, s0  }
0x1ac: {  	s1 =	simm.s32 @!p0 $0x26D0;
	[tilespmem:$0x10C8] =	vst v0  }
0x1ad: {  	[tilespmem:$0x10A8] =	vst v0;
	s0 =	sadd.s32 s1, s6  }
0x1ae: {  	s8 =	simm.s32 $0x2;
	s28 =	simm.s32 $0x9;
	[tilespmem:$0x1038] =	vst v0;
	s7 =	smin.u32 s0, $0x27100  }
0x1af: {  	s11 =	simm.s32 $0xA;
	s29 =	simm.s32 $0xB;
	[tilespmem:$0x1098] =	vst v0;
	s0 =	ssub.s32 s7, s6  }
0x1b0: {  	s16 =	simm.s32 $0x0;
	p4 =	por $0x0, $0x0;
	[tilespmem:$0x1088] =	vst v0;
	p0 =	sgt.s32 s0, $0x0  }
0x1b1: {  	s17 =	simm.s32 $0xC;
	s21 =	simm.s32 $0x0;
	[tilespmem:$0x1078] =	vst v0;
	s0 =	simm.s32 @!p0 $0x0  }
0x1b2: {  	s18 =	simm.s32 $0x0;
	s20 =	simm.s32 $0x0;
	[tilespmem:$0x1068] =	vst v0;
	s25 =	smulhi.u32 $0x4BDA12F7, s0  }
0x1b3: {  	s3 =	sadd.s32 $0x9FB800, s12;
	s5 =	sand.u32 $0x1, s2;
	s9 =	sadd.s32 $0x18EFA00, s12;
	[tilespmem:$0x1058] =	vst v0  }
0x1b4: {  	[dreg:$0x6] =	wrdreg s5;
	s5 =	smul.u32 $0x4E20, s5;
	[tilespmem:$0x1028] =	vst v0;
	s1 =	sshrl.u32 s25, $0x7  }
0x1b5: {  	s31 =	sshll.u32 s4, $0x5;
	[tilespmem:$0x1008] =	vst v0;
	[sflag:s8] =	ssyncpa.u1 $0x0;
	v0 =	vimm.s32 $0xFFFFFFFF;
	s26 =	smul.u32 $0x1B0, s1  }
.Ltmp0:
0x1b6: {  	[dreg:$0x5] =	wrdreg s31;
	[tilespmem:$0x3648] =	vst v0;
	[sflag:s28] =	ssyncpa.u1 $0x0;
	(pc) =	sbr.rel .LBB2_1-.Ltmp0, $4  }
0x1b7: {  	[sflag:s11] =	ssyncpa.u1 $0x0;
	s30 =	sadd.s32 s5, s12;
	p0 =	sne.s32 s0, s26  }
0x1b8: {  	s15 =	sadd.s32 s5, s14;
	[sflag:s29] =	ssyncpa.u1 $0x0;
	s13 =	simm.s32 @!p0 $0x0  }
0x1b9: {  	s8 =	sadd.s32 $0x6800, s30;
	s19 =	smov.u32 s6;
	s12 =	sadd.s32 s13, s1  }
0x1ba: {  	v0 =	vlaneseq.u32;
	[dreg:$0x7] =	wrdreg s6;
	p0 =	por $0x1, $0x1;
	s4 =	sadd.s32 $0x1, s12  }
.LBB2_18:
0x1bb: {  	s0 =	simm.s32 $0x2  }
0x1bc: {  	_ =	swait.ge [sflag:s0], $0x0  }
0x1bd: {  	[sflag:s0] =	ssyncset.done $0x0;
	s0 =	simm.s32 $0x0  }
.LBB2_19:
0x1be: {  	_ =	swait.ge [sflag:s17], s0  }
0x1bf: {  	s31 =	ssub.s32 $0x0, s0;
	v1 =	vmov s23;
	vm0 =	veq.s32 v0, $0x0;
	[sflag:s17] =	ssyncset.done $0x0  }
0x1c0: {  	vm15 =	veq.s32 v0, $0x2;
	v1 =	vsel vm0, s28, v1;
	[sflag:s17] =	ssyncadd.s32 s31  }
0x1c1: {  	v1 =	vsel vm15, s21, v1;
	[sflag:s17] =	ssyncpa.u1 $0x1  }
0x1c2: {  	[tilespmem:$0x3648] =	vst v1  }
.LBB2_20:
0x1c3: {  	s0 =	sadd.s32 $0x1B0, s19  }
0x1c4: {  	s1 =	smov.u32 s6;
	p1 =	slt.s32 s0, s7  }
0x1c5: {  	s1 =	smov.u32 @p1 s0;
	p1 =	sne.s32 s20, s4  }
.Ltmp1:
0x1c6: {  	_ = 	snop;
	(pc) =	sbr.rel @!p1 .LBB2_21-.Ltmp1, $4  }
0x1c7: {  	_ = 	snop  }
0x1c8: {  	s21 =	smov.u32 s18  }
0x1c9: {  	s31 =	sadd.s32 $0x1, s20;
	s18 =	smov.u32 s19;
	p0 =	por !p0, !p0  }
0x1ca: {  	p4 =	por !p4, !p4;
	s20 =	smov.u32 s31;
	s19 =	smov.u32 s1  }
.LBB2_1:
0x1cb: {  	p2 =	sge.u32 s20, s12  }
0x1cc: {  	s0 =	smulhi.u32 @!p2 $0xAAAAAAAB, s20  }
0x1cd: {  	s1 =	smov.u32 s19;
	p3 =	sgt.s32 @!p2 s19, $0x26F50  }
0x1ce: {  	s2 =	sshra.s32 @!p2 s19, $0x1F;
	p3 =	por !p3, p2;
	s0 =	sshrl.u32 @!p2 s0, $0x1  }
0x1cf: {  	s2 =	sand.u32 @!p2 s2, s19;
	s1 =	simm.s32 @p3 $0x26F50;
	s0 =	smul.u32 @!p2 $0x3, s0  }
0x1d0: {  	s1 =	ssub.s32 @!p2 s1, s2  }
0x1d1: {  	s23 =	sadd.s32 $0xFFFFFFFF, s20;
	s1 =	sadd.s32 @!p2 $0xFFFD90B0, s1;
	s0 =	ssub.s32 @!p2 s20, s0  }
0x1d2: {  	s2 =	sshll.u32 @!p2 s1, $0x2;
	p3 =	sgt.s32 @!p2 s1, $0x1AF;
	s0 =	smul.u32 @!p2 $0x6C0, s0  }
0x1d3: {  	s5 =	sand.u32 @!p2 $0x7, s19;
	s1 =	ssub.s32 @!p2 $0x6C0, s2;
	p3 =	por !p3, p2  }
0x1d4: {  	s2 =	sshrl.u32 @!p2 s19, $0x3;
	s1 =	sshrl.u32 @!p2 s1, $0x2;
	s0 =	sshrl.u32 @!p2 s0, $0x2  }
0x1d5: {  	s2 =	sadd.s32 @!p2 s2, s8;
	s1 =	simm.s32 @!p3 $0x0;
	s0 =	sadd.s32 @!p2 $0x3888, s0  }
0x1d6: {  	[tilespmem:s0], [sflag:$0xA] =	stream.linear.gather @!p2 [hbm4b:s2+s5], s1, $0x38;
	[tilespmem:$0x1F0F8] =	vst v63  }
0x1d7: {  	p2 =	sge.u32 s23, s12  }
0x1d8: {  	p3 =	sgt.s32 @!p2 s18, $0x26F50  }
0x1d9: {  	s0 =	smov.u32 s18;
	s1 =	sshra.s32 @!p2 s18, $0x1F;
	p3 =	por !p3, p2  }
0x1da: {  	s1 =	sand.u32 @!p2 s1, s18;
	s0 =	simm.s32 @p3 $0x26F50  }
0x1db: {  	s0 =	ssub.s32 @!p2 s0, s1  }
0x1dc: {  	s0 =	sadd.s32 @!p2 $0xFFFD90B0, s0  }
0x1dd: {  	s1 =	sshll.u32 @!p2 s0, $0x2  }
0x1de: {  	p3 =	sgt.s32 @!p2 s0, $0x1AF;
	s0 =	ssub.s32 @!p2 $0x6C0, s1  }
0x1df: {  	s22 =	ssub.s32 @!p2 $0x27100, s18;
	p3 =	por !p3, p2;
	s0 =	sshrl.u32 @!p2 s0, $0x2  }
0x1e0: {  	s1 =	sand.u32 @!p2 $0x1, s23;
	s0 =	simm.s32 @!p3 $0x0;
	p3 =	slt.s32 @!p2 s22, $0x1  }
0x1e1: {  	s2 =	simm.s32 @!p2 $0xA;
	s1 =	smul.u32 @!p2 $0x6C0, s1;
	p3 =	por p2, p3  }
.Ltmp2:
0x1e2: {  	_ =	swait.ge @!p2 [sflag:s2], s0;
	(pc) =	sbr.rel @p3 .LBB2_7-.Ltmp2, $4  }
0x1e3: {  	s5 =	ssub.s32 @!p2 $0x0, s0;
	[sflag:s2] =	ssyncset.done @!p2 $0x0  }
0x1e4: {  	s1 =	sshrl.u32 @!p2 s1, $0x2;
	[sflag:s2] =	ssyncadd.s32 @!p2 s5;
	s2 =	sshrl.u32 @!p2 s18, $0x3  }
0x1e5: {  	s1 =	sadd.s32 @!p2 $0x3D98, s1;
	s5 =	sand.u32 @!p2 $0x7, s18;
	s2 =	sadd.s32 @!p2 s2, s15  }
0x1e6: {  	[tilespmem:s1], [sflag:$0xB] =	stream.linear.gather @!p2 [hbm4b:s2+s5], s0, $0x38;
	[tilespmem:$0x1F0F8] =	vst v63  }
0x1e7: {  	s0 =	smulhi.u32 $0xAAAAAAAB, s23;
	_ =	sdelay $0x1  }
0x1e8: {  	s0 =	sshrl.u32 s0, $0x1  }
0x1e9: {  	s0 =	smul.u32 $0x3, s0;
	_ =	sdelay $0x1  }
0x1ea: {  	s0 =	ssub.s32 s23, s0  }
0x1eb: {  	s1 =	simm.s32 $0x1;
	s0 =	smul.u32 $0x6C0, s0  }
.Ltmp3:
0x1ec: {  	s1 =	simm.s32 @!p0 $0x0;
	(pc) =	sbr.rel .LBB2_4-.Ltmp3, $4  }
0x1ed: {  	s1 =	smul.u32 $0x36000, s1  }
0x1ee: {  	p3 =	slt.s32 @!p2 s22, $0x1B0;
	s0 =	sshrl.u32 s0, $0x2  }
0x1ef: {  	p2 =	por !p3, p2;
	s1 =	sshrl.u32 s1, $0x2;
	s0 =	sadd.s32 $0x3888, s0  }
0x1f0: {  	s24 =	simm.s32 $0x0;
	s22 =	simm.s32 @p2 $0x1B0;
	s23 =	sadd.s32 $0x40F8, s1;
	v1 =	vmov s0  }
.LBB2_3:
0x1f1: {  	p2 =	sge.s32 s24, s22  }
.Ltmp4:
0x1f2: {  	_ = 	snop;
	(pc) =	sbr.rel @p2 .LBB2_7-.Ltmp4, $2  }
0x1f3: {  	_ =	sdelay $0x2  }
0x1f4: {  	s23 =	sadd.s32 $0x800, s23  }
.LBB2_4:
0x1f5: {  	p2 =	sle.s32 s22, s24  }
.Ltmp5:
0x1f6: {  	_ = 	snop;
	(pc) =	sbr.rel @p2 .LBB2_3-.Ltmp5, $2  }
0x1f7: {  	_ =	sdelay $0x2  }
0x1f8: {  	s0 =	smov.u32 s24;
	s24 =	sadd.s32 $0x10, s24  }
0x1f9: {  	s1 =	ssub.s32 s22, s0  }
0x1fa: {  	p2 =	slt.s32 s1, $0x10  }
0x1fb: {  	s1 =	simm.s32 @!p2 $0x10  }
0x1fc: {  	v2 =	vmov s1  }
0x1fd: {  	vm0 =	vgt.s32 v2, v0;
	_ =	sdelay $0x5  }
0x1fe: {  	v2 =	vld.idx.msk [tilespmem:v1+s0+$0x0 ss:$0x1], vm0;
	_ =	sdelay $0x2  }
0x1ff: {  	p2 =	slt.s32 s24, s22;
	s1 =	smov.u32 s22  }
0x200: {  	s2 =	smov.u32 s23;
	s25 =	simm.s32 $0x0;
	s1 =	smov.u32 @p2 s24  }
.LBB2_6:
0x201: {  	(v2sf) =	vpush v2, s25;
	_ =	sdelay $0xc  }
0x202: {  	s25 =	sadd.s32 $0x1, s25  }
0x203: {  	s31 =	sadd.s32 s25, s0  }
0x204: {  	p2 =	slt.s32 s31, s1;
	s5 =	spop (v2sf)  }
.Ltmp6:
0x205: {  	s5 =	sshll.u32 s5, $0x4;
	(pc) =	sbr.rel @p2 .LBB2_6-.Ltmp6, $4  }
0x206: {  	s5 =	sand.u32 $0x1FFFFFF0, s5  }
0x207: {  	s5 =	sadd.s32 s9, s5  }
0x208: {  	[tilespmem:s2], [sflag:$0x9] =	stream.linear.gather [hbm4b:s5+s16], $0x10, $0x38;
	[tilespmem:$0x1F0F8] =	vst v63  }
0x209: {  	s2 =	sadd.s32 $0x80, s2  }
.Ltmp7:
0x20a: {  	_ = 	snop;
	(pc) =	sbr.rel .LBB2_3-.Ltmp7, $1  }
0x20b: {  	_ =	sdelay $0x3  }
.LBB2_7:
0x20c: {  	p2 =	slt.u32 s20, $0x2  }
.Ltmp8:
0x20d: {  	_ = 	snop;
	(pc) =	sbr.rel @p2 .LBB2_20-.Ltmp8, $1  }
0x20e: {  	_ =	sdelay $0x3  }
0x20f: {  	p2 =	sgt.s32 s21, $0x26F50  }
0x210: {  	s0 =	smov.u32 s21;
	s1 =	sshra.s32 s21, $0x1F;
	s2 =	ssub.s32 $0x27100, s21  }
0x211: {  	s0 =	simm.s32 @!p2 $0x26F50;
	s1 =	sand.u32 s1, s21;
	p2 =	slt.s32 s2, $0x1B0  }
0x212: {  	s0 =	ssub.s32 s0, s1;
	s2 =	simm.s32 @!p2 $0x1B0  }
0x213: {  	s0 =	sadd.s32 $0xFFFD90B0, s0;
	s24 =	sshll.u32 s2, $0x4  }
0x214: {  	s28 =	simm.s32 $0x9;
	s25 =	sshll.u32 s0, $0x2;
	s1 =	sand.u32 $0x3FFFFFF0, s24  }
0x215: {  	p2 =	sgt.s32 s0, $0x1AF;
	s26 =	ssub.s32 $0x6C0, s25;
	_ =	swait.ge [sflag:s28], s1  }
0x216: {  	s1 =	ssub.s32 $0x0, s1;
	[sflag:s28] =	ssyncset.done $0x0;
	s0 =	sshrl.u32 s26, $0x2  }
0x217: {  	s30 =	simm.s32 $0xB;
	[sflag:s28] =	ssyncadd.s32 s1;
	s0 =	simm.s32 @p2 $0x0  }
0x218: {  	_ =	swait.ge [sflag:s30], s0  }
0x219: {  	s0 =	ssub.s32 $0x0, s0;
	[sflag:s30] =	ssyncset.done $0x0  }
0x21a: {  	[sflag:s30] =	ssyncadd.s32 s0  }
0x21b: {  	v1 =	vld [tilespmem:$0x3648];
	_ =	sdelay $0x4  }
0x21c: {  	(v2sf) =	vpush v1, $0x0  }
0x21d: {  	(v2sf) =	vpush v1, $0x1  }
0x21e: {  	(v2sf) =	vpush v1, $0x2;
	_ =	sdelay $0x3  }
0x21f: {  	s0 =	sadd.s32 $0x1B0, s21  }
0x220: {  	s1 =	ssub.s32 $0x4E200, s21;
	p2 =	slt.s32 s7, s0  }
0x221: {  	s0 =	smov.u32 @p2 s7;
	p2 =	sgt.s32 s1, $0x0  }
0x222: {  	s25 =	ssub.s32 s0, s21;
	s1 =	simm.s32 @!p2 $0x0  }
0x223: {  	p2 =	slt.s32 s1, s25  }
0x224: {  	s25 =	smov.u32 @p2 s1  }
0x225: {  	s24 =	simm.s32 $0x1;
	p2 =	slt.s32 s25, $0x1  }
.Ltmp9:
0x226: {  	s24 =	simm.s32 @!p4 $0x0;
	(pc) =	sbr.rel @p2 .LBB2_12-.Ltmp9, $4  }
0x227: {  	s31 =	smul.u32 $0x6C0, s24  }
0x228: {  	s26 =	spop (v2sf)  }
0x229: {  	s0 =	sshrl.u32 s31, $0x2;
	s29 =	spop (v2sf)  }
0x22a: {  	s22 =	sadd.s32 $0x3D98, s0;
	s21 =	spop (v2sf)  }
0x22b: {  	s0 =	smin.u32 s25, $0x10  }
0x22c: {  	v1 =	vmov s0  }
0x22d: {  	p3 =	sgt.s32 s25, $0x10;
	vm1 =	vgt.u32 v1, v0  }
.Ltmp10:
0x22e: {  	_ = 	snop;
	(pc) =	sbr.rel @!p3 .LBB2_11-.Ltmp10, $2  }
0x22f: {  	_ =	sdelay $0x2  }
0x230: {  	s23 =	simm.s32 $0x10;
	s28 =	sadd.s32 $0xFFFFFFF0, s25;
	s0 =	smov.u32 s22;
	vm0 =	vmmov vm1  }
.LBB2_10:
0x231: {  	s1 =	smin.u32 s28, $0x10;
	s23 =	sadd.s32 $0x10, s23;
	v1 =	vld.msk [tilespmem:s0+$0x0 ss:$0x1], vm1  }
0x232: {  	v2 =	vmov s1;
	p3 =	slt.s32 s23, s25  }
0x233: {  	vm1 =	vgt.u32 v2, v0  }
.Ltmp11:
0x234: {  	(pc) =	sbr.rel @p3 .LBB2_10-.Ltmp11, $3  }
0x235: {  	_ =	sdelay $0x1  }
0x236: {  	v1 =	vshll.u32 v1, $0x4  }
0x237: {  	s28 =	sadd.s32 $0xFFFFFFF0, s28;
	[tilespmem:s0+$0x0] =	vst.msk vm0, v1;
	s0 =	sadd.s32 $0x10, s0;
	vm0 =	vmmov vm1  }
.LBB2_11:
0x238: {  	_ =	sdelay $0x4  }
0x239: {  	v1 =	vld.msk [tilespmem:s0+$0x0 ss:$0x1], vm1;
	_ =	sdelay $0x4  }
0x23a: {  	v1 =	vshll.u32 v1, $0x4  }
0x23b: {  	[tilespmem:s0+$0x0] =	vst.msk vm0, v1  }
.LBB2_12:
0x23c: {  	s0 =	sand.u32 $0x1, s20  }
0x23d: {  	s0 =	smul.u32 $0x1B0, s0  }
0x23e: {  	p3 =	sne.s32 s29, $0xFFFFFFFF  }
0x23f: {  	v1 =	vld.msk @!p3 [tilespmem:s0+$0x3D98], $0x1;
	_ =	sdelay $0x4  }
0x240: {  	(v2sf) =	vpush @!p3 v1, $0x0;
	_ =	sdelay $0xc  }
.Ltmp12:
0x241: {  	_ = 	snop;
	(pc) =	sbr.rel @p2 .LBB2_18-.Ltmp12, $4  }
0x242: {  	_ = 	snop  }
0x243: {  	s28 =	spop @!p3 (v2sf)  }
0x244: {  	s21 =	simm.s32 @!p3 $0x0;
	s23 =	smov.u32 s28  }
0x245: {  	[sflag:s17] =	ssyncpa.u1 $0x0;
	s28 =	smov.u32 @p3 s26;
	s23 =	smov.u32 @p3 s29  }
0x246: {  	v1 =	vld.msk [tilespmem:s22+$0x0], $0x1;
	_ =	sdelay $0x4  }
0x247: {  	(v2sf) =	vpush v1, $0x0;
	_ =	sdelay $0xe  }
0x248: {  	s0 =	simm.s32 @!p4 $0x0;
	s26 =	smul.u32 $0x36000, s24;
	s31 =	spop (v2sf)  }
0x249: {  	s29 =	ssub.s32 $0x0, s25;
	s0 =	simm.s32 @p4 $0x1;
	p2 =	seq.s32 s28, s31  }
0x24a: {  	s1 =	smov.u32 s28;
	[smem:$0x7FD] =	sst s0;
	p3 =	sgt.s32 @!p2 s28, $0x0  }
0x24b: {  	s0 =	sshrl.u32 s26, $0x2;
	s26 =	sadd.s32 $0x1, s29;
	p3 =	por !p3, p2  }
0x24c: {  	s1 =	simm.s32 @p3 $0x0;
	p3 =	seq.s32 s26, $0x0  }
.Ltmp13:
0x24d: {  	_ = 	snop;
	(pc) =	sbr.rel @p3 .LBB2_15-.Ltmp13, $4  }
0x24e: {  	s6 =	smov.u32 s4;
	s14 =	smov.u32 s8;
	s25 =	simm.s32 $0x0  }
0x24f: {  	s24 =	sadd.s32 $0x40F8, s0;
	s0 =	simm.s32 @!p2 $0x1;
	s2 =	smin.u32 @!p2 s1, $0x270FE  }
0x250: {  	s30 =	sadd.s32 $0x1, s22;
	s0 =	smov.u32 @p2 s25;
	s5 =	sand.u32 @!p2 $0x3FFF8, s2  }
0x251: {  	s1 =	simm.s32 @!p2 $0x1B38;
	s2 =	sand.u32 @!p2 $0x7, s2;
	s5 =	sadd.s32 @!p2 s3, s5  }
.LBB2_14:
0x252: {  	s4 =	smov.u32 s0  }
0x253: {  	[tilespmem:s1], [sflag:$0x2] =	stream.linear.gather @!p2 [hbm4b:s5+s2], $0x10, $0x38;
	[tilespmem:$0x1F0F8] =	vst v63  }
0x254: {  	s26 =	sadd.s32 $0x1, s26;
	s2 =	smov.u32 s31;
	v1 =	vld.msk [tilespmem:s30+$0x0], $0x1  }
0x255: {  	p3 =	seq.s32 s26, $0x0;
	_ =	sdelay $0x3  }
0x256: {  	(v2sf) =	vpush v1, $0x0;
	_ =	sdelay $0xe  }
0x257: {  	s31 =	spop (v2sf)  }
0x258: {  	p2 =	seq.s32 s2, s31  }
0x259: {  	p4 =	sgt.s32 @!p2 s2, $0x0;
	s1 =	sshll.u32 @!p2 s0, $0x6;
	s0 =	sadd.s32 @!p2 $0x1, s0  }
.Ltmp14:
0x25a: {  	p4 =	por !p4, p2;
	s1 =	sshra.s32 @!p2 s1, $0x2;
	(pc) =	sbr.rel @!p3 .LBB2_14-.Ltmp14, $4  }
0x25b: {  	s0 =	smov.u32 @p2 s4;
	s2 =	simm.s32 @p4 $0x0;
	s1 =	sadd.s32 @!p2 $0x1B38, s1  }
0x25c: {  	s2 =	smin.u32 @!p2 s2, $0x270FE  }
0x25d: {  	s4 =	sand.u32 @!p2 $0x3FFF8, s2;
	s2 =	sand.u32 @!p2 $0x7, s2  }
0x25e: {  	s30 =	sadd.s32 $0x1, s30;
	s5 =	sadd.s32 @!p2 s3, s4  }
.LBB2_15:
0x25f: {  	[tilespmem:s1], [sflag:$0x2] =	stream.linear.gather @!p2 [hbm4b:s5+s2], $0x10, $0x38;
	[tilespmem:$0x1F0F8] =	vst v63  }
0x260: {  	s0 =	sshll.u32 s0, $0x4  }
0x261: {  	s31 =	simm.s32 $0x2;
	s0 =	sand.u32 $0x3FFFFFF0, s0  }
0x262: {  	_ =	swait.ge [sflag:s31], s0  }
0x263: {  	s0 =	ssub.s32 $0x0, s0;
	[sflag:s31] =	ssyncset.done $0x0  }
0x264: {  	[sflag:s31] =	ssyncadd.s32 s0  }
0x265: {  	v1 =	vld.msk [tilespmem:s22+$0x0], $0x1;
	_ =	sdelay $0x4  }
0x266: {  	(v2sf) =	vpush v1, $0x0;
	_ =	sdelay $0xe  }
0x267: {  	s26 =	spop (v2sf)  }
0x268: {  	p2 =	sne.s32 s28, s26  }
0x269: {  	p4 =	sne.s32 @p2 s28, s23  }
0x26a: {  	p3 =	por !p4, !p2  }
0x26b: {  	s0 =	simm.s32 @!p3 $0x0  }
0x26c: {  	v1 =	vld @!p3 [tilespmem:s0+$0x1B38]  }
0x26d: {  	p5 =	sgt.u32 @!p3 s28, $0x270FE  }
0x26e: {  	s1 =	sshll.u32 @!p3 s21, $0x6;
	p6 =	por @p2 p5, !p4  }
0x26f: {  	s1 =	sshra.s32 @!p3 s1, $0x2;
	p1 =	por p6, !p2;
	p6 =	por p4, !p2  }
0x270: {  	s2 =	sadd.s32 @!p3 $0x28, s1;
	s4 =	sand.u32 @!p1 $0x3FFF8, s28;
	s5 =	sshll.u32 @!p6 s21, $0x6  }
0x271: {  	s28 =	sand.u32 @!p1 $0x7, s28;
	[tilespmem:s1+$0x28] =	vst.add.f32.msk @!p3 $0xffff, v1;
	s1 =	sadd.s32 @!p1 s3, s4;
	s4 =	sshra.s32 @!p6 s5, $0x2  }
0x272: {  	[hbm4b:s1+s28] =	stream.linear.scatter @!p1 [tilespmem:s2], [sflag:$0xC], $0x10, $0x38;
	[tilespmem:$0x1F0F8] =	vst v63  }
0x273: {  	s0 =	rddreg [dreg:$0x5];
	s1 =	sadd.s32 @!p6 $0x28, s4;
	s2 =	simm.s32 @!p6 $0x1  }
0x274: {  	[spmem:s0] =	stream.linear.scatter @!p6 [tilespmem:s1], [sflag:$0x1], $0x10, $0x38;
	[tilespmem:$0x1F0F8] =	vst v63  }
0x275: {  	s0 =	sadd.s32 @p2 $0x1, s21;
	_ =	swait.ge @!p6 [sflag:s2], $0x10  }
0x276: {  	s1 =	sshrl.u32 @p2 s0, $0x4;
	[sflag:s2] =	ssyncset.done @!p6 $0x0  }
0x277: {  	s1 =	smulhi.u32 @p2 $0x97B425F, s1;
	[sflag:s2] =	ssyncadd.s32 @!p6 $0xFFFFFFF0  }
0x278: {  	s28 =	sadd.s32 $0x1, s29;
	v1 =	vld @p2 [tilespmem:s24+$0x0]  }
0x279: {  	p1 =	por @p2 !p5, !p4;
	p4 =	seq.s32 s28, $0x0;
	s1 =	smul.u32 @p2 $0x1B0, s1  }
.Ltmp15:
0x27a: {  	p1 =	por !p1, !p2;
	s2 =	simm.s32 @!p3 $0x0;
	(pc) =	sbr.rel @p4 .LBB2_17-.Ltmp15, $4  }
0x27b: {  	s4 =	sshll.u32 @!p2 s21, $0x6;
	s2 =	simm.s32 @!p1 $0x40;
	s0 =	ssub.s32 @p2 s0, s1  }
0x27c: {  	s29 =	simm.s32 $0x0;
	s2 =	sadd.s32 @!p3 $0x0, s2;
	s5 =	sshll.u32 @p2 s0, $0x4  }
0x27d: {  	s30 =	sshra.s32 @!p2 s4, $0x2;
	s1 =	simm.s32 @p2 $0x1;
	s2 =	smov.u32 @p3 s25;
	[tilespmem:s5+$0x28] =	vst @p2 v1  }
0x27e: {  	s21 =	smov.u32 @p2 s0;
	s29 =	smov.u32 @p2 s2;
	s25 =	smov.u32 @p2 s1;
	v1 =	vld @!p2 [tilespmem:s24+$0x0]  }
.LBB2_16:
0x27f: {  	_ =	sdelay $0x3  }
0x280: {  	s22 =	sadd.s32 $0x1, s22;
	[tilespmem:s30+$0x28] =	vst.add.f32.msk @!p2 $0xffff, v1  }
0x281: {  	v1 =	vld.msk [tilespmem:s22+$0x0], $0x1;
	_ =	sdelay $0x4  }
0x282: {  	(v2sf) =	vpush v1, $0x0;
	_ =	sdelay $0xe  }
0x283: {  	s0 =	smov.u32 s26;
	s26 =	spop (v2sf)  }
0x284: {  	p2 =	sne.s32 s0, s26  }
0x285: {  	p5 =	sne.s32 @p2 s0, s23  }
0x286: {  	s4 =	sshll.u32 @!p2 s21, $0x6;
	p4 =	por !p5, !p2  }
0x287: {  	s30 =	sshra.s32 @!p2 s4, $0x2;
	s4 =	sshll.u32 @!p4 s25, $0x6  }
0x288: {  	s4 =	sshra.s32 @!p4 s4, $0x2  }
0x289: {  	p1 =	sgt.u32 @!p4 s0, $0x270FE;
	v1 =	vld @!p4 [tilespmem:s4+$0x1B38]  }
0x28a: {  	s31 =	sshll.u32 @!p4 s21, $0x6;
	p6 =	por @p2 p1, !p5;
	p1 =	por @p2 !p1, !p5  }
0x28b: {  	s8 =	simm.s32 @!p4 $0x0;
	s31 =	sshra.s32 @!p4 s31, $0x2;
	p1 =	por !p1, !p2  }
0x28c: {  	p5 =	por p5, !p2;
	s8 =	simm.s32 @!p1 $0x40;
	p1 =	por p6, !p2  }
0x28d: {  	s4 =	sadd.s32 @!p4 $0x28, s31;
	s13 =	sshll.u32 @!p5 s21, $0x6;
	s11 =	sand.u32 @!p1 $0x3FFF8, s0  }
0x28e: {  	s13 =	sshra.s32 @!p5 s13, $0x2;
	s0 =	sand.u32 @!p1 $0x7, s0;
	s11 =	sadd.s32 @!p1 s3, s11;
	[tilespmem:s31+$0x28] =	vst.add.f32.msk @!p4 $0xffff, v1  }
0x28f: {  	[hbm4b:s11+s0] =	stream.linear.scatter @!p1 [tilespmem:s4], [sflag:$0xC], $0x10, $0x38;
	[tilespmem:$0x1F0F8] =	vst v63  }
0x290: {  	s1 =	rddreg [dreg:$0x5];
	s0 =	sadd.s32 @!p5 $0x28, s13;
	s4 =	simm.s32 @!p5 $0x1  }
0x291: {  	[spmem:s1] =	stream.linear.scatter @!p5 [tilespmem:s0], [sflag:$0x1], $0x10, $0x38;
	[tilespmem:$0x1F0F8] =	vst v63  }
0x292: {  	s2 =	sadd.s32 @p2 $0x1, s21;
	_ =	swait.ge @!p5 [sflag:s4], $0x10  }
0x293: {  	s5 =	sshrl.u32 @p2 s2, $0x4;
	[sflag:s4] =	ssyncset.done @!p5 $0x0  }
0x294: {  	s24 =	sadd.s32 $0x80, s24;
	s5 =	smulhi.u32 @p2 $0x97B425F, s5;
	[sflag:s4] =	ssyncadd.s32 @!p5 $0xFFFFFFF0  }
0x295: {  	s28 =	sadd.s32 $0x1, s28;
	v1 =	vld @p2 [tilespmem:s24+$0x0]  }
0x296: {  	p3 =	seq.s32 s28, $0x0;
	s5 =	smul.u32 @p2 $0x1B0, s5  }
.Ltmp16:
0x297: {  	_ = 	snop;
	(pc) =	sbr.rel @!p3 .LBB2_16-.Ltmp16, $4  }
0x298: {  	s2 =	ssub.s32 @p2 s2, s5  }
0x299: {  	s8 =	sadd.s32 @!p4 s8, s29;
	s5 =	sshll.u32 @p2 s2, $0x4  }
0x29a: {  	s10 =	sadd.s32 @p2 $0x1, s25;
	s8 =	smov.u32 @p4 s29;
	[tilespmem:s5+$0x28] =	vst @p2 v1  }
0x29b: {  	s25 =	smov.u32 @p2 s10;
	s21 =	smov.u32 @p2 s2;
	s29 =	smov.u32 @p2 s8;
	v1 =	vld @!p2 [tilespmem:s24+$0x0]  }
.LBB2_17:
.Ltmp17:
0x29c: {  	_ = 	snop;
	(pc) =	sbr.rel .LBB2_19-.Ltmp17, $3  }
0x29d: {  	s1 =	sld [smem:$0x7FD];
	_ =	sdelay $0x1  }
0x29e: {  	s0 =	sshrl.u32 s29, $0x2;
	s28 =	smov.u32 s26;
	s8 =	smov.u32 s14  }
0x29f: {  	s4 =	smov.u32 s6;
	s6 =	rddreg [dreg:$0x7];
	p4 =	seq.s32 s1, $0x1;
	[tilespmem:s30+$0x28] =	vst.add.f32.msk @!p2 $0xffff, v1  }
.LBB2_21:
0x2a0: {  	_ =	sfence.sel $0x180000  }
0x2a1: {  	s0 =	simm.s32 $0x9;
	[bflag:$0x0] =	sbarrier.arrive $0xFFFF  }
0x2a2: {  	s24 =	simm.s32 $0xA;
	[sflag:s0] =	ssyncpa.u1 $0x1  }
0x2a3: {  	s25 =	simm.s32 $0xB;
	[sflag:s24] =	ssyncpa.u1 $0x1  }
0x2a4: {  	s26 =	simm.s32 $0x2;
	[sflag:s25] =	ssyncpa.u1 $0x1  }
0x2a5: {  	[sflag:s26] =	ssyncpa.u1 $0x1  }
0x2a6: {  	v0 =	vld [tilespmem:$0x3648];
	_ =	sdelay $0x4  }
0x2a7: {  	(v2sf) =	vpush v0, $0x0  }
0x2a8: {  	(v2sf) =	vpush v0, $0x1;
	_ =	sdelay $0x1  }
0x2a9: {  	(v2sf) =	vpush v0, $0x2;
	_ =	sdelay $0xb  }
0x2aa: {  	s0 =	spop (v2sf)  }
0x2ab: {  	s1 =	spop (v2sf)  }
0x2ac: {  	s2 =	smov.u32 s0;
	p0 =	sne.s32 s0, s1  }
0x2ad: {  	s4 =	spop (v2sf);
	s2 =	simm.s32 @!p0 $0xFFFFFFFF  }
0x2ae: {  	v2 =	vimm.s32 $0x1;
	v3 =	vlaneseq.u32;
	p0 =	seq.s32 s4, $0xFFFFFFFF;
	v1 =	vmov s2  }
0x2af: {  	s16 =	stileid.u32;
	v0 =	vperm.xlane v0, v2;
	p1 =	sne.s32 @!p0 s0, s1;
	v1 =	vperm.xlane v1, v3  }
0x2b0: {  	vm0 =	vcmask $0x3F04;
	s6 =	simm.s32 $0x3648;
	s0 =	simm.s32 @!p0 $0x1;
	p1 =	por !p1, p0  }
0x2b1: {  	s2 =	sshll.u32 s16, $0x1;
	s1 =	sshll.u32 @!p0 s4, $0x6;
	s0 =	simm.s32 @p1 $0x0;
	v0 =	vsel vm0, v1, v0  }
0x2b2: {  	s5 =	sor.u32 $0x200, s2;
	s1 =	sshra.s32 @!p0 s1, $0x2;
	s0 =	sor.u32 @!p0 s0, s2;
	[tilespmem:$0x3648] =	vst v0  }
0x2b3: {  	[spmem:s5] =	stream.linear.scatter [tilespmem:s6], [sflag:$0x1], $0x2, $0x38;
	[tilespmem:$0x1F0F8] =	vst v63  }
0x2b4: {  	s1 =	sadd.s32 @!p0 $0x28, s1;
	s0 =	sshll.u32 @!p0 s0, $0x4  }
0x2b5: {  	[spmem:s0] =	stream.linear.scatter @!p0 [tilespmem:s1], [sflag:$0x1], $0x10, $0x38;
	[tilespmem:$0x1F0F8] =	vst v63  }
0x2b6: {  	s0 =	simm.s32 @!p0 $0x12  }
0x2b7: {  	s28 =	simm.s32 $0x1;
	s0 =	simm.s32 @p0 $0x2  }
0x2b8: {  	_ =	swait.ge [sflag:s28], s0  }
0x2b9: {  	s0 =	ssub.s32 $0x0, s0;
	[sflag:s28] =	ssyncset.done $0x0  }
0x2ba: {  	p0 =	sne.s32 s16, $0x0;
	[sflag:s28] =	ssyncadd.s32 s0  }
.Ltmp18:
0x2bb: {  	_ =	sfence.stream.spmem;
	(pc) =	sbr.rel @p0 .LBB2_38-.Ltmp18, $4  }
0x2bc: {  	s29 =	simm.s32 $0x3;
	[bflag:$0x0] =	sbarrier.arrive $0xFFFF  }
0x2bd: {  	s30 =	simm.s32 $0x4;
	[sflag:s29] =	ssyncpa.u1 $0x1  }
0x2be: {  	s31 =	simm.s32 $0x3C;
	[sflag:s30] =	ssyncpa.u1 $0x1  }
0x2bf: {  	s17 =	rddreg [dreg:$0x6];
	[sflag:s31] =	ssyncpa.u1 $0x1  }
0x2c0: {  	_ =	sfence.stream.spmem;
	s0 =	simm.s32 $0x5  }
0x2c1: {  	s1 =	simm.s32 $0x200;
	s2 =	simm.s32 $0x3658;
	[sflag:s0] =	ssyncpa.u1 $0x0  }
0x2c2: {  	[tilespmem:s2], [sflag:$0x5] =	stream.linear.gather [spmem:s1], $0x20, $0x38;
	[tilespmem:$0x1F0F8] =	vst v63  }
0x2c3: {  	s26 =	simm.s32 $0x0;
	s28 =	simm.s32 $0x3678  }
0x2c4: {  	[tilespmem:s28], [sflag:$0x5] =	stream.linear.gather [spmem:s26], $0x200, $0x38;
	[tilespmem:$0x1F0F8] =	vst v63  }
0x2c5: {  	_ =	swait.ge [sflag:s0], $0x220  }
0x2c6: {  	[sflag:s0] =	ssyncset.done $0x0  }
0x2c7: {  	s29 =	simm.s32 $0x0;
	[sflag:s0] =	ssyncadd.s32 $0xFFFFFDE0  }
0x2c8: {  	v0 =	vld.msk [tilespmem:s29+$0x3658], $0x1;
	_ =	sdelay $0x1  }
0x2c9: {  	s30 =	simm.s32 $0x1  }
0x2ca: {  	v1 =	vld.msk [tilespmem:s30+$0x3658], $0x1;
	_ =	sdelay $0x1  }
0x2cb: {  	(v2sf) =	vpush v0, $0x0;
	_ =	sdelay $0x2  }
0x2cc: {  	(v2sf) =	vpush v1, $0x0;
	_ =	sdelay $0x2  }
0x2cd: {  	s31 =	simm.s32 $0x2  }
0x2ce: {  	v0 =	vld.msk [tilespmem:s31+$0x3658], $0x1;
	_ =	sdelay $0x2  }
0x2cf: {  	s6 =	simm.s32 $0xFFFFFFFF;
	s1 =	simm.s32 $0xFFFFFFFF;
	s0 =	simm.s32 $0xC  }
.LBB2_23:
0x2d0: {  	s2 =	smov.u32 s6;
	s4 =	smov.u32 s1  }
0x2d1: {  	s1 =	sshra.s32 s0, $0x2;
	p1 =	sne.s32 s0, $0x7C;
	s0 =	sadd.s32 $0x4, s0;
	(v2sf) =	vpush v0, $0x0  }
0x2d2: {  	v0 =	vld.msk [tilespmem:s1+$0x3658], $0x1  }
.Ltmp19:
0x2d3: {  	(pc) =	sbr.rel @p1 .LBB2_23-.Ltmp19, $4  }
0x2d4: {  	s6 =	spop (v2sf)  }
0x2d5: {  	p2 =	sne.s32 s4, $0xFFFFFFFF;
	s1 =	smov.u32 s6  }
0x2d6: {  	p3 =	seq.s32 s6, $0xFFFFFFFF;
	s1 =	smov.u32 @p2 s4  }
0x2d7: {  	s6 =	smov.u32 @p3 s2;
	s1 =	smov.u32 @p3 s4  }
0x2d8: {  	(v2sf) =	vpush v0, $0x0;
	_ =	sdelay $0x8  }
0x2d9: {  	s0 =	spop (v2sf)  }
0x2da: {  	p1 =	sne.s32 s1, $0xFFFFFFFF;
	s2 =	smov.u32 s0  }
0x2db: {  	s9 =	simm.s32 $0x6;
	p2 =	seq.s32 s0, $0xFFFFFFFF;
	s2 =	smov.u32 @p1 s1  }
0x2dc: {  	s10 =	simm.s32 $0x3638;
	s2 =	smov.u32 @p2 s1;
	s1 =	spop (v2sf)  }
0x2dd: {  	s0 =	smov.u32 @p2 s6;
	p1 =	sne.s32 s2, $0xFFFFFFFF;
	s4 =	smov.u32 s1  }
.Ltmp20:
0x2de: {  	p2 =	seq.s32 s1, $0xFFFFFFFF;
	s4 =	smov.u32 @p1 s2;
	(pc) =	sbr.rel .LBB2_25-.Ltmp20, $4  }
0x2df: {  	s11 =	simm.s32 $0x0;
	s4 =	smov.u32 @p2 s2;
	s7 =	spop (v2sf)  }
0x2e0: {  	[sflag:s9] =	ssyncpa.u1 $0x0;
	p1 =	sne.s32 s4, $0xFFFFFFFF;
	s8 =	smov.u32 s7  }
0x2e1: {  	s1 =	smov.u32 @p2 s0;
	p2 =	seq.s32 s7, $0xFFFFFFFF;
	s8 =	smov.u32 @p1 s4  }
0x2e2: {  	s6 =	simm.s32 $0x0;
	s7 =	smov.u32 @p2 s1;
	s8 =	smov.u32 @p2 s4  }
.LBB2_30:
0x2e3: {  	p1 =	sgt.u32 s12, $0x270FE  }
0x2e4: {  	p2 =	seq.s32 @!p1 s12, s8  }
0x2e5: {  	p1 =	por p1, p2  }
0x2e6: {  	p2 =	sne.s32 @!p1 s12, s7  }
0x2e7: {  	p1 =	por p1, !p2  }
0x2e8: {  	s0 =	sshll.u32 @p1 s11, $0x6  }
0x2e9: {  	s0 =	sand.u32 @!p1 $0x3FFF8, s12  }
0x2ea: {  	s1 =	sand.u32 @!p1 $0x7, s12;
	s0 =	sadd.s32 @!p1 s3, s0  }
0x2eb: {  	[tilespmem:s10], [sflag:$0x6] =	stream.linear.gather @!p1 [hbm4b:s0+s1], $0x10, $0x38;
	[tilespmem:$0x1F0F8] =	vst v63  }
0x2ec: {  	_ =	swait.ge @!p1 [sflag:s9], $0x10  }
0x2ed: {  	[sflag:s9] =	ssyncset.done @!p1 $0x0  }
0x2ee: {  	[sflag:s9] =	ssyncadd.s32 @!p1 $0xFFFFFFF0  }
0x2ef: {  	v1 =	vld @!p1 [tilespmem:$0x3638];
	_ =	sdelay $0x2  }
0x2f0: {  	s0 =	sshll.u32 @!p1 s11, $0x6  }
0x2f1: {  	s1 =	sshrl.u32 @!p1 s0, $0x2  }
0x2f2: {  	[tilespmem:s1+$0x3678] =	vst.add.f32.msk @!p1 $0xffff, v1  }
0x2f3: {  	s0 =	sshrl.u32 s0, $0x2;
	[tilespmem:s6+$0x3658] =	vst.msk $0x1, v0  }
0x2f4: {  	v0 =	vld [tilespmem:s0+$0x3678];
	_ =	sdelay $0x2  }
0x2f5: {  	s31 =	sshll.u32 s6, $0x6  }
0x2f6: {  	s0 =	sshra.s32 s31, $0x2  }
0x2f7: {  	s6 =	sadd.s32 $0x1, s6;
	[tilespmem:s0+$0x3678] =	vst v0  }
.LBB2_32:
0x2f8: {  	s11 =	sadd.s32 $0x1, s11  }
0x2f9: {  	p1 =	sne.s32 s11, $0x20  }
.Ltmp21:
0x2fa: {  	_ = 	snop;
	(pc) =	sbr.rel @!p1 .LBB2_33-.Ltmp21, $1  }
0x2fb: {  	_ =	sdelay $0x3  }
.LBB2_25:
0x2fc: {  	v0 =	vld.msk [tilespmem:s11+$0x3658], $0x1;
	_ =	sdelay $0x4  }
0x2fd: {  	(v2sf) =	vpush v0, $0x0;
	_ =	sdelay $0xe  }
0x2fe: {  	s12 =	spop (v2sf)  }
0x2ff: {  	p1 =	seq.s32 s12, $0xFFFFFFFF  }
.Ltmp22:
0x300: {  	_ = 	snop;
	(pc) =	sbr.rel @p1 .LBB2_32-.Ltmp22, $1  }
0x301: {  	_ =	sdelay $0x3  }
0x302: {  	p1 =	slt.s32 s6, $0x1  }
.Ltmp23:
0x303: {  	_ = 	snop;
	(pc) =	sbr.rel @p1 .LBB2_30-.Ltmp23, $1  }
0x304: {  	_ =	sdelay $0x3  }
0x305: {  	s13 =	simm.s32 $0x3658;
	p1 =	por $0x0, $0x0  }
0x306: {  	v1 =	vld.msk @!p1 [tilespmem:s13+$0x0], $0x1;
	_ =	sdelay $0x4  }
0x307: {  	(v2sf) =	vpush @!p1 v1, $0x0;
	_ =	sdelay $0xd  }
0x308: {  	p3 =	sne.s32 s6, $0x1  }
.Ltmp24:
0x309: {  	s0 =	spop @!p1 (v2sf);
	(pc) =	sbr.rel @!p3 .LBB2_29-.Ltmp24, $4  }
0x30a: {  	p2 =	seq.s32 @!p1 s12, s0  }
0x30b: {  	s14 =	simm.s32 $0x0;
	p2 =	por !p2, p1  }
0x30c: {  	s0 =	simm.s32 $0xFFFFFFFF;
	s14 =	simm.s32 @p2 $0xFFFFFFFF  }
0x30d: {  	s15 =	simm.s32 $0x1;
	s14 =	smov.u32 @p1 s0  }
.LBB2_28:
0x30e: {  	s0 =	smov.u32 s14;
	p1 =	sne.s32 s14, $0xFFFFFFFF  }
0x30f: {  	s13 =	sadd.s32 $0x1, s13;
	s14 =	smov.u32 s15;
	s15 =	sadd.s32 $0x1, s15  }
0x310: {  	p2 =	sne.s32 s6, s15;
	v1 =	vld.msk @!p1 [tilespmem:s13+$0x0], $0x1;
	_ =	sdelay $0x4  }
0x311: {  	(v2sf) =	vpush @!p1 v1, $0x0;
	_ =	sdelay $0xe  }
.Ltmp25:
0x312: {  	s1 =	spop @!p1 (v2sf);
	(pc) =	sbr.rel @p2 .LBB2_28-.Ltmp25, $4  }
0x313: {  	p3 =	seq.s32 @!p1 s12, s1  }
0x314: {  	p3 =	por !p3, p1  }
0x315: {  	s14 =	simm.s32 @p3 $0xFFFFFFFF  }
0x316: {  	s14 =	smov.u32 @p1 s0  }
.LBB2_29:
0x317: {  	p1 =	sne.s32 s14, $0xFFFFFFFF  }
.Ltmp26:
0x318: {  	_ = 	snop;
	(pc) =	sbr.rel @!p1 .LBB2_30-.Ltmp26, $1  }
0x319: {  	_ =	sdelay $0x3  }
0x31a: {  	s0 =	sshll.u32 s11, $0x4  }
0x31b: {  	s0 =	sand.u32 $0x3FFFFFF0, s0  }
0x31c: {  	v0 =	vld [tilespmem:s0+$0x3678]  }
.Ltmp27:
0x31d: {  	_ = 	snop;
	(pc) =	sbr.rel .LBB2_32-.Ltmp27, $4  }
0x31e: {  	_ = 	snop  }
0x31f: {  	s31 =	sshll.u32 s14, $0x6  }
0x320: {  	s0 =	sshra.s32 s31, $0x2  }
0x321: {  	[tilespmem:s0+$0x3678] =	vst.add.f32.msk $0xffff, v0  }
.LBB2_33:
0x322: {  	s0 =	simm.s32 $0x6;
	p1 =	seq.s32 s6, $0x0  }
0x323: {  	[sflag:s0] =	ssyncpa.u1 $0x1;
	v0 =	vimm.s32 @p1 $0xFFFFFFFF  }
0x324: {  	s9 =	sadd.s32 $0xFFFFFFFF, s6;
	[tilespmem:$0x3878] =	vst @p1 v0  }
0x325: {  	v0 =	vld.msk @!p1 [tilespmem:s9+$0x3658], $0x1;
	_ =	sdelay $0x1  }
0x326: {  	v1 =	vld.msk @!p1 [tilespmem:$0x3658], $0x1;
	_ =	sdelay $0x2  }
0x327: {  	p2 =	seq.s32 @!p1 s9, $0x0;
	v0 =	vbroadcast @!p1 v0, $0x0  }
0x328: {  	vm0 =	vmmov @!p1 $0x1;
	p2 =	por !p2, p1  }
0x329: {  	v1 =	vnsel @!p1 vm0, $0xFFFFFFFF, v1;
	vm0 =	vcmask @!p1 $0x308;
	v0 =	vpsel !p2, $0xFFFFFFFF, v0  }
0x32a: {  	p2 =	sne.s32 @!p1 s8, s7;
	v0 =	vsel @!p1 vm0, v1, v0  }
0x32b: {  	s0 =	simm.s32 @!p1 $0x3678;
	s1 =	simm.s32 @!p1 $0x0;
	p3 =	por !p2, p1;
	[tilespmem:$0x3878] =	vst @!p1 v0  }
0x32c: {  	[spmem:s1] =	stream.linear.scatter @!p1 [tilespmem:s0], [sflag:$0x1], $0x10, $0x38;
	[tilespmem:$0x1F0F8] =	vst v63  }
0x32d: {  	s0 =	sshll.u32 @!p3 s9, $0x6  }
0x32e: {  	s0 =	sshra.s32 @!p3 s0, $0x2  }
0x32f: {  	s1 =	simm.s32 @!p3 $0x10;
	s0 =	sadd.s32 @!p3 $0x3678, s0  }
0x330: {  	[spmem:s1] =	stream.linear.scatter @!p3 [tilespmem:s0], [sflag:$0x1], $0x10, $0x38;
	[tilespmem:$0x1F0F8] =	vst v63  }
0x331: {  	s0 =	simm.s32 @!p3 $0x1  }
0x332: {  	_ =	swait.ge @!p3 [sflag:s0], $0x20  }
0x333: {  	p1 =	por p2, p1;
	[sflag:s0] =	ssyncset.done @!p3 $0x0  }
0x334: {  	[sflag:s0] =	ssyncadd.s32 @!p3 $0xFFFFFFE0;
	s0 =	simm.s32 @!p1 $0x1  }
0x335: {  	_ =	swait.ge @!p1 [sflag:s0], $0x10  }
0x336: {  	s29 =	simm.s32 $0x3878;
	[sflag:s0] =	ssyncset.done @!p1 $0x0  }
0x337: {  	s30 =	simm.s32 $0x200;
	s31 =	simm.s32 $0x1;
	[sflag:s0] =	ssyncadd.s32 @!p1 $0xFFFFFFF0  }
0x338: {  	[spmem:s30] =	stream.linear.scatter [tilespmem:s29], [sflag:$0x1], $0x10, $0x38;
	[tilespmem:$0x1F0F8] =	vst v63  }
0x339: {  	_ =	swait.ge [sflag:s31], $0x10  }
0x33a: {  	[sflag:s31] =	ssyncset.done $0x0  }
0x33b: {  	p1 =	seq.s32 s17, $0x0;
	s8 =	rddreg [dreg:$0x2];
	[sflag:s31] =	ssyncadd.s32 $0xFFFFFFF0  }
0x33c: {  	s1 =	sshll.u32 @p1 s8, $0xE;
	s7 =	rddreg [dreg:$0x3]  }
0x33d: {  	s0 =	sadd.s32 @p1 $0x15C3C, s1;
	s1 =	sshll.u32 @p1 s7, $0x11  }
0x33e: {  	_ =	sfence.stream.spmem;
	s0 =	sor.u32 @p1 s1, s0  }
0x33f: {  	[sflag:s0] =	ssyncadd.remote.s32 @p1 $0x1;
	s0 =	simm.s32 @p1 $0x4  }
0x340: {  	s2 =	simm.s32 @!p1 $0x3C;
	s1 =	sand.u32 $0xFFFFFFFE, s8;
	_ =	swait.ge @p1 [sflag:s0], $0x6  }
0x341: {  	s4 =	simm.s32 @!p1 $0x0;
	s1 =	sadd.s32 @!p1 $0x4, s1;
	[sflag:s0] =	ssyncset.done @p1 $0x0  }
0x342: {  	s5 =	simm.s32 @!p1 $0x20;
	[sflag:s0] =	ssyncadd.s32 @p1 $0xFFFFFFFA;
	s0 =	sshll.u32 @!p1 s1, $0x1A  }
0x343: {  	s1 =	sshll.u32 @!p1 s1, $0xD;
	s0 =	sor.u32 @!p1 s0, s7;
	_ =	swait.eq @!p1 [sflag:s2], $0x1  }
0x344: {  	s1 =	sor.u32 @!p1 $0x1C04, s1;
	s2 =	simm.s32 @!p1 $0x1C03;
	s0 =	sor.u32 @!p1 $0x80004000, s0  }
0x345: {  	[spmem:s5], [sflag:s1] =	dma.general @!p1 [spmem:s4], [sflag:s2], length:$0x4, [dreg:$0x0], stride_count:$0x0, ici_dest:s0, dma_misc:DstOpCode:WRITE  }
0x346: {  	p2 =	slt.s32 s9, $0x2;
	s4 =	simm.s32 @!p1 $0x40;
	s5 =	simm.s32 @!p1 $0x42  }
0x347: {  	[spmem:s5], [sflag:s1] =	dma.general @!p1 [spmem:s4], [sflag:s2], length:$0x2, [dreg:$0x0], stride_count:$0x0, ici_dest:s0, dma_misc:DstOpCode:WRITE  }
.Ltmp28:
0x348: {  	s0 =	simm.s32 @!p1 $0x3;
	(pc) =	sbr.rel @p2 .LBB2_37-.Ltmp28, $4  }
0x349: {  	s1 =	sshll.u32 @!p1 s8, $0xE;
	_ =	swait.ge @!p1 [sflag:s0], $0x6  }
0x34a: {  	s2 =	sshll.u32 @!p1 s7, $0x11;
	s1 =	sadd.s32 @!p1 $0x11C3C, s1;
	[sflag:s0] =	ssyncset.done @!p1 $0x0  }
0x34b: {  	[sflag:s0] =	ssyncadd.s32 @!p1 $0xFFFFFFFA;
	s0 =	sor.u32 @!p1 s2, s1  }
0x34c: {  	[sflag:s0] =	ssyncadd.remote.s32 @!p1 $0xFFFFFFFF;
	s0 =	simm.s32 $0x0  }
0x34d: {  	s0 =	simm.s32 $0x3659  }
0x34e: {  	v0 =	vld.msk [tilespmem:s0+$0x0], $0x1;
	_ =	sdelay $0x4  }
0x34f: {  	(v2sf) =	vpush v0, $0x0;
	_ =	sdelay $0xd  }
0x350: {  	s2 =	sadd.s32 $0xFFFFFFFE, s6  }
0x351: {  	s2 =	sadd.s32 $0xFFFFFFFF, s2;
	s0 =	spop (v2sf)  }
0x352: {  	p2 =	sne.s32 s2, $0x0;
	p1 =	sgt.u32 s0, $0x270FE  }
.Ltmp29:
0x353: {  	s4 =	sand.u32 @!p1 $0x3FFF8, s0;
	(pc) =	sbr.rel @!p2 .LBB2_36-.Ltmp29, $4  }
0x354: {  	s1 =	simm.s32 $0x3688;
	s0 =	sand.u32 @!p1 $0x7, s0;
	s4 =	sadd.s32 @!p1 s3, s4  }
0x355: {  	[hbm4b:s4+s0] =	stream.linear.scatter @!p1 [tilespmem:s1], [sflag:$0x5], $0x10, $0x38;
	[tilespmem:$0x1F0F8] =	vst v63  }
0x356: {  	s0 =	simm.s32 $0x0  }
0x357: {  	s6 =	simm.s32 $0x0;
	s7 =	simm.s32 $0x365A;
	s0 =	simm.s32 @!p1 $0x40  }
.LBB2_35:
0x358: {  	v0 =	vld.msk [tilespmem:s7+$0x0], $0x1;
	s2 =	sadd.s32 $0xFFFFFFFF, s2;
	s6 =	sadd.s32 s6, s0  }
0x359: {  	p1 =	sne.s32 s2, $0x0;
	_ =	sdelay $0x3  }
0x35a: {  	(v2sf) =	vpush v0, $0x0;
	_ =	sdelay $0xe  }
.Ltmp30:
0x35b: {  	s4 =	spop (v2sf);
	(pc) =	sbr.rel @p1 .LBB2_35-.Ltmp30, $4  }
0x35c: {  	s0 =	simm.s32 $0x0;
	p2 =	sgt.u32 s4, $0x270FE  }
0x35d: {  	s1 =	sadd.s32 $0x10, s1;
	s0 =	simm.s32 @!p2 $0x40;
	s5 =	sand.u32 @!p2 $0x3FFF8, s4  }
0x35e: {  	s7 =	sadd.s32 $0x1, s7;
	s4 =	sand.u32 @!p2 $0x7, s4;
	s5 =	sadd.s32 @!p2 s3, s5  }
0x35f: {  	[hbm4b:s5+s4] =	stream.linear.scatter @!p2 [tilespmem:s1], [sflag:$0x5], $0x10, $0x38;
	[tilespmem:$0x1F0F8] =	vst v63  }
.LBB2_36:
0x360: {  	s0 =	sadd.s32 s6, s0  }
0x361: {  	s0 =	sshrl.u32 s0, $0x2  }
.LBB2_37:
0x362: {  	s1 =	simm.s32 $0x5  }
0x363: {  	_ =	swait.ge [sflag:s1], s0  }
0x364: {  	s31 =	ssub.s32 $0x0, s0;
	[sflag:s1] =	ssyncset.done $0x0  }
0x365: {  	[sflag:s1] =	ssyncadd.s32 s31  }
0x366: {  	[sflag:s1] =	ssyncpa.u1 $0x1  }
.LBB2_38:
0x367: {  	s0 =	sor.u32 s17, s16  }
0x368: {  	p1 =	sne.s32 s0, $0x0  }
.Ltmp31:
0x369: {  	_ = 	snop;
	(pc) =	sbr.rel @p1 .LBB2_53-.Ltmp31, $3  }
0x36a: {  	_ =	sdelay $0x1  }
0x36b: {  	[bflag:$0x0] =	sbarrier.arrive $0xFFFF  }
0x36c: {  	_ =	sfence  }
0x36d: {  	s0 =	simm.s32 $0x7  }
0x36e: {  	s1 =	simm.s32 $0x200;
	s2 =	simm.s32 $0x3658;
	[sflag:s0] =	ssyncpa.u1 $0x0  }
0x36f: {  	[tilespmem:s2], [sflag:$0x7] =	stream.linear.gather [spmem:s1], $0x20, $0x38;
	[tilespmem:$0x1F0F8] =	vst v63  }
0x370: {  	s30 =	simm.s32 $0x3678;
	s1 =	simm.s32 $0x0  }
0x371: {  	[tilespmem:s30], [sflag:$0x7] =	stream.linear.gather [spmem:s1], $0x200, $0x38;
	[tilespmem:$0x1F0F8] =	vst v63  }
.Ltmp32:
0x372: {  	_ = 	snop;
	(pc) =	sbr.rel .LBB2_40-.Ltmp32, $4  }
0x373: {  	_ =	swait.ge [sflag:s0], $0x220  }
0x374: {  	[sflag:s0] =	ssyncset.done $0x0  }
0x375: {  	s31 =	simm.s32 $0x8;
	[sflag:s0] =	ssyncadd.s32 $0xFFFFFDE0  }
0x376: {  	s2 =	simm.s32 $0x0;
	[sflag:s31] =	ssyncpa.u1 $0x0  }
.LBB2_45:
0x377: {  	p1 =	slt.u32 s4, $0x270FF  }
0x378: {  	s0 =	sand.u32 @p1 $0x3FFF8, s4  }
0x379: {  	s4 =	sand.u32 @p1 $0x7, s4;
	s5 =	simm.s32 @p1 $0x3638;
	s0 =	sadd.s32 @p1 s3, s0  }
0x37a: {  	[tilespmem:s5], [sflag:$0x8] =	stream.linear.gather @p1 [hbm4b:s0+s4], $0x10, $0x38;
	[tilespmem:$0x1F0F8] =	vst v63  }
0x37b: {  	s0 =	simm.s32 @p1 $0x8  }
0x37c: {  	_ =	swait.ge @p1 [sflag:s0], $0x10  }
0x37d: {  	[sflag:s0] =	ssyncset.done @p1 $0x0  }
0x37e: {  	[sflag:s0] =	ssyncadd.s32 @p1 $0xFFFFFFF0  }
0x37f: {  	v1 =	vld @p1 [tilespmem:$0x3638];
	_ =	sdelay $0x2  }
0x380: {  	s0 =	sshll.u32 @p1 s2, $0x6  }
0x381: {  	s5 =	sshll.u32 @!p1 s2, $0x6;
	s4 =	sshrl.u32 @p1 s0, $0x2  }
0x382: {  	s5 =	smov.u32 @p1 s0;
	[tilespmem:s4+$0x3678] =	vst.add.f32.msk @p1 $0xffff, v1  }
0x383: {  	s0 =	sshrl.u32 s5, $0x2;
	[tilespmem:s1+$0x3658] =	vst.msk $0x1, v0  }
0x384: {  	v0 =	vld [tilespmem:s0+$0x3678];
	_ =	sdelay $0x2  }
0x385: {  	s31 =	sshll.u32 s1, $0x6  }
0x386: {  	s0 =	sshra.s32 s31, $0x2  }
0x387: {  	s1 =	sadd.s32 $0x1, s1;
	[tilespmem:s0+$0x3678] =	vst v0  }
.LBB2_47:
0x388: {  	s2 =	sadd.s32 $0x1, s2  }
0x389: {  	p1 =	sne.s32 s2, $0x20  }
.Ltmp33:
0x38a: {  	_ = 	snop;
	(pc) =	sbr.rel @!p1 .LBB2_48-.Ltmp33, $1  }
0x38b: {  	_ =	sdelay $0x3  }
.LBB2_40:
0x38c: {  	v0 =	vld.msk [tilespmem:s2+$0x3658], $0x1;
	_ =	sdelay $0x4  }
0x38d: {  	(v2sf) =	vpush v0, $0x0;
	_ =	sdelay $0xe  }
0x38e: {  	s4 =	spop (v2sf)  }
0x38f: {  	p1 =	seq.s32 s4, $0xFFFFFFFF  }
.Ltmp34:
0x390: {  	_ = 	snop;
	(pc) =	sbr.rel @p1 .LBB2_47-.Ltmp34, $1  }
0x391: {  	_ =	sdelay $0x3  }
0x392: {  	p1 =	slt.s32 s1, $0x1  }
.Ltmp35:
0x393: {  	_ = 	snop;
	(pc) =	sbr.rel @p1 .LBB2_45-.Ltmp35, $1  }
0x394: {  	_ =	sdelay $0x3  }
0x395: {  	s5 =	simm.s32 $0x3658;
	p1 =	por $0x0, $0x0  }
0x396: {  	v1 =	vld.msk @!p1 [tilespmem:s5+$0x0], $0x1;
	_ =	sdelay $0x4  }
0x397: {  	(v2sf) =	vpush @!p1 v1, $0x0;
	_ =	sdelay $0xd  }
0x398: {  	p3 =	sne.s32 s1, $0x1  }
.Ltmp36:
0x399: {  	s0 =	spop @!p1 (v2sf);
	(pc) =	sbr.rel @!p3 .LBB2_44-.Ltmp36, $4  }
0x39a: {  	p2 =	seq.s32 @!p1 s4, s0  }
0x39b: {  	s6 =	simm.s32 $0x0;
	p2 =	por !p2, p1  }
0x39c: {  	s0 =	simm.s32 $0xFFFFFFFF;
	s6 =	simm.s32 @p2 $0xFFFFFFFF  }
0x39d: {  	s7 =	simm.s32 $0x1;
	s6 =	smov.u32 @p1 s0  }
.LBB2_43:
0x39e: {  	s0 =	smov.u32 s6;
	p1 =	sne.s32 s6, $0xFFFFFFFF  }
0x39f: {  	s5 =	sadd.s32 $0x1, s5;
	s6 =	smov.u32 s7;
	s7 =	sadd.s32 $0x1, s7  }
0x3a0: {  	p2 =	sne.s32 s1, s7;
	v1 =	vld.msk @!p1 [tilespmem:s5+$0x0], $0x1;
	_ =	sdelay $0x4  }
0x3a1: {  	(v2sf) =	vpush @!p1 v1, $0x0;
	_ =	sdelay $0xe  }
.Ltmp37:
0x3a2: {  	s8 =	spop @!p1 (v2sf);
	(pc) =	sbr.rel @p2 .LBB2_43-.Ltmp37, $4  }
0x3a3: {  	p3 =	seq.s32 @!p1 s4, s8  }
0x3a4: {  	p3 =	por !p3, p1  }
0x3a5: {  	s6 =	simm.s32 @p3 $0xFFFFFFFF  }
0x3a6: {  	s6 =	smov.u32 @p1 s0  }
.LBB2_44:
0x3a7: {  	p1 =	sne.s32 s6, $0xFFFFFFFF  }
.Ltmp38:
0x3a8: {  	_ = 	snop;
	(pc) =	sbr.rel @!p1 .LBB2_45-.Ltmp38, $1  }
0x3a9: {  	_ =	sdelay $0x3  }
0x3aa: {  	s0 =	sshll.u32 s2, $0x4  }
0x3ab: {  	s0 =	sand.u32 $0x3FFFFFF0, s0  }
0x3ac: {  	v0 =	vld [tilespmem:s0+$0x3678]  }
.Ltmp39:
0x3ad: {  	_ = 	snop;
	(pc) =	sbr.rel .LBB2_47-.Ltmp39, $4  }
0x3ae: {  	_ = 	snop  }
0x3af: {  	s31 =	sshll.u32 s6, $0x6  }
0x3b0: {  	s0 =	sshra.s32 s31, $0x2  }
0x3b1: {  	[tilespmem:s0+$0x3678] =	vst.add.f32.msk $0xffff, v0  }
.LBB2_48:
0x3b2: {  	p1 =	slt.s32 s1, $0x1  }
.Ltmp40:
0x3b3: {  	_ = 	snop;
	(pc) =	sbr.rel @p1 .LBB2_52-.Ltmp40, $3  }
0x3b4: {  	_ =	sdelay $0x1  }
0x3b5: {  	s0 =	simm.s32 $0x8  }
0x3b6: {  	s2 =	simm.s32 $0x0;
	[sflag:s0] =	ssyncpa.u1 $0x1  }
0x3b7: {  	s0 =	simm.s32 $0x3658  }
0x3b8: {  	v0 =	vld.msk [tilespmem:s0+$0x0], $0x1;
	_ =	sdelay $0x4  }
0x3b9: {  	(v2sf) =	vpush v0, $0x0;
	_ =	sdelay $0xe  }
0x3ba: {  	s1 =	sadd.s32 $0xFFFFFFFF, s1;
	s0 =	spop (v2sf)  }
0x3bb: {  	p2 =	sne.s32 s1, $0x0;
	p1 =	sgt.u32 s0, $0x270FE  }
.Ltmp41:
0x3bc: {  	s5 =	sand.u32 @!p1 $0x3FFF8, s0;
	(pc) =	sbr.rel @!p2 .LBB2_51-.Ltmp41, $4  }
0x3bd: {  	s4 =	simm.s32 $0x3678;
	s0 =	sand.u32 @!p1 $0x7, s0;
	s5 =	sadd.s32 @!p1 s3, s5  }
0x3be: {  	[hbm4b:s5+s0] =	stream.linear.scatter @!p1 [tilespmem:s4], [sflag:$0x7], $0x10, $0x38;
	[tilespmem:$0x1F0F8] =	vst v63  }
0x3bf: {  	s0 =	simm.s32 $0x0  }
0x3c0: {  	s5 =	simm.s32 $0x3659;
	s0 =	simm.s32 @!p1 $0x40  }
.LBB2_50:
0x3c1: {  	v0 =	vld.msk [tilespmem:s5+$0x0], $0x1;
	s1 =	sadd.s32 $0xFFFFFFFF, s1;
	s2 =	sadd.s32 s2, s0  }
0x3c2: {  	p1 =	sne.s32 s1, $0x0;
	_ =	sdelay $0x3  }
0x3c3: {  	(v2sf) =	vpush v0, $0x0;
	_ =	sdelay $0xe  }
.Ltmp42:
0x3c4: {  	s6 =	spop (v2sf);
	(pc) =	sbr.rel @p1 .LBB2_50-.Ltmp42, $4  }
0x3c5: {  	s0 =	simm.s32 $0x0;
	p2 =	sgt.u32 s6, $0x270FE  }
0x3c6: {  	s4 =	sadd.s32 $0x10, s4;
	s0 =	simm.s32 @!p2 $0x40;
	s7 =	sand.u32 @!p2 $0x3FFF8, s6  }
0x3c7: {  	s5 =	sadd.s32 $0x1, s5;
	s6 =	sand.u32 @!p2 $0x7, s6;
	s7 =	sadd.s32 @!p2 s3, s7  }
0x3c8: {  	[hbm4b:s7+s6] =	stream.linear.scatter @!p2 [tilespmem:s4], [sflag:$0x7], $0x10, $0x38;
	[tilespmem:$0x1F0F8] =	vst v63  }
.LBB2_51:
0x3c9: {  	s0 =	sadd.s32 s2, s0  }
0x3ca: {  	s2 =	sshrl.u32 s0, $0x2  }
.LBB2_52:
0x3cb: {  	s0 =	simm.s32 $0x7  }
0x3cc: {  	_ =	swait.ge [sflag:s0], s2  }
0x3cd: {  	s1 =	ssub.s32 $0x0, s2;
	[sflag:s0] =	ssyncset.done $0x0  }
0x3ce: {  	[sflag:s0] =	ssyncadd.s32 s1  }
0x3cf: {  	[sflag:s0] =	ssyncpa.u1 $0x1  }
.LBB2_53:
0x3d0: {  	_ =	sfence;
	s0 =	simm.s32 $0x1  }
0x3d1: {  	[sflag:s0] =	ssyncpa.u1 $0x1  }
0x3d2: {  	_ =	strace $0x9000004D  }
0x3d3: {  	[bflag:$0x2] =	sbarrier.arrive $0xFFFF  }
0x3d4: {  	s0 =	rddreg [dreg:$0x4]  }
0x3d5: {  	s0 =	sadd.s32 @!p0 $0x100000, s0  }
0x3d6: {  	[sflag:s0] =	ssyncadd.tile.s32 @!p0 $0x1;
	_ =	shalt  }
.Lfunc_end2:
_tile_overlayer_lowered:
.L_overlay_start_2:
0x3d7: {  	(tag) =	ssettag $0x2  }
0x3d8: {  	s0 =	rddreg [dreg:$0x0];
	s2 =	stileid.u32  }
0x3d9: {  	s1 =	rddreg [dreg:$0x1];
	p0 =	sne.s32 s2, $0x0  }
0x3da: {  	s3 =	rddreg [dreg:$0x2];
	[bflag:$0x3] =	sbarrier.arrive $0xFFFF;
	s2 =	simm.s32 @!p0 $0x1C01  }
0x3db: {  	[timem:s3], [sflag:s2] =	dma.local @!p0 [hbm:s0], s1  }
0x3dc: {  	s0 =	simm.s32 @!p0 $0x1  }
0x3dd: {  	_ =	swait.ge @!p0 [sflag:s0], s1  }
0x3de: {  	s1 =	ssub.s32 @!p0 $0x0, s1;
	[sflag:s0] =	ssyncset.done @!p0 $0x0  }
0x3df: {  	[sflag:s0] =	ssyncadd.s32 @!p0 s1  }
0x3e0: {  	[bflag:$0x3] =	sbarrier.arrive $0xFFFF  }
0x3e1: {  	_ =	shalt  }

// kernel: scatter_offload_async_start
scs
__scs_entry_jumppad:
0x0: {  	(pc) =	sbr.rel $0x88, $3  }
0x1: {  	(tag) =	ssettag $0x0;
	lr =	simm.s32 $0x1  }
0x2: {  	[smem:$0x3F7C] =	sst lr;
	_ =	strace $0xD0000000  }
0x3: {  	_ = 	snop  }
0x4: {  	_ = 	snop  }
0x5: {  	_ = 	snop  }
0x6: {  	_ = 	snop  }
0x7: {  	_ = 	snop  }
__scs_overlays_trampoline_lowered:
0x8: {  	[smem:$0x3F8B] =	sst s0  }
0x9: {  	[smem:$0x3F8C] =	sst s1  }
0xa: {  	[smem:$0x3F8D] =	sst s2  }
0xb: {  	[smem:$0x3F8E] =	sst s3  }
0xc: {  	[smem:$0x3F8F] =	sst s4  }
0xd: {  	[smem:$0x3F90] =	sst s5  }
0xe: {  	[smem:$0x3F91] =	sst s6  }
0xf: {  	[smem:$0x3F92] =	sst s7  }
0x10: {  	[smem:$0x3F93] =	sst s8  }
0x11: {  	[smem:$0x3F94] =	sst s9;
	s0 =	simm.s32 @!p0 $0x0  }
0x12: {  	s1 =	sld [smem:$0x3F7A];
	s0 =	simm.s32 @p0 $0x1  }
0x13: {  	[smem:$0x3F95] =	sst s0;
	s0 =	simm.s32 @!p1 $0x0  }
0x14: {  	s2 =	sld [smem:$0x3F79];
	s0 =	simm.s32 @p1 $0x1  }
0x15: {  	[smem:$0x3F96] =	sst s0;
	s0 =	simm.s32 @!p2 $0x0  }
0x16: {  	s3 =	sld [smem:$0x3FDB];
	s0 =	simm.s32 @p2 $0x1  }
0x17: {  	s4 =	simm.s32 $0x1BF5;
	[smem:$0x3F98] =	sst s0  }
0x18: {  	s0 =	sld [smem:$0x3F7B];
	_ =	swait.ge [sflag:s4], $0x0  }
0x19: {  	s7 =	sld [smem:$0x3F7C]  }
0x1a: {  	s8 =	sadd.s32 $0xFFFFE003, lr  }
0x1b: {  	s9 =	sadd.s32 $0xFFFFFEF7, lr;
	s5 =	simm.s32 $0xFFFFFFFF;
	p2 =	slt.u32 s8, $0xFFFFF086  }
0x1c: {  	p1 =	slt.u32 s9, $0xF7A;
	s5 =	simm.s32 @!p2 $0x0  }
0x1d: {  	s5 =	simm.s32 @p1 $0x1;
	p0 =	seq.s32 s7, s2  }
0x1e: {  	s7 =	smul.u32 @!p0 $0xF7A, s2;
	p2 =	seq.s32 @!p0 s5, $0x0  }
0x1f: {  	s9 =	smul.u32 $0xF7A, s1;
	s8 =	simm.s32 @!p0 $0x1BF5;
	p2 =	por !p2, p0  }
0x20: {  	[sflag:s8] =	ssyncset.s32 @!p0 $0xFFFFF086;
	s6 =	sadd.s32 @!p0 s3, s7;
	s7 =	simm.s32 @!p0 $0x108  }
0x21: {  	s3 =	sadd.s32 s3, s9;
	s6 =	sadd.s32 @!p0 $0x88, s6;
	s7 =	simm.s32 @p2 $0x1082  }
0x22: {  	[simem:s7], [sflag:s8] =	dma.local @!p0 [hbm:s6], $0xF7A  }
0x23: {  	s9 =	sor.u32 $0xD0000000, s2;
	s6 =	simm.s32 $0x108;
	_ =	swait.ge @!p0 [sflag:s8], $0x0  }
0x24: {  	s3 =	sadd.s32 $0x88, s3;
	s6 =	simm.s32 @!p1 $0x1082;
	[sflag:s4] =	ssyncset.s32 $0xFFFFF086  }
0x25: {  	[simem:s6], [sflag:s4] =	dma.local [hbm:s3], $0xF7A  }
0x26: {  	[smem:$0x3F7C] =	sst s1;
	(tag) =	ssettag s2;
	_ =	strace s9  }
0x27: {  	s1 =	sld [smem:$0x3F8C]  }
0x28: {  	s2 =	sld [smem:$0x3F8D]  }
0x29: {  	s4 =	sld [smem:$0x3F8F]  }
0x2a: {  	p0 =	seq.s32 s5, $0x0;
	s5 =	sld [smem:$0x3F90]  }
0x2b: {  	s6 =	sld [smem:$0x3F91]  }
0x2c: {  	s7 =	sld [smem:$0x3F92]  }
0x2d: {  	s3 =	simm.s32 $0x108;
	s8 =	sld [smem:$0x3F93]  }
0x2e: {  	s3 =	simm.s32 @!p0 $0x1082;
	s9 =	sld [smem:$0x3F94]  }
0x2f: {  	lr =	sadd.s32 s0, s3;
	s0 =	sld [smem:$0x3F8B]  }
0x30: {  	s3 =	sld [smem:$0x3F8E]  }
0x31: {  	[smem:$0x3F97] =	sst s10  }
0x32: {  	s10 =	sld [smem:$0x3F95];
	_ =	sdelay $0x3  }
0x33: {  	p0 =	seq.s32 s10, $0x1;
	s10 =	sld [smem:$0x3F97];
	_ =	sdelay $0x3  }
0x34: {  	[smem:$0x3F97] =	sst s10  }
0x35: {  	s10 =	sld [smem:$0x3F96];
	_ =	sdelay $0x3  }
0x36: {  	p1 =	seq.s32 s10, $0x1;
	s10 =	sld [smem:$0x3F97];
	_ =	sdelay $0x3  }
0x37: {  	[smem:$0x3F97] =	sst s10  }
0x38: {  	s10 =	sld [smem:$0x3F98]  }
0x39: {  	_ = 	snop;
	(pc) =	sbr.ind lr, $3  }
0x3a: {  	_ = 	snop  }
0x3b: {  	_ = 	snop  }
0x3c: {  	p2 =	seq.s32 s10, $0x1;
	s10 =	sld [smem:$0x3F97]  }
0x3d: {  	_ =	shalt  }
0x3e: {  	_ =	shalt  }
0x3f: {  	_ =	shalt  }
0x40: {  	_ =	shalt  }
0x41: {  	_ =	shalt  }
0x42: {  	_ =	shalt  }
0x43: {  	_ =	shalt  }
0x44: {  	_ =	shalt  }
0x45: {  	_ =	shalt  }
0x46: {  	_ =	shalt  }
0x47: {  	_ =	shalt  }
0x48: {  	_ =	shalt  }
0x49: {  	_ =	shalt  }
0x4a: {  	_ =	shalt  }
0x4b: {  	_ =	shalt  }
0x4c: {  	_ =	shalt  }
0x4d: {  	_ =	shalt  }
0x4e: {  	_ =	shalt  }
0x4f: {  	_ =	shalt  }
0x50: {  	_ =	shalt  }
0x51: {  	_ =	shalt  }
0x52: {  	_ =	shalt  }
0x53: {  	_ =	shalt  }
0x54: {  	_ =	shalt  }
0x55: {  	_ =	shalt  }
0x56: {  	_ =	shalt  }
0x57: {  	_ =	shalt  }
0x58: {  	_ =	shalt  }
0x59: {  	_ =	shalt  }
0x5a: {  	_ =	shalt  }
0x5b: {  	_ =	shalt  }
0x5c: {  	_ =	shalt  }
0x5d: {  	_ =	shalt  }
0x5e: {  	_ =	shalt  }
0x5f: {  	_ =	shalt  }
0x60: {  	_ =	shalt  }
0x61: {  	_ =	shalt  }
0x62: {  	_ =	shalt  }
0x63: {  	_ =	shalt  }
0x64: {  	_ =	shalt  }
0x65: {  	_ =	shalt  }
0x66: {  	_ =	shalt  }
0x67: {  	_ =	shalt  }
0x68: {  	_ =	shalt  }
0x69: {  	_ =	shalt  }
0x6a: {  	_ =	shalt  }
0x6b: {  	_ =	shalt  }
0x6c: {  	_ =	shalt  }
0x6d: {  	_ =	shalt  }
0x6e: {  	_ =	shalt  }
0x6f: {  	_ =	shalt  }
0x70: {  	_ =	shalt  }
0x71: {  	_ =	shalt  }
0x72: {  	_ =	shalt  }
0x73: {  	_ =	shalt  }
0x74: {  	_ =	shalt  }
0x75: {  	_ =	shalt  }
0x76: {  	_ =	shalt  }
0x77: {  	_ =	shalt  }
0x78: {  	_ =	shalt  }
0x79: {  	_ =	shalt  }
0x7a: {  	_ =	shalt  }
0x7b: {  	_ =	shalt  }
0x7c: {  	_ =	shalt  }
0x7d: {  	_ =	shalt  }
0x7e: {  	_ =	shalt  }
0x7f: {  	_ =	shalt  }
0x80: {  	_ =	shalt  }
0x81: {  	_ =	shalt  }
0x82: {  	_ =	shalt  }
0x83: {  	_ =	shalt  }
0x84: {  	_ =	shalt  }
0x85: {  	_ =	shalt  }
0x86: {  	_ =	shalt  }
0x87: {  	_ =	shalt  }
.Lfunc_end0:
.L_simem_size_0:
called_computation_lowered:
.L_overlay_start_0:
0x88: {  	s2 =	sld [smem:$0x3FD9]  }
0x89: {  	s3 =	sld [smem:$0x3FFE];
	_ =	sdelay $0x1  }
0x8a: {  	s1 =	srdreg.scid  }
0x8b: {  	s0 =	sand.u32 $0x1, s1  }
0x8c: {  	s15 =	sshll.u32 s0, $0xA;
	s2 =	sadd.s32 s3, s2  }
0x8d: {  	s2 =	sadd.s32 s2, s15  }
0x8e: {  	[smem:$0x3FA3] =	sst s2  }
0x8f: {  	_ = 	snop  }
0x90: {  	s2 =	sld [smem:$0x3FD0];
	_ =	sdelay $0x2  }
0x91: {  	s4 =	simm.s32 $0xB;
	s16 =	simm.s32 $0x10  }
0x92: {  	[smem:s16], [sflag:s4] =	dma.local [hbm:s2], $0x1  }
0x93: {  	_ =	swait.eq [sflag:s4], $0x1  }
0x94: {  	[sflag:s4] =	ssyncset.done $0x0  }
0x95: {  	s17 =	sld [smem:$0x10];
	[sflag:s4] =	ssyncadd.s32 $0xFFFFFFFF  }
0x96: {  	s18 =	sld [smem:$0x12];
	(tm) =	ssettm $0x1  }
0x97: {  	s19 =	sld [smem:$0x3FFB];
	_ =	sdelay $0x3  }
0x98: {  	_ =	strace s19  }
0x99: {  	s2 =	sld [smem:$0x3FFC];
	_ =	sdelay $0x3  }
0x9a: {  	_ =	strace s2  }
0x9b: {  	s2 =	sld [smem:$0x3FFD];
	_ =	sdelay $0x3  }
0x9c: {  	_ =	strace s2  }
0x9d: {  	_ =	strace $0x8FFFFFFF  }
0x9e: {  	s20 =	sld [smem:$0x3FDB];
	_ =	sdelay $0x1  }
0x9f: {  	s5 =	simm.s32 $_scs_section_size  }
0xa0: {  	s6 =	simm.s32 $_size__tile_overlayer_lowered;
	s7 =	simm.s32 $_tile_overlayer_lowered  }
0xa1: {  	s8 =	simm.s32 $0x1BFF;
	s21 =	sshll.u32 s7, $0x1;
	s5 =	sadd.s32 s5, s20  }
0xa2: {  	s22 =	simm.s32 $0x0;
	s6 =	sshll.u32 s6, $0x1;
	s7 =	sadd.s32 s21, s5  }
0xa3: {  	[timem:s22], [sflag:s8] =	dma.local [hbm:s7], s6  }
0xa4: {  	_ =	swait.ge [sflag:s8], s6  }
0xa5: {  	s6 =	ssub.s32 $0x0, s6;
	[sflag:s8] =	ssyncset.done $0x0  }
0xa6: {  	[sflag:s8] =	ssyncadd.s32 s6;
	_ =	sdelay $0x1  }
0xa7: {  	s23 =	simm.s32 $0x1B8B  }
0xa8: {  	_ =	swait.ge [sflag:s23], $0x1  }
0xa9: {  	[sflag:s23] =	ssyncset.done $0x0  }
0xaa: {  	[sflag:s23] =	ssyncadd.s32 $0xFFFFFFFF  }
0xab: {  	s6 =	sld [smem:$0x0]  }
0xac: {  	s7 =	sand.u32 $0xFFFFFFFE, s1  }
0xad: {  	p0 =	sne.s32 s1, s7  }
0xae: {  	s7 =	sshll.u32 @p0 s7, $0xE  }
0xaf: {  	s7 =	sadd.s32 @p0 $0x11B8D, s7;
	s8 =	sshll.u32 @p0 s6, $0x11  }
0xb0: {  	s7 =	sor.u32 @p0 s8, s7  }
0xb1: {  	[sflag:s7] =	ssyncadd.remote.s32 @p0 $0x1;
	_ =	sdelay $0x1  }
0xb2: {  	s7 =	simm.s32 @p0 $0x1B8D  }
0xb3: {  	_ =	swait.eq @p0 [sflag:s7], $0x1  }
0xb4: {  	[sflag:s7] =	ssyncadd.s32 @p0 $0xFFFFFFFF  }
0xb5: {  	s8 =	sshll.u32 @!p0 s1, $0xE  }
0xb6: {  	s8 =	sor.u32 @!p0 $0x4000, s8;
	s7 =	simm.s32 @!p0 $0x1B8D  }
0xb7: {  	s9 =	sshll.u32 @!p0 s6, $0x11;
	s8 =	sadd.s32 @!p0 $0x11B8D, s8;
	_ =	swait.eq @!p0 [sflag:s7], $0x1  }
0xb8: {  	[sflag:s7] =	ssyncadd.s32 @!p0 $0xFFFFFFFF;
	s7 =	sor.u32 @!p0 s9, s8  }
0xb9: {  	s25 =	simm.s32 $0x1B8E;
	s24 =	sld [smem:$0x3FFE];
	[sflag:s7] =	ssyncadd.remote.s32 @!p0 $0x1  }
0xba: {  	s26 =	simm.s32 $execute0_lowered;
	[smem:$0x3FD2] =	sst s25  }
0xbb: {  	s8 =	sshll.u32 s26, $0x1;
	_ =	strace $0x8000004F;
	[dreg:$0x1] =	wrdreg $0xFFFFFFFF  }
0xbc: {  	s28 =	simm.s32 $_size_execute0_lowered;
	s5 =	sadd.s32 s5, s8;
	[dreg:$0x0] =	wrdreg $0x0  }
0xbd: {  	s8 =	sshll.u32 s28, $0x1;
	[dreg:$0x2] =	wrdreg s5  }
0xbe: {  	[dreg:$0x3] =	wrdreg s8  }
0xbf: {  	[dreg:$0x4] =	wrdreg $0xC0  }
0xc0: {  	_ =	task [dreg:s22], $0x5FFFF  }
0xc1: {  	[dreg:$0x1] =	wrdreg $0xFFFFFFFF  }
0xc2: {  	[dreg:$0x0] =	wrdreg $0x60  }
0xc3: {  	[dreg:$0x2] =	wrdreg s17  }
0xc4: {  	[dreg:$0x3] =	wrdreg s18  }
0xc5: {  	[dreg:$0x4] =	wrdreg s24  }
0xc6: {  	[dreg:$0x5] =	wrdreg s1  }
0xc7: {  	[dreg:$0x6] =	wrdreg s6  }
0xc8: {  	[dreg:$0x7] =	wrdreg $0xA  }
0xc9: {  	_ =	task.clear_ibuf [dreg:s22], $0x8FFFF;
	_ =	strace $0x9000004F  }
0xca: {  	s29 =	simm.s32 $0xA;
	_ =	strace $0x80000051  }
0xcb: {  	_ =	swait.ge [sflag:s29], $0x1  }
0xcc: {  	[sflag:s29] =	ssyncadd.s32 $0xFFFFFFFF  }
0xcd: {  	_ =	strace $0x90000051  }
0xce: {  	_ =	sfence  }
0xcf: {  	s30 =	sld [smem:$0x0];
	_ =	sdelay $0x2  }
0xd0: {  	s31 =	sshll.u32 s1, $0xD;
	s1 =	sshrl.u32 s1, $0x2  }
0xd1: {  	s4 =	sand.u32 $0x4000, s31;
	s1 =	sadd.s32 s1, s30  }
0xd2: {  	s0 =	sor.u32 s4, s0;
	s1 =	sshll.u32 s1, $0x11  }
0xd3: {  	s0 =	sor.u32 s1, s0  }
0xd4: {  	s0 =	sadd.s32 $0x8F2B, s0  }
0xd5: {  	[sflag:s0] =	ssyncadd.remote.s32 $0x1  }
0xd6: {  	_ =	sfence.sel $0xFFFF  }
0xd7: {  	[dreg:$0x0] =	wrdreg $0xFFFFFFFF;
	(pc) =	sbr.abs _section_cstart, $3  }
0xd8: {  	[dreg:$0x1] =	wrdreg $0xFFFFFFFF  }
0xd9: {  	_ =	task.clear_ibuf [dreg:s22], $0x2FFFF;
	_ =	strace $0x9FFFFFFF  }
0xda: {  	(tm) =	ssettm $0x7FFFFFFF  }
0xdb: {  	_ =	shalt  }
tec
execute0_lowered:
.L_overlay_start_1:
0x0: {  	(tag) =	ssettag $0x1  }
0x1: {  	s1 =	rddreg [dreg:$0x0]  }
0x2: {  	s15 =	rddreg [dreg:$0x1]  }
0x3: {  	s2 =	rddreg [dreg:$0x2]  }
0x4: {  	s3 =	rddreg [dreg:$0x3];
	_ =	strace $0x80000050;
	s0 =	simm.s32 $0x1  }
0x5: {  	v0 =	vimm.s32 $0x0;
	[sflag:s0] =	ssyncpa.u1 $0x0;
	s0 =	simm.s32 $0x108  }
0x6: {  	[tilespmem:s0+$0x70] =	vst v0  }
0x7: {  	[tilespmem:s0+$0x60] =	vst v0  }
0x8: {  	[tilespmem:s0+$0x50] =	vst v0  }
0x9: {  	[tilespmem:s0+$0x40] =	vst v0  }
0xa: {  	[tilespmem:s0+$0x30] =	vst v0  }
0xb: {  	s6 =	sadd.s32 $0xA22A00, s2;
	[tilespmem:s0+$0x20] =	vst v0  }
0xc: {  	s14 =	sadd.s32 $0x6800, s2;
	s5 =	sand.u32 $0x1, s3;
	s3 =	simm.s32 $0x40;
	[tilespmem:s0+$0x10] =	vst v0  }
.LBB2_1:
0xd: {  	s3 =	sadd.s32 $0x40, s3;
	[tilespmem:s0+$0x0] =	vst v0;
	s0 =	sadd.s32 $0x80, s0  }
0xe: {  	p0 =	slt.u32 s3, $0x3C40;
	[tilespmem:s0+$0x70] =	vst v0  }
0xf: {  	[tilespmem:s0+$0x60] =	vst v0  }
.Ltmp0:
0x10: {  	[tilespmem:s0+$0x50] =	vst v0;
	(pc) =	sbr.rel @p0 .LBB2_1-.Ltmp0, $4  }
0x11: {  	[tilespmem:s0+$0x40] =	vst v0  }
0x12: {  	[tilespmem:s0+$0x30] =	vst v0  }
0x13: {  	[tilespmem:s0+$0x20] =	vst v0  }
0x14: {  	[tilespmem:s0+$0x10] =	vst v0  }
0x15: {  	s9 =	stileid.u32  }
0x16: {  	s2 =	smul.u32 $0x29, s9  }
0x17: {  	s3 =	smin.u32 s9, $0xB  }
0x18: {  	s2 =	sadd.s32 s3, s2  }
0x19: {  	p0 =	slt.u32 s9, $0xB;
	s7 =	smul.u32 $0xF0, s2;
	s2 =	simm.s32 $0x2760  }
0x1a: {  	s2 =	simm.s32 @!p0 $0x2670  }
0x1b: {  	s2 =	sadd.s32 s2, s7  }
0x1c: {  	s8 =	smin.u32 s2, $0x27100  }
0x1d: {  	s2 =	ssub.s32 s8, s7  }
0x1e: {  	p0 =	sgt.s32 s2, $0x0  }
0x1f: {  	s29 =	simm.s32 $0x2;
	s10 =	simm.s32 $0x9;
	s2 =	simm.s32 @!p0 $0x0  }
0x20: {  	s4 =	simm.s32 $0xA;
	s11 =	simm.s32 $0xB;
	s28 =	smulhi.u32 $0x88888889, s2  }
0x21: {  	[dreg:$0x6] =	wrdreg s5;
	s31 =	smul.u32 $0x4E20, s5;
	s12 =	simm.s32 $0x1  }
0x22: {  	s22 =	simm.s32 $0x0;
	s18 =	simm.s32 $0xC;
	s30 =	sshrl.u32 s28, $0x7  }
0x23: {  	s20 =	simm.s32 $0x0;
	s21 =	simm.s32 $0x0;
	s3 =	smul.u32 $0xF0, s30  }
.Ltmp1:
0x24: {  	[tilespmem:s0+$0x0] =	vst v0;
	v0 =	vimm.s32 $0xFFFFFFFF;
	[sflag:s29] =	ssyncpa.u1 $0x0;
	s16 =	sshll.u32 s9, $0x8;
	(pc) =	sbr.rel .LBB2_3-.Ltmp1, $4  }
0x25: {  	[tilespmem:$0xF208] =	vst v0;
	[sflag:s10] =	ssyncpa.u1 $0x0;
	p0 =	sne.s32 s2, s3;
	s2 =	simm.s32 $0x1  }
0x26: {  	s14 =	sadd.s32 s31, s14;
	[sflag:s4] =	ssyncpa.u1 $0x0;
	s2 =	simm.s32 @!p0 $0x0  }
0x27: {  	s15 =	sadd.s32 s31, s15;
	[sflag:s11] =	ssyncpa.u1 $0x0;
	s13 =	sadd.s32 s2, s30  }
0x28: {  	v0 =	vlaneseq.u32;
	s19 =	smov.u32 s7;
	p0 =	por $0x0, $0x0;
	s17 =	sadd.s32 $0x1, s13  }
.LBB2_18:
0x29: {  	s0 =	sshrl.u32 s31, $0x2  }
.LBB2_20:
0x2a: {  	_ =	swait.ge [sflag:s18], s0  }
0x2b: {  	s31 =	ssub.s32 $0x0, s0;
	v1 =	vmov s24;
	vm0 =	veq.s32 v0, $0x0;
	[sflag:s18] =	ssyncset.done $0x0  }
0x2c: {  	vm15 =	veq.s32 v0, $0x2;
	v1 =	vsel vm0, s30, v1;
	[sflag:s18] =	ssyncadd.s32 s31  }
0x2d: {  	v1 =	vsel vm15, s22, v1;
	[sflag:s18] =	ssyncpa.u1 $0x1  }
0x2e: {  	[tilespmem:$0xF208] =	vst v1  }
.LBB2_21:
0x2f: {  	s0 =	sadd.s32 $0xF0, s19  }
0x30: {  	s2 =	smov.u32 s7;
	p1 =	slt.s32 s0, s8  }
0x31: {  	s2 =	smov.u32 @p1 s0;
	p1 =	sne.s32 s21, s17  }
.Ltmp2:
0x32: {  	_ = 	snop;
	(pc) =	sbr.rel @!p1 .LBB2_22-.Ltmp2, $3  }
0x33: {  	_ =	sdelay $0x1  }
0x34: {  	s22 =	smov.u32 s20;
	s31 =	sadd.s32 $0x1, s21;
	s20 =	smov.u32 s19  }
0x35: {  	p0 =	por !p0, !p0;
	s21 =	smov.u32 s31;
	s19 =	smov.u32 s2  }
.LBB2_3:
0x36: {  	p1 =	sge.u32 s21, s13  }
0x37: {  	s0 =	smulhi.u32 @!p1 $0xAAAAAAAB, s21  }
0x38: {  	s2 =	smov.u32 s19;
	p2 =	sgt.s32 @!p1 s19, $0x27010  }
0x39: {  	s3 =	sshra.s32 @!p1 s19, $0x1F;
	p2 =	por !p2, p1;
	s0 =	sshrl.u32 @!p1 s0, $0x1  }
0x3a: {  	s3 =	sand.u32 @!p1 s3, s19;
	s2 =	simm.s32 @p2 $0x27010;
	s0 =	smul.u32 @!p1 $0x3, s0  }
0x3b: {  	s2 =	ssub.s32 @!p1 s2, s3  }
0x3c: {  	s2 =	sadd.s32 @!p1 $0xFFFD8FF0, s2;
	s0 =	ssub.s32 @!p1 s21, s0  }
0x3d: {  	s3 =	sshll.u32 @!p1 s2, $0x2;
	p2 =	sgt.s32 @!p1 s2, $0xEF;
	s0 =	smul.u32 @!p1 $0x3C0, s0  }
0x3e: {  	s4 =	sand.u32 @!p1 $0x7, s19;
	s2 =	ssub.s32 @!p1 $0x3C0, s3;
	p2 =	por !p2, p1  }
0x3f: {  	s3 =	sshrl.u32 @!p1 s19, $0x3;
	s2 =	sshrl.u32 @!p1 s2, $0x2;
	s0 =	sshrl.u32 @!p1 s0, $0x2  }
0x40: {  	s3 =	sadd.s32 @!p1 s3, s14;
	s2 =	simm.s32 @!p2 $0x0;
	s0 =	sadd.s32 @!p1 $0x10248, s0  }
0x41: {  	[tilespmem:s0], [sflag:$0xA] =	stream.linear.gather @!p1 [hbm4b:s3+s4], s2, $0x38;
	[tilespmem:$0x1F6F8] =	vst v63  }
0x42: {  	s0 =	sadd.s32 $0xFFFFFFFF, s21  }
0x43: {  	p1 =	sge.u32 s0, s13  }
0x44: {  	p2 =	sgt.s32 @!p1 s20, $0x27010  }
0x45: {  	s2 =	smov.u32 s20;
	s3 =	sshra.s32 @!p1 s20, $0x1F;
	p2 =	por !p2, p1  }
0x46: {  	s3 =	sand.u32 @!p1 s3, s20;
	s2 =	simm.s32 @p2 $0x27010  }
0x47: {  	s2 =	ssub.s32 @!p1 s2, s3  }
0x48: {  	s2 =	sadd.s32 @!p1 $0xFFFD8FF0, s2  }
0x49: {  	s4 =	sand.u32 @!p1 $0x1, s0;
	s3 =	sshll.u32 @!p1 s2, $0x2  }
0x4a: {  	p2 =	sgt.s32 @!p1 s2, $0xEF;
	s2 =	ssub.s32 @!p1 $0x3C0, s3;
	s3 =	smulhi.u32 @!p1 $0xAAAAAAAB, s0  }
0x4b: {  	s23 =	smul.u32 @!p1 $0x3C0, s4;
	p2 =	por !p2, p1;
	s2 =	sshrl.u32 @!p1 s2, $0x2  }
0x4c: {  	s5 =	simm.s32 @!p1 $0xA;
	s2 =	simm.s32 @!p2 $0x0;
	s3 =	sshrl.u32 @!p1 s3, $0x1  }
0x4d: {  	s23 =	sshrl.u32 @!p1 s23, $0x2;
	_ =	swait.ge @!p1 [sflag:s5], s2;
	s3 =	smul.u32 @!p1 $0x3, s3  }
0x4e: {  	s23 =	sadd.s32 @!p1 $0x10518, s23;
	s24 =	ssub.s32 @!p1 $0x0, s2;
	[sflag:s5] =	ssyncset.done @!p1 $0x0  }
0x4f: {  	[sflag:s5] =	ssyncadd.s32 @!p1 s24;
	s5 =	sshrl.u32 @!p1 s20, $0x3;
	s0 =	ssub.s32 @!p1 s0, s3  }
0x50: {  	s24 =	sand.u32 @!p1 $0x7, s20;
	s5 =	sadd.s32 @!p1 s5, s15;
	s0 =	smul.u32 @!p1 $0x3C0, s0  }
0x51: {  	[tilespmem:s23], [sflag:$0xB] =	stream.linear.gather @!p1 [hbm4b:s5+s24], s2, $0x38;
	[tilespmem:$0x1F6F8] =	vst v63  }
0x52: {  	s3 =	ssub.s32 @!p1 $0x27100, s20;
	s2 =	smul.u32 @!p1 $0x1E000, s4  }
0x53: {  	p2 =	slt.s32 @!p1 s3, $0xF0  }
0x54: {  	p2 =	por !p2, p1;
	s0 =	sshrl.u32 @!p1 s0, $0x2;
	s2 =	sshrl.u32 @!p1 s2, $0x2  }
0x55: {  	s3 =	simm.s32 @p2 $0xF0;
	s0 =	sadd.s32 @!p1 $0x10248, s0;
	s2 =	sor.u32 @!p1 $0x106F8, s2  }
0x56: {  	[tilespmem:s2], [sflag:$0x9] =	stream.indirect.gather @!p1 [hbm4b:s6+s3], $0x80, s0, s3, $0xb8;
	[tilespmem:$0x1F6F8] =	vst v63  }
0x57: {  	p1 =	slt.u32 s21, $0x2  }
.Ltmp3:
0x58: {  	_ = 	snop;
	(pc) =	sbr.rel @p1 .LBB2_21-.Ltmp3, $1  }
0x59: {  	_ =	sdelay $0x3  }
0x5a: {  	p1 =	sgt.s32 s22, $0x27010  }
0x5b: {  	s0 =	smov.u32 s22;
	s2 =	sshra.s32 s22, $0x1F;
	s3 =	ssub.s32 $0x27100, s22  }
0x5c: {  	s0 =	simm.s32 @!p1 $0x27010;
	s2 =	sand.u32 s2, s22;
	p1 =	slt.s32 s3, $0xF0  }
0x5d: {  	s0 =	ssub.s32 s0, s2;
	s3 =	simm.s32 @!p1 $0xF0  }
0x5e: {  	s0 =	sadd.s32 $0xFFFD8FF0, s0;
	s25 =	sshll.u32 s3, $0x7  }
0x5f: {  	s26 =	sshll.u32 s0, $0x2;
	s2 =	sand.u32 $0x3FFFFF80, s25  }
0x60: {  	p1 =	sgt.s32 s0, $0xEF;
	s29 =	ssub.s32 $0x3C0, s26;
	_ =	swait.ge [sflag:s10], s2  }
0x61: {  	s2 =	ssub.s32 $0x0, s2;
	[sflag:s10] =	ssyncset.done $0x0;
	s0 =	sshrl.u32 s29, $0x2  }
0x62: {  	[sflag:s10] =	ssyncadd.s32 s2;
	s0 =	simm.s32 @p1 $0x0  }
0x63: {  	_ =	swait.ge [sflag:s11], s0  }
0x64: {  	s0 =	ssub.s32 $0x0, s0;
	[sflag:s11] =	ssyncset.done $0x0  }
0x65: {  	[sflag:s11] =	ssyncadd.s32 s0  }
0x66: {  	v1 =	vld [tilespmem:$0xF208];
	_ =	sdelay $0x4  }
0x67: {  	(v2sf) =	vpush v1, $0x0  }
0x68: {  	(v2sf) =	vpush v1, $0x1  }
0x69: {  	(v2sf) =	vpush v1, $0x2;
	_ =	sdelay $0x3  }
0x6a: {  	s0 =	sadd.s32 $0xF0, s22  }
0x6b: {  	s2 =	ssub.s32 $0x4E200, s22;
	p1 =	slt.s32 s8, s0  }
0x6c: {  	s0 =	smov.u32 @p1 s8;
	p1 =	sgt.s32 s2, $0x0  }
0x6d: {  	s26 =	ssub.s32 s0, s22;
	s2 =	simm.s32 @!p1 $0x0  }
0x6e: {  	p1 =	slt.s32 s2, s26  }
0x6f: {  	s26 =	smov.u32 @p1 s2  }
0x70: {  	s25 =	simm.s32 $0x1;
	p1 =	slt.s32 s26, $0x1  }
.Ltmp4:
0x71: {  	s25 =	simm.s32 @!p0 $0x0;
	(pc) =	sbr.rel @p1 .LBB2_8-.Ltmp4, $4  }
0x72: {  	s31 =	smul.u32 $0x3C0, s25  }
0x73: {  	s28 =	spop (v2sf)  }
0x74: {  	s0 =	sshrl.u32 s31, $0x2;
	s30 =	spop (v2sf)  }
0x75: {  	s23 =	sadd.s32 $0x10518, s0;
	s22 =	spop (v2sf)  }
0x76: {  	s0 =	smin.u32 s26, $0x10  }
0x77: {  	v1 =	vmov s0  }
0x78: {  	p2 =	sgt.s32 s26, $0x10;
	vm1 =	vgt.u32 v1, v0  }
.Ltmp5:
0x79: {  	_ = 	snop;
	(pc) =	sbr.rel @!p2 .LBB2_7-.Ltmp5, $2  }
0x7a: {  	_ =	sdelay $0x2  }
0x7b: {  	s4 =	simm.s32 $0x10;
	s24 =	sadd.s32 $0xFFFFFFF0, s26;
	s0 =	smov.u32 s23;
	vm0 =	vmmov vm1  }
.LBB2_6:
0x7c: {  	s2 =	smin.u32 s24, $0x10;
	s4 =	sadd.s32 $0x10, s4;
	v1 =	vld.msk [tilespmem:s0+$0x0 ss:$0x1], vm1  }
0x7d: {  	v2 =	vmov s2;
	p2 =	slt.s32 s4, s26  }
0x7e: {  	vm1 =	vgt.u32 v2, v0  }
.Ltmp6:
0x7f: {  	(pc) =	sbr.rel @p2 .LBB2_6-.Ltmp6, $3  }
0x80: {  	_ =	sdelay $0x1  }
0x81: {  	v1 =	vshll.u32 v1, $0x4  }
0x82: {  	s24 =	sadd.s32 $0xFFFFFFF0, s24;
	[tilespmem:s0+$0x0] =	vst.msk vm0, v1;
	s0 =	sadd.s32 $0x10, s0;
	vm0 =	vmmov vm1  }
.LBB2_7:
0x83: {  	_ =	sdelay $0x4  }
0x84: {  	v1 =	vld.msk [tilespmem:s0+$0x0 ss:$0x1], vm1;
	_ =	sdelay $0x4  }
0x85: {  	v1 =	vshll.u32 v1, $0x4  }
0x86: {  	[tilespmem:s0+$0x0] =	vst.msk vm0, v1  }
.LBB2_8:
0x87: {  	s0 =	sand.u32 $0x1, s21  }
0x88: {  	s0 =	smul.u32 $0xF0, s0  }
0x89: {  	p2 =	sne.s32 s30, $0xFFFFFFFF  }
0x8a: {  	v1 =	vld.msk @!p2 [tilespmem:s0+$0x10518], $0x1;
	_ =	sdelay $0x4  }
0x8b: {  	(v2sf) =	vpush @!p2 v1, $0x0;
	_ =	sdelay $0xc  }
.Ltmp7:
0x8c: {  	_ = 	snop;
	(pc) =	sbr.rel @p1 .LBB2_19-.Ltmp7, $4  }
0x8d: {  	_ = 	snop  }
0x8e: {  	s29 =	spop @!p2 (v2sf)  }
0x8f: {  	s22 =	simm.s32 @!p2 $0x0;
	s24 =	smov.u32 s29  }
0x90: {  	[sflag:s18] =	ssyncpa.u1 $0x0;
	s29 =	smov.u32 @p2 s28;
	s24 =	smov.u32 @p2 s30  }
0x91: {  	v1 =	vld.msk [tilespmem:s23+$0x0], $0x1;
	_ =	sdelay $0x4  }
0x92: {  	(v2sf) =	vpush v1, $0x0;
	_ =	sdelay $0xe  }
0x93: {  	s2 =	smul.u32 $0x1E000, s25;
	s0 =	spop (v2sf)  }
0x94: {  	s26 =	ssub.s32 $0x0, s26;
	p1 =	seq.s32 s29, s0  }
0x95: {  	s30 =	sadd.s32 $0x1, s26;
	s2 =	sshrl.u32 s2, $0x2;
	p2 =	sgt.s32 @!p1 s29, $0x0  }
0x96: {  	s25 =	sor.u32 $0x10738, s2;
	s2 =	smov.u32 s29;
	p2 =	por !p2, p1  }
0x97: {  	s2 =	simm.s32 @p2 $0x0;
	p2 =	seq.s32 s30, $0x0  }
.Ltmp8:
0x98: {  	_ = 	snop;
	(pc) =	sbr.rel @p2 .LBB2_11-.Ltmp8, $4  }
0x99: {  	_ = 	snop  }
0x9a: {  	s28 =	simm.s32 $0x0;
	s31 =	sadd.s32 $0x1, s23;
	s2 =	smin.u32 @!p1 s2, $0x270F0  }
0x9b: {  	s4 =	simm.s32 @!p1 $0x1;
	s5 =	simm.s32 @!p1 $0x7988;
	s3 =	sand.u32 @!p1 $0x3FFF8, s2  }
0x9c: {  	s4 =	smov.u32 @p1 s28;
	s2 =	sand.u32 @!p1 $0x7, s2;
	s3 =	sadd.s32 @!p1 s1, s3  }
.LBB2_10:
0x9d: {  	s9 =	smov.u32 s4  }
0x9e: {  	[tilespmem:s5], [sflag:$0x2] =	stream.linear.gather @!p1 [hbm4b:s3+s2], $0x80, $0x38;
	[tilespmem:$0x1F6F8] =	vst v63  }
0x9f: {  	s30 =	sadd.s32 $0x1, s30;
	s2 =	smov.u32 s0;
	v1 =	vld.msk [tilespmem:s31+$0x0], $0x1  }
0xa0: {  	p2 =	seq.s32 s30, $0x0;
	_ =	sdelay $0x3  }
0xa1: {  	(v2sf) =	vpush v1, $0x0;
	_ =	sdelay $0xe  }
0xa2: {  	s0 =	spop (v2sf)  }
0xa3: {  	p1 =	seq.s32 s2, s0  }
0xa4: {  	p3 =	sgt.s32 @!p1 s2, $0x0;
	s3 =	sshll.u32 @!p1 s4, $0x9;
	s4 =	sadd.s32 @!p1 $0x1, s4  }
.Ltmp9:
0xa5: {  	p3 =	por !p3, p1;
	s3 =	sshra.s32 @!p1 s3, $0x2;
	(pc) =	sbr.rel @!p2 .LBB2_10-.Ltmp9, $4  }
0xa6: {  	s4 =	smov.u32 @p1 s9;
	s2 =	simm.s32 @p3 $0x0;
	s5 =	sadd.s32 @!p1 $0x7988, s3  }
0xa7: {  	s2 =	smin.u32 @!p1 s2, $0x270F0  }
0xa8: {  	s3 =	sand.u32 @!p1 $0x3FFF8, s2;
	s2 =	sand.u32 @!p1 $0x7, s2  }
0xa9: {  	s31 =	sadd.s32 $0x1, s31;
	s3 =	sadd.s32 @!p1 s1, s3  }
.LBB2_11:
0xaa: {  	[tilespmem:s5], [sflag:$0x2] =	stream.linear.gather @!p1 [hbm4b:s3+s2], $0x80, $0x38;
	[tilespmem:$0x1F6F8] =	vst v63  }
.Ltmp10:
0xab: {  	s0 =	sshll.u32 s4, $0x7;
	(pc) =	sbr.rel .LBB2_12-.Ltmp10, $4  }
0xac: {  	s30 =	simm.s32 $0x2;
	s0 =	sand.u32 $0x3FFFFF80, s0  }
0xad: {  	_ =	swait.ge [sflag:s30], s0  }
0xae: {  	s0 =	ssub.s32 $0x0, s0;
	[sflag:s30] =	ssyncset.done $0x0  }
0xaf: {  	s31 =	simm.s32 $0x0;
	[sflag:s30] =	ssyncadd.s32 s0  }
.LBB2_13:
0xb0: {  	v1 =	vld [tilespmem:s25+$0xFFFFFFC0];
	_ =	sdelay $0x3  }
0xb1: {  	s0 =	sshra.s32 s0, $0x2  }
0xb2: {  	[tilespmem:s0+$0x108] =	vst.add.f32.msk $0xffff, v1  }
0xb3: {  	v1 =	vld [tilespmem:s25+$0xFFFFFFD0];
	_ =	sdelay $0x4  }
0xb4: {  	[tilespmem:s0+$0x118] =	vst.add.f32.msk $0xffff, v1  }
0xb5: {  	v1 =	vld [tilespmem:s25+$0xFFFFFFE0];
	_ =	sdelay $0x4  }
0xb6: {  	[tilespmem:s0+$0x128] =	vst.add.f32.msk $0xffff, v1  }
0xb7: {  	v1 =	vld [tilespmem:s25+$0xFFFFFFF0];
	_ =	sdelay $0x4  }
0xb8: {  	[tilespmem:s0+$0x138] =	vst.add.f32.msk $0xffff, v1  }
0xb9: {  	v1 =	vld [tilespmem:s25+$0x0];
	_ =	sdelay $0x4  }
0xba: {  	[tilespmem:s0+$0x148] =	vst.add.f32.msk $0xffff, v1  }
0xbb: {  	v1 =	vld [tilespmem:s25+$0x10];
	_ =	sdelay $0x4  }
0xbc: {  	[tilespmem:s0+$0x158] =	vst.add.f32.msk $0xffff, v1  }
0xbd: {  	v1 =	vld [tilespmem:s25+$0x20];
	_ =	sdelay $0x4  }
0xbe: {  	[tilespmem:s0+$0x168] =	vst.add.f32.msk $0xffff, v1  }
0xbf: {  	v1 =	vld [tilespmem:s25+$0x30];
	_ =	sdelay $0x4  }
0xc0: {  	[tilespmem:s0+$0x178] =	vst.add.f32.msk $0xffff, v1  }
.LBB2_17:
0xc1: {  	s26 =	sadd.s32 $0x1, s26  }
0xc2: {  	p1 =	seq.s32 s26, $0x0  }
.Ltmp11:
0xc3: {  	_ = 	snop;
	(pc) =	sbr.rel @p1 .LBB2_18-.Ltmp11, $2  }
0xc4: {  	_ =	sdelay $0x2  }
0xc5: {  	s23 =	sadd.s32 $0x1, s23;
	s25 =	sadd.s32 $0x80, s25;
	s29 =	smov.u32 s30  }
.LBB2_12:
0xc6: {  	v1 =	vld.msk [tilespmem:s23+$0x0], $0x1;
	_ =	sdelay $0x4  }
0xc7: {  	(v2sf) =	vpush v1, $0x0;
	_ =	sdelay $0xe  }
0xc8: {  	s30 =	spop (v2sf)  }
0xc9: {  	p1 =	sne.s32 s29, s30  }
.Ltmp12:
0xca: {  	_ = 	snop;
	(pc) =	sbr.rel @!p1 .LBB2_13-.Ltmp12, $2  }
0xcb: {  	_ =	sdelay $0x2  }
0xcc: {  	s0 =	sshll.u32 s22, $0x9  }
0xcd: {  	p1 =	seq.s32 s29, s24  }
.Ltmp13:
0xce: {  	_ = 	snop;
	(pc) =	sbr.rel @!p1 .LBB2_15-.Ltmp13, $1  }
0xcf: {  	_ =	sdelay $0x3  }
0xd0: {  	s0 =	sshra.s32 s0, $0x2  }
.Ltmp14:
0xd1: {  	s0 =	sadd.s32 $0x108, s0;
	(pc) =	sbr.rel .LBB2_16-.Ltmp14, $4  }
0xd2: {  	[spmem:s16] =	stream.linear.scatter [tilespmem:s0], [sflag:$0x1], $0x80, $0x38;
	[tilespmem:$0x1F6F8] =	vst v63  }
0xd3: {  	_ =	swait.ge [sflag:s12], $0x80  }
0xd4: {  	[sflag:s12] =	ssyncset.done $0x0  }
0xd5: {  	[sflag:s12] =	ssyncadd.s32 $0xFFFFFF80  }
.LBB2_15:
0xd6: {  	s2 =	sshll.u32 s28, $0x9  }
0xd7: {  	s2 =	sshra.s32 s2, $0x2  }
0xd8: {  	v1 =	vld [tilespmem:s2+$0x7988];
	_ =	sdelay $0x3  }
0xd9: {  	s0 =	sshra.s32 s0, $0x2  }
0xda: {  	[tilespmem:s0+$0x108] =	vst.add.f32.msk $0xffff, v1  }
0xdb: {  	v1 =	vld [tilespmem:s2+$0x7998];
	_ =	sdelay $0x4  }
0xdc: {  	[tilespmem:s0+$0x118] =	vst.add.f32.msk $0xffff, v1  }
0xdd: {  	v1 =	vld [tilespmem:s2+$0x79A8];
	_ =	sdelay $0x4  }
0xde: {  	[tilespmem:s0+$0x128] =	vst.add.f32.msk $0xffff, v1  }
0xdf: {  	v1 =	vld [tilespmem:s2+$0x79B8];
	_ =	sdelay $0x4  }
0xe0: {  	[tilespmem:s0+$0x138] =	vst.add.f32.msk $0xffff, v1  }
0xe1: {  	v1 =	vld [tilespmem:s2+$0x79C8];
	_ =	sdelay $0x4  }
0xe2: {  	[tilespmem:s0+$0x148] =	vst.add.f32.msk $0xffff, v1  }
0xe3: {  	v1 =	vld [tilespmem:s2+$0x79D8];
	_ =	sdelay $0x4  }
0xe4: {  	[tilespmem:s0+$0x158] =	vst.add.f32.msk $0xffff, v1  }
0xe5: {  	v1 =	vld [tilespmem:s2+$0x79E8];
	_ =	sdelay $0x4  }
0xe6: {  	[tilespmem:s0+$0x168] =	vst.add.f32.msk $0xffff, v1  }
0xe7: {  	v1 =	vld [tilespmem:s2+$0x79F8];
	_ =	sdelay $0x2  }
0xe8: {  	p1 =	sgt.u32 s29, $0x270F0  }
0xe9: {  	s2 =	sand.u32 @!p1 $0x3FFF8, s29  }
0xea: {  	s3 =	sadd.s32 $0x108, s0;
	[tilespmem:s0+$0x178] =	vst.add.f32.msk $0xffff, v1;
	s0 =	sadd.s32 @!p1 s1, s2;
	s2 =	sand.u32 @!p1 $0x7, s29  }
0xeb: {  	[hbm4b:s0+s2] =	stream.linear.scatter @!p1 [tilespmem:s3], [sflag:$0xC], $0x80, $0x38;
	[tilespmem:$0x1F6F8] =	vst v63  }
0xec: {  	s0 =	simm.s32 $0x0  }
0xed: {  	s0 =	simm.s32 @!p1 $0x200  }
0xee: {  	s31 =	sadd.s32 s0, s31  }
.LBB2_16:
0xef: {  	s0 =	sadd.s32 $0x1, s22  }
0xf0: {  	s2 =	smulhi.u32 $0x88888889, s0;
	_ =	sdelay $0x1  }
0xf1: {  	v1 =	vld [tilespmem:s25+$0xFFFFFFC0];
	s2 =	sshrl.u32 s2, $0x7  }
0xf2: {  	s2 =	smul.u32 $0xF0, s2;
	_ =	sdelay $0x1  }
0xf3: {  	s22 =	ssub.s32 s0, s2  }
0xf4: {  	s0 =	sshll.u32 s22, $0x7  }
0xf5: {  	[tilespmem:s0+$0x108] =	vst v1  }
0xf6: {  	v1 =	vld [tilespmem:s25+$0xFFFFFFD0];
	_ =	sdelay $0x4  }
0xf7: {  	[tilespmem:s0+$0x118] =	vst v1  }
0xf8: {  	v1 =	vld [tilespmem:s25+$0xFFFFFFE0];
	_ =	sdelay $0x4  }
0xf9: {  	[tilespmem:s0+$0x128] =	vst v1  }
0xfa: {  	v1 =	vld [tilespmem:s25+$0xFFFFFFF0];
	_ =	sdelay $0x4  }
0xfb: {  	[tilespmem:s0+$0x138] =	vst v1  }
0xfc: {  	v1 =	vld [tilespmem:s25+$0x0];
	_ =	sdelay $0x4  }
0xfd: {  	[tilespmem:s0+$0x148] =	vst v1  }
0xfe: {  	v1 =	vld [tilespmem:s25+$0x10];
	_ =	sdelay $0x4  }
0xff: {  	[tilespmem:s0+$0x158] =	vst v1  }
0x100: {  	v1 =	vld [tilespmem:s25+$0x20];
	_ =	sdelay $0x4  }
0x101: {  	[tilespmem:s0+$0x168] =	vst v1  }
0x102: {  	v1 =	vld [tilespmem:s25+$0x30]  }
.Ltmp15:
0x103: {  	_ = 	snop;
	(pc) =	sbr.rel .LBB2_17-.Ltmp15, $2  }
0x104: {  	_ =	sdelay $0x2  }
0x105: {  	s28 =	sadd.s32 $0x1, s28;
	[tilespmem:s0+$0x178] =	vst v1  }
.LBB2_19:
.Ltmp16:
0x106: {  	(pc) =	sbr.rel .LBB2_20-.Ltmp16, $4  }
0x107: {  	_ = 	snop  }
0x108: {  	s0 =	simm.s32 $0x2  }
0x109: {  	_ =	swait.ge [sflag:s0], $0x0  }
0x10a: {  	s30 =	smov.u32 s29;
	[sflag:s0] =	ssyncset.done $0x0;
	s0 =	simm.s32 $0x0  }
.LBB2_22:
0x10b: {  	_ =	sfence.sel $0x180000  }
0x10c: {  	s0 =	simm.s32 $0x9;
	[bflag:$0x0] =	sbarrier.arrive $0xFFFF  }
0x10d: {  	s24 =	simm.s32 $0xA;
	[sflag:s0] =	ssyncpa.u1 $0x1  }
0x10e: {  	s25 =	simm.s32 $0xB;
	[sflag:s24] =	ssyncpa.u1 $0x1  }
0x10f: {  	s26 =	simm.s32 $0x2;
	[sflag:s25] =	ssyncpa.u1 $0x1  }
0x110: {  	[sflag:s26] =	ssyncpa.u1 $0x1  }
0x111: {  	v0 =	vld [tilespmem:$0xF208];
	_ =	sdelay $0x4  }
0x112: {  	(v2sf) =	vpush v0, $0x0  }
0x113: {  	(v2sf) =	vpush v0, $0x1;
	_ =	sdelay $0x1  }
0x114: {  	(v2sf) =	vpush v0, $0x2;
	_ =	sdelay $0xb  }
0x115: {  	s0 =	spop (v2sf)  }
0x116: {  	s2 =	spop (v2sf)  }
0x117: {  	s3 =	smov.u32 s0;
	p0 =	sne.s32 s0, s2  }
0x118: {  	s4 =	spop (v2sf);
	s3 =	simm.s32 @!p0 $0xFFFFFFFF  }
0x119: {  	v2 =	vimm.s32 $0x1;
	v3 =	vlaneseq.u32;
	p0 =	seq.s32 s4, $0xFFFFFFFF;
	v1 =	vmov s3  }
0x11a: {  	s16 =	stileid.u32;
	v0 =	vperm.xlane v0, v2;
	p1 =	sne.s32 @!p0 s0, s2;
	v1 =	vperm.xlane v1, v3  }
0x11b: {  	vm0 =	vcmask $0x3F04;
	s6 =	simm.s32 $0xF208;
	s0 =	simm.s32 @!p0 $0x1;
	p1 =	por !p1, p0  }
0x11c: {  	s3 =	sshll.u32 s16, $0x1;
	s2 =	sshll.u32 @!p0 s4, $0x9;
	s0 =	simm.s32 @p1 $0x0;
	v0 =	vsel vm0, v1, v0  }
0x11d: {  	s5 =	sor.u32 $0x1000, s3;
	s2 =	sshra.s32 @!p0 s2, $0x2;
	s0 =	sor.u32 @!p0 s0, s3;
	[tilespmem:$0xF208] =	vst v0  }
0x11e: {  	[spmem:s5] =	stream.linear.scatter [tilespmem:s6], [sflag:$0x1], $0x2, $0x38;
	[tilespmem:$0x1F6F8] =	vst v63  }
0x11f: {  	s2 =	sadd.s32 @!p0 $0x108, s2;
	s0 =	sshll.u32 @!p0 s0, $0x7  }
0x120: {  	[spmem:s0] =	stream.linear.scatter @!p0 [tilespmem:s2], [sflag:$0x1], $0x80, $0x38;
	[tilespmem:$0x1F6F8] =	vst v63  }
0x121: {  	s0 =	simm.s32 @!p0 $0x82  }
0x122: {  	s28 =	simm.s32 $0x1;
	s0 =	simm.s32 @p0 $0x2  }
0x123: {  	_ =	swait.ge [sflag:s28], s0  }
0x124: {  	s0 =	ssub.s32 $0x0, s0;
	[sflag:s28] =	ssyncset.done $0x0  }
0x125: {  	p0 =	sne.s32 s16, $0x0;
	[sflag:s28] =	ssyncadd.s32 s0  }
.Ltmp17:
0x126: {  	_ =	sfence.stream.spmem;
	(pc) =	sbr.rel @p0 .LBB2_39-.Ltmp17, $4  }
0x127: {  	s29 =	simm.s32 $0x3;
	[bflag:$0x0] =	sbarrier.arrive $0xFFFF  }
0x128: {  	s30 =	simm.s32 $0x4;
	[sflag:s29] =	ssyncpa.u1 $0x1  }
0x129: {  	s31 =	simm.s32 $0x3C;
	[sflag:s30] =	ssyncpa.u1 $0x1  }
0x12a: {  	s15 =	rddreg [dreg:$0x6];
	[sflag:s31] =	ssyncpa.u1 $0x1  }
0x12b: {  	_ =	sfence.stream.spmem;
	s0 =	simm.s32 $0x5  }
0x12c: {  	s2 =	simm.s32 $0x1000;
	s3 =	simm.s32 $0xF218;
	[sflag:s0] =	ssyncpa.u1 $0x0  }
0x12d: {  	[tilespmem:s3], [sflag:$0x5] =	stream.linear.gather [spmem:s2], $0x20, $0x38;
	[tilespmem:$0x1F6F8] =	vst v63  }
0x12e: {  	s26 =	simm.s32 $0x0;
	s28 =	simm.s32 $0xF238  }
0x12f: {  	[tilespmem:s28], [sflag:$0x5] =	stream.linear.gather [spmem:s26], $0x1000, $0x38;
	[tilespmem:$0x1F6F8] =	vst v63  }
0x130: {  	_ =	swait.ge [sflag:s0], $0x1020  }
0x131: {  	[sflag:s0] =	ssyncset.done $0x0  }
0x132: {  	s29 =	simm.s32 $0x0;
	[sflag:s0] =	ssyncadd.s32 $0xFFFFEFE0  }
0x133: {  	v0 =	vld.msk [tilespmem:s29+$0xF218], $0x1;
	_ =	sdelay $0x1  }
0x134: {  	s30 =	simm.s32 $0x1  }
0x135: {  	v1 =	vld.msk [tilespmem:s30+$0xF218], $0x1;
	_ =	sdelay $0x1  }
0x136: {  	(v2sf) =	vpush v0, $0x0;
	_ =	sdelay $0x2  }
0x137: {  	(v2sf) =	vpush v1, $0x0;
	_ =	sdelay $0x2  }
0x138: {  	s31 =	simm.s32 $0x2  }
0x139: {  	v0 =	vld.msk [tilespmem:s31+$0xF218], $0x1;
	_ =	sdelay $0x2  }
0x13a: {  	s4 =	simm.s32 $0xFFFFFFFF;
	s5 =	simm.s32 $0xFFFFFFFF;
	s0 =	simm.s32 $0xC  }
.LBB2_24:
0x13b: {  	s2 =	smov.u32 s5;
	s3 =	smov.u32 s4  }
0x13c: {  	s4 =	sshra.s32 s0, $0x2;
	p1 =	sne.s32 s0, $0x7C;
	s0 =	sadd.s32 $0x4, s0;
	(v2sf) =	vpush v0, $0x0  }
0x13d: {  	v0 =	vld.msk [tilespmem:s4+$0xF218], $0x1  }
.Ltmp18:
0x13e: {  	(pc) =	sbr.rel @p1 .LBB2_24-.Ltmp18, $4  }
0x13f: {  	s5 =	spop (v2sf)  }
0x140: {  	p2 =	sne.s32 s3, $0xFFFFFFFF;
	s4 =	smov.u32 s5  }
0x141: {  	p3 =	seq.s32 s5, $0xFFFFFFFF;
	s4 =	smov.u32 @p2 s3  }
0x142: {  	s5 =	smov.u32 @p3 s2;
	s4 =	smov.u32 @p3 s3  }
0x143: {  	(v2sf) =	vpush v0, $0x0;
	_ =	sdelay $0x8  }
0x144: {  	s0 =	spop (v2sf)  }
0x145: {  	p1 =	sne.s32 s4, $0xFFFFFFFF;
	s2 =	smov.u32 s0  }
0x146: {  	s9 =	simm.s32 $0x6;
	p2 =	seq.s32 s0, $0xFFFFFFFF;
	s2 =	smov.u32 @p1 s4  }
0x147: {  	s6 =	simm.s32 $0x0;
	s2 =	smov.u32 @p2 s4;
	s3 =	spop (v2sf)  }
0x148: {  	s0 =	smov.u32 @p2 s5;
	p1 =	sne.s32 s2, $0xFFFFFFFF;
	s4 =	smov.u32 s3  }
.Ltmp19:
0x149: {  	p2 =	seq.s32 s3, $0xFFFFFFFF;
	s4 =	smov.u32 @p1 s2;
	(pc) =	sbr.rel .LBB2_26-.Ltmp19, $4  }
0x14a: {  	s10 =	simm.s32 $0xF188;
	s4 =	smov.u32 @p2 s2;
	s7 =	spop (v2sf)  }
0x14b: {  	s11 =	simm.s32 $0x0;
	p1 =	sne.s32 s4, $0xFFFFFFFF;
	s8 =	smov.u32 s7  }
0x14c: {  	s3 =	smov.u32 @p2 s0;
	p2 =	seq.s32 s7, $0xFFFFFFFF;
	s8 =	smov.u32 @p1 s4  }
0x14d: {  	[sflag:s9] =	ssyncpa.u1 $0x0;
	s7 =	smov.u32 @p2 s3;
	s8 =	smov.u32 @p2 s4  }
.LBB2_32:
0x14e: {  	p1 =	sgt.u32 s12, $0x270F0  }
0x14f: {  	p2 =	seq.s32 @!p1 s12, s8  }
0x150: {  	p1 =	por p1, p2  }
0x151: {  	p2 =	sne.s32 @!p1 s12, s7  }
0x152: {  	p1 =	por p1, !p2  }
0x153: {  	s0 =	sshll.u32 @p1 s11, $0x9  }
0x154: {  	s0 =	sand.u32 @!p1 $0x3FFF8, s12  }
0x155: {  	s2 =	sand.u32 @!p1 $0x7, s12;
	s0 =	sadd.s32 @!p1 s1, s0  }
0x156: {  	[tilespmem:s10], [sflag:$0x6] =	stream.linear.gather @!p1 [hbm4b:s0+s2], $0x80, $0x38;
	[tilespmem:$0x1F6F8] =	vst v63  }
0x157: {  	_ =	swait.ge @!p1 [sflag:s9], $0x80  }
0x158: {  	[sflag:s9] =	ssyncset.done @!p1 $0x0  }
0x159: {  	[sflag:s9] =	ssyncadd.s32 @!p1 $0xFFFFFF80  }
0x15a: {  	v1 =	vld @!p1 [tilespmem:$0xF188];
	_ =	sdelay $0x2  }
0x15b: {  	s0 =	sshll.u32 @!p1 s11, $0x9  }
0x15c: {  	s2 =	sshrl.u32 @!p1 s0, $0x2  }
0x15d: {  	[tilespmem:s2+$0xF238] =	vst.add.f32.msk @!p1 $0xffff, v1  }
0x15e: {  	v1 =	vld @!p1 [tilespmem:$0xF198];
	_ =	sdelay $0x4  }
0x15f: {  	[tilespmem:s2+$0xF248] =	vst.add.f32.msk @!p1 $0xffff, v1  }
0x160: {  	v1 =	vld @!p1 [tilespmem:$0xF1A8];
	_ =	sdelay $0x4  }
0x161: {  	[tilespmem:s2+$0xF258] =	vst.add.f32.msk @!p1 $0xffff, v1  }
0x162: {  	v1 =	vld @!p1 [tilespmem:$0xF1B8];
	_ =	sdelay $0x4  }
0x163: {  	[tilespmem:s2+$0xF268] =	vst.add.f32.msk @!p1 $0xffff, v1  }
0x164: {  	v1 =	vld @!p1 [tilespmem:$0xF1C8];
	_ =	sdelay $0x4  }
0x165: {  	[tilespmem:s2+$0xF278] =	vst.add.f32.msk @!p1 $0xffff, v1  }
0x166: {  	v1 =	vld @!p1 [tilespmem:$0xF1D8];
	_ =	sdelay $0x4  }
0x167: {  	[tilespmem:s2+$0xF288] =	vst.add.f32.msk @!p1 $0xffff, v1  }
0x168: {  	v1 =	vld @!p1 [tilespmem:$0xF1E8];
	_ =	sdelay $0x4  }
0x169: {  	[tilespmem:s2+$0xF298] =	vst.add.f32.msk @!p1 $0xffff, v1  }
0x16a: {  	v1 =	vld @!p1 [tilespmem:$0xF1F8];
	_ =	sdelay $0x4  }
0x16b: {  	[tilespmem:s2+$0xF2A8] =	vst.add.f32.msk @!p1 $0xffff, v1  }
0x16c: {  	s0 =	sshrl.u32 s0, $0x2;
	[tilespmem:s6+$0xF218] =	vst.msk $0x1, v0  }
0x16d: {  	v0 =	vld [tilespmem:s0+$0xF238];
	_ =	sdelay $0x2  }
0x16e: {  	s31 =	sshll.u32 s6, $0x9  }
0x16f: {  	s2 =	sshra.s32 s31, $0x2  }
0x170: {  	[tilespmem:s2+$0xF238] =	vst v0  }
0x171: {  	v0 =	vld [tilespmem:s0+$0xF248];
	_ =	sdelay $0x4  }
0x172: {  	[tilespmem:s2+$0xF248] =	vst v0  }
0x173: {  	v0 =	vld [tilespmem:s0+$0xF258];
	_ =	sdelay $0x4  }
0x174: {  	[tilespmem:s2+$0xF258] =	vst v0  }
0x175: {  	v0 =	vld [tilespmem:s0+$0xF268];
	_ =	sdelay $0x4  }
0x176: {  	[tilespmem:s2+$0xF268] =	vst v0  }
0x177: {  	v0 =	vld [tilespmem:s0+$0xF278];
	_ =	sdelay $0x4  }
0x178: {  	[tilespmem:s2+$0xF278] =	vst v0  }
0x179: {  	v0 =	vld [tilespmem:s0+$0xF288];
	_ =	sdelay $0x4  }
0x17a: {  	[tilespmem:s2+$0xF288] =	vst v0  }
0x17b: {  	v0 =	vld [tilespmem:s0+$0xF298];
	_ =	sdelay $0x4  }
0x17c: {  	[tilespmem:s2+$0xF298] =	vst v0  }
0x17d: {  	v0 =	vld [tilespmem:s0+$0xF2A8];
	_ =	sdelay $0x4  }
0x17e: {  	s6 =	sadd.s32 $0x1, s6;
	[tilespmem:s2+$0xF2A8] =	vst v0  }
.LBB2_33:
0x17f: {  	s11 =	sadd.s32 $0x1, s11  }
0x180: {  	p1 =	sne.s32 s11, $0x20  }
.Ltmp20:
0x181: {  	_ = 	snop;
	(pc) =	sbr.rel @!p1 .LBB2_34-.Ltmp20, $1  }
0x182: {  	_ =	sdelay $0x3  }
.LBB2_26:
0x183: {  	v0 =	vld.msk [tilespmem:s11+$0xF218], $0x1;
	_ =	sdelay $0x4  }
0x184: {  	(v2sf) =	vpush v0, $0x0;
	_ =	sdelay $0xe  }
0x185: {  	s12 =	spop (v2sf)  }
0x186: {  	p1 =	seq.s32 s12, $0xFFFFFFFF  }
.Ltmp21:
0x187: {  	_ = 	snop;
	(pc) =	sbr.rel @p1 .LBB2_33-.Ltmp21, $1  }
0x188: {  	_ =	sdelay $0x3  }
0x189: {  	p1 =	slt.s32 s6, $0x1  }
.Ltmp22:
0x18a: {  	_ = 	snop;
	(pc) =	sbr.rel @p1 .LBB2_32-.Ltmp22, $1  }
0x18b: {  	_ =	sdelay $0x3  }
0x18c: {  	s13 =	simm.s32 $0xF218;
	p1 =	por $0x0, $0x0  }
0x18d: {  	v1 =	vld.msk @!p1 [tilespmem:s13+$0x0], $0x1;
	_ =	sdelay $0x4  }
0x18e: {  	(v2sf) =	vpush @!p1 v1, $0x0;
	_ =	sdelay $0xd  }
0x18f: {  	p3 =	sne.s32 s6, $0x1  }
.Ltmp23:
0x190: {  	s0 =	spop @!p1 (v2sf);
	(pc) =	sbr.rel @!p3 .LBB2_30-.Ltmp23, $4  }
0x191: {  	p2 =	seq.s32 @!p1 s12, s0  }
0x192: {  	s14 =	simm.s32 $0x0;
	p2 =	por !p2, p1  }
0x193: {  	s2 =	simm.s32 $0xFFFFFFFF;
	s14 =	simm.s32 @p2 $0xFFFFFFFF  }
0x194: {  	s0 =	simm.s32 $0x1;
	s14 =	smov.u32 @p1 s2  }
.LBB2_29:
0x195: {  	s2 =	smov.u32 s14;
	p1 =	sne.s32 s14, $0xFFFFFFFF  }
0x196: {  	s13 =	sadd.s32 $0x1, s13;
	s14 =	smov.u32 s0;
	s0 =	sadd.s32 $0x1, s0  }
0x197: {  	p2 =	sne.s32 s6, s0;
	v1 =	vld.msk @!p1 [tilespmem:s13+$0x0], $0x1;
	_ =	sdelay $0x4  }
0x198: {  	(v2sf) =	vpush @!p1 v1, $0x0;
	_ =	sdelay $0xe  }
.Ltmp24:
0x199: {  	s3 =	spop @!p1 (v2sf);
	(pc) =	sbr.rel @p2 .LBB2_29-.Ltmp24, $4  }
0x19a: {  	p3 =	seq.s32 @!p1 s12, s3  }
0x19b: {  	p3 =	por !p3, p1  }
0x19c: {  	s14 =	simm.s32 @p3 $0xFFFFFFFF  }
0x19d: {  	s14 =	smov.u32 @p1 s2  }
.LBB2_30:
0x19e: {  	p1 =	seq.s32 s14, $0xFFFFFFFF  }
.Ltmp25:
0x19f: {  	_ = 	snop;
	(pc) =	sbr.rel @p1 .LBB2_32-.Ltmp25, $1  }
0x1a0: {  	_ =	sdelay $0x3  }
0x1a1: {  	s0 =	sshll.u32 s11, $0x7  }
0x1a2: {  	s0 =	sand.u32 $0x3FFFFF80, s0  }
0x1a3: {  	v0 =	vld [tilespmem:s0+$0xF238];
	_ =	sdelay $0x2  }
0x1a4: {  	s2 =	sshll.u32 s14, $0x9  }
0x1a5: {  	s2 =	sshra.s32 s2, $0x2  }
0x1a6: {  	[tilespmem:s2+$0xF238] =	vst.add.f32.msk $0xffff, v0  }
0x1a7: {  	v0 =	vld [tilespmem:s0+$0xF248];
	_ =	sdelay $0x4  }
0x1a8: {  	[tilespmem:s2+$0xF248] =	vst.add.f32.msk $0xffff, v0  }
0x1a9: {  	v0 =	vld [tilespmem:s0+$0xF258];
	_ =	sdelay $0x4  }
0x1aa: {  	[tilespmem:s2+$0xF258] =	vst.add.f32.msk $0xffff, v0  }
0x1ab: {  	v0 =	vld [tilespmem:s0+$0xF268];
	_ =	sdelay $0x4  }
0x1ac: {  	[tilespmem:s2+$0xF268] =	vst.add.f32.msk $0xffff, v0  }
0x1ad: {  	v0 =	vld [tilespmem:s0+$0xF278];
	_ =	sdelay $0x4  }
0x1ae: {  	[tilespmem:s2+$0xF278] =	vst.add.f32.msk $0xffff, v0  }
0x1af: {  	v0 =	vld [tilespmem:s0+$0xF288];
	_ =	sdelay $0x4  }
0x1b0: {  	[tilespmem:s2+$0xF288] =	vst.add.f32.msk $0xffff, v0  }
0x1b1: {  	v0 =	vld [tilespmem:s0+$0xF298];
	_ =	sdelay $0x4  }
0x1b2: {  	[tilespmem:s2+$0xF298] =	vst.add.f32.msk $0xffff, v0  }
0x1b3: {  	v0 =	vld [tilespmem:s0+$0xF2A8]  }
.Ltmp26:
0x1b4: {  	_ = 	snop;
	(pc) =	sbr.rel .LBB2_33-.Ltmp26, $2  }
0x1b5: {  	_ =	sdelay $0x2  }
0x1b6: {  	[tilespmem:s2+$0xF2A8] =	vst.add.f32.msk $0xffff, v0  }
.LBB2_34:
0x1b7: {  	s0 =	simm.s32 $0x6;
	p1 =	seq.s32 s6, $0x0  }
0x1b8: {  	[sflag:s0] =	ssyncpa.u1 $0x1;
	v0 =	vimm.s32 @p1 $0xFFFFFFFF  }
0x1b9: {  	s9 =	sadd.s32 $0xFFFFFFFF, s6;
	[tilespmem:$0x10238] =	vst @p1 v0  }
0x1ba: {  	v0 =	vld.msk @!p1 [tilespmem:s9+$0xF218], $0x1;
	_ =	sdelay $0x1  }
0x1bb: {  	v1 =	vld.msk @!p1 [tilespmem:$0xF218], $0x1;
	_ =	sdelay $0x2  }
0x1bc: {  	p2 =	seq.s32 @!p1 s9, $0x0;
	v0 =	vbroadcast @!p1 v0, $0x0  }
0x1bd: {  	vm0 =	vmmov @!p1 $0x1;
	p2 =	por !p2, p1  }
0x1be: {  	v1 =	vnsel @!p1 vm0, $0xFFFFFFFF, v1;
	vm0 =	vcmask @!p1 $0x308;
	v0 =	vpsel !p2, $0xFFFFFFFF, v0  }
0x1bf: {  	p2 =	sne.s32 @!p1 s8, s7;
	v0 =	vsel @!p1 vm0, v1, v0  }
0x1c0: {  	s0 =	simm.s32 @!p1 $0xF238;
	s2 =	simm.s32 @!p1 $0x0;
	p3 =	por !p2, p1;
	[tilespmem:$0x10238] =	vst @!p1 v0  }
0x1c1: {  	[spmem:s2] =	stream.linear.scatter @!p1 [tilespmem:s0], [sflag:$0x1], $0x80, $0x38;
	[tilespmem:$0x1F6F8] =	vst v63  }
0x1c2: {  	s0 =	sshll.u32 @!p3 s9, $0x9  }
0x1c3: {  	s0 =	sshra.s32 @!p3 s0, $0x2  }
0x1c4: {  	s2 =	simm.s32 @!p3 $0x80;
	s0 =	sadd.s32 @!p3 $0xF238, s0  }
0x1c5: {  	[spmem:s2] =	stream.linear.scatter @!p3 [tilespmem:s0], [sflag:$0x1], $0x80, $0x38;
	[tilespmem:$0x1F6F8] =	vst v63  }
0x1c6: {  	s0 =	simm.s32 @!p3 $0x1  }
0x1c7: {  	_ =	swait.ge @!p3 [sflag:s0], $0x100  }
0x1c8: {  	p1 =	por p2, p1;
	[sflag:s0] =	ssyncset.done @!p3 $0x0  }
0x1c9: {  	[sflag:s0] =	ssyncadd.s32 @!p3 $0xFFFFFF00;
	s0 =	simm.s32 @!p1 $0x1  }
0x1ca: {  	_ =	swait.ge @!p1 [sflag:s0], $0x80  }
0x1cb: {  	s29 =	simm.s32 $0x10238;
	[sflag:s0] =	ssyncset.done @!p1 $0x0  }
0x1cc: {  	s30 =	simm.s32 $0x1000;
	s31 =	simm.s32 $0x1;
	[sflag:s0] =	ssyncadd.s32 @!p1 $0xFFFFFF80  }
0x1cd: {  	[spmem:s30] =	stream.linear.scatter [tilespmem:s29], [sflag:$0x1], $0x10, $0x38;
	[tilespmem:$0x1F6F8] =	vst v63  }
0x1ce: {  	_ =	swait.ge [sflag:s31], $0x10  }
0x1cf: {  	[sflag:s31] =	ssyncset.done $0x0  }
0x1d0: {  	p1 =	seq.s32 s15, $0x0;
	s8 =	rddreg [dreg:$0x3];
	[sflag:s31] =	ssyncadd.s32 $0xFFFFFFF0  }
0x1d1: {  	s2 =	sshll.u32 @p1 s8, $0xE;
	s7 =	rddreg [dreg:$0x4]  }
0x1d2: {  	s0 =	sadd.s32 @p1 $0x15C3C, s2;
	s2 =	sshll.u32 @p1 s7, $0x11  }
0x1d3: {  	_ =	sfence.stream.spmem;
	s0 =	sor.u32 @p1 s2, s0  }
0x1d4: {  	[sflag:s0] =	ssyncadd.remote.s32 @p1 $0x1;
	s0 =	simm.s32 @p1 $0x4  }
0x1d5: {  	s3 =	simm.s32 @!p1 $0x3C;
	s2 =	sand.u32 $0xFFFFFFFE, s8;
	_ =	swait.ge @p1 [sflag:s0], $0x22  }
0x1d6: {  	s4 =	simm.s32 @!p1 $0x0;
	s2 =	sadd.s32 @!p1 $0x4, s2;
	[sflag:s0] =	ssyncset.done @p1 $0x0  }
0x1d7: {  	s5 =	simm.s32 @!p1 $0x100;
	[sflag:s0] =	ssyncadd.s32 @p1 $0xFFFFFFDE;
	s0 =	sshll.u32 @!p1 s2, $0x1A  }
0x1d8: {  	s2 =	sshll.u32 @!p1 s2, $0xD;
	s0 =	sor.u32 @!p1 s0, s7;
	_ =	swait.eq @!p1 [sflag:s3], $0x1  }
0x1d9: {  	s2 =	sor.u32 @!p1 $0x1C04, s2;
	s3 =	simm.s32 @!p1 $0x1C03;
	s0 =	sor.u32 @!p1 $0x80004000, s0  }
0x1da: {  	[spmem:s5], [sflag:s2] =	dma.general @!p1 [spmem:s4], [sflag:s3], length:$0x20, [dreg:$0x0], stride_count:$0x0, ici_dest:s0, dma_misc:DstOpCode:WRITE  }
0x1db: {  	p2 =	slt.s32 s9, $0x2;
	s4 =	simm.s32 @!p1 $0x200;
	s5 =	simm.s32 @!p1 $0x202  }
0x1dc: {  	[spmem:s5], [sflag:s2] =	dma.general @!p1 [spmem:s4], [sflag:s3], length:$0x2, [dreg:$0x0], stride_count:$0x0, ici_dest:s0, dma_misc:DstOpCode:WRITE  }
.Ltmp27:
0x1dd: {  	s0 =	simm.s32 @!p1 $0x3;
	(pc) =	sbr.rel @p2 .LBB2_38-.Ltmp27, $4  }
0x1de: {  	s2 =	sshll.u32 @!p1 s8, $0xE;
	_ =	swait.ge @!p1 [sflag:s0], $0x22  }
0x1df: {  	s3 =	sshll.u32 @!p1 s7, $0x11;
	s2 =	sadd.s32 @!p1 $0x11C3C, s2;
	[sflag:s0] =	ssyncset.done @!p1 $0x0  }
0x1e0: {  	[sflag:s0] =	ssyncadd.s32 @!p1 $0xFFFFFFDE;
	s0 =	sor.u32 @!p1 s3, s2  }
0x1e1: {  	[sflag:s0] =	ssyncadd.remote.s32 @!p1 $0xFFFFFFFF;
	s0 =	simm.s32 $0x0  }
0x1e2: {  	s0 =	simm.s32 $0xF219  }
0x1e3: {  	v0 =	vld.msk [tilespmem:s0+$0x0], $0x1;
	_ =	sdelay $0x4  }
0x1e4: {  	(v2sf) =	vpush v0, $0x0;
	_ =	sdelay $0xb  }
0x1e5: {  	s31 =	sadd.s32 $0xFFFFFFFE, s6  }
0x1e6: {  	s0 =	sadd.s32 $0xFFFFFFFF, s31  }
0x1e7: {  	p2 =	sne.s32 s0, $0x0  }
.Ltmp28:
0x1e8: {  	s2 =	spop (v2sf);
	(pc) =	sbr.rel @!p2 .LBB2_37-.Ltmp28, $4  }
0x1e9: {  	s4 =	simm.s32 $0xF2B8;
	s7 =	simm.s32 $0x0;
	p1 =	sgt.u32 s2, $0x270F0  }
0x1ea: {  	s5 =	simm.s32 $0x0;
	s6 =	simm.s32 $0xF21A;
	s3 =	sand.u32 @!p1 $0x3FFF8, s2  }
0x1eb: {  	s2 =	sand.u32 @!p1 $0x7, s2;
	s7 =	simm.s32 @!p1 $0x200;
	s3 =	sadd.s32 @!p1 s1, s3  }
0x1ec: {  	[hbm4b:s3+s2] =	stream.linear.scatter @!p1 [tilespmem:s4], [sflag:$0x5], $0x80, $0x38;
	[tilespmem:$0x1F6F8] =	vst v63  }
.LBB2_36:
0x1ed: {  	v0 =	vld.msk [tilespmem:s6+$0x0], $0x1;
	s0 =	sadd.s32 $0xFFFFFFFF, s0;
	s5 =	sadd.s32 s5, s7  }
0x1ee: {  	p1 =	sne.s32 s0, $0x0;
	_ =	sdelay $0x3  }
0x1ef: {  	(v2sf) =	vpush v0, $0x0;
	_ =	sdelay $0xe  }
.Ltmp29:
0x1f0: {  	s2 =	spop (v2sf);
	(pc) =	sbr.rel @p1 .LBB2_36-.Ltmp29, $4  }
0x1f1: {  	s7 =	simm.s32 $0x0;
	p2 =	sgt.u32 s2, $0x270F0  }
0x1f2: {  	s4 =	sadd.s32 $0x80, s4;
	s7 =	simm.s32 @!p2 $0x200;
	s3 =	sand.u32 @!p2 $0x3FFF8, s2  }
0x1f3: {  	s6 =	sadd.s32 $0x1, s6;
	s2 =	sand.u32 @!p2 $0x7, s2;
	s3 =	sadd.s32 @!p2 s1, s3  }
0x1f4: {  	[hbm4b:s3+s2] =	stream.linear.scatter @!p2 [tilespmem:s4], [sflag:$0x5], $0x80, $0x38;
	[tilespmem:$0x1F6F8] =	vst v63  }
.LBB2_37:
0x1f5: {  	s0 =	sadd.s32 s5, s7  }
0x1f6: {  	s0 =	sshrl.u32 s0, $0x2  }
.LBB2_38:
0x1f7: {  	s2 =	simm.s32 $0x5  }
0x1f8: {  	_ =	swait.ge [sflag:s2], s0  }
0x1f9: {  	s31 =	ssub.s32 $0x0, s0;
	[sflag:s2] =	ssyncset.done $0x0  }
0x1fa: {  	[sflag:s2] =	ssyncadd.s32 s31  }
0x1fb: {  	[sflag:s2] =	ssyncpa.u1 $0x1  }
.LBB2_39:
0x1fc: {  	s0 =	sor.u32 s15, s16  }
0x1fd: {  	p1 =	sne.s32 s0, $0x0  }
.Ltmp30:
0x1fe: {  	_ = 	snop;
	(pc) =	sbr.rel @p1 .LBB2_54-.Ltmp30, $3  }
0x1ff: {  	_ =	sdelay $0x1  }
0x200: {  	[bflag:$0x0] =	sbarrier.arrive $0xFFFF  }
0x201: {  	_ =	sfence  }
0x202: {  	s0 =	simm.s32 $0x7  }
0x203: {  	s2 =	simm.s32 $0x1000;
	s3 =	simm.s32 $0xF218;
	[sflag:s0] =	ssyncpa.u1 $0x0  }
0x204: {  	[tilespmem:s3], [sflag:$0x7] =	stream.linear.gather [spmem:s2], $0x20, $0x38;
	[tilespmem:$0x1F6F8] =	vst v63  }
0x205: {  	s30 =	simm.s32 $0xF238;
	s2 =	simm.s32 $0x0  }
0x206: {  	[tilespmem:s30], [sflag:$0x7] =	stream.linear.gather [spmem:s2], $0x1000, $0x38;
	[tilespmem:$0x1F6F8] =	vst v63  }
.Ltmp31:
0x207: {  	_ = 	snop;
	(pc) =	sbr.rel .LBB2_41-.Ltmp31, $4  }
0x208: {  	_ =	swait.ge [sflag:s0], $0x1020  }
0x209: {  	[sflag:s0] =	ssyncset.done $0x0  }
0x20a: {  	s31 =	simm.s32 $0x8;
	[sflag:s0] =	ssyncadd.s32 $0xFFFFEFE0  }
0x20b: {  	s3 =	simm.s32 $0x0;
	[sflag:s31] =	ssyncpa.u1 $0x0  }
.LBB2_47:
0x20c: {  	p1 =	slt.u32 s4, $0x270F1  }
0x20d: {  	s0 =	sand.u32 @p1 $0x3FFF8, s4  }
0x20e: {  	s4 =	sand.u32 @p1 $0x7, s4;
	s5 =	simm.s32 @p1 $0xF188;
	s0 =	sadd.s32 @p1 s1, s0  }
0x20f: {  	[tilespmem:s5], [sflag:$0x8] =	stream.linear.gather @p1 [hbm4b:s0+s4], $0x80, $0x38;
	[tilespmem:$0x1F6F8] =	vst v63  }
0x210: {  	s0 =	simm.s32 @p1 $0x8  }
0x211: {  	_ =	swait.ge @p1 [sflag:s0], $0x80  }
0x212: {  	[sflag:s0] =	ssyncset.done @p1 $0x0  }
0x213: {  	[sflag:s0] =	ssyncadd.s32 @p1 $0xFFFFFF80  }
0x214: {  	v1 =	vld @p1 [tilespmem:$0xF188];
	_ =	sdelay $0x2  }
0x215: {  	s0 =	sshll.u32 @p1 s3, $0x9  }
0x216: {  	s4 =	sshrl.u32 @p1 s0, $0x2  }
0x217: {  	[tilespmem:s4+$0xF238] =	vst.add.f32.msk @p1 $0xffff, v1  }
0x218: {  	v1 =	vld @p1 [tilespmem:$0xF198];
	_ =	sdelay $0x4  }
0x219: {  	[tilespmem:s4+$0xF248] =	vst.add.f32.msk @p1 $0xffff, v1  }
0x21a: {  	v1 =	vld @p1 [tilespmem:$0xF1A8];
	_ =	sdelay $0x4  }
0x21b: {  	[tilespmem:s4+$0xF258] =	vst.add.f32.msk @p1 $0xffff, v1  }
0x21c: {  	v1 =	vld @p1 [tilespmem:$0xF1B8];
	_ =	sdelay $0x4  }
0x21d: {  	[tilespmem:s4+$0xF268] =	vst.add.f32.msk @p1 $0xffff, v1  }
0x21e: {  	v1 =	vld @p1 [tilespmem:$0xF1C8];
	_ =	sdelay $0x4  }
0x21f: {  	[tilespmem:s4+$0xF278] =	vst.add.f32.msk @p1 $0xffff, v1  }
0x220: {  	v1 =	vld @p1 [tilespmem:$0xF1D8];
	_ =	sdelay $0x4  }
0x221: {  	[tilespmem:s4+$0xF288] =	vst.add.f32.msk @p1 $0xffff, v1  }
0x222: {  	v1 =	vld @p1 [tilespmem:$0xF1E8];
	_ =	sdelay $0x4  }
0x223: {  	[tilespmem:s4+$0xF298] =	vst.add.f32.msk @p1 $0xffff, v1  }
0x224: {  	v1 =	vld @p1 [tilespmem:$0xF1F8];
	_ =	sdelay $0x3  }
0x225: {  	s5 =	sshll.u32 @!p1 s3, $0x9  }
0x226: {  	s5 =	smov.u32 @p1 s0;
	[tilespmem:s4+$0xF2A8] =	vst.add.f32.msk @p1 $0xffff, v1  }
0x227: {  	s0 =	sshrl.u32 s5, $0x2;
	[tilespmem:s2+$0xF218] =	vst.msk $0x1, v0  }
0x228: {  	v0 =	vld [tilespmem:s0+$0xF238];
	_ =	sdelay $0x2  }
0x229: {  	s31 =	sshll.u32 s2, $0x9  }
0x22a: {  	s4 =	sshra.s32 s31, $0x2  }
0x22b: {  	[tilespmem:s4+$0xF238] =	vst v0  }
0x22c: {  	v0 =	vld [tilespmem:s0+$0xF248];
	_ =	sdelay $0x4  }
0x22d: {  	[tilespmem:s4+$0xF248] =	vst v0  }
0x22e: {  	v0 =	vld [tilespmem:s0+$0xF258];
	_ =	sdelay $0x4  }
0x22f: {  	[tilespmem:s4+$0xF258] =	vst v0  }
0x230: {  	v0 =	vld [tilespmem:s0+$0xF268];
	_ =	sdelay $0x4  }
0x231: {  	[tilespmem:s4+$0xF268] =	vst v0  }
0x232: {  	v0 =	vld [tilespmem:s0+$0xF278];
	_ =	sdelay $0x4  }
0x233: {  	[tilespmem:s4+$0xF278] =	vst v0  }
0x234: {  	v0 =	vld [tilespmem:s0+$0xF288];
	_ =	sdelay $0x4  }
0x235: {  	[tilespmem:s4+$0xF288] =	vst v0  }
0x236: {  	v0 =	vld [tilespmem:s0+$0xF298];
	_ =	sdelay $0x4  }
0x237: {  	[tilespmem:s4+$0xF298] =	vst v0  }
0x238: {  	v0 =	vld [tilespmem:s0+$0xF2A8];
	_ =	sdelay $0x4  }
0x239: {  	s2 =	sadd.s32 $0x1, s2;
	[tilespmem:s4+$0xF2A8] =	vst v0  }
.LBB2_48:
0x23a: {  	s3 =	sadd.s32 $0x1, s3  }
0x23b: {  	p1 =	sne.s32 s3, $0x20  }
.Ltmp32:
0x23c: {  	_ = 	snop;
	(pc) =	sbr.rel @!p1 .LBB2_49-.Ltmp32, $1  }
0x23d: {  	_ =	sdelay $0x3  }
.LBB2_41:
0x23e: {  	v0 =	vld.msk [tilespmem:s3+$0xF218], $0x1;
	_ =	sdelay $0x4  }
0x23f: {  	(v2sf) =	vpush v0, $0x0;
	_ =	sdelay $0xe  }
0x240: {  	s4 =	spop (v2sf)  }
0x241: {  	p1 =	seq.s32 s4, $0xFFFFFFFF  }
.Ltmp33:
0x242: {  	_ = 	snop;
	(pc) =	sbr.rel @p1 .LBB2_48-.Ltmp33, $1  }
0x243: {  	_ =	sdelay $0x3  }
0x244: {  	p1 =	slt.s32 s2, $0x1  }
.Ltmp34:
0x245: {  	_ = 	snop;
	(pc) =	sbr.rel @p1 .LBB2_47-.Ltmp34, $1  }
0x246: {  	_ =	sdelay $0x3  }
0x247: {  	s5 =	simm.s32 $0xF218;
	p1 =	por $0x0, $0x0  }
0x248: {  	v1 =	vld.msk @!p1 [tilespmem:s5+$0x0], $0x1;
	_ =	sdelay $0x4  }
0x249: {  	(v2sf) =	vpush @!p1 v1, $0x0;
	_ =	sdelay $0xd  }
0x24a: {  	p3 =	sne.s32 s2, $0x1  }
.Ltmp35:
0x24b: {  	s0 =	spop @!p1 (v2sf);
	(pc) =	sbr.rel @!p3 .LBB2_45-.Ltmp35, $4  }
0x24c: {  	p2 =	seq.s32 @!p1 s4, s0  }
0x24d: {  	s6 =	simm.s32 $0x0;
	p2 =	por !p2, p1  }
0x24e: {  	s7 =	simm.s32 $0xFFFFFFFF;
	s6 =	simm.s32 @p2 $0xFFFFFFFF  }
0x24f: {  	s0 =	simm.s32 $0x1;
	s6 =	smov.u32 @p1 s7  }
.LBB2_44:
0x250: {  	s7 =	smov.u32 s6;
	p1 =	sne.s32 s6, $0xFFFFFFFF  }
0x251: {  	s5 =	sadd.s32 $0x1, s5;
	s6 =	smov.u32 s0;
	s0 =	sadd.s32 $0x1, s0  }
0x252: {  	p2 =	sne.s32 s2, s0;
	v1 =	vld.msk @!p1 [tilespmem:s5+$0x0], $0x1;
	_ =	sdelay $0x4  }
0x253: {  	(v2sf) =	vpush @!p1 v1, $0x0;
	_ =	sdelay $0xe  }
.Ltmp36:
0x254: {  	s8 =	spop @!p1 (v2sf);
	(pc) =	sbr.rel @p2 .LBB2_44-.Ltmp36, $4  }
0x255: {  	p3 =	seq.s32 @!p1 s4, s8  }
0x256: {  	p3 =	por !p3, p1  }
0x257: {  	s6 =	simm.s32 @p3 $0xFFFFFFFF  }
0x258: {  	s6 =	smov.u32 @p1 s7  }
.LBB2_45:
0x259: {  	p1 =	seq.s32 s6, $0xFFFFFFFF  }
.Ltmp37:
0x25a: {  	_ = 	snop;
	(pc) =	sbr.rel @p1 .LBB2_47-.Ltmp37, $1  }
0x25b: {  	_ =	sdelay $0x3  }
0x25c: {  	s0 =	sshll.u32 s3, $0x7  }
0x25d: {  	s0 =	sand.u32 $0x3FFFFF80, s0  }
0x25e: {  	v0 =	vld [tilespmem:s0+$0xF238];
	_ =	sdelay $0x2  }
0x25f: {  	s4 =	sshll.u32 s6, $0x9  }
0x260: {  	s4 =	sshra.s32 s4, $0x2  }
0x261: {  	[tilespmem:s4+$0xF238] =	vst.add.f32.msk $0xffff, v0  }
0x262: {  	v0 =	vld [tilespmem:s0+$0xF248];
	_ =	sdelay $0x4  }
0x263: {  	[tilespmem:s4+$0xF248] =	vst.add.f32.msk $0xffff, v0  }
0x264: {  	v0 =	vld [tilespmem:s0+$0xF258];
	_ =	sdelay $0x4  }
0x265: {  	[tilespmem:s4+$0xF258] =	vst.add.f32.msk $0xffff, v0  }
0x266: {  	v0 =	vld [tilespmem:s0+$0xF268];
	_ =	sdelay $0x4  }
0x267: {  	[tilespmem:s4+$0xF268] =	vst.add.f32.msk $0xffff, v0  }
0x268: {  	v0 =	vld [tilespmem:s0+$0xF278];
	_ =	sdelay $0x4  }
0x269: {  	[tilespmem:s4+$0xF278] =	vst.add.f32.msk $0xffff, v0  }
0x26a: {  	v0 =	vld [tilespmem:s0+$0xF288];
	_ =	sdelay $0x4  }
0x26b: {  	[tilespmem:s4+$0xF288] =	vst.add.f32.msk $0xffff, v0  }
0x26c: {  	v0 =	vld [tilespmem:s0+$0xF298];
	_ =	sdelay $0x4  }
0x26d: {  	[tilespmem:s4+$0xF298] =	vst.add.f32.msk $0xffff, v0  }
0x26e: {  	v0 =	vld [tilespmem:s0+$0xF2A8]  }
.Ltmp38:
0x26f: {  	_ = 	snop;
	(pc) =	sbr.rel .LBB2_48-.Ltmp38, $2  }
0x270: {  	_ =	sdelay $0x2  }
0x271: {  	[tilespmem:s4+$0xF2A8] =	vst.add.f32.msk $0xffff, v0  }
.LBB2_49:
0x272: {  	p1 =	slt.s32 s2, $0x1  }
.Ltmp39:
0x273: {  	_ = 	snop;
	(pc) =	sbr.rel @p1 .LBB2_53-.Ltmp39, $3  }
0x274: {  	_ =	sdelay $0x1  }
0x275: {  	s0 =	simm.s32 $0x8  }
0x276: {  	s3 =	simm.s32 $0x0;
	[sflag:s0] =	ssyncpa.u1 $0x1  }
0x277: {  	s0 =	simm.s32 $0xF218  }
0x278: {  	v0 =	vld.msk [tilespmem:s0+$0x0], $0x1;
	_ =	sdelay $0x4  }
0x279: {  	(v2sf) =	vpush v0, $0x0;
	_ =	sdelay $0xe  }
0x27a: {  	s0 =	sadd.s32 $0xFFFFFFFF, s2;
	s5 =	spop (v2sf)  }
0x27b: {  	p2 =	sne.s32 s0, $0x0;
	p1 =	sgt.u32 s5, $0x270F0  }
.Ltmp40:
0x27c: {  	s6 =	sand.u32 @!p1 $0x3FFF8, s5;
	(pc) =	sbr.rel @!p2 .LBB2_52-.Ltmp40, $4  }
0x27d: {  	s4 =	simm.s32 $0xF238;
	s5 =	sand.u32 @!p1 $0x7, s5;
	s2 =	sadd.s32 @!p1 s1, s6  }
0x27e: {  	[hbm4b:s2+s5] =	stream.linear.scatter @!p1 [tilespmem:s4], [sflag:$0x7], $0x80, $0x38;
	[tilespmem:$0x1F6F8] =	vst v63  }
0x27f: {  	s5 =	simm.s32 $0x0  }
0x280: {  	s2 =	simm.s32 $0xF219;
	s5 =	simm.s32 @!p1 $0x200  }
.LBB2_51:
0x281: {  	v0 =	vld.msk [tilespmem:s2+$0x0], $0x1;
	s0 =	sadd.s32 $0xFFFFFFFF, s0;
	s3 =	sadd.s32 s3, s5  }
0x282: {  	p1 =	sne.s32 s0, $0x0;
	_ =	sdelay $0x3  }
0x283: {  	(v2sf) =	vpush v0, $0x0;
	_ =	sdelay $0xe  }
.Ltmp41:
0x284: {  	s6 =	spop (v2sf);
	(pc) =	sbr.rel @p1 .LBB2_51-.Ltmp41, $4  }
0x285: {  	s5 =	simm.s32 $0x0;
	p2 =	sgt.u32 s6, $0x270F0  }
0x286: {  	s4 =	sadd.s32 $0x80, s4;
	s5 =	simm.s32 @!p2 $0x200;
	s7 =	sand.u32 @!p2 $0x3FFF8, s6  }
0x287: {  	s2 =	sadd.s32 $0x1, s2;
	s6 =	sand.u32 @!p2 $0x7, s6;
	s7 =	sadd.s32 @!p2 s1, s7  }
0x288: {  	[hbm4b:s7+s6] =	stream.linear.scatter @!p2 [tilespmem:s4], [sflag:$0x7], $0x80, $0x38;
	[tilespmem:$0x1F6F8] =	vst v63  }
.LBB2_52:
0x289: {  	s0 =	sadd.s32 s3, s5  }
0x28a: {  	s3 =	sshrl.u32 s0, $0x2  }
.LBB2_53:
0x28b: {  	s0 =	simm.s32 $0x7  }
0x28c: {  	_ =	swait.ge [sflag:s0], s3  }
0x28d: {  	s1 =	ssub.s32 $0x0, s3;
	[sflag:s0] =	ssyncset.done $0x0  }
0x28e: {  	[sflag:s0] =	ssyncadd.s32 s1  }
0x28f: {  	[sflag:s0] =	ssyncpa.u1 $0x1  }
.LBB2_54:
0x290: {  	_ =	sfence;
	s0 =	simm.s32 $0x1  }
0x291: {  	[sflag:s0] =	ssyncpa.u1 $0x1  }
0x292: {  	_ =	strace $0x90000050  }
0x293: {  	[bflag:$0x2] =	sbarrier.arrive $0xFFFF  }
0x294: {  	s0 =	rddreg [dreg:$0x5]  }
0x295: {  	s0 =	sadd.s32 @!p0 $0x100000, s0  }
0x296: {  	[sflag:s0] =	ssyncadd.tile.s32 @!p0 $0x1;
	_ =	shalt  }
.Lfunc_end2:
_tile_overlayer_lowered:
.L_overlay_start_2:
0x297: {  	(tag) =	ssettag $0x2  }
0x298: {  	s0 =	rddreg [dreg:$0x0];
	s2 =	stileid.u32  }
0x299: {  	s1 =	rddreg [dreg:$0x1];
	p0 =	sne.s32 s2, $0x0  }
0x29a: {  	s3 =	rddreg [dreg:$0x2];
	[bflag:$0x3] =	sbarrier.arrive $0xFFFF;
	s2 =	simm.s32 @!p0 $0x1C01  }
0x29b: {  	[timem:s3], [sflag:s2] =	dma.local @!p0 [hbm:s0], s1  }
0x29c: {  	s0 =	simm.s32 @!p0 $0x1  }
0x29d: {  	_ =	swait.ge @!p0 [sflag:s0], s1  }
0x29e: {  	s1 =	ssub.s32 @!p0 $0x0, s1;
	[sflag:s0] =	ssyncset.done @!p0 $0x0  }
0x29f: {  	[sflag:s0] =	ssyncadd.s32 @!p0 s1  }
0x2a0: {  	[bflag:$0x3] =	sbarrier.arrive $0xFFFF  }
0x2a1: {  	_ =	shalt  }

// kernel: sparse-core-data-format-call.cloned.1.call-start
scs
called_computation.2_lowered:
.L_overlay_start_0:
0x0: {  	s1 =	sld [smem:$0x3FD9]  }
0x1: {  	s2 =	sld [smem:$0x3FFE];
	_ =	sdelay $0x1  }
0x2: {  	s3 =	srdreg.scid  }
0x3: {  	s0 =	sand.u32 $0x1, s3  }
0x4: {  	s17 =	sshll.u32 s0, $0xA;
	s1 =	sadd.s32 s2, s1  }
0x5: {  	s1 =	sadd.s32 s1, s17  }
0x6: {  	[smem:$0x3FA3] =	sst s1  }
0x7: {  	_ = 	snop  }
0x8: {  	(tm) =	ssettm $0x1  }
0x9: {  	s18 =	sld [smem:$0x3FFB];
	_ =	sdelay $0x3  }
0xa: {  	_ =	strace s18  }
0xb: {  	s1 =	sld [smem:$0x3FFC];
	_ =	sdelay $0x3  }
0xc: {  	_ =	strace s1  }
0xd: {  	s1 =	sld [smem:$0x3FFD];
	_ =	sdelay $0x3  }
0xe: {  	_ =	strace s1  }
0xf: {  	_ =	strace $0x8FFFFFFF  }
0x10: {  	s19 =	sld [smem:$0x3FDB];
	_ =	sdelay $0x1  }
0x11: {  	s20 =	simm.s32 $_scs_section_size  }
0x12: {  	s4 =	simm.s32 $_size__tile_overlayer_lowered;
	s5 =	simm.s32 $_tile_overlayer_lowered  }
0x13: {  	s23 =	simm.s32 $0x1BFF;
	s22 =	sshll.u32 s5, $0x1;
	s1 =	sadd.s32 s20, s19  }
0x14: {  	s6 =	simm.s32 $0x0;
	s21 =	sshll.u32 s4, $0x1;
	s4 =	sadd.s32 s22, s1  }
0x15: {  	[timem:s6], [sflag:s23] =	dma.local [hbm:s4], s21  }
0x16: {  	_ =	swait.ge [sflag:s23], s21  }
0x17: {  	s2 =	ssub.s32 $0x0, s21;
	[sflag:s23] =	ssyncset.done $0x0  }
0x18: {  	[sflag:s23] =	ssyncadd.s32 s2;
	_ =	sdelay $0x1  }
0x19: {  	s24 =	simm.s32 $0x1B8B  }
0x1a: {  	_ =	swait.ge [sflag:s24], $0x1  }
0x1b: {  	[sflag:s24] =	ssyncset.done $0x0  }
0x1c: {  	s26 =	simm.s32 $0x1B8E;
	s25 =	sld [smem:$0x3FFE];
	[sflag:s24] =	ssyncadd.s32 $0xFFFFFFFF  }
0x1d: {  	s27 =	simm.s32 $execute0_lowered;
	[smem:$0x3FD2] =	sst s26  }
0x1e: {  	s4 =	sshll.u32 s27, $0x1;
	_ =	strace $0x80000049;
	[dreg:$0x1] =	wrdreg $0xFFFFFFFF  }
0x1f: {  	s28 =	simm.s32 $_size_execute0_lowered;
	s1 =	sadd.s32 s1, s4;
	[dreg:$0x0] =	wrdreg $0x0  }
0x20: {  	s4 =	sshll.u32 s28, $0x1;
	[dreg:$0x2] =	wrdreg s1  }
0x21: {  	[dreg:$0x3] =	wrdreg s4  }
0x22: {  	[dreg:$0x4] =	wrdreg $0xC0  }
0x23: {  	_ =	task [dreg:s6], $0x5FFFF  }
0x24: {  	[dreg:$0x1] =	wrdreg $0xFFFFFFFF  }
0x25: {  	[dreg:$0x0] =	wrdreg $0x60  }
0x26: {  	[dreg:$0x2] =	wrdreg s25  }
0x27: {  	[dreg:$0x3] =	wrdreg $0xA  }
0x28: {  	_ =	task.clear_ibuf [dreg:s6], $0x4FFFF;
	_ =	strace $0x90000049  }
0x29: {  	s29 =	simm.s32 $0xA;
	_ =	strace $0x8000004B  }
0x2a: {  	_ =	swait.ge [sflag:s29], $0x1  }
0x2b: {  	[sflag:s29] =	ssyncadd.s32 $0xFFFFFFFF  }
0x2c: {  	_ =	strace $0x9000004B  }
0x2d: {  	_ =	sfence  }
0x2e: {  	s30 =	sld [smem:$0x0];
	_ =	sdelay $0x2  }
0x2f: {  	s31 =	sshll.u32 s3, $0xD;
	s3 =	sshrl.u32 s3, $0x2  }
0x30: {  	s2 =	sand.u32 $0x4000, s31;
	s1 =	sadd.s32 s3, s30  }
0x31: {  	s0 =	sor.u32 s2, s0;
	s1 =	sshll.u32 s1, $0x11  }
0x32: {  	s0 =	sor.u32 s1, s0  }
0x33: {  	s0 =	sadd.s32 $0x8F2B, s0  }
0x34: {  	[sflag:s0] =	ssyncadd.remote.s32 $0x1  }
0x35: {  	_ =	sfence.sel $0xFFFF  }
0x36: {  	[dreg:$0x0] =	wrdreg $0xFFFFFFFF;
	(pc) =	sbr.abs _section_cstart, $3  }
0x37: {  	[dreg:$0x1] =	wrdreg $0xFFFFFFFF  }
0x38: {  	_ =	task.clear_ibuf [dreg:s6], $0x2FFFF;
	_ =	strace $0x9FFFFFFF  }
0x39: {  	(tm) =	ssettm $0x7FFFFFFF  }
tec
execute0_lowered:
.L_overlay_start_1:
0x0: {  	(tag) =	ssettag $0x1  }
0x1: {  	s0 =	srdreg.scid  }
0x2: {  	s5 =	rddreg [dreg:$0x0];
	s1 =	sshll.u32 s0, $0x4  }
0x3: {  	s4 =	simm.s32 $0x1;
	s0 =	stileid.u32;
	s1 =	sand.u32 $0x10, s1  }
0x4: {  	s8 =	simm.s32 $0x2;
	s12 =	simm.s32 $0x0;
	s2 =	sor.u32 s0, s1  }
0x5: {  	s11 =	simm.s32 $0x0;
	s9 =	simm.s32 $0x0;
	s2 =	sshll.u32 s2, $0x7  }
0x6: {  	s10 =	simm.s32 $0x0;
	s3 =	sadd.s32 $0x37800, s5;
	s6 =	ssub.s32 $0x4E200, s2  }
.Ltmp0:
0x7: {  	s1 =	rddreg [dreg:$0x1];
	s7 =	sand.u32 $0xF80, s6;
	(pc) =	sbr.rel .LBB1_1-.Ltmp0, $4  }
0x8: {  	_ =	strace $0x8000004A;
	p0 =	sne.s32 s7, $0x0;
	s7 =	simm.s32 $0x1  }
0x9: {  	[sflag:s4] =	ssyncpa.u1 $0x0;
	s6 =	sshrl.u32 s6, $0xC;
	s7 =	simm.s32 @!p0 $0x0  }
0xa: {  	s5 =	sadd.s32 $0x519800, s5;
	[sflag:s8] =	ssyncpa.u1 $0x0;
	s6 =	sadd.s32 s7, s6  }
0xb: {  	s8 =	smov.u32 s2;
	p0 =	por $0x0, $0x0;
	s7 =	sadd.s32 $0x1, s6  }
.LBB1_4:
0xc: {  	s12 =	sshll.u32 s12, $0x7;
	s18 =	sshll.u32 s11, $0x3  }
0xd: {  	v5 =	vld [tilespmem:s16+$0xFFFFFFD0];
	[tilespmem:s15+$0x2040 ss:$0x81] =	vst.msk $0xffff, v4;
	s19 =	sand.u32 $0xFFFFFC00, s12;
	s18 =	sand.u32 $0xFFFFFC00, s18  }
0xe: {  	v58 =	vld [tilespmem:s16+$0xFFFFFFE0];
	[tilespmem:s15+$0x2850 ss:$0x81] =	vst.msk $0xffff, v3;
	s12 =	sand.u32 $0x380, s12;
	s18 =	sadd.s32 s18, s19  }
0xf: {  	s17 =	sshra.s32 s17, $0x2;
	v59 =	vld [tilespmem:s16+$0xFFFFFFF0];
	[tilespmem:s15+$0x3060 ss:$0x81] =	vst.msk $0xffff, v2;
	s12 =	sor.u32 s12, s18  }
0x10: {  	v60 =	vld [tilespmem:s16+$0x0];
	[tilespmem:s15+$0x0 ss:$0x81] =	vst.msk $0xffff, v0;
	s14 =	sadd.s32 s17, s14;
	s12 =	sshrl.u32 s12, $0x7  }
0x11: {  	v61 =	vld [tilespmem:s16+$0x10];
	[tilespmem:s14+$0x3870 ss:$0x81] =	vst.msk $0xffff, v1;
	s28 =	smulhi.u32 $0x1A36E2F, s12  }
0x12: {  	v62 =	vld [tilespmem:s16+$0x20];
	[tilespmem:s14+$0x810 ss:$0x81] =	vst.msk $0xffff, v5  }
0x13: {  	v63 =	vld [tilespmem:s16+$0xFFFFFFC0];
	[tilespmem:s14+$0x1020 ss:$0x81] =	vst.msk $0xffff, v58;
	s15 =	sshrl.u32 s28, $0xB  }
0x14: {  	[tilespmem:s14+$0x1830 ss:$0x81] =	vst.msk $0xffff, v59;
	s15 =	smul.u32 $0x4E200, s15  }
0x15: {  	s29 =	sshrl.u32 s11, $0x3;
	[tilespmem:s14+$0x2040 ss:$0x81] =	vst.msk $0xffff, v60  }
0x16: {  	s30 =	sand.u32 $0xF, s29;
	[tilespmem:s14+$0x2850 ss:$0x81] =	vst.msk $0xffff, v61;
	s12 =	ssub.s32 s12, s15  }
0x17: {  	[tilespmem:s14+$0x3060 ss:$0x81] =	vst.msk $0xffff, v62;
	s15 =	sadd.s32 s5, s30;
	s12 =	sshll.u32 s12, $0x4  }
0x18: {  	s31 =	sand.u32 $0x7, s11;
	[tilespmem:s14+$0x0 ss:$0x81] =	vst.msk $0xffff, v63;
	s12 =	sadd.s32 s12, s15  }
0x19: {  	[hbm4b:s12+s31] =	stream.linear.scatter [tilespmem:s13], [sflag:$0x2], $0x4000, $0x20;
	[tilespmem:$0x10100] =	vst v63  }
.LBB1_5:
0x1a: {  	s13 =	sadd.s32 $0x1000, s8  }
0x1b: {  	s11 =	sadd.s32 $0x80, s9;
	s15 =	smov.u32 s9;
	p2 =	sgt.s32 s13, $0x4E1FF  }
0x1c: {  	s15 =	smov.u32 @p2 s11  }
0x1d: {  	s13 =	smov.u32 @p2 s2;
	p2 =	sgt.s32 s15, $0x7F  }
0x1e: {  	s15 =	simm.s32 @p2 $0x0;
	p2 =	sne.s32 s10, s7  }
.Ltmp1:
0x1f: {  	p1 =	slt.u32 s10, $0x2;
	(pc) =	sbr.rel @!p2 .LBB1_6-.Ltmp1, $4  }
0x20: {  	s14 =	simm.s32 @!p1 $0x2  }
0x21: {  	s12 =	smov.u32 s8;
	p0 =	por !p0, !p0;
	_ =	swait.ge @!p1 [sflag:s14], $0x4000  }
0x22: {  	s11 =	smov.u32 s9;
	[sflag:s14] =	ssyncset.done @!p1 $0x0;
	s8 =	smov.u32 s13  }
0x23: {  	s10 =	sadd.s32 $0x1, s10;
	[sflag:s14] =	ssyncadd.s32 @!p1 $0xFFFFC000;
	s9 =	smov.u32 s15  }
.LBB1_1:
0x24: {  	p1 =	sge.u32 s10, s6  }
0x25: {  	s13 =	sshrl.u32 @!p1 s9, $0x3  }
0x26: {  	s14 =	sshll.u32 @!p1 s8, $0x3;
	s13 =	smul.u32 @!p1 $0x271000, s13  }
0x27: {  	s15 =	sshll.u32 @!p1 s9, $0x7;
	s14 =	sand.u32 @!p1 $0xFFFFFC00, s14  }
0x28: {  	s13 =	sadd.s32 @!p1 s13, s14;
	s14 =	sand.u32 @!p1 $0x380, s15  }
0x29: {  	s15 =	sand.u32 @!p1 $0x7F, s8;
	s13 =	sor.u32 @!p1 s14, s13  }
0x2a: {  	s14 =	sor.u32 @!p1 s15, s13  }
0x2b: {  	s15 =	smulhi.u32 @!p1 $0xD1B71759, s14;
	_ =	sdelay $0x1  }
0x2c: {  	s13 =	smulhi.u32 @!p1 $0xD1B71759, s13;
	s15 =	sshrl.u32 @!p1 s15, $0x12  }
0x2d: {  	s15 =	smul.u32 @!p1 $0x4E200, s15  }
0x2e: {  	s31 =	sadd.s32 $0xFFFFFFFF, s10;
	s16 =	sxor.u32 @!p1 $0xFFFFFFFF, s10;
	s13 =	sshrl.u32 @!p1 s13, $0x12  }
0x2f: {  	s16 =	sshll.u32 @!p1 s16, $0xE;
	s13 =	sand.u32 @!p1 $0x7F, s13;
	s14 =	ssub.s32 @!p1 s14, s15  }
0x30: {  	s13 =	smul.u32 @!p1 $0x9C40, s13;
	s15 =	sshrl.u32 @!p1 s14, $0x3;
	s14 =	sand.u32 @!p1 $0x7, s14  }
0x31: {  	s16 =	sand.u32 @!p1 $0x4000, s16;
	s15 =	sadd.s32 @!p1 s3, s15;
	s14 =	sshll.u32 @!p1 s14, $0x12  }
0x32: {  	s13 =	sadd.s32 @!p1 s13, s15;
	s14 =	sor.u32 @!p1 $0x400, s14;
	s15 =	simm.s32 @!p1 $0x271000  }
0x33: {  	[tilespmem:s16], [sflag:$0x1] =	stream.strided.gather @!p1 [hbm4b:s13+s14], $0x4000, s15, s14, $0x38;
	[tilespmem:$0x10100] =	vst v63  }
0x34: {  	p1 =	sge.u32 s31, s6  }
.Ltmp2:
0x35: {  	_ = 	snop;
	(pc) =	sbr.rel @p1 .LBB1_5-.Ltmp2, $1  }
0x36: {  	_ =	sdelay $0x3  }
0x37: {  	s13 =	simm.s32 $0x1  }
0x38: {  	_ =	swait.ge [sflag:s4], $0x4000;
	s13 =	simm.s32 @!p0 $0x0  }
0x39: {  	[sflag:s4] =	ssyncset.done $0x0;
	s14 =	sshll.u32 s13, $0xE  }
0x3a: {  	[sflag:s4] =	ssyncadd.s32 $0xFFFFC000;
	s16 =	sor.u32 $0x40, s14  }
0x3b: {  	s13 =	smul.u32 $0x10200, s13;
	v0 =	vld [tilespmem:s16+$0x30]  }
0x3c: {  	v1 =	vld [tilespmem:s16+$0xFFFFFFD0]  }
0x3d: {  	s13 =	sshrl.u32 s13, $0x2;
	v5 =	vld [tilespmem:s16+$0xFFFFFFE0]  }
0x3e: {  	v6 =	vld [tilespmem:s16+$0xFFFFFFF0];
	s14 =	sor.u32 $0x8000, s13  }
0x3f: {  	s31 =	sand.u32 $0x1, s10;
	v4 =	vld [tilespmem:s16+$0x0];
	s15 =	sadd.s32 $0x0, s14  }
0x40: {  	v3 =	vld [tilespmem:s16+$0x10];
	s13 =	smul.u32 $0x10200, s31;
	[tilespmem:s15+$0x3870 ss:$0x81] =	vst.msk $0xffff, v0  }
0x41: {  	v2 =	vld [tilespmem:s16+$0x20];
	[tilespmem:s15+$0x810 ss:$0x81] =	vst.msk $0xffff, v1  }
0x42: {  	s13 =	sshrl.u32 s13, $0x2;
	v0 =	vld [tilespmem:s16+$0xFFFFFFC0];
	[tilespmem:s15+$0x1020 ss:$0x81] =	vst.msk $0xffff, v5;
	s16 =	sadd.s32 $0x80, s16  }
0x43: {  	s17 =	simm.s32 $0x4;
	s18 =	simm.s32 $0x8;
	s13 =	sor.u32 $0x8000, s13;
	[tilespmem:s15+$0x1830 ss:$0x81] =	vst.msk $0xffff, v6;
	v1 =	vld [tilespmem:s16+$0x30]  }
.LBB1_3:
0x44: {  	p1 =	sne.s32 s18, $0x1FC;
	v5 =	vld [tilespmem:s16+$0xFFFFFFD0];
	[tilespmem:s15+$0x2040 ss:$0x81] =	vst.msk $0xffff, v4  }
0x45: {  	v6 =	vld [tilespmem:s16+$0xFFFFFFE0];
	[tilespmem:s15+$0x2850 ss:$0x81] =	vst.msk $0xffff, v3  }
0x46: {  	s19 =	sshra.s32 s17, $0x2;
	s17 =	smov.u32 s18;
	v7 =	vld [tilespmem:s16+$0xFFFFFFF0];
	[tilespmem:s15+$0x3060 ss:$0x81] =	vst.msk $0xffff, v2  }
.Ltmp3:
0x47: {  	v4 =	vld [tilespmem:s16+$0x0];
	[tilespmem:s15+$0x0 ss:$0x81] =	vst.msk $0xffff, v0;
	s15 =	sadd.s32 s19, s14;
	(pc) =	sbr.rel @p1 .LBB1_3-.Ltmp3, $4  }
0x48: {  	v3 =	vld [tilespmem:s16+$0x10];
	[tilespmem:s15+$0x3870 ss:$0x81] =	vst.msk $0xffff, v1  }
0x49: {  	[tilespmem:s15+$0x810 ss:$0x81] =	vst.msk $0xffff, v5;
	v2 =	vld [tilespmem:s16+$0x20]  }
0x4a: {  	v0 =	vld [tilespmem:s16+$0xFFFFFFC0];
	[tilespmem:s15+$0x1020 ss:$0x81] =	vst.msk $0xffff, v6;
	s16 =	sadd.s32 $0x80, s16  }
0x4b: {  	s18 =	sadd.s32 $0x4, s18;
	v1 =	vld [tilespmem:s16+$0x30];
	[tilespmem:s15+$0x1830 ss:$0x81] =	vst.msk $0xffff, v7  }
.Ltmp4:
0x4c: {  	_ = 	snop;
	(pc) =	sbr.rel .LBB1_4-.Ltmp4, $1  }
0x4d: {  	_ =	sdelay $0x3  }
.LBB1_6:
0x4e: {  	_ =	sfence.sel $0x180000  }
0x4f: {  	s2 =	simm.s32 $0x1;
	[bflag:$0x0] =	sbarrier.arrive $0xFFFF  }
0x50: {  	s31 =	simm.s32 $0x2;
	[sflag:s2] =	ssyncpa.u1 $0x1  }
0x51: {  	[sflag:s31] =	ssyncpa.u1 $0x1  }
0x52: {  	p0 =	sne.s32 s0, $0x0;
	_ =	strace $0x9000004A  }
0x53: {  	s0 =	sadd.s32 @!p0 $0x100000, s1;
	[bflag:$0x2] =	sbarrier.arrive $0xFFFF  }
0x54: {  	[sflag:s0] =	ssyncadd.tile.s32 @!p0 $0x1;
	_ =	shalt  }
.Lfunc_end1:
_tile_overlayer_lowered:
.L_overlay_start_2:
0x55: {  	(tag) =	ssettag $0x2  }
0x56: {  	s0 =	rddreg [dreg:$0x0];
	s2 =	stileid.u32  }
0x57: {  	s1 =	rddreg [dreg:$0x1];
	p0 =	sne.s32 s2, $0x0  }
0x58: {  	s3 =	rddreg [dreg:$0x2];
	[bflag:$0x3] =	sbarrier.arrive $0xFFFF;
	s2 =	simm.s32 @!p0 $0x1C01  }
0x59: {  	[timem:s3], [sflag:s2] =	dma.local @!p0 [hbm:s0], s1  }
0x5a: {  	s0 =	simm.s32 @!p0 $0x1  }
0x5b: {  	_ =	swait.ge @!p0 [sflag:s0], s1  }
0x5c: {  	s1 =	ssub.s32 @!p0 $0x0, s1;
	[sflag:s0] =	ssyncset.done @!p0 $0x0  }
0x5d: {  	[sflag:s0] =	ssyncadd.s32 @!p0 s1  }
0x5e: {  	[bflag:$0x3] =	sbarrier.arrive $0xFFFF  }
0x5f: {  	_ =	shalt  }

</sc_bundles>
